<compile_context>
chip_gen: v7x
topology: tpu7x:2x2x1
jax: 0.10.2.dev20260603
libtpu: 0.0.44.dev20260713+nightly
codegen_flags: <defaults>
</compile_context>

<pallas_src>
import functools

import jax
import jax.numpy as jnp
from jax import lax
from jax.experimental import pallas as pl
from jax.experimental.pallas import tpu as pltpu
from jax.experimental.pallas import tpu_sc as plsc

N = 2048
E = 65536
NSC = 2
NSUB = 16
CH = 256
W_CH = CH * N
PS = W_CH // NSUB
EPS = E // NSUB


def _sc_adj_body(e_hbm, out_hbm,
                 src_v, dst_v, base_v, idx_v, zero_v, ones_v, acc, sem):
    c = lax.axis_index("c")
    s = lax.axis_index("s")

    def zinit(i, carry):
        zero_v[pl.ds(i * 16, 16)] = jnp.zeros((16,), jnp.float32)
        return carry

    lax.fori_loop(0, PS // 16, zinit, 0)

    def oinit(i, carry):
        ones_v[pl.ds(i * 16, 16)] = jnp.ones((16,), jnp.float32)
        return carry

    lax.fori_loop(0, EPS // 16, oinit, 0)
    dummy = W_CH + s * 128 + lax.iota(jnp.int32, 16) * 8

    cp1 = pltpu.async_copy(e_hbm.at[0, pl.ds(s * EPS, EPS)], src_v, sem)
    cp2 = pltpu.async_copy(e_hbm.at[1, pl.ds(s * EPS, EPS)], dst_v, sem)
    cp1.wait()
    cp2.wait()

    def bbody(i, carry):
        s16 = src_v[pl.ds(i * 16, 16)]
        d16 = dst_v[pl.ds(i * 16, 16)]
        base_v[pl.ds(i * 16, 16)] = s16 * N + d16
        return carry

    lax.fori_loop(0, EPS // 16, bbody, 0, unroll=4)

    for half in range(N // NSC // CH):
        r0 = c * (N // NSC) + half * CH
        lo = r0 * N
        pltpu.sync_copy(zero_v, acc.at[pl.ds(s * PS, PS)])
        plsc.subcore_barrier()

        def body(i, carry):
            b16 = base_v[pl.ds(i * 16, 16)]
            rel = b16 - lo
            inb = (rel >= 0) & (rel < W_CH)
            idx_v[pl.ds(i * 16, 16)] = jnp.where(inb, rel, dummy)
            return carry

        lax.fori_loop(0, EPS // 16, body, 0, unroll=4)
        pltpu.sync_copy(ones_v, acc.at[idx_v], add=True)
        plsc.subcore_barrier()
        dst_off = r0 * N + s * PS
        pltpu.sync_copy(acc.at[pl.ds(s * PS, PS)],
                        out_hbm.at[pl.ds(dst_off, PS)])


def _build_adjacency(e):
    mesh = plsc.VectorSubcoreMesh(core_axis_name="c", subcore_axis_name="s")
    k = functools.partial(
        pl.kernel,
        mesh=mesh,
        out_type=jax.ShapeDtypeStruct((N * N,), jnp.float32),
        scratch_types=[
            pltpu.VMEM((EPS,), jnp.int32),
            pltpu.VMEM((EPS,), jnp.int32),
            pltpu.VMEM((EPS,), jnp.int32),
            pltpu.VMEM((EPS,), jnp.int32),
            pltpu.VMEM((PS,), jnp.float32),
            pltpu.VMEM((EPS,), jnp.float32),
            pltpu.VMEM_SHARED((W_CH + NSUB * 128,), jnp.float32),
            pltpu.SemaphoreType.DMA,
        ],
    )(_sc_adj_body)
    return k(e).reshape(N, N)


def _hilo(x):
    hi = x.astype(jnp.bfloat16)
    lo = (x - hi.astype(jnp.float32)).astype(jnp.bfloat16)
    return hi, lo



def _k_adjin_deg_body(a1_ref, a2_ref, a3_ref, adjin_ref, abf_ref,
                      rs_ref, cs_ref):
    i = pl.program_id(0)
    a1 = a1_ref[...]
    a2 = a2_ref[...]
    a3 = a3_ref[...]
    adjin_ref[...] = a1 + a2 + a3
    a = jnp.stack([a1, a2, a3])
    abf_ref[...] = a.astype(jnp.bfloat16)
    rs_ref[...] = jnp.sum(a, axis=2)[:, None, :]

    @pl.when(i == 0)
    def _():
        cs_ref[...] = jnp.zeros_like(cs_ref)

    cs_ref[...] += jnp.sum(a, axis=1)[:, None, :]


def _adjin_and_degrees(A1, A2, A3):
    blk = pl.BlockSpec((128, N), lambda i: (i, 0))
    return pl.pallas_call(
        _k_adjin_deg_body,
        grid=(16,),
        in_specs=[blk, blk, blk],
        out_specs=[
            pl.BlockSpec((128, N), lambda i: (i, 0)),
            pl.BlockSpec((3, 128, N), lambda i: (0, i, 0)),
            pl.BlockSpec((3, 1, 128), lambda i: (0, 0, i)),
            pl.BlockSpec((3, 1, N), lambda i: (0, 0, 0)),
        ],
        out_shape=[
            jax.ShapeDtypeStruct((N, N), jnp.float32),
            jax.ShapeDtypeStruct((3, N, N), jnp.bfloat16),
            jax.ShapeDtypeStruct((3, 1, N), jnp.float32),
            jax.ShapeDtypeStruct((3, 1, N), jnp.float32),
        ],
    )(A1, A2, A3)


def _k_hs3_body(x1_ref, x2_ref, x3_ref, w_ref, deg_ref, hsh_ref, hsl_ref):
    for v, x_ref in enumerate((x1_ref, x2_ref, x3_ref)):
        scale = lax.rsqrt(jnp.maximum(deg_ref[v, 0], 1.0))
        h = jnp.dot(x_ref[...], w_ref[v],
                    preferred_element_type=jnp.float32) * scale[:, None]
        hh, hl = _hilo(h)
        hsh_ref[v] = hh
        hsl_ref[v] = hl


def _scaled_proj3(x1, x2, x3, w, deg):
    f = w.shape[-1]
    mk = jax.ShapeDtypeStruct((3, N, f), jnp.bfloat16)
    return pl.pallas_call(
        _k_hs3_body,
        out_shape=[mk, mk],
    )(x1, x2, x3, w, deg)


def _k_agg_body(a_ref, hsh_ref, hsl_ref, cs_ref, b_ref, f_ref, *, act):
    a = a_ref[0]
    dn = (((0,), (0,)), ((), ()))
    agg = (lax.dot_general(a, hsh_ref[0], dn,
                           preferred_element_type=jnp.float32)
           + lax.dot_general(a, hsl_ref[0], dn,
                             preferred_element_type=jnp.float32))
    scale = lax.rsqrt(jnp.maximum(cs_ref[0, 0], 1.0))
    r = agg * scale[:, None] + b_ref[0, 0][None, :]
    f_ref[0] = jnp.maximum(r, 0.0) if act else r


def _agg3(A, hsh, hsl, cs, b, act):
    f = hsh.shape[-1]
    return pl.pallas_call(
        functools.partial(_k_agg_body, act=act),
        grid=(3,),
        in_specs=[
            pl.BlockSpec((1, N, N), lambda v: (v, 0, 0)),
            pl.BlockSpec((1, N, f), lambda v: (v, 0, 0)),
            pl.BlockSpec((1, N, f), lambda v: (v, 0, 0)),
            pl.BlockSpec((1, 1, N), lambda v: (v, 0, 0)),
            pl.BlockSpec((1, 1, f), lambda v: (v, 0, 0)),
        ],
        out_specs=pl.BlockSpec((1, N, f), lambda v: (v, 0, 0)),
        out_shape=jax.ShapeDtypeStruct((3, N, f), jnp.float32),
    )(A, hsh, hsl, cs, b)


def _k_fuse_body(f_ref, wf_ref, z_ref):
    acc = jnp.dot(f_ref[0], wf_ref[0], preferred_element_type=jnp.float32)
    acc += jnp.dot(f_ref[1], wf_ref[1], preferred_element_type=jnp.float32)
    acc += jnp.dot(f_ref[2], wf_ref[2], preferred_element_type=jnp.float32)
    m = jnp.max(acc, axis=1, keepdims=True)
    e = jnp.exp(acc - m)
    sm = e / jnp.sum(e, axis=1, keepdims=True)
    z_ref[...] = jnp.maximum(sm, 0.0)


def _fuse(fb, wf):
    return pl.pallas_call(
        _k_fuse_body,
        out_shape=jax.ShapeDtypeStruct((N, 64), jnp.float32),
    )(fb, wf)


def _k_gfn_body(adjin_ref, wg1_ref, bg1_ref, wg2_ref, bg2_ref, adjr_ref):
    h1 = jnp.dot(adjin_ref[...], wg1_ref[...],
                 preferred_element_type=jnp.float32) + bg1_ref[0][None, :]
    h1 = jnp.maximum(h1, 0.0)
    h2 = jnp.dot(h1, wg2_ref[...],
                 preferred_element_type=jnp.float32) + bg2_ref[0][None, :]
    adjr_ref[...] = jnp.round(jnp.clip(h2, 0.0, 1.0) + 0.1)


def _gfn(adjin, wg1, bg1, wg2, bg2):
    return pl.pallas_call(
        _k_gfn_body,
        grid=(8,),
        in_specs=[
            pl.BlockSpec((256, N), lambda i: (i, 0)),
            pl.BlockSpec((N, N // 2), lambda i: (0, 0)),
            pl.BlockSpec((1, N // 2), lambda i: (0, 0)),
            pl.BlockSpec((N // 2, N), lambda i: (0, 0)),
            pl.BlockSpec((1, N), lambda i: (0, 0)),
        ],
        out_specs=pl.BlockSpec((256, N), lambda i: (i, 0)),
        out_shape=jax.ShapeDtypeStruct((N, N), jnp.float32),
    )(adjin, wg1, bg1, wg2, bg2)


_CB = 512


def _k_abuild_body(ar_ref, art_ref, A_ref, s_ref):
    i = pl.program_id(0)
    j = pl.program_id(1)
    apn = ar_ref[...] + art_ref[...].T
    ri = lax.broadcasted_iota(jnp.int32, (_CB, _CB), 0) + i * _CB
    ci = lax.broadcasted_iota(jnp.int32, (_CB, _CB), 1) + j * _CB
    ablk = (apn != 0).astype(jnp.float32) + (ri == ci).astype(jnp.float32)
    A_ref[...] = ablk

    @pl.when(j == 0)
    def _():
        s_ref[...] = jnp.zeros_like(s_ref)

    s_ref[...] += jnp.sum(ablk, axis=1)[None, :]


def _build_consensus(adj_r):
    g = N // _CB
    return pl.pallas_call(
        _k_abuild_body,
        grid=(g, g),
        in_specs=[
            pl.BlockSpec((_CB, _CB), lambda i, j: (i, j)),
            pl.BlockSpec((_CB, _CB), lambda i, j: (j, i)),
        ],
        out_specs=[
            pl.BlockSpec((_CB, _CB), lambda i, j: (i, j)),
            pl.BlockSpec((1, _CB), lambda i, j: (0, i)),
        ],
        out_shape=[
            jax.ShapeDtypeStruct((N, N), jnp.float32),
            jax.ShapeDtypeStruct((1, N), jnp.float32),
        ],
    )(adj_r, adj_r)


def _k_proj_body(x_ref, w_ref, s_ref, u_ref):
    scale = lax.rsqrt(jnp.maximum(s_ref[0], 1.0))
    u_ref[...] = jnp.dot(x_ref[...], w_ref[...],
                         preferred_element_type=jnp.float32) * scale[:, None]


def _scaled_proj(x, w, s):
    f = w.shape[-1]
    return pl.pallas_call(
        _k_proj_body,
        out_shape=jax.ShapeDtypeStruct((N, f), jnp.float32),
    )(x, w, s)


def _k_dconv_body(a_ref, u_ref, s_ref, b_ref, o_ref, *, act):
    agg = jnp.dot(a_ref[...], u_ref[...], preferred_element_type=jnp.float32)
    scale = lax.rsqrt(jnp.maximum(s_ref[0], 1.0))
    r = agg * scale[:, None] + b_ref[0][None, :]
    o_ref[...] = jnp.maximum(r, 0.0) if act else r


def _dconv(A, u, s, b, act):
    f = u.shape[-1]
    return pl.pallas_call(
        functools.partial(_k_dconv_body, act=act),
        grid=(16,),
        in_specs=[
            pl.BlockSpec((128, N), lambda i: (i, 0)),
            pl.BlockSpec((N, f), lambda i: (0, 0)),
            pl.BlockSpec((1, 128), lambda i: (0, i)),
            pl.BlockSpec((1, f), lambda i: (0, 0)),
        ],
        out_specs=pl.BlockSpec((128, f), lambda i: (i, 0)),
        out_shape=jax.ShapeDtypeStruct((N, f), jnp.float32),
    )(A, u, s, b)


def _k_rec_body(fmb_ref, fm_ref, rec_ref):
    rec_ref[...] = lax.dot_general(fmb_ref[...], fm_ref[...],
                                   (((1,), (1,)), ((), ())),
                                   preferred_element_type=jnp.float32)


def _rec(fm):
    return pl.pallas_call(
        _k_rec_body,
        grid=(16,),
        in_specs=[
            pl.BlockSpec((128, 32), lambda i: (i, 0)),
            pl.BlockSpec((N, 32), lambda i: (0, 0)),
        ],
        out_specs=pl.BlockSpec((128, N), lambda i: (i, 0)),
        out_shape=jax.ShapeDtypeStruct((N, N), jnp.float32),
    )(fm, fm)


def kernel(data1, data2, data3, edge_index1, edge_index2, edge_index3,
           W1a, b1a, W1b, b1b, W2a, b2a, W2b, b2b, W3a, b3a, W3b, b3b,
           Wf1, Wf2, Wf3, Wm1, bm1, Wm2, bm2, Wg1, bg1, Wg2, bg2):
    A1 = _build_adjacency(edge_index1)
    A2 = _build_adjacency(edge_index2)
    A3 = _build_adjacency(edge_index3)

    adjin, Abf, rs, cs = _adjin_and_degrees(A1, A2, A3)

    wa = jnp.stack([W1a, W2a, W3a])
    ba = jnp.stack([b1a, b2a, b3a])[:, None, :]
    wb = jnp.stack([W1b, W2b, W3b])
    bb = jnp.stack([b1b, b2b, b3b])[:, None, :]
    wf = jnp.stack([Wf1, Wf2, Wf3])

    hsh_a, hsl_a = _scaled_proj3(data1, data2, data3, wa, rs)
    f_a = _agg3(Abf, hsh_a, hsl_a, cs, ba, act=True)
    hsh_b, hsl_b = _scaled_proj3(f_a[0], f_a[1], f_a[2], wb, rs)
    f_b = _agg3(Abf, hsh_b, hsl_b, cs, bb, act=False)

    z = _fuse(f_b, wf)

    adj_r = _gfn(adjin, Wg1, bg1[None, :], Wg2, bg2[None, :])
    Acons, s = _build_consensus(adj_r)

    u1 = _scaled_proj(z, Wm1, s)
    fm1 = _dconv(Acons, u1, s, bm1[None, :], act=True)
    u2 = _scaled_proj(fm1, Wm2, s)
    fm = _dconv(Acons, u2, s, bm2[None, :], act=False)

    rec = _rec(fm)
    return (adj_r, rec, rec, rec, fm)

# --- scband reference (transcript-rebuilt; emitter-appended) ---
"""Pipeline reference for scband-gae-2422361555220 (READ-ONLY COPY).

The authoritative reference and input builder live on the scoring server;
editing this copy changes nothing except your own understanding.
"""

import jax, jax.numpy as jnp
import numpy as np

N = 2048
E = 65536


def _graph_conv(src, dst, x, W, b, act):
    ones = jnp.ones((src.shape[0],), jnp.float32)
    deg_out = jnp.maximum(jax.ops.segment_sum(ones, src, num_segments=N), 1.0)
    deg_in = jnp.maximum(jax.ops.segment_sum(ones, dst, num_segments=N), 1.0)
    h = x @ W
    m = (h * (deg_out ** -0.5)[:, None])[src]
    agg = jax.ops.segment_sum(m, dst, num_segments=N)
    return act(agg * (deg_in ** -0.5)[:, None] + b)


def _dense_adj(src, dst):
    return jnp.zeros((N, N), jnp.float32).at[src, dst].add(1.0)


def setup_inputs(seed: int = 0) -> dict:
    key = jax.random.key(seed)
    ks = jax.random.split(key, 40)
    d = {}
    d['data1'] = jax.random.normal(ks[0], (N, 256), jnp.float32)
    d['data2'] = jax.random.normal(ks[1], (N, 256), jnp.float32)
    d['data3'] = jax.random.normal(ks[2], (N, 256), jnp.float32)
    d['edge_index1'] = jax.random.randint(ks[3], (2, E), 0, N, jnp.int32)
    d['edge_index2'] = jax.random.randint(ks[4], (2, E), 0, N, jnp.int32)
    d['edge_index3'] = jax.random.randint(ks[5], (2, E), 0, N, jnp.int32)
    i = 6
    for v in ['1', '2', '3']:
        d['W' + v + 'a'] = jax.random.normal(ks[i], (256, 128), jnp.float32) * 0.05; i += 1
        d['b' + v + 'a'] = jnp.zeros((128,), jnp.float32)
        d['W' + v + 'b'] = jax.random.normal(ks[i], (128, 64), jnp.float32) * 0.05; i += 1
        d['b' + v + 'b'] = jnp.zeros((64,), jnp.float32)
    d['Wf1'] = jax.random.normal(ks[i], (64, 64), jnp.float32) * 0.1; i += 1
    d['Wf2'] = jax.random.normal(ks[i], (64, 64), jnp.float32) * 0.1; i += 1
    d['Wf3'] = jax.random.normal(ks[i], (64, 64), jnp.float32) * 0.1; i += 1
    d['Wm1'] = jax.random.normal(ks[i], (64, 64), jnp.float32) * 0.05; i += 1
    d['bm1'] = jnp.zeros((64,), jnp.float32)
    d['Wm2'] = jax.random.normal(ks[i], (64, 32), jnp.float32) * 0.05; i += 1
    d['bm2'] = jnp.zeros((32,), jnp.float32)
    d['Wg1'] = jax.random.normal(ks[i], (N, N // 2), jnp.float32) * 0.01; i += 1
    d['bg1'] = jnp.zeros((N // 2,), jnp.float32)
    d['Wg2'] = jax.random.normal(ks[i], (N // 2, N), jnp.float32) * 0.01; i += 1
    d['bg2'] = jnp.zeros((N,), jnp.float32)
    return d


def reference(data1, data2, data3, edge_index1, edge_index2, edge_index3,
              W1a, b1a, W1b, b1b, W2a, b2a, W2b, b2b, W3a, b3a, W3b, b3b,
              Wf1, Wf2, Wf3, Wm1, bm1, Wm2, bm2, Wg1, bg1, Wg2, bg2):
    relu = jax.nn.relu
    ident = lambda t: t
    s1, t1 = edge_index1[0], edge_index1[1]
    s2, t2 = edge_index2[0], edge_index2[1]
    s3, t3 = edge_index3[0], edge_index3[1]
    # per-view GCN encoders (dropout in eval mode = identity)
    f1 = _graph_conv(s1, t1, data1, W1a, b1a, relu)
    f1 = _graph_conv(s1, t1, f1, W1b, b1b, ident)
    f2 = _graph_conv(s2, t2, data2, W2a, b2a, relu)
    f2 = _graph_conv(s2, t2, f2, W2b, b2b, ident)
    f3 = _graph_conv(s3, t3, data3, W3a, b3a, relu)
    f3 = _graph_conv(s3, t3, f3, W3b, b3b, ident)
    # FeatureFusion
    z = f1 @ Wf1 + f2 @ Wf2 + f3 @ Wf3
    z = jax.nn.relu(jax.nn.softmax(z, axis=1))
    # consensus_graph: sum of dense adjacencies -> GFN -> clamp/round -> symmetrize
    adjin = _dense_adj(s1, t1) + _dense_adj(s2, t2) + _dense_adj(s3, t3)
    h = jax.nn.relu(adjin @ Wg1 + bg1) @ Wg2 + bg2
    adj_r = jnp.round(jnp.clip(h, 0.0, 1.0) + 0.1)
    adj_pn = jax.lax.stop_gradient(adj_r)
    adj_pn = adj_pn + adj_pn.T
    A = (adj_pn != 0).astype(jnp.float32) + jnp.eye(N, dtype=jnp.float32)
    deg_out = jnp.maximum(A.sum(axis=1), 1.0)
    deg_in = jnp.maximum(A.sum(axis=0), 1.0)

    def dconv(x, W, b, act):
        hh = x @ W
        out = (A.T @ (hh * (deg_out ** -0.5)[:, None])) * (deg_in ** -0.5)[:, None] + b
        return act(out)

    fm = dconv(z, Wm1, bm1, relu)
    fm = dconv(fm, Wm2, bm2, ident)
    # InnerProductDecoder with identity activation, one per view
    rec = fm @ fm.T
    return (adj_r, rec, rec, rec, fm)

if __name__ == "__main__":
    import jax
    _d = setup_inputs()
    print(jax.jit(kernel)(*tuple(_d.values())))

</pallas_src>

<mosaic_0001>
#map = affine_map<(d0, d1) -> (0, 0)>
#map1 = affine_map<(d0, d1) -> (0)>
module attributes {stable_mosaic.version = 14 : i64} {
  func.func @_sc_adj_body(%arg0: i32, %arg1: i32, %arg2: memref<2x65536xi32, #tpu.memory_space<hbm>>, %arg3: memref<4194304xf32, #tpu.memory_space<hbm>>, %arg4: memref<4096xi32, #tpu.memory_space<vmem>>, %arg5: memref<4096xi32, #tpu.memory_space<vmem>>, %arg6: memref<4096xi32, #tpu.memory_space<vmem>>, %arg7: memref<4096xi32, #tpu.memory_space<vmem>>, %arg8: memref<32768xf32, #tpu.memory_space<vmem>>, %arg9: memref<4096xf32, #tpu.memory_space<vmem>>, %arg10: memref<526336xf32, #tpu.memory_space<vmem_shared>>, %arg11: memref<!tpu.dma_semaphore, #tpu.memory_space<semaphore_mem>>) attributes {dimension_semantics = [#tpu.dimension_semantics<core_parallel>, #tpu.dimension_semantics<subcore_parallel>], iteration_bounds = array<i64: 2, 16>, scalar_prefetch = 0 : i64, scratch_operands = 8 : i64, tpu.core_type = #tpu.core_type<sc_vector_subcore>, window_params = [{transform_indices = #map}, {transform_indices = #map1}]} {
    %scan3A = arith.constant 0 : i32
    %scan3A_0 = arith.constant 0 : i32
    %scan3A_1 = arith.constant 2048 : i32
    %scan3A_2 = arith.addi %scan3A_0, %scan3A_1 : i32
    %scan3A_3 = arith.constant 1 : i32
    scf.for %scan3A_137 = %scan3A_0 to %scan3A_2 step %scan3A_3  : i32 {
      %broadcast_in_dim3A = arith.constant 0.000000e+00 : f32
      %broadcast_in_dim3A_138 = vector.broadcast %broadcast_in_dim3A : f32 to vector<16xf32>
      %mul3A_139 = arith.constant 16 : i32
      %mul3A_140 = arith.muli %scan3A_137, %mul3A_139 : i32
      %swap3A = arith.index_cast %mul3A_140 : i32 to index
      %swap3A_141 = tpu.vector_load %arg8[%swap3A] {strides = array<i32>} : memref<32768xf32, #tpu.memory_space<vmem>>, vector<16xf32>,
      %swap3A_142 = vector.shape_cast %swap3A_141 : vector<16xf32> to vector<16xf32>
      %swap3A_143 = vector.shape_cast %broadcast_in_dim3A_138 : vector<16xf32> to vector<16xf32>
      tpu.vector_store %arg8[%swap3A], %swap3A_143 {strides = array<i32>} : memref<32768xf32, #tpu.memory_space<vmem>>, vector<16xf32>,
    }
    %scan3A_4 = arith.constant 2048 : i32
    %scan3A_5 = arith.constant 0 : i32
    %scan3A_6 = arith.constant 0 : i32
    %scan3A_7 = arith.constant 256 : i32
    %scan3A_8 = arith.addi %scan3A_6, %scan3A_7 : i32
    %scan3A_9 = arith.constant 1 : i32
    scf.for %scan3A_137 = %scan3A_6 to %scan3A_8 step %scan3A_9  : i32 {
      %broadcast_in_dim3A = arith.constant 1.000000e+00 : f32
      %broadcast_in_dim3A_138 = vector.broadcast %broadcast_in_dim3A : f32 to vector<16xf32>
      %mul3A_139 = arith.constant 16 : i32
      %mul3A_140 = arith.muli %scan3A_137, %mul3A_139 : i32
      %swap3A = arith.index_cast %mul3A_140 : i32 to index
      %swap3A_141 = tpu.vector_load %arg9[%swap3A] {strides = array<i32>} : memref<4096xf32, #tpu.memory_space<vmem>>, vector<16xf32>,
      %swap3A_142 = vector.shape_cast %swap3A_141 : vector<16xf32> to vector<16xf32>
      %swap3A_143 = vector.shape_cast %broadcast_in_dim3A_138 : vector<16xf32> to vector<16xf32>
      tpu.vector_store %arg9[%swap3A], %swap3A_143 {strides = array<i32>} : memref<4096xf32, #tpu.memory_space<vmem>>, vector<16xf32>,
    }
    %scan3A_10 = arith.constant 256 : i32
    %mul3A = arith.constant 128 : i32
    %mul3A_11 = arith.muli %arg1, %mul3A : i32
    %add3A = arith.constant 524288 : i32
    %add3A_12 = arith.addi %add3A, %mul3A_11 : i32
    %iota3A = tpu.iota {dimensions = array<i32: 0>} : vector<16xi32>
    %mul3A_13 = arith.constant 8 : i32
    %mul3A_14 = vector.broadcast %mul3A_13 : i32 to vector<16xi32>
    %mul3A_15 = arith.muli %iota3A, %mul3A_14 : vector<16xi32>
    %add3A_16 = vector.broadcast %add3A_12 : i32 to vector<16xi32>
    %add3A_17 = arith.addi %add3A_16, %mul3A_15 : vector<16xi32>
    %mul3A_18 = arith.constant 4096 : i32
    %mul3A_19 = arith.muli %arg1, %mul3A_18 : i32
    %dma_start3A = arith.constant 0 : i32
    %dma_start3A_20 = tpu.memref_slice %arg2[%dma_start3A, %mul3A_19] : memref<2x65536xi32, #tpu.memory_space<hbm>> -> memref<1x4096xi32, #tpu.memory_space<hbm>>
    %dma_start3A_21 = tpu.memref_squeeze %dma_start3A_20 : memref<1x4096xi32, #tpu.memory_space<hbm>> -> memref<4096xi32, #tpu.memory_space<hbm>>
    %dma_start3A_22 = tpu.memref_slice %arg2[%dma_start3A, %mul3A_19] : memref<2x65536xi32, #tpu.memory_space<hbm>> -> memref<1x4096xi32, #tpu.memory_space<hbm>>
    %dma_start3A_23 = tpu.memref_squeeze %dma_start3A_22 : memref<1x4096xi32, #tpu.memory_space<hbm>> -> memref<4096xi32, #tpu.memory_space<hbm>>
    tpu.enqueue_dma source(%dma_start3A_23 : memref<4096xi32, #tpu.memory_space<hbm>>) target(%arg4 : memref<4096xi32, #tpu.memory_space<vmem>>) target_semaphore(%arg11 : memref<!tpu.dma_semaphore, #tpu.memory_space<semaphore_mem>>)
    %mul3A_24 = arith.constant 4096 : i32
    %mul3A_25 = arith.muli %arg1, %mul3A_24 : i32
    %dma_start3A_26 = arith.constant 1 : i32
    %dma_start3A_27 = tpu.memref_slice %arg2[%dma_start3A_26, %mul3A_25] : memref<2x65536xi32, #tpu.memory_space<hbm>> -> memref<1x4096xi32, #tpu.memory_space<hbm>>
    %dma_start3A_28 = tpu.memref_squeeze %dma_start3A_27 : memref<1x4096xi32, #tpu.memory_space<hbm>> -> memref<4096xi32, #tpu.memory_space<hbm>>
    %dma_start3A_29 = tpu.memref_slice %arg2[%dma_start3A_26, %mul3A_25] : memref<2x65536xi32, #tpu.memory_space<hbm>> -> memref<1x4096xi32, #tpu.memory_space<hbm>>
    %dma_start3A_30 = tpu.memref_squeeze %dma_start3A_29 : memref<1x4096xi32, #tpu.memory_space<hbm>> -> memref<4096xi32, #tpu.memory_space<hbm>>
    tpu.enqueue_dma source(%dma_start3A_30 : memref<4096xi32, #tpu.memory_space<hbm>>) target(%arg5 : memref<4096xi32, #tpu.memory_space<vmem>>) target_semaphore(%arg11 : memref<!tpu.dma_semaphore, #tpu.memory_space<semaphore_mem>>)
    %dma_wait3A = arith.constant 0 : i32
    %dma_wait3A_31 = tpu.memref_slice %arg2[%dma_wait3A, %mul3A_19] : memref<2x65536xi32, #tpu.memory_space<hbm>> -> memref<1x4096xi32, #tpu.memory_space<hbm>>
    %dma_wait3A_32 = tpu.memref_squeeze %dma_wait3A_31 : memref<1x4096xi32, #tpu.memory_space<hbm>> -> memref<4096xi32, #tpu.memory_space<hbm>>
    %dma_wait3A_33 = tpu.memref_slice %arg2[%dma_wait3A, %mul3A_19] : memref<2x65536xi32, #tpu.memory_space<hbm>> -> memref<1x4096xi32, #tpu.memory_space<hbm>>
    %dma_wait3A_34 = tpu.memref_squeeze %dma_wait3A_33 : memref<1x4096xi32, #tpu.memory_space<hbm>> -> memref<4096xi32, #tpu.memory_space<hbm>>
    tpu.wait_dma2 semaphore(%arg11 : memref<!tpu.dma_semaphore, #tpu.memory_space<semaphore_mem>>) src(%dma_wait3A_34 : memref<4096xi32, #tpu.memory_space<hbm>>) dst(%arg4 : memref<4096xi32, #tpu.memory_space<vmem>>)
    %dma_wait3A_35 = arith.constant 1 : i32
    %dma_wait3A_36 = tpu.memref_slice %arg2[%dma_wait3A_35, %mul3A_25] : memref<2x65536xi32, #tpu.memory_space<hbm>> -> memref<1x4096xi32, #tpu.memory_space<hbm>>
    %dma_wait3A_37 = tpu.memref_squeeze %dma_wait3A_36 : memref<1x4096xi32, #tpu.memory_space<hbm>> -> memref<4096xi32, #tpu.memory_space<hbm>>
    %dma_wait3A_38 = tpu.memref_slice %arg2[%dma_wait3A_35, %mul3A_25] : memref<2x65536xi32, #tpu.memory_space<hbm>> -> memref<1x4096xi32, #tpu.memory_space<hbm>>
    %dma_wait3A_39 = tpu.memref_squeeze %dma_wait3A_38 : memref<1x4096xi32, #tpu.memory_space<hbm>> -> memref<4096xi32, #tpu.memory_space<hbm>>
    tpu.wait_dma2 semaphore(%arg11 : memref<!tpu.dma_semaphore, #tpu.memory_space<semaphore_mem>>) src(%dma_wait3A_39 : memref<4096xi32, #tpu.memory_space<hbm>>) dst(%arg5 : memref<4096xi32, #tpu.memory_space<vmem>>)
    %scan3A_40 = arith.constant 0 : i32
    %scan3A_41 = arith.constant 0 : i32
    %scan3A_42 = arith.constant 256 : i32
    %scan3A_43 = arith.addi %scan3A_41, %scan3A_42 : i32
    %scan3A_44 = arith.constant 4 : i32
    scf.for %scan3A_137 = %scan3A_41 to %scan3A_43 step %scan3A_44  : i32 {
      %mul3A_138 = arith.constant 16 : i32
      %mul3A_139 = arith.muli %scan3A_137, %mul3A_138 : i32
      %get3A = arith.index_cast %mul3A_139 : i32 to index
      %get3A_140 = tpu.vector_load %arg4[%get3A] {strides = array<i32>} : memref<4096xi32, #tpu.memory_space<vmem>>, vector<16xi32>,
      %get3A_141 = vector.shape_cast %get3A_140 : vector<16xi32> to vector<16xi32>
      %mul3A_142 = arith.constant 16 : i32
      %mul3A_143 = arith.muli %scan3A_137, %mul3A_142 : i32
      %get3A_144 = arith.index_cast %mul3A_143 : i32 to index
      %get3A_145 = tpu.vector_load %arg5[%get3A_144] {strides = array<i32>} : memref<4096xi32, #tpu.memory_space<vmem>>, vector<16xi32>,
      %get3A_146 = vector.shape_cast %get3A_145 : vector<16xi32> to vector<16xi32>
      %mul3A_147 = arith.constant 2048 : i32
      %mul3A_148 = vector.broadcast %mul3A_147 : i32 to vector<16xi32>
      %mul3A_149 = arith.muli %get3A_141, %mul3A_148 : vector<16xi32>
      %add3A_150 = arith.addi %mul3A_149, %get3A_146 : vector<16xi32>
      %mul3A_151 = arith.constant 16 : i32
      %mul3A_152 = arith.muli %scan3A_137, %mul3A_151 : i32
      %swap3A = arith.index_cast %mul3A_152 : i32 to index
      %swap3A_153 = tpu.vector_load %arg6[%swap3A] {strides = array<i32>} : memref<4096xi32, #tpu.memory_space<vmem>>, vector<16xi32>,
      %swap3A_154 = vector.shape_cast %swap3A_153 : vector<16xi32> to vector<16xi32>
      %swap3A_155 = vector.shape_cast %add3A_150 : vector<16xi32> to vector<16xi32>
      tpu.vector_store %arg6[%swap3A], %swap3A_155 {strides = array<i32>} : memref<4096xi32, #tpu.memory_space<vmem>>, vector<16xi32>,
      %scan3A_156 = arith.constant 1 : i32
      %scan3A_157 = arith.addi %scan3A_137, %scan3A_156 : i32
      %mul3A_158 = arith.constant 16 : i32
      %mul3A_159 = arith.muli %scan3A_157, %mul3A_158 : i32
      %get3A_160 = arith.index_cast %mul3A_159 : i32 to index
      %get3A_161 = tpu.vector_load %arg4[%get3A_160] {strides = array<i32>} : memref<4096xi32, #tpu.memory_space<vmem>>, vector<16xi32>,
      %get3A_162 = vector.shape_cast %get3A_161 : vector<16xi32> to vector<16xi32>
      %mul3A_163 = arith.constant 16 : i32
      %mul3A_164 = arith.muli %scan3A_157, %mul3A_163 : i32
      %get3A_165 = arith.index_cast %mul3A_164 : i32 to index
      %get3A_166 = tpu.vector_load %arg5[%get3A_165] {strides = array<i32>} : memref<4096xi32, #tpu.memory_space<vmem>>, vector<16xi32>,
      %get3A_167 = vector.shape_cast %get3A_166 : vector<16xi32> to vector<16xi32>
      %mul3A_168 = arith.constant 2048 : i32
      %mul3A_169 = vector.broadcast %mul3A_168 : i32 to vector<16xi32>
      %mul3A_170 = arith.muli %get3A_162, %mul3A_169 : vector<16xi32>
      %add3A_171 = arith.addi %mul3A_170, %get3A_167 : vector<16xi32>
      %mul3A_172 = arith.constant 16 : i32
      %mul3A_173 = arith.muli %scan3A_157, %mul3A_172 : i32
      %swap3A_174 = arith.index_cast %mul3A_173 : i32 to index
      %swap3A_175 = tpu.vector_load %arg6[%swap3A_174] {strides = array<i32>} : memref<4096xi32, #tpu.memory_space<vmem>>, vector<16xi32>,
      %swap3A_176 = vector.shape_cast %swap3A_175 : vector<16xi32> to vector<16xi32>
      %swap3A_177 = vector.shape_cast %add3A_171 : vector<16xi32> to vector<16xi32>
      tpu.vector_store %arg6[%swap3A_174], %swap3A_177 {strides = array<i32>} : memref<4096xi32, #tpu.memory_space<vmem>>, vector<16xi32>,
      %scan3A_178 = arith.constant 2 : i32
      %scan3A_179 = arith.addi %scan3A_137, %scan3A_178 : i32
      %mul3A_180 = arith.constant 16 : i32
      %mul3A_181 = arith.muli %scan3A_179, %mul3A_180 : i32
      %get3A_182 = arith.index_cast %mul3A_181 : i32 to index
      %get3A_183 = tpu.vector_load %arg4[%get3A_182] {strides = array<i32>} : memref<4096xi32, #tpu.memory_space<vmem>>, vector<16xi32>,
      %get3A_184 = vector.shape_cast %get3A_183 : vector<16xi32> to vector<16xi32>
      %mul3A_185 = arith.constant 16 : i32
      %mul3A_186 = arith.muli %scan3A_179, %mul3A_185 : i32
      %get3A_187 = arith.index_cast %mul3A_186 : i32 to index
      %get3A_188 = tpu.vector_load %arg5[%get3A_187] {strides = array<i32>} : memref<4096xi32, #tpu.memory_space<vmem>>, vector<16xi32>,
      %get3A_189 = vector.shape_cast %get3A_188 : vector<16xi32> to vector<16xi32>
      %mul3A_190 = arith.constant 2048 : i32
      %mul3A_191 = vector.broadcast %mul3A_190 : i32 to vector<16xi32>
      %mul3A_192 = arith.muli %get3A_184, %mul3A_191 : vector<16xi32>
      %add3A_193 = arith.addi %mul3A_192, %get3A_189 : vector<16xi32>
      %mul3A_194 = arith.constant 16 : i32
      %mul3A_195 = arith.muli %scan3A_179, %mul3A_194 : i32
      %swap3A_196 = arith.index_cast %mul3A_195 : i32 to index
      %swap3A_197 = tpu.vector_load %arg6[%swap3A_196] {strides = array<i32>} : memref<4096xi32, #tpu.memory_space<vmem>>, vector<16xi32>,
      %swap3A_198 = vector.shape_cast %swap3A_197 : vector<16xi32> to vector<16xi32>
      %swap3A_199 = vector.shape_cast %add3A_193 : vector<16xi32> to vector<16xi32>
      tpu.vector_store %arg6[%swap3A_196], %swap3A_199 {strides = array<i32>} : memref<4096xi32, #tpu.memory_space<vmem>>, vector<16xi32>,
      %scan3A_200 = arith.constant 3 : i32
      %scan3A_201 = arith.addi %scan3A_137, %scan3A_200 : i32
      %mul3A_202 = arith.constant 16 : i32
      %mul3A_203 = arith.muli %scan3A_201, %mul3A_202 : i32
      %get3A_204 = arith.index_cast %mul3A_203 : i32 to index
      %get3A_205 = tpu.vector_load %arg4[%get3A_204] {strides = array<i32>} : memref<4096xi32, #tpu.memory_space<vmem>>, vector<16xi32>,
      %get3A_206 = vector.shape_cast %get3A_205 : vector<16xi32> to vector<16xi32>
      %mul3A_207 = arith.constant 16 : i32
      %mul3A_208 = arith.muli %scan3A_201, %mul3A_207 : i32
      %get3A_209 = arith.index_cast %mul3A_208 : i32 to index
      %get3A_210 = tpu.vector_load %arg5[%get3A_209] {strides = array<i32>} : memref<4096xi32, #tpu.memory_space<vmem>>, vector<16xi32>,
      %get3A_211 = vector.shape_cast %get3A_210 : vector<16xi32> to vector<16xi32>
      %mul3A_212 = arith.constant 2048 : i32
      %mul3A_213 = vector.broadcast %mul3A_212 : i32 to vector<16xi32>
      %mul3A_214 = arith.muli %get3A_206, %mul3A_213 : vector<16xi32>
      %add3A_215 = arith.addi %mul3A_214, %get3A_211 : vector<16xi32>
      %mul3A_216 = arith.constant 16 : i32
      %mul3A_217 = arith.muli %scan3A_201, %mul3A_216 : i32
      %swap3A_218 = arith.index_cast %mul3A_217 : i32 to index
      %swap3A_219 = tpu.vector_load %arg6[%swap3A_218] {strides = array<i32>} : memref<4096xi32, #tpu.memory_space<vmem>>, vector<16xi32>,
      %swap3A_220 = vector.shape_cast %swap3A_219 : vector<16xi32> to vector<16xi32>
      %swap3A_221 = vector.shape_cast %add3A_215 : vector<16xi32> to vector<16xi32>
      tpu.vector_store %arg6[%swap3A_218], %swap3A_221 {strides = array<i32>} : memref<4096xi32, #tpu.memory_space<vmem>>, vector<16xi32>,
    }
    %scan3A_45 = arith.constant 256 : i32
    %mul3A_46 = arith.constant 1024 : i32
    %mul3A_47 = arith.muli %arg0, %mul3A_46 : i32
    %add3A_48 = arith.constant 0 : i32
    %add3A_49 = arith.addi %mul3A_47, %add3A_48 : i32
    %mul3A_50 = arith.constant 2048 : i32
    %mul3A_51 = arith.muli %add3A_49, %mul3A_50 : i32
    %mul3A_52 = arith.constant 32768 : i32
    %mul3A_53 = arith.muli %arg1, %mul3A_52 : i32
    "tpu.region"() ({
      %run_scoped3A = tpu.sem_alloc : memref<!tpu.dma_semaphore, #tpu.memory_space<semaphore_mem>>
      %dma_start3A_137 = tpu.memref_slice %arg10[%mul3A_53] : memref<526336xf32, #tpu.memory_space<vmem_shared>> -> memref<32768xf32, #tpu.memory_space<vmem_shared>>
      %dma_start3A_138 = tpu.memref_slice %arg10[%mul3A_53] : memref<526336xf32, #tpu.memory_space<vmem_shared>> -> memref<32768xf32, #tpu.memory_space<vmem_shared>>
      tpu.enqueue_dma source(%arg8 : memref<32768xf32, #tpu.memory_space<vmem>>) target(%dma_start3A_138 : memref<32768xf32, #tpu.memory_space<vmem_shared>>) target_semaphore(%run_scoped3A : memref<!tpu.dma_semaphore, #tpu.memory_space<semaphore_mem>>)
      %dma_wait3A_139 = tpu.memref_slice %arg10[%mul3A_53] : memref<526336xf32, #tpu.memory_space<vmem_shared>> -> memref<32768xf32, #tpu.memory_space<vmem_shared>>
      %dma_wait3A_140 = tpu.memref_slice %arg10[%mul3A_53] : memref<526336xf32, #tpu.memory_space<vmem_shared>> -> memref<32768xf32, #tpu.memory_space<vmem_shared>>
      tpu.wait_dma2 semaphore(%run_scoped3A : memref<!tpu.dma_semaphore, #tpu.memory_space<semaphore_mem>>) src(%arg8 : memref<32768xf32, #tpu.memory_space<vmem>>) dst(%dma_wait3A_140 : memref<32768xf32, #tpu.memory_space<vmem_shared>>)
      tpu.yield
    }) : () -> ()
    %barrier3A = arith.constant 0 : index
    tpu.barrier barrier_id(%barrier3A)
    %scan3A_54 = arith.constant 0 : i32
    %scan3A_55 = arith.constant 0 : i32
    %scan3A_56 = arith.constant 256 : i32
    %scan3A_57 = arith.addi %scan3A_55, %scan3A_56 : i32
    %scan3A_58 = arith.constant 4 : i32
    scf.for %scan3A_137 = %scan3A_55 to %scan3A_57 step %scan3A_58  : i32 {
      %mul3A_138 = arith.constant 16 : i32
      %mul3A_139 = arith.muli %scan3A_137, %mul3A_138 : i32
      %get3A = arith.index_cast %mul3A_139 : i32 to index
      %get3A_140 = tpu.vector_load %arg6[%get3A] {strides = array<i32>} : memref<4096xi32, #tpu.memory_space<vmem>>, vector<16xi32>,
      %get3A_141 = vector.shape_cast %get3A_140 : vector<16xi32> to vector<16xi32>
      %sub3A = vector.broadcast %mul3A_51 : i32 to vector<16xi32>
      %sub3A_142 = arith.subi %get3A_141, %sub3A : vector<16xi32>
      %ge3A = arith.constant 0 : i32
      %ge3A_143 = vector.broadcast %ge3A : i32 to vector<16xi32>
      %ge3A_144 = arith.cmpi sge, %sub3A_142, %ge3A_143 : vector<16xi32>
      %lt3A = arith.constant 524288 : i32
      %lt3A_145 = vector.broadcast %lt3A : i32 to vector<16xi32>
      %lt3A_146 = arith.cmpi slt, %sub3A_142, %lt3A_145 : vector<16xi32>
      %and3A = arith.andi %ge3A_144, %lt3A_146 : vector<16xi1>
      %select_n3A = arith.select %and3A, %sub3A_142, %add3A_17 : vector<16xi1>, vector<16xi32>
      %mul3A_147 = arith.constant 16 : i32
      %mul3A_148 = arith.muli %scan3A_137, %mul3A_147 : i32
      %swap3A = arith.index_cast %mul3A_148 : i32 to index
      %swap3A_149 = tpu.vector_load %arg7[%swap3A] {strides = array<i32>} : memref<4096xi32, #tpu.memory_space<vmem>>, vector<16xi32>,
      %swap3A_150 = vector.shape_cast %swap3A_149 : vector<16xi32> to vector<16xi32>
      %swap3A_151 = vector.shape_cast %select_n3A : vector<16xi32> to vector<16xi32>
      tpu.vector_store %arg7[%swap3A], %swap3A_151 {strides = array<i32>} : memref<4096xi32, #tpu.memory_space<vmem>>, vector<16xi32>,
      %scan3A_152 = arith.constant 1 : i32
      %scan3A_153 = arith.addi %scan3A_137, %scan3A_152 : i32
      %mul3A_154 = arith.constant 16 : i32
      %mul3A_155 = arith.muli %scan3A_153, %mul3A_154 : i32
      %get3A_156 = arith.index_cast %mul3A_155 : i32 to index
      %get3A_157 = tpu.vector_load %arg6[%get3A_156] {strides = array<i32>} : memref<4096xi32, #tpu.memory_space<vmem>>, vector<16xi32>,
      %get3A_158 = vector.shape_cast %get3A_157 : vector<16xi32> to vector<16xi32>
      %sub3A_159 = vector.broadcast %mul3A_51 : i32 to vector<16xi32>
      %sub3A_160 = arith.subi %get3A_158, %sub3A_159 : vector<16xi32>
      %ge3A_161 = arith.constant 0 : i32
      %ge3A_162 = vector.broadcast %ge3A_161 : i32 to vector<16xi32>
      %ge3A_163 = arith.cmpi sge, %sub3A_160, %ge3A_162 : vector<16xi32>
      %lt3A_164 = arith.constant 524288 : i32
      %lt3A_165 = vector.broadcast %lt3A_164 : i32 to vector<16xi32>
      %lt3A_166 = arith.cmpi slt, %sub3A_160, %lt3A_165 : vector<16xi32>
      %and3A_167 = arith.andi %ge3A_163, %lt3A_166 : vector<16xi1>
      %select_n3A_168 = arith.select %and3A_167, %sub3A_160, %add3A_17 : vector<16xi1>, vector<16xi32>
      %mul3A_169 = arith.constant 16 : i32
      %mul3A_170 = arith.muli %scan3A_153, %mul3A_169 : i32
      %swap3A_171 = arith.index_cast %mul3A_170 : i32 to index
      %swap3A_172 = tpu.vector_load %arg7[%swap3A_171] {strides = array<i32>} : memref<4096xi32, #tpu.memory_space<vmem>>, vector<16xi32>,
      %swap3A_173 = vector.shape_cast %swap3A_172 : vector<16xi32> to vector<16xi32>
      %swap3A_174 = vector.shape_cast %select_n3A_168 : vector<16xi32> to vector<16xi32>
      tpu.vector_store %arg7[%swap3A_171], %swap3A_174 {strides = array<i32>} : memref<4096xi32, #tpu.memory_space<vmem>>, vector<16xi32>,
      %scan3A_175 = arith.constant 2 : i32
      %scan3A_176 = arith.addi %scan3A_137, %scan3A_175 : i32
      %mul3A_177 = arith.constant 16 : i32
      %mul3A_178 = arith.muli %scan3A_176, %mul3A_177 : i32
      %get3A_179 = arith.index_cast %mul3A_178 : i32 to index
      %get3A_180 = tpu.vector_load %arg6[%get3A_179] {strides = array<i32>} : memref<4096xi32, #tpu.memory_space<vmem>>, vector<16xi32>,
      %get3A_181 = vector.shape_cast %get3A_180 : vector<16xi32> to vector<16xi32>
      %sub3A_182 = vector.broadcast %mul3A_51 : i32 to vector<16xi32>
      %sub3A_183 = arith.subi %get3A_181, %sub3A_182 : vector<16xi32>
      %ge3A_184 = arith.constant 0 : i32
      %ge3A_185 = vector.broadcast %ge3A_184 : i32 to vector<16xi32>
      %ge3A_186 = arith.cmpi sge, %sub3A_183, %ge3A_185 : vector<16xi32>
      %lt3A_187 = arith.constant 524288 : i32
      %lt3A_188 = vector.broadcast %lt3A_187 : i32 to vector<16xi32>
      %lt3A_189 = arith.cmpi slt, %sub3A_183, %lt3A_188 : vector<16xi32>
      %and3A_190 = arith.andi %ge3A_186, %lt3A_189 : vector<16xi1>
      %select_n3A_191 = arith.select %and3A_190, %sub3A_183, %add3A_17 : vector<16xi1>, vector<16xi32>
      %mul3A_192 = arith.constant 16 : i32
      %mul3A_193 = arith.muli %scan3A_176, %mul3A_192 : i32
      %swap3A_194 = arith.index_cast %mul3A_193 : i32 to index
      %swap3A_195 = tpu.vector_load %arg7[%swap3A_194] {strides = array<i32>} : memref<4096xi32, #tpu.memory_space<vmem>>, vector<16xi32>,
      %swap3A_196 = vector.shape_cast %swap3A_195 : vector<16xi32> to vector<16xi32>
      %swap3A_197 = vector.shape_cast %select_n3A_191 : vector<16xi32> to vector<16xi32>
      tpu.vector_store %arg7[%swap3A_194], %swap3A_197 {strides = array<i32>} : memref<4096xi32, #tpu.memory_space<vmem>>, vector<16xi32>,
      %scan3A_198 = arith.constant 3 : i32
      %scan3A_199 = arith.addi %scan3A_137, %scan3A_198 : i32
      %mul3A_200 = arith.constant 16 : i32
      %mul3A_201 = arith.muli %scan3A_199, %mul3A_200 : i32
      %get3A_202 = arith.index_cast %mul3A_201 : i32 to index
      %get3A_203 = tpu.vector_load %arg6[%get3A_202] {strides = array<i32>} : memref<4096xi32, #tpu.memory_space<vmem>>, vector<16xi32>,
      %get3A_204 = vector.shape_cast %get3A_203 : vector<16xi32> to vector<16xi32>
      %sub3A_205 = vector.broadcast %mul3A_51 : i32 to vector<16xi32>
      %sub3A_206 = arith.subi %get3A_204, %sub3A_205 : vector<16xi32>
      %ge3A_207 = arith.constant 0 : i32
      %ge3A_208 = vector.broadcast %ge3A_207 : i32 to vector<16xi32>
      %ge3A_209 = arith.cmpi sge, %sub3A_206, %ge3A_208 : vector<16xi32>
      %lt3A_210 = arith.constant 524288 : i32
      %lt3A_211 = vector.broadcast %lt3A_210 : i32 to vector<16xi32>
      %lt3A_212 = arith.cmpi slt, %sub3A_206, %lt3A_211 : vector<16xi32>
      %and3A_213 = arith.andi %ge3A_209, %lt3A_212 : vector<16xi1>
      %select_n3A_214 = arith.select %and3A_213, %sub3A_206, %add3A_17 : vector<16xi1>, vector<16xi32>
      %mul3A_215 = arith.constant 16 : i32
      %mul3A_216 = arith.muli %scan3A_199, %mul3A_215 : i32
      %swap3A_217 = arith.index_cast %mul3A_216 : i32 to index
      %swap3A_218 = tpu.vector_load %arg7[%swap3A_217] {strides = array<i32>} : memref<4096xi32, #tpu.memory_space<vmem>>, vector<16xi32>,
      %swap3A_219 = vector.shape_cast %swap3A_218 : vector<16xi32> to vector<16xi32>
      %swap3A_220 = vector.shape_cast %select_n3A_214 : vector<16xi32> to vector<16xi32>
      tpu.vector_store %arg7[%swap3A_217], %swap3A_220 {strides = array<i32>} : memref<4096xi32, #tpu.memory_space<vmem>>, vector<16xi32>,
    }
    %scan3A_59 = arith.constant 256 : i32
    "tpu.region"() ({
      %run_scoped3A = tpu.sem_alloc : memref<!tpu.dma_semaphore, #tpu.memory_space<semaphore_mem>>
      %dma_start3A_137 = arith.constant 0 : i32
      %dma_start3A_138 = tpu.memref_slice %arg10[%dma_start3A_137] : memref<526336xf32, #tpu.memory_space<vmem_shared>> -> memref<526336xf32, #tpu.memory_space<vmem_shared>>
      tpu.enqueue_indirect_dma source(%arg9 : memref<4096xf32, #tpu.memory_space<vmem>>) target(%dma_start3A_138 : memref<526336xf32, #tpu.memory_space<vmem_shared>>) offsets(%arg7 : memref<4096xi32, #tpu.memory_space<vmem>>) semaphore(%run_scoped3A : memref<!tpu.dma_semaphore, #tpu.memory_space<semaphore_mem>>) {add = true}
      %dma_wait3A_139 = arith.constant 0 : i32
      %dma_wait3A_140 = tpu.memref_slice %arg10[%dma_wait3A_139] : memref<526336xf32, #tpu.memory_space<vmem_shared>> -> memref<526336xf32, #tpu.memory_space<vmem_shared>>
      tpu.wait_indirect_dma semaphore(%run_scoped3A : memref<!tpu.dma_semaphore, #tpu.memory_space<semaphore_mem>>) src(%arg9 : memref<4096xf32, #tpu.memory_space<vmem>>) dst(%dma_wait3A_140 : memref<526336xf32, #tpu.memory_space<vmem_shared>>)
      tpu.yield
    }) : () -> ()
    %barrier3A_60 = arith.constant 0 : index
    tpu.barrier barrier_id(%barrier3A_60)
    %mul3A_61 = arith.constant 2048 : i32
    %mul3A_62 = arith.muli %add3A_49, %mul3A_61 : i32
    %mul3A_63 = arith.constant 32768 : i32
    %mul3A_64 = arith.muli %arg1, %mul3A_63 : i32
    %add3A_65 = arith.addi %mul3A_62, %mul3A_64 : i32
    %mul3A_66 = arith.constant 32768 : i32
    %mul3A_67 = arith.muli %arg1, %mul3A_66 : i32
    "tpu.region"() ({
      %run_scoped3A = tpu.sem_alloc : memref<!tpu.dma_semaphore, #tpu.memory_space<semaphore_mem>>
      %dma_start3A_137 = tpu.memref_slice %arg3[%add3A_65] : memref<4194304xf32, #tpu.memory_space<hbm>> -> memref<32768xf32, #tpu.memory_space<hbm>>
      %dma_start3A_138 = tpu.memref_slice %arg10[%mul3A_67] : memref<526336xf32, #tpu.memory_space<vmem_shared>> -> memref<32768xf32, #tpu.memory_space<vmem_shared>>
      tpu.enqueue_dma source(%dma_start3A_138 : memref<32768xf32, #tpu.memory_space<vmem_shared>>) target(%dma_start3A_137 : memref<32768xf32, #tpu.memory_space<hbm>>) target_semaphore(%run_scoped3A : memref<!tpu.dma_semaphore, #tpu.memory_space<semaphore_mem>>)
      %dma_wait3A_139 = tpu.memref_slice %arg3[%add3A_65] : memref<4194304xf32, #tpu.memory_space<hbm>> -> memref<32768xf32, #tpu.memory_space<hbm>>
      %dma_wait3A_140 = tpu.memref_slice %arg10[%mul3A_67] : memref<526336xf32, #tpu.memory_space<vmem_shared>> -> memref<32768xf32, #tpu.memory_space<vmem_shared>>
      tpu.wait_dma2 semaphore(%run_scoped3A : memref<!tpu.dma_semaphore, #tpu.memory_space<semaphore_mem>>) src(%dma_wait3A_140 : memref<32768xf32, #tpu.memory_space<vmem_shared>>) dst(%dma_wait3A_139 : memref<32768xf32, #tpu.memory_space<hbm>>)
      tpu.yield
    }) : () -> ()
    %mul3A_68 = arith.constant 1024 : i32
    %mul3A_69 = arith.muli %arg0, %mul3A_68 : i32
    %add3A_70 = arith.constant 256 : i32
    %add3A_71 = arith.addi %mul3A_69, %add3A_70 : i32
    %mul3A_72 = arith.constant 2048 : i32
    %mul3A_73 = arith.muli %add3A_71, %mul3A_72 : i32
    %mul3A_74 = arith.constant 32768 : i32
    %mul3A_75 = arith.muli %arg1, %mul3A_74 : i32
    "tpu.region"() ({
      %run_scoped3A = tpu.sem_alloc : memref<!tpu.dma_semaphore, #tpu.memory_space<semaphore_mem>>
      %dma_start3A_137 = tpu.memref_slice %arg10[%mul3A_75] : memref<526336xf32, #tpu.memory_space<vmem_shared>> -> memref<32768xf32, #tpu.memory_space<vmem_shared>>
      %dma_start3A_138 = tpu.memref_slice %arg10[%mul3A_75] : memref<526336xf32, #tpu.memory_space<vmem_shared>> -> memref<32768xf32, #tpu.memory_space<vmem_shared>>
      tpu.enqueue_dma source(%arg8 : memref<32768xf32, #tpu.memory_space<vmem>>) target(%dma_start3A_138 : memref<32768xf32, #tpu.memory_space<vmem_shared>>) target_semaphore(%run_scoped3A : memref<!tpu.dma_semaphore, #tpu.memory_space<semaphore_mem>>)
      %dma_wait3A_139 = tpu.memref_slice %arg10[%mul3A_75] : memref<526336xf32, #tpu.memory_space<vmem_shared>> -> memref<32768xf32, #tpu.memory_space<vmem_shared>>
      %dma_wait3A_140 = tpu.memref_slice %arg10[%mul3A_75] : memref<526336xf32, #tpu.memory_space<vmem_shared>> -> memref<32768xf32, #tpu.memory_space<vmem_shared>>
      tpu.wait_dma2 semaphore(%run_scoped3A : memref<!tpu.dma_semaphore, #tpu.memory_space<semaphore_mem>>) src(%arg8 : memref<32768xf32, #tpu.memory_space<vmem>>) dst(%dma_wait3A_140 : memref<32768xf32, #tpu.memory_space<vmem_shared>>)
      tpu.yield
    }) : () -> ()
    %barrier3A_76 = arith.constant 0 : index
    tpu.barrier barrier_id(%barrier3A_76)
    %scan3A_77 = arith.constant 0 : i32
    %scan3A_78 = arith.constant 0 : i32
    %scan3A_79 = arith.constant 256 : i32
    %scan3A_80 = arith.addi %scan3A_78, %scan3A_79 : i32
    %scan3A_81 = arith.constant 4 : i32
    scf.for %scan3A_137 = %scan3A_78 to %scan3A_80 step %scan3A_81  : i32 {
      %mul3A_138 = arith.constant 16 : i32
      %mul3A_139 = arith.muli %scan3A_137, %mul3A_138 : i32
      %get3A = arith.index_cast %mul3A_139 : i32 to index
      %get3A_140 = tpu.vector_load %arg6[%get3A] {strides = array<i32>} : memref<4096xi32, #tpu.memory_space<vmem>>, vector<16xi32>,
      %get3A_141 = vector.shape_cast %get3A_140 : vector<16xi32> to vector<16xi32>
      %sub3A = vector.broadcast %mul3A_73 : i32 to vector<16xi32>
      %sub3A_142 = arith.subi %get3A_141, %sub3A : vector<16xi32>
      %ge3A = arith.constant 0 : i32
      %ge3A_143 = vector.broadcast %ge3A : i32 to vector<16xi32>
      %ge3A_144 = arith.cmpi sge, %sub3A_142, %ge3A_143 : vector<16xi32>
      %lt3A = arith.constant 524288 : i32
      %lt3A_145 = vector.broadcast %lt3A : i32 to vector<16xi32>
      %lt3A_146 = arith.cmpi slt, %sub3A_142, %lt3A_145 : vector<16xi32>
      %and3A = arith.andi %ge3A_144, %lt3A_146 : vector<16xi1>
      %select_n3A = arith.select %and3A, %sub3A_142, %add3A_17 : vector<16xi1>, vector<16xi32>
      %mul3A_147 = arith.constant 16 : i32
      %mul3A_148 = arith.muli %scan3A_137, %mul3A_147 : i32
      %swap3A = arith.index_cast %mul3A_148 : i32 to index
      %swap3A_149 = tpu.vector_load %arg7[%swap3A] {strides = array<i32>} : memref<4096xi32, #tpu.memory_space<vmem>>, vector<16xi32>,
      %swap3A_150 = vector.shape_cast %swap3A_149 : vector<16xi32> to vector<16xi32>
      %swap3A_151 = vector.shape_cast %select_n3A : vector<16xi32> to vector<16xi32>
      tpu.vector_store %arg7[%swap3A], %swap3A_151 {strides = array<i32>} : memref<4096xi32, #tpu.memory_space<vmem>>, vector<16xi32>,
      %scan3A_152 = arith.constant 1 : i32
      %scan3A_153 = arith.addi %scan3A_137, %scan3A_152 : i32
      %mul3A_154 = arith.constant 16 : i32
      %mul3A_155 = arith.muli %scan3A_153, %mul3A_154 : i32
      %get3A_156 = arith.index_cast %mul3A_155 : i32 to index
      %get3A_157 = tpu.vector_load %arg6[%get3A_156] {strides = array<i32>} : memref<4096xi32, #tpu.memory_space<vmem>>, vector<16xi32>,
      %get3A_158 = vector.shape_cast %get3A_157 : vector<16xi32> to vector<16xi32>
      %sub3A_159 = vector.broadcast %mul3A_73 : i32 to vector<16xi32>
      %sub3A_160 = arith.subi %get3A_158, %sub3A_159 : vector<16xi32>
      %ge3A_161 = arith.constant 0 : i32
      %ge3A_162 = vector.broadcast %ge3A_161 : i32 to vector<16xi32>
      %ge3A_163 = arith.cmpi sge, %sub3A_160, %ge3A_162 : vector<16xi32>
      %lt3A_164 = arith.constant 524288 : i32
      %lt3A_165 = vector.broadcast %lt3A_164 : i32 to vector<16xi32>
      %lt3A_166 = arith.cmpi slt, %sub3A_160, %lt3A_165 : vector<16xi32>
      %and3A_167 = arith.andi %ge3A_163, %lt3A_166 : vector<16xi1>
      %select_n3A_168 = arith.select %and3A_167, %sub3A_160, %add3A_17 : vector<16xi1>, vector<16xi32>
      %mul3A_169 = arith.constant 16 : i32
      %mul3A_170 = arith.muli %scan3A_153, %mul3A_169 : i32
      %swap3A_171 = arith.index_cast %mul3A_170 : i32 to index
      %swap3A_172 = tpu.vector_load %arg7[%swap3A_171] {strides = array<i32>} : memref<4096xi32, #tpu.memory_space<vmem>>, vector<16xi32>,
      %swap3A_173 = vector.shape_cast %swap3A_172 : vector<16xi32> to vector<16xi32>
      %swap3A_174 = vector.shape_cast %select_n3A_168 : vector<16xi32> to vector<16xi32>
      tpu.vector_store %arg7[%swap3A_171], %swap3A_174 {strides = array<i32>} : memref<4096xi32, #tpu.memory_space<vmem>>, vector<16xi32>,
      %scan3A_175 = arith.constant 2 : i32
      %scan3A_176 = arith.addi %scan3A_137, %scan3A_175 : i32
      %mul3A_177 = arith.constant 16 : i32
      %mul3A_178 = arith.muli %scan3A_176, %mul3A_177 : i32
      %get3A_179 = arith.index_cast %mul3A_178 : i32 to index
      %get3A_180 = tpu.vector_load %arg6[%get3A_179] {strides = array<i32>} : memref<4096xi32, #tpu.memory_space<vmem>>, vector<16xi32>,
      %get3A_181 = vector.shape_cast %get3A_180 : vector<16xi32> to vector<16xi32>
      %sub3A_182 = vector.broadcast %mul3A_73 : i32 to vector<16xi32>
      %sub3A_183 = arith.subi %get3A_181, %sub3A_182 : vector<16xi32>
      %ge3A_184 = arith.constant 0 : i32
      %ge3A_185 = vector.broadcast %ge3A_184 : i32 to vector<16xi32>
      %ge3A_186 = arith.cmpi sge, %sub3A_183, %ge3A_185 : vector<16xi32>
      %lt3A_187 = arith.constant 524288 : i32
      %lt3A_188 = vector.broadcast %lt3A_187 : i32 to vector<16xi32>
      %lt3A_189 = arith.cmpi slt, %sub3A_183, %lt3A_188 : vector<16xi32>
      %and3A_190 = arith.andi %ge3A_186, %lt3A_189 : vector<16xi1>
      %select_n3A_191 = arith.select %and3A_190, %sub3A_183, %add3A_17 : vector<16xi1>, vector<16xi32>
      %mul3A_192 = arith.constant 16 : i32
      %mul3A_193 = arith.muli %scan3A_176, %mul3A_192 : i32
      %swap3A_194 = arith.index_cast %mul3A_193 : i32 to index
      %swap3A_195 = tpu.vector_load %arg7[%swap3A_194] {strides = array<i32>} : memref<4096xi32, #tpu.memory_space<vmem>>, vector<16xi32>,
      %swap3A_196 = vector.shape_cast %swap3A_195 : vector<16xi32> to vector<16xi32>
      %swap3A_197 = vector.shape_cast %select_n3A_191 : vector<16xi32> to vector<16xi32>
      tpu.vector_store %arg7[%swap3A_194], %swap3A_197 {strides = array<i32>} : memref<4096xi32, #tpu.memory_space<vmem>>, vector<16xi32>,
      %scan3A_198 = arith.constant 3 : i32
      %scan3A_199 = arith.addi %scan3A_137, %scan3A_198 : i32
      %mul3A_200 = arith.constant 16 : i32
      %mul3A_201 = arith.muli %scan3A_199, %mul3A_200 : i32
      %get3A_202 = arith.index_cast %mul3A_201 : i32 to index
      %get3A_203 = tpu.vector_load %arg6[%get3A_202] {strides = array<i32>} : memref<4096xi32, #tpu.memory_space<vmem>>, vector<16xi32>,
      %get3A_204 = vector.shape_cast %get3A_203 : vector<16xi32> to vector<16xi32>
      %sub3A_205 = vector.broadcast %mul3A_73 : i32 to vector<16xi32>
      %sub3A_206 = arith.subi %get3A_204, %sub3A_205 : vector<16xi32>
      %ge3A_207 = arith.constant 0 : i32
      %ge3A_208 = vector.broadcast %ge3A_207 : i32 to vector<16xi32>
      %ge3A_209 = arith.cmpi sge, %sub3A_206, %ge3A_208 : vector<16xi32>
      %lt3A_210 = arith.constant 524288 : i32
      %lt3A_211 = vector.broadcast %lt3A_210 : i32 to vector<16xi32>
      %lt3A_212 = arith.cmpi slt, %sub3A_206, %lt3A_211 : vector<16xi32>
      %and3A_213 = arith.andi %ge3A_209, %lt3A_212 : vector<16xi1>
      %select_n3A_214 = arith.select %and3A_213, %sub3A_206, %add3A_17 : vector<16xi1>, vector<16xi32>
      %mul3A_215 = arith.constant 16 : i32
      %mul3A_216 = arith.muli %scan3A_199, %mul3A_215 : i32
      %swap3A_217 = arith.index_cast %mul3A_216 : i32 to index
      %swap3A_218 = tpu.vector_load %arg7[%swap3A_217] {strides = array<i32>} : memref<4096xi32, #tpu.memory_space<vmem>>, vector<16xi32>,
      %swap3A_219 = vector.shape_cast %swap3A_218 : vector<16xi32> to vector<16xi32>
      %swap3A_220 = vector.shape_cast %select_n3A_214 : vector<16xi32> to vector<16xi32>
      tpu.vector_store %arg7[%swap3A_217], %swap3A_220 {strides = array<i32>} : memref<4096xi32, #tpu.memory_space<vmem>>, vector<16xi32>,
    }
    %scan3A_82 = arith.constant 256 : i32
    "tpu.region"() ({
      %run_scoped3A = tpu.sem_alloc : memref<!tpu.dma_semaphore, #tpu.memory_space<semaphore_mem>>
      %dma_start3A_137 = arith.constant 0 : i32
      %dma_start3A_138 = tpu.memref_slice %arg10[%dma_start3A_137] : memref<526336xf32, #tpu.memory_space<vmem_shared>> -> memref<526336xf32, #tpu.memory_space<vmem_shared>>
      tpu.enqueue_indirect_dma source(%arg9 : memref<4096xf32, #tpu.memory_space<vmem>>) target(%dma_start3A_138 : memref<526336xf32, #tpu.memory_space<vmem_shared>>) offsets(%arg7 : memref<4096xi32, #tpu.memory_space<vmem>>) semaphore(%run_scoped3A : memref<!tpu.dma_semaphore, #tpu.memory_space<semaphore_mem>>) {add = true}
      %dma_wait3A_139 = arith.constant 0 : i32
      %dma_wait3A_140 = tpu.memref_slice %arg10[%dma_wait3A_139] : memref<526336xf32, #tpu.memory_space<vmem_shared>> -> memref<526336xf32, #tpu.memory_space<vmem_shared>>
      tpu.wait_indirect_dma semaphore(%run_scoped3A : memref<!tpu.dma_semaphore, #tpu.memory_space<semaphore_mem>>) src(%arg9 : memref<4096xf32, #tpu.memory_space<vmem>>) dst(%dma_wait3A_140 : memref<526336xf32, #tpu.memory_space<vmem_shared>>)
      tpu.yield
    }) : () -> ()
    %barrier3A_83 = arith.constant 0 : index
    tpu.barrier barrier_id(%barrier3A_83)
    %mul3A_84 = arith.constant 2048 : i32
    %mul3A_85 = arith.muli %add3A_71, %mul3A_84 : i32
    %mul3A_86 = arith.constant 32768 : i32
    %mul3A_87 = arith.muli %arg1, %mul3A_86 : i32
    %add3A_88 = arith.addi %mul3A_85, %mul3A_87 : i32
    %mul3A_89 = arith.constant 32768 : i32
    %mul3A_90 = arith.muli %arg1, %mul3A_89 : i32
    "tpu.region"() ({
      %run_scoped3A = tpu.sem_alloc : memref<!tpu.dma_semaphore, #tpu.memory_space<semaphore_mem>>
      %dma_start3A_137 = tpu.memref_slice %arg3[%add3A_88] : memref<4194304xf32, #tpu.memory_space<hbm>> -> memref<32768xf32, #tpu.memory_space<hbm>>
      %dma_start3A_138 = tpu.memref_slice %arg10[%mul3A_90] : memref<526336xf32, #tpu.memory_space<vmem_shared>> -> memref<32768xf32, #tpu.memory_space<vmem_shared>>
      tpu.enqueue_dma source(%dma_start3A_138 : memref<32768xf32, #tpu.memory_space<vmem_shared>>) target(%dma_start3A_137 : memref<32768xf32, #tpu.memory_space<hbm>>) target_semaphore(%run_scoped3A : memref<!tpu.dma_semaphore, #tpu.memory_space<semaphore_mem>>)
      %dma_wait3A_139 = tpu.memref_slice %arg3[%add3A_88] : memref<4194304xf32, #tpu.memory_space<hbm>> -> memref<32768xf32, #tpu.memory_space<hbm>>
      %dma_wait3A_140 = tpu.memref_slice %arg10[%mul3A_90] : memref<526336xf32, #tpu.memory_space<vmem_shared>> -> memref<32768xf32, #tpu.memory_space<vmem_shared>>
      tpu.wait_dma2 semaphore(%run_scoped3A : memref<!tpu.dma_semaphore, #tpu.memory_space<semaphore_mem>>) src(%dma_wait3A_140 : memref<32768xf32, #tpu.memory_space<vmem_shared>>) dst(%dma_wait3A_139 : memref<32768xf32, #tpu.memory_space<hbm>>)
      tpu.yield
    }) : () -> ()
    %mul3A_91 = arith.constant 1024 : i32
    %mul3A_92 = arith.muli %arg0, %mul3A_91 : i32
    %add3A_93 = arith.constant 512 : i32
    %add3A_94 = arith.addi %mul3A_92, %add3A_93 : i32
    %mul3A_95 = arith.constant 2048 : i32
    %mul3A_96 = arith.muli %add3A_94, %mul3A_95 : i32
    %mul3A_97 = arith.constant 32768 : i32
    %mul3A_98 = arith.muli %arg1, %mul3A_97 : i32
    "tpu.region"() ({
      %run_scoped3A = tpu.sem_alloc : memref<!tpu.dma_semaphore, #tpu.memory_space<semaphore_mem>>
      %dma_start3A_137 = tpu.memref_slice %arg10[%mul3A_98] : memref<526336xf32, #tpu.memory_space<vmem_shared>> -> memref<32768xf32, #tpu.memory_space<vmem_shared>>
      %dma_start3A_138 = tpu.memref_slice %arg10[%mul3A_98] : memref<526336xf32, #tpu.memory_space<vmem_shared>> -> memref<32768xf32, #tpu.memory_space<vmem_shared>>
      tpu.enqueue_dma source(%arg8 : memref<32768xf32, #tpu.memory_space<vmem>>) target(%dma_start3A_138 : memref<32768xf32, #tpu.memory_space<vmem_shared>>) target_semaphore(%run_scoped3A : memref<!tpu.dma_semaphore, #tpu.memory_space<semaphore_mem>>)
      %dma_wait3A_139 = tpu.memref_slice %arg10[%mul3A_98] : memref<526336xf32, #tpu.memory_space<vmem_shared>> -> memref<32768xf32, #tpu.memory_space<vmem_shared>>
      %dma_wait3A_140 = tpu.memref_slice %arg10[%mul3A_98] : memref<526336xf32, #tpu.memory_space<vmem_shared>> -> memref<32768xf32, #tpu.memory_space<vmem_shared>>
      tpu.wait_dma2 semaphore(%run_scoped3A : memref<!tpu.dma_semaphore, #tpu.memory_space<semaphore_mem>>) src(%arg8 : memref<32768xf32, #tpu.memory_space<vmem>>) dst(%dma_wait3A_140 : memref<32768xf32, #tpu.memory_space<vmem_shared>>)
      tpu.yield
    }) : () -> ()
    %barrier3A_99 = arith.constant 0 : index
    tpu.barrier barrier_id(%barrier3A_99)
    %scan3A_100 = arith.constant 0 : i32
    %scan3A_101 = arith.constant 0 : i32
    %scan3A_102 = arith.constant 256 : i32
    %scan3A_103 = arith.addi %scan3A_101, %scan3A_102 : i32
    %scan3A_104 = arith.constant 4 : i32
    scf.for %scan3A_137 = %scan3A_101 to %scan3A_103 step %scan3A_104  : i32 {
      %mul3A_138 = arith.constant 16 : i32
      %mul3A_139 = arith.muli %scan3A_137, %mul3A_138 : i32
      %get3A = arith.index_cast %mul3A_139 : i32 to index
      %get3A_140 = tpu.vector_load %arg6[%get3A] {strides = array<i32>} : memref<4096xi32, #tpu.memory_space<vmem>>, vector<16xi32>,
      %get3A_141 = vector.shape_cast %get3A_140 : vector<16xi32> to vector<16xi32>
      %sub3A = vector.broadcast %mul3A_96 : i32 to vector<16xi32>
      %sub3A_142 = arith.subi %get3A_141, %sub3A : vector<16xi32>
      %ge3A = arith.constant 0 : i32
      %ge3A_143 = vector.broadcast %ge3A : i32 to vector<16xi32>
      %ge3A_144 = arith.cmpi sge, %sub3A_142, %ge3A_143 : vector<16xi32>
      %lt3A = arith.constant 524288 : i32
      %lt3A_145 = vector.broadcast %lt3A : i32 to vector<16xi32>
      %lt3A_146 = arith.cmpi slt, %sub3A_142, %lt3A_145 : vector<16xi32>
      %and3A = arith.andi %ge3A_144, %lt3A_146 : vector<16xi1>
      %select_n3A = arith.select %and3A, %sub3A_142, %add3A_17 : vector<16xi1>, vector<16xi32>
      %mul3A_147 = arith.constant 16 : i32
      %mul3A_148 = arith.muli %scan3A_137, %mul3A_147 : i32
      %swap3A = arith.index_cast %mul3A_148 : i32 to index
      %swap3A_149 = tpu.vector_load %arg7[%swap3A] {strides = array<i32>} : memref<4096xi32, #tpu.memory_space<vmem>>, vector<16xi32>,
      %swap3A_150 = vector.shape_cast %swap3A_149 : vector<16xi32> to vector<16xi32>
      %swap3A_151 = vector.shape_cast %select_n3A : vector<16xi32> to vector<16xi32>
      tpu.vector_store %arg7[%swap3A], %swap3A_151 {strides = array<i32>} : memref<4096xi32, #tpu.memory_space<vmem>>, vector<16xi32>,
      %scan3A_152 = arith.constant 1 : i32
      %scan3A_153 = arith.addi %scan3A_137, %scan3A_152 : i32
      %mul3A_154 = arith.constant 16 : i32
      %mul3A_155 = arith.muli %scan3A_153, %mul3A_154 : i32
      %get3A_156 = arith.index_cast %mul3A_155 : i32 to index
      %get3A_157 = tpu.vector_load %arg6[%get3A_156] {strides = array<i32>} : memref<4096xi32, #tpu.memory_space<vmem>>, vector<16xi32>,
      %get3A_158 = vector.shape_cast %get3A_157 : vector<16xi32> to vector<16xi32>
      %sub3A_159 = vector.broadcast %mul3A_96 : i32 to vector<16xi32>
      %sub3A_160 = arith.subi %get3A_158, %sub3A_159 : vector<16xi32>
      %ge3A_161 = arith.constant 0 : i32
      %ge3A_162 = vector.broadcast %ge3A_161 : i32 to vector<16xi32>
      %ge3A_163 = arith.cmpi sge, %sub3A_160, %ge3A_162 : vector<16xi32>
      %lt3A_164 = arith.constant 524288 : i32
      %lt3A_165 = vector.broadcast %lt3A_164 : i32 to vector<16xi32>
      %lt3A_166 = arith.cmpi slt, %sub3A_160, %lt3A_165 : vector<16xi32>
      %and3A_167 = arith.andi %ge3A_163, %lt3A_166 : vector<16xi1>
      %select_n3A_168 = arith.select %and3A_167, %sub3A_160, %add3A_17 : vector<16xi1>, vector<16xi32>
      %mul3A_169 = arith.constant 16 : i32
      %mul3A_170 = arith.muli %scan3A_153, %mul3A_169 : i32
      %swap3A_171 = arith.index_cast %mul3A_170 : i32 to index
      %swap3A_172 = tpu.vector_load %arg7[%swap3A_171] {strides = array<i32>} : memref<4096xi32, #tpu.memory_space<vmem>>, vector<16xi32>,
      %swap3A_173 = vector.shape_cast %swap3A_172 : vector<16xi32> to vector<16xi32>
      %swap3A_174 = vector.shape_cast %select_n3A_168 : vector<16xi32> to vector<16xi32>
      tpu.vector_store %arg7[%swap3A_171], %swap3A_174 {strides = array<i32>} : memref<4096xi32, #tpu.memory_space<vmem>>, vector<16xi32>,
      %scan3A_175 = arith.constant 2 : i32
      %scan3A_176 = arith.addi %scan3A_137, %scan3A_175 : i32
      %mul3A_177 = arith.constant 16 : i32
      %mul3A_178 = arith.muli %scan3A_176, %mul3A_177 : i32
      %get3A_179 = arith.index_cast %mul3A_178 : i32 to index
      %get3A_180 = tpu.vector_load %arg6[%get3A_179] {strides = array<i32>} : memref<4096xi32, #tpu.memory_space<vmem>>, vector<16xi32>,
      %get3A_181 = vector.shape_cast %get3A_180 : vector<16xi32> to vector<16xi32>
      %sub3A_182 = vector.broadcast %mul3A_96 : i32 to vector<16xi32>
      %sub3A_183 = arith.subi %get3A_181, %sub3A_182 : vector<16xi32>
      %ge3A_184 = arith.constant 0 : i32
      %ge3A_185 = vector.broadcast %ge3A_184 : i32 to vector<16xi32>
      %ge3A_186 = arith.cmpi sge, %sub3A_183, %ge3A_185 : vector<16xi32>
      %lt3A_187 = arith.constant 524288 : i32
      %lt3A_188 = vector.broadcast %lt3A_187 : i32 to vector<16xi32>
      %lt3A_189 = arith.cmpi slt, %sub3A_183, %lt3A_188 : vector<16xi32>
      %and3A_190 = arith.andi %ge3A_186, %lt3A_189 : vector<16xi1>
      %select_n3A_191 = arith.select %and3A_190, %sub3A_183, %add3A_17 : vector<16xi1>, vector<16xi32>
      %mul3A_192 = arith.constant 16 : i32
      %mul3A_193 = arith.muli %scan3A_176, %mul3A_192 : i32
      %swap3A_194 = arith.index_cast %mul3A_193 : i32 to index
      %swap3A_195 = tpu.vector_load %arg7[%swap3A_194] {strides = array<i32>} : memref<4096xi32, #tpu.memory_space<vmem>>, vector<16xi32>,
      %swap3A_196 = vector.shape_cast %swap3A_195 : vector<16xi32> to vector<16xi32>
      %swap3A_197 = vector.shape_cast %select_n3A_191 : vector<16xi32> to vector<16xi32>
      tpu.vector_store %arg7[%swap3A_194], %swap3A_197 {strides = array<i32>} : memref<4096xi32, #tpu.memory_space<vmem>>, vector<16xi32>,
      %scan3A_198 = arith.constant 3 : i32
      %scan3A_199 = arith.addi %scan3A_137, %scan3A_198 : i32
      %mul3A_200 = arith.constant 16 : i32
      %mul3A_201 = arith.muli %scan3A_199, %mul3A_200 : i32
      %get3A_202 = arith.index_cast %mul3A_201 : i32 to index
      %get3A_203 = tpu.vector_load %arg6[%get3A_202] {strides = array<i32>} : memref<4096xi32, #tpu.memory_space<vmem>>, vector<16xi32>,
      %get3A_204 = vector.shape_cast %get3A_203 : vector<16xi32> to vector<16xi32>
      %sub3A_205 = vector.broadcast %mul3A_96 : i32 to vector<16xi32>
      %sub3A_206 = arith.subi %get3A_204, %sub3A_205 : vector<16xi32>
      %ge3A_207 = arith.constant 0 : i32
      %ge3A_208 = vector.broadcast %ge3A_207 : i32 to vector<16xi32>
      %ge3A_209 = arith.cmpi sge, %sub3A_206, %ge3A_208 : vector<16xi32>
      %lt3A_210 = arith.constant 524288 : i32
      %lt3A_211 = vector.broadcast %lt3A_210 : i32 to vector<16xi32>
      %lt3A_212 = arith.cmpi slt, %sub3A_206, %lt3A_211 : vector<16xi32>
      %and3A_213 = arith.andi %ge3A_209, %lt3A_212 : vector<16xi1>
      %select_n3A_214 = arith.select %and3A_213, %sub3A_206, %add3A_17 : vector<16xi1>, vector<16xi32>
      %mul3A_215 = arith.constant 16 : i32
      %mul3A_216 = arith.muli %scan3A_199, %mul3A_215 : i32
      %swap3A_217 = arith.index_cast %mul3A_216 : i32 to index
      %swap3A_218 = tpu.vector_load %arg7[%swap3A_217] {strides = array<i32>} : memref<4096xi32, #tpu.memory_space<vmem>>, vector<16xi32>,
      %swap3A_219 = vector.shape_cast %swap3A_218 : vector<16xi32> to vector<16xi32>
      %swap3A_220 = vector.shape_cast %select_n3A_214 : vector<16xi32> to vector<16xi32>
      tpu.vector_store %arg7[%swap3A_217], %swap3A_220 {strides = array<i32>} : memref<4096xi32, #tpu.memory_space<vmem>>, vector<16xi32>,
    }
    %scan3A_105 = arith.constant 256 : i32
    "tpu.region"() ({
      %run_scoped3A = tpu.sem_alloc : memref<!tpu.dma_semaphore, #tpu.memory_space<semaphore_mem>>
      %dma_start3A_137 = arith.constant 0 : i32
      %dma_start3A_138 = tpu.memref_slice %arg10[%dma_start3A_137] : memref<526336xf32, #tpu.memory_space<vmem_shared>> -> memref<526336xf32, #tpu.memory_space<vmem_shared>>
      tpu.enqueue_indirect_dma source(%arg9 : memref<4096xf32, #tpu.memory_space<vmem>>) target(%dma_start3A_138 : memref<526336xf32, #tpu.memory_space<vmem_shared>>) offsets(%arg7 : memref<4096xi32, #tpu.memory_space<vmem>>) semaphore(%run_scoped3A : memref<!tpu.dma_semaphore, #tpu.memory_space<semaphore_mem>>) {add = true}
      %dma_wait3A_139 = arith.constant 0 : i32
      %dma_wait3A_140 = tpu.memref_slice %arg10[%dma_wait3A_139] : memref<526336xf32, #tpu.memory_space<vmem_shared>> -> memref<526336xf32, #tpu.memory_space<vmem_shared>>
      tpu.wait_indirect_dma semaphore(%run_scoped3A : memref<!tpu.dma_semaphore, #tpu.memory_space<semaphore_mem>>) src(%arg9 : memref<4096xf32, #tpu.memory_space<vmem>>) dst(%dma_wait3A_140 : memref<526336xf32, #tpu.memory_space<vmem_shared>>)
      tpu.yield
    }) : () -> ()
    %barrier3A_106 = arith.constant 0 : index
    tpu.barrier barrier_id(%barrier3A_106)
    %mul3A_107 = arith.constant 2048 : i32
    %mul3A_108 = arith.muli %add3A_94, %mul3A_107 : i32
    %mul3A_109 = arith.constant 32768 : i32
    %mul3A_110 = arith.muli %arg1, %mul3A_109 : i32
    %add3A_111 = arith.addi %mul3A_108, %mul3A_110 : i32
    %mul3A_112 = arith.constant 32768 : i32
    %mul3A_113 = arith.muli %arg1, %mul3A_112 : i32
    "tpu.region"() ({
      %run_scoped3A = tpu.sem_alloc : memref<!tpu.dma_semaphore, #tpu.memory_space<semaphore_mem>>
      %dma_start3A_137 = tpu.memref_slice %arg3[%add3A_111] : memref<4194304xf32, #tpu.memory_space<hbm>> -> memref<32768xf32, #tpu.memory_space<hbm>>
      %dma_start3A_138 = tpu.memref_slice %arg10[%mul3A_113] : memref<526336xf32, #tpu.memory_space<vmem_shared>> -> memref<32768xf32, #tpu.memory_space<vmem_shared>>
      tpu.enqueue_dma source(%dma_start3A_138 : memref<32768xf32, #tpu.memory_space<vmem_shared>>) target(%dma_start3A_137 : memref<32768xf32, #tpu.memory_space<hbm>>) target_semaphore(%run_scoped3A : memref<!tpu.dma_semaphore, #tpu.memory_space<semaphore_mem>>)
      %dma_wait3A_139 = tpu.memref_slice %arg3[%add3A_111] : memref<4194304xf32, #tpu.memory_space<hbm>> -> memref<32768xf32, #tpu.memory_space<hbm>>
      %dma_wait3A_140 = tpu.memref_slice %arg10[%mul3A_113] : memref<526336xf32, #tpu.memory_space<vmem_shared>> -> memref<32768xf32, #tpu.memory_space<vmem_shared>>
      tpu.wait_dma2 semaphore(%run_scoped3A : memref<!tpu.dma_semaphore, #tpu.memory_space<semaphore_mem>>) src(%dma_wait3A_140 : memref<32768xf32, #tpu.memory_space<vmem_shared>>) dst(%dma_wait3A_139 : memref<32768xf32, #tpu.memory_space<hbm>>)
      tpu.yield
    }) : () -> ()
    %mul3A_114 = arith.constant 1024 : i32
    %mul3A_115 = arith.muli %arg0, %mul3A_114 : i32
    %add3A_116 = arith.constant 768 : i32
    %add3A_117 = arith.addi %mul3A_115, %add3A_116 : i32
    %mul3A_118 = arith.constant 2048 : i32
    %mul3A_119 = arith.muli %add3A_117, %mul3A_118 : i32
    %mul3A_120 = arith.constant 32768 : i32
    %mul3A_121 = arith.muli %arg1, %mul3A_120 : i32
    "tpu.region"() ({
      %run_scoped3A = tpu.sem_alloc : memref<!tpu.dma_semaphore, #tpu.memory_space<semaphore_mem>>
      %dma_start3A_137 = tpu.memref_slice %arg10[%mul3A_121] : memref<526336xf32, #tpu.memory_space<vmem_shared>> -> memref<32768xf32, #tpu.memory_space<vmem_shared>>
      %dma_start3A_138 = tpu.memref_slice %arg10[%mul3A_121] : memref<526336xf32, #tpu.memory_space<vmem_shared>> -> memref<32768xf32, #tpu.memory_space<vmem_shared>>
      tpu.enqueue_dma source(%arg8 : memref<32768xf32, #tpu.memory_space<vmem>>) target(%dma_start3A_138 : memref<32768xf32, #tpu.memory_space<vmem_shared>>) target_semaphore(%run_scoped3A : memref<!tpu.dma_semaphore, #tpu.memory_space<semaphore_mem>>)
      %dma_wait3A_139 = tpu.memref_slice %arg10[%mul3A_121] : memref<526336xf32, #tpu.memory_space<vmem_shared>> -> memref<32768xf32, #tpu.memory_space<vmem_shared>>
      %dma_wait3A_140 = tpu.memref_slice %arg10[%mul3A_121] : memref<526336xf32, #tpu.memory_space<vmem_shared>> -> memref<32768xf32, #tpu.memory_space<vmem_shared>>
      tpu.wait_dma2 semaphore(%run_scoped3A : memref<!tpu.dma_semaphore, #tpu.memory_space<semaphore_mem>>) src(%arg8 : memref<32768xf32, #tpu.memory_space<vmem>>) dst(%dma_wait3A_140 : memref<32768xf32, #tpu.memory_space<vmem_shared>>)
      tpu.yield
    }) : () -> ()
    %barrier3A_122 = arith.constant 0 : index
    tpu.barrier barrier_id(%barrier3A_122)
    %scan3A_123 = arith.constant 0 : i32
    %scan3A_124 = arith.constant 0 : i32
    %scan3A_125 = arith.constant 256 : i32
    %scan3A_126 = arith.addi %scan3A_124, %scan3A_125 : i32
    %scan3A_127 = arith.constant 4 : i32
    scf.for %scan3A_137 = %scan3A_124 to %scan3A_126 step %scan3A_127  : i32 {
      %mul3A_138 = arith.constant 16 : i32
      %mul3A_139 = arith.muli %scan3A_137, %mul3A_138 : i32
      %get3A = arith.index_cast %mul3A_139 : i32 to index
      %get3A_140 = tpu.vector_load %arg6[%get3A] {strides = array<i32>} : memref<4096xi32, #tpu.memory_space<vmem>>, vector<16xi32>,
      %get3A_141 = vector.shape_cast %get3A_140 : vector<16xi32> to vector<16xi32>
      %sub3A = vector.broadcast %mul3A_119 : i32 to vector<16xi32>
      %sub3A_142 = arith.subi %get3A_141, %sub3A : vector<16xi32>
      %ge3A = arith.constant 0 : i32
      %ge3A_143 = vector.broadcast %ge3A : i32 to vector<16xi32>
      %ge3A_144 = arith.cmpi sge, %sub3A_142, %ge3A_143 : vector<16xi32>
      %lt3A = arith.constant 524288 : i32
      %lt3A_145 = vector.broadcast %lt3A : i32 to vector<16xi32>
      %lt3A_146 = arith.cmpi slt, %sub3A_142, %lt3A_145 : vector<16xi32>
      %and3A = arith.andi %ge3A_144, %lt3A_146 : vector<16xi1>
      %select_n3A = arith.select %and3A, %sub3A_142, %add3A_17 : vector<16xi1>, vector<16xi32>
      %mul3A_147 = arith.constant 16 : i32
      %mul3A_148 = arith.muli %scan3A_137, %mul3A_147 : i32
      %swap3A = arith.index_cast %mul3A_148 : i32 to index
      %swap3A_149 = tpu.vector_load %arg7[%swap3A] {strides = array<i32>} : memref<4096xi32, #tpu.memory_space<vmem>>, vector<16xi32>,
      %swap3A_150 = vector.shape_cast %swap3A_149 : vector<16xi32> to vector<16xi32>
      %swap3A_151 = vector.shape_cast %select_n3A : vector<16xi32> to vector<16xi32>
      tpu.vector_store %arg7[%swap3A], %swap3A_151 {strides = array<i32>} : memref<4096xi32, #tpu.memory_space<vmem>>, vector<16xi32>,
      %scan3A_152 = arith.constant 1 : i32
      %scan3A_153 = arith.addi %scan3A_137, %scan3A_152 : i32
      %mul3A_154 = arith.constant 16 : i32
      %mul3A_155 = arith.muli %scan3A_153, %mul3A_154 : i32
      %get3A_156 = arith.index_cast %mul3A_155 : i32 to index
      %get3A_157 = tpu.vector_load %arg6[%get3A_156] {strides = array<i32>} : memref<4096xi32, #tpu.memory_space<vmem>>, vector<16xi32>,
      %get3A_158 = vector.shape_cast %get3A_157 : vector<16xi32> to vector<16xi32>
      %sub3A_159 = vector.broadcast %mul3A_119 : i32 to vector<16xi32>
      %sub3A_160 = arith.subi %get3A_158, %sub3A_159 : vector<16xi32>
      %ge3A_161 = arith.constant 0 : i32
      %ge3A_162 = vector.broadcast %ge3A_161 : i32 to vector<16xi32>
      %ge3A_163 = arith.cmpi sge, %sub3A_160, %ge3A_162 : vector<16xi32>
      %lt3A_164 = arith.constant 524288 : i32
      %lt3A_165 = vector.broadcast %lt3A_164 : i32 to vector<16xi32>
      %lt3A_166 = arith.cmpi slt, %sub3A_160, %lt3A_165 : vector<16xi32>
      %and3A_167 = arith.andi %ge3A_163, %lt3A_166 : vector<16xi1>
      %select_n3A_168 = arith.select %and3A_167, %sub3A_160, %add3A_17 : vector<16xi1>, vector<16xi32>
      %mul3A_169 = arith.constant 16 : i32
      %mul3A_170 = arith.muli %scan3A_153, %mul3A_169 : i32
      %swap3A_171 = arith.index_cast %mul3A_170 : i32 to index
      %swap3A_172 = tpu.vector_load %arg7[%swap3A_171] {strides = array<i32>} : memref<4096xi32, #tpu.memory_space<vmem>>, vector<16xi32>,
      %swap3A_173 = vector.shape_cast %swap3A_172 : vector<16xi32> to vector<16xi32>
      %swap3A_174 = vector.shape_cast %select_n3A_168 : vector<16xi32> to vector<16xi32>
      tpu.vector_store %arg7[%swap3A_171], %swap3A_174 {strides = array<i32>} : memref<4096xi32, #tpu.memory_space<vmem>>, vector<16xi32>,
      %scan3A_175 = arith.constant 2 : i32
      %scan3A_176 = arith.addi %scan3A_137, %scan3A_175 : i32
      %mul3A_177 = arith.constant 16 : i32
      %mul3A_178 = arith.muli %scan3A_176, %mul3A_177 : i32
      %get3A_179 = arith.index_cast %mul3A_178 : i32 to index
      %get3A_180 = tpu.vector_load %arg6[%get3A_179] {strides = array<i32>} : memref<4096xi32, #tpu.memory_space<vmem>>, vector<16xi32>,
      %get3A_181 = vector.shape_cast %get3A_180 : vector<16xi32> to vector<16xi32>
      %sub3A_182 = vector.broadcast %mul3A_119 : i32 to vector<16xi32>
      %sub3A_183 = arith.subi %get3A_181, %sub3A_182 : vector<16xi32>
      %ge3A_184 = arith.constant 0 : i32
      %ge3A_185 = vector.broadcast %ge3A_184 : i32 to vector<16xi32>
      %ge3A_186 = arith.cmpi sge, %sub3A_183, %ge3A_185 : vector<16xi32>
      %lt3A_187 = arith.constant 524288 : i32
      %lt3A_188 = vector.broadcast %lt3A_187 : i32 to vector<16xi32>
      %lt3A_189 = arith.cmpi slt, %sub3A_183, %lt3A_188 : vector<16xi32>
      %and3A_190 = arith.andi %ge3A_186, %lt3A_189 : vector<16xi1>
      %select_n3A_191 = arith.select %and3A_190, %sub3A_183, %add3A_17 : vector<16xi1>, vector<16xi32>
      %mul3A_192 = arith.constant 16 : i32
      %mul3A_193 = arith.muli %scan3A_176, %mul3A_192 : i32
      %swap3A_194 = arith.index_cast %mul3A_193 : i32 to index
      %swap3A_195 = tpu.vector_load %arg7[%swap3A_194] {strides = array<i32>} : memref<4096xi32, #tpu.memory_space<vmem>>, vector<16xi32>,
      %swap3A_196 = vector.shape_cast %swap3A_195 : vector<16xi32> to vector<16xi32>
      %swap3A_197 = vector.shape_cast %select_n3A_191 : vector<16xi32> to vector<16xi32>
      tpu.vector_store %arg7[%swap3A_194], %swap3A_197 {strides = array<i32>} : memref<4096xi32, #tpu.memory_space<vmem>>, vector<16xi32>,
      %scan3A_198 = arith.constant 3 : i32
      %scan3A_199 = arith.addi %scan3A_137, %scan3A_198 : i32
      %mul3A_200 = arith.constant 16 : i32
      %mul3A_201 = arith.muli %scan3A_199, %mul3A_200 : i32
      %get3A_202 = arith.index_cast %mul3A_201 : i32 to index
      %get3A_203 = tpu.vector_load %arg6[%get3A_202] {strides = array<i32>} : memref<4096xi32, #tpu.memory_space<vmem>>, vector<16xi32>,
      %get3A_204 = vector.shape_cast %get3A_203 : vector<16xi32> to vector<16xi32>
      %sub3A_205 = vector.broadcast %mul3A_119 : i32 to vector<16xi32>
      %sub3A_206 = arith.subi %get3A_204, %sub3A_205 : vector<16xi32>
      %ge3A_207 = arith.constant 0 : i32
      %ge3A_208 = vector.broadcast %ge3A_207 : i32 to vector<16xi32>
      %ge3A_209 = arith.cmpi sge, %sub3A_206, %ge3A_208 : vector<16xi32>
      %lt3A_210 = arith.constant 524288 : i32
      %lt3A_211 = vector.broadcast %lt3A_210 : i32 to vector<16xi32>
      %lt3A_212 = arith.cmpi slt, %sub3A_206, %lt3A_211 : vector<16xi32>
      %and3A_213 = arith.andi %ge3A_209, %lt3A_212 : vector<16xi1>
      %select_n3A_214 = arith.select %and3A_213, %sub3A_206, %add3A_17 : vector<16xi1>, vector<16xi32>
      %mul3A_215 = arith.constant 16 : i32
      %mul3A_216 = arith.muli %scan3A_199, %mul3A_215 : i32
      %swap3A_217 = arith.index_cast %mul3A_216 : i32 to index
      %swap3A_218 = tpu.vector_load %arg7[%swap3A_217] {strides = array<i32>} : memref<4096xi32, #tpu.memory_space<vmem>>, vector<16xi32>,
      %swap3A_219 = vector.shape_cast %swap3A_218 : vector<16xi32> to vector<16xi32>
      %swap3A_220 = vector.shape_cast %select_n3A_214 : vector<16xi32> to vector<16xi32>
      tpu.vector_store %arg7[%swap3A_217], %swap3A_220 {strides = array<i32>} : memref<4096xi32, #tpu.memory_space<vmem>>, vector<16xi32>,
    }
    %scan3A_128 = arith.constant 256 : i32
    "tpu.region"() ({
      %run_scoped3A = tpu.sem_alloc : memref<!tpu.dma_semaphore, #tpu.memory_space<semaphore_mem>>
      %dma_start3A_137 = arith.constant 0 : i32
      %dma_start3A_138 = tpu.memref_slice %arg10[%dma_start3A_137] : memref<526336xf32, #tpu.memory_space<vmem_shared>> -> memref<526336xf32, #tpu.memory_space<vmem_shared>>
      tpu.enqueue_indirect_dma source(%arg9 : memref<4096xf32, #tpu.memory_space<vmem>>) target(%dma_start3A_138 : memref<526336xf32, #tpu.memory_space<vmem_shared>>) offsets(%arg7 : memref<4096xi32, #tpu.memory_space<vmem>>) semaphore(%run_scoped3A : memref<!tpu.dma_semaphore, #tpu.memory_space<semaphore_mem>>) {add = true}
      %dma_wait3A_139 = arith.constant 0 : i32
      %dma_wait3A_140 = tpu.memref_slice %arg10[%dma_wait3A_139] : memref<526336xf32, #tpu.memory_space<vmem_shared>> -> memref<526336xf32, #tpu.memory_space<vmem_shared>>
      tpu.wait_indirect_dma semaphore(%run_scoped3A : memref<!tpu.dma_semaphore, #tpu.memory_space<semaphore_mem>>) src(%arg9 : memref<4096xf32, #tpu.memory_space<vmem>>) dst(%dma_wait3A_140 : memref<526336xf32, #tpu.memory_space<vmem_shared>>)
      tpu.yield
    }) : () -> ()
    %barrier3A_129 = arith.constant 0 : index
    tpu.barrier barrier_id(%barrier3A_129)
    %mul3A_130 = arith.constant 2048 : i32
    %mul3A_131 = arith.muli %add3A_117, %mul3A_130 : i32
    %mul3A_132 = arith.constant 32768 : i32
    %mul3A_133 = arith.muli %arg1, %mul3A_132 : i32
    %add3A_134 = arith.addi %mul3A_131, %mul3A_133 : i32
    %mul3A_135 = arith.constant 32768 : i32
    %mul3A_136 = arith.muli %arg1, %mul3A_135 : i32
    "tpu.region"() ({
      %run_scoped3A = tpu.sem_alloc : memref<!tpu.dma_semaphore, #tpu.memory_space<semaphore_mem>>
      %dma_start3A_137 = tpu.memref_slice %arg3[%add3A_134] : memref<4194304xf32, #tpu.memory_space<hbm>> -> memref<32768xf32, #tpu.memory_space<hbm>>
      %dma_start3A_138 = tpu.memref_slice %arg10[%mul3A_136] : memref<526336xf32, #tpu.memory_space<vmem_shared>> -> memref<32768xf32, #tpu.memory_space<vmem_shared>>
      tpu.enqueue_dma source(%dma_start3A_138 : memref<32768xf32, #tpu.memory_space<vmem_shared>>) target(%dma_start3A_137 : memref<32768xf32, #tpu.memory_space<hbm>>) target_semaphore(%run_scoped3A : memref<!tpu.dma_semaphore, #tpu.memory_space<semaphore_mem>>)
      %dma_wait3A_139 = tpu.memref_slice %arg3[%add3A_134] : memref<4194304xf32, #tpu.memory_space<hbm>> -> memref<32768xf32, #tpu.memory_space<hbm>>
      %dma_wait3A_140 = tpu.memref_slice %arg10[%mul3A_136] : memref<526336xf32, #tpu.memory_space<vmem_shared>> -> memref<32768xf32, #tpu.memory_space<vmem_shared>>
      tpu.wait_dma2 semaphore(%run_scoped3A : memref<!tpu.dma_semaphore, #tpu.memory_space<semaphore_mem>>) src(%dma_wait3A_140 : memref<32768xf32, #tpu.memory_space<vmem_shared>>) dst(%dma_wait3A_139 : memref<32768xf32, #tpu.memory_space<hbm>>)
      tpu.yield
    }) : () -> ()
    return
  }
}

#map = affine_map<(d0, d1) -> (0, 0)>
#map1 = affine_map<(d0, d1) -> (0)>
module attributes {stable_mosaic.version = 14 : i64} {
  func.func @_sc_adj_body(%arg0: i32, %arg1: i32, %arg2: memref<2x65536xi32, #tpu.memory_space<hbm>>, %arg3: memref<4194304xf32, #tpu.memory_space<hbm>>, %arg4: memref<4096xi32, #tpu.memory_space<vmem>>, %arg5: memref<4096xi32, #tpu.memory_space<vmem>>, %arg6: memref<4096xi32, #tpu.memory_space<vmem>>, %arg7: memref<4096xi32, #tpu.memory_space<vmem>>, %arg8: memref<32768xf32, #tpu.memory_space<vmem>>, %arg9: memref<4096xf32, #tpu.memory_space<vmem>>, %arg10: memref<526336xf32, #tpu.memory_space<vmem_shared>>, %arg11: memref<!tpu.dma_semaphore, #tpu.memory_space<semaphore_mem>>) attributes {dimension_semantics = [#tpu.dimension_semantics<core_parallel>, #tpu.dimension_semantics<subcore_parallel>], iteration_bounds = array<i64: 2, 16>, scalar_prefetch = 0 : i64, scratch_operands = 8 : i64, tpu.core_type = #tpu.core_type<sc_vector_subcore>, window_params = [{transform_indices = #map}, {transform_indices = #map1}]} {
    %scan3A = arith.constant 0 : i32
    %scan3A_0 = arith.constant 0 : i32
    %scan3A_1 = arith.constant 2048 : i32
    %scan3A_2 = arith.addi %scan3A_0, %scan3A_1 : i32
    %scan3A_3 = arith.constant 1 : i32
    scf.for %scan3A_137 = %scan3A_0 to %scan3A_2 step %scan3A_3  : i32 {
      %broadcast_in_dim3A = arith.constant 0.000000e+00 : f32
      %broadcast_in_dim3A_138 = vector.broadcast %broadcast_in_dim3A : f32 to vector<16xf32>
      %mul3A_139 = arith.constant 16 : i32
      %mul3A_140 = arith.muli %scan3A_137, %mul3A_139 : i32
      %swap3A = arith.index_cast %mul3A_140 : i32 to index
      %swap3A_141 = tpu.vector_load %arg8[%swap3A] {strides = array<i32>} : memref<32768xf32, #tpu.memory_space<vmem>>, vector<16xf32>,
      %swap3A_142 = vector.shape_cast %swap3A_141 : vector<16xf32> to vector<16xf32>
      %swap3A_143 = vector.shape_cast %broadcast_in_dim3A_138 : vector<16xf32> to vector<16xf32>
      tpu.vector_store %arg8[%swap3A], %swap3A_143 {strides = array<i32>} : memref<32768xf32, #tpu.memory_space<vmem>>, vector<16xf32>,
    }
    %scan3A_4 = arith.constant 2048 : i32
    %scan3A_5 = arith.constant 0 : i32
    %scan3A_6 = arith.constant 0 : i32
    %scan3A_7 = arith.constant 256 : i32
    %scan3A_8 = arith.addi %scan3A_6, %scan3A_7 : i32
    %scan3A_9 = arith.constant 1 : i32
    scf.for %scan3A_137 = %scan3A_6 to %scan3A_8 step %scan3A_9  : i32 {
      %broadcast_in_dim3A = arith.constant 1.000000e+00 : f32
      %broadcast_in_dim3A_138 = vector.broadcast %broadcast_in_dim3A : f32 to vector<16xf32>
      %mul3A_139 = arith.constant 16 : i32
      %mul3A_140 = arith.muli %scan3A_137, %mul3A_139 : i32
      %swap3A = arith.index_cast %mul3A_140 : i32 to index
      %swap3A_141 = tpu.vector_load %arg9[%swap3A] {strides = array<i32>} : memref<4096xf32, #tpu.memory_space<vmem>>, vector<16xf32>,
      %swap3A_142 = vector.shape_cast %swap3A_141 : vector<16xf32> to vector<16xf32>
      %swap3A_143 = vector.shape_cast %broadcast_in_dim3A_138 : vector<16xf32> to vector<16xf32>
      tpu.vector_store %arg9[%swap3A], %swap3A_143 {strides = array<i32>} : memref<4096xf32, #tpu.memory_space<vmem>>, vector<16xf32>,
    }
    %scan3A_10 = arith.constant 256 : i32
    %mul3A = arith.constant 128 : i32
    %mul3A_11 = arith.muli %arg1, %mul3A : i32
    %add3A = arith.constant 524288 : i32
    %add3A_12 = arith.addi %add3A, %mul3A_11 : i32
    %iota3A = tpu.iota {dimensions = array<i32: 0>} : vector<16xi32>
    %mul3A_13 = arith.constant 8 : i32
    %mul3A_14 = vector.broadcast %mul3A_13 : i32 to vector<16xi32>
    %mul3A_15 = arith.muli %iota3A, %mul3A_14 : vector<16xi32>
    %add3A_16 = vector.broadcast %add3A_12 : i32 to vector<16xi32>
    %add3A_17 = arith.addi %add3A_16, %mul3A_15 : vector<16xi32>
    %mul3A_18 = arith.constant 4096 : i32
    %mul3A_19 = arith.muli %arg1, %mul3A_18 : i32
    %dma_start3A = arith.constant 0 : i32
    %dma_start3A_20 = tpu.memref_slice %arg2[%dma_start3A, %mul3A_19] : memref<2x65536xi32, #tpu.memory_space<hbm>> -> memref<1x4096xi32, #tpu.memory_space<hbm>>
    %dma_start3A_21 = tpu.memref_squeeze %dma_start3A_20 : memref<1x4096xi32, #tpu.memory_space<hbm>> -> memref<4096xi32, #tpu.memory_space<hbm>>
    %dma_start3A_22 = tpu.memref_slice %arg2[%dma_start3A, %mul3A_19] : memref<2x65536xi32, #tpu.memory_space<hbm>> -> memref<1x4096xi32, #tpu.memory_space<hbm>>
    %dma_start3A_23 = tpu.memref_squeeze %dma_start3A_22 : memref<1x4096xi32, #tpu.memory_space<hbm>> -> memref<4096xi32, #tpu.memory_space<hbm>>
    tpu.enqueue_dma source(%dma_start3A_23 : memref<4096xi32, #tpu.memory_space<hbm>>) target(%arg4 : memref<4096xi32, #tpu.memory_space<vmem>>) target_semaphore(%arg11 : memref<!tpu.dma_semaphore, #tpu.memory_space<semaphore_mem>>)
    %mul3A_24 = arith.constant 4096 : i32
    %mul3A_25 = arith.muli %arg1, %mul3A_24 : i32
    %dma_start3A_26 = arith.constant 1 : i32
    %dma_start3A_27 = tpu.memref_slice %arg2[%dma_start3A_26, %mul3A_25] : memref<2x65536xi32, #tpu.memory_space<hbm>> -> memref<1x4096xi32, #tpu.memory_space<hbm>>
    %dma_start3A_28 = tpu.memref_squeeze %dma_start3A_27 : memref<1x4096xi32, #tpu.memory_space<hbm>> -> memref<4096xi32, #tpu.memory_space<hbm>>
    %dma_start3A_29 = tpu.memref_slice %arg2[%dma_start3A_26, %mul3A_25] : memref<2x65536xi32, #tpu.memory_space<hbm>> -> memref<1x4096xi32, #tpu.memory_space<hbm>>
    %dma_start3A_30 = tpu.memref_squeeze %dma_start3A_29 : memref<1x4096xi32, #tpu.memory_space<hbm>> -> memref<4096xi32, #tpu.memory_space<hbm>>
    tpu.enqueue_dma source(%dma_start3A_30 : memref<4096xi32, #tpu.memory_space<hbm>>) target(%arg5 : memref<4096xi32, #tpu.memory_space<vmem>>) target_semaphore(%arg11 : memref<!tpu.dma_semaphore, #tpu.memory_space<semaphore_mem>>)
    %dma_wait3A = arith.constant 0 : i32
    %dma_wait3A_31 = tpu.memref_slice %arg2[%dma_wait3A, %mul3A_19] : memref<2x65536xi32, #tpu.memory_space<hbm>> -> memref<1x4096xi32, #tpu.memory_space<hbm>>
    %dma_wait3A_32 = tpu.memref_squeeze %dma_wait3A_31 : memref<1x4096xi32, #tpu.memory_space<hbm>> -> memref<4096xi32, #tpu.memory_space<hbm>>
    %dma_wait3A_33 = tpu.memref_slice %arg2[%dma_wait3A, %mul3A_19] : memref<2x65536xi32, #tpu.memory_space<hbm>> -> memref<1x4096xi32, #tpu.memory_space<hbm>>
    %dma_wait3A_34 = tpu.memref_squeeze %dma_wait3A_33 : memref<1x4096xi32, #tpu.memory_space<hbm>> -> memref<4096xi32, #tpu.memory_space<hbm>>
    tpu.wait_dma2 semaphore(%arg11 : memref<!tpu.dma_semaphore, #tpu.memory_space<semaphore_mem>>) src(%dma_wait3A_34 : memref<4096xi32, #tpu.memory_space<hbm>>) dst(%arg4 : memref<4096xi32, #tpu.memory_space<vmem>>)
    %dma_wait3A_35 = arith.constant 1 : i32
    %dma_wait3A_36 = tpu.memref_slice %arg2[%dma_wait3A_35, %mul3A_25] : memref<2x65536xi32, #tpu.memory_space<hbm>> -> memref<1x4096xi32, #tpu.memory_space<hbm>>
    %dma_wait3A_37 = tpu.memref_squeeze %dma_wait3A_36 : memref<1x4096xi32, #tpu.memory_space<hbm>> -> memref<4096xi32, #tpu.memory_space<hbm>>
    %dma_wait3A_38 = tpu.memref_slice %arg2[%dma_wait3A_35, %mul3A_25] : memref<2x65536xi32, #tpu.memory_space<hbm>> -> memref<1x4096xi32, #tpu.memory_space<hbm>>
    %dma_wait3A_39 = tpu.memref_squeeze %dma_wait3A_38 : memref<1x4096xi32, #tpu.memory_space<hbm>> -> memref<4096xi32, #tpu.memory_space<hbm>>
    tpu.wait_dma2 semaphore(%arg11 : memref<!tpu.dma_semaphore, #tpu.memory_space<semaphore_mem>>) src(%dma_wait3A_39 : memref<4096xi32, #tpu.memory_space<hbm>>) dst(%arg5 : memref<4096xi32, #tpu.memory_space<vmem>>)
    %scan3A_40 = arith.constant 0 : i32
    %scan3A_41 = arith.constant 0 : i32
    %scan3A_42 = arith.constant 256 : i32
    %scan3A_43 = arith.addi %scan3A_41, %scan3A_42 : i32
    %scan3A_44 = arith.constant 4 : i32
    scf.for %scan3A_137 = %scan3A_41 to %scan3A_43 step %scan3A_44  : i32 {
      %mul3A_138 = arith.constant 16 : i32
      %mul3A_139 = arith.muli %scan3A_137, %mul3A_138 : i32
      %get3A = arith.index_cast %mul3A_139 : i32 to index
      %get3A_140 = tpu.vector_load %arg4[%get3A] {strides = array<i32>} : memref<4096xi32, #tpu.memory_space<vmem>>, vector<16xi32>,
      %get3A_141 = vector.shape_cast %get3A_140 : vector<16xi32> to vector<16xi32>
      %mul3A_142 = arith.constant 16 : i32
      %mul3A_143 = arith.muli %scan3A_137, %mul3A_142 : i32
      %get3A_144 = arith.index_cast %mul3A_143 : i32 to index
      %get3A_145 = tpu.vector_load %arg5[%get3A_144] {strides = array<i32>} : memref<4096xi32, #tpu.memory_space<vmem>>, vector<16xi32>,
      %get3A_146 = vector.shape_cast %get3A_145 : vector<16xi32> to vector<16xi32>
      %mul3A_147 = arith.constant 2048 : i32
      %mul3A_148 = vector.broadcast %mul3A_147 : i32 to vector<16xi32>
      %mul3A_149 = arith.muli %get3A_141, %mul3A_148 : vector<16xi32>
      %add3A_150 = arith.addi %mul3A_149, %get3A_146 : vector<16xi32>
      %mul3A_151 = arith.constant 16 : i32
      %mul3A_152 = arith.muli %scan3A_137, %mul3A_151 : i32
      %swap3A = arith.index_cast %mul3A_152 : i32 to index
      %swap3A_153 = tpu.vector_load %arg6[%swap3A] {strides = array<i32>} : memref<4096xi32, #tpu.memory_space<vmem>>, vector<16xi32>,
      %swap3A_154 = vector.shape_cast %swap3A_153 : vector<16xi32> to vector<16xi32>
      %swap3A_155 = vector.shape_cast %add3A_150 : vector<16xi32> to vector<16xi32>
      tpu.vector_store %arg6[%swap3A], %swap3A_155 {strides = array<i32>} : memref<4096xi32, #tpu.memory_space<vmem>>, vector<16xi32>,
      %scan3A_156 = arith.constant 1 : i32
      %scan3A_157 = arith.addi %scan3A_137, %scan3A_156 : i32
      %mul3A_158 = arith.constant 16 : i32
      %mul3A_159 = arith.muli %scan3A_157, %mul3A_158 : i32
      %get3A_160 = arith.index_cast %mul3A_159 : i32 to index
      %get3A_161 = tpu.vector_load %arg4[%get3A_160] {strides = array<i32>} : memref<4096xi32, #tpu.memory_space<vmem>>, vector<16xi32>,
      %get3A_162 = vector.shape_cast %get3A_161 : vector<16xi32> to vector<16xi32>
      %mul3A_163 = arith.constant 16 : i32
      %mul3A_164 = arith.muli %scan3A_157, %mul3A_163 : i32
      %get3A_165 = arith.index_cast %mul3A_164 : i32 to index
      %get3A_166 = tpu.vector_load %arg5[%get3A_165] {strides = array<i32>} : memref<4096xi32, #tpu.memory_space<vmem>>, vector<16xi32>,
      %get3A_167 = vector.shape_cast %get3A_166 : vector<16xi32> to vector<16xi32>
      %mul3A_168 = arith.constant 2048 : i32
      %mul3A_169 = vector.broadcast %mul3A_168 : i32 to vector<16xi32>
      %mul3A_170 = arith.muli %get3A_162, %mul3A_169 : vector<16xi32>
      %add3A_171 = arith.addi %mul3A_170, %get3A_167 : vector<16xi32>
      %mul3A_172 = arith.constant 16 : i32
      %mul3A_173 = arith.muli %scan3A_157, %mul3A_172 : i32
      %swap3A_174 = arith.index_cast %mul3A_173 : i32 to index
      %swap3A_175 = tpu.vector_load %arg6[%swap3A_174] {strides = array<i32>} : memref<4096xi32, #tpu.memory_space<vmem>>, vector<16xi32>,
      %swap3A_176 = vector.shape_cast %swap3A_175 : vector<16xi32> to vector<16xi32>
      %swap3A_177 = vector.shape_cast %add3A_171 : vector<16xi32> to vector<16xi32>
      tpu.vector_store %arg6[%swap3A_174], %swap3A_177 {strides = array<i32>} : memref<4096xi32, #tpu.memory_space<vmem>>, vector<16xi32>,
      %scan3A_178 = arith.constant 2 : i32
      %scan3A_179 = arith.addi %scan3A_137, %scan3A_178 : i32
      %mul3A_180 = arith.constant 16 : i32
      %mul3A_181 = arith.muli %scan3A_179, %mul3A_180 : i32
      %get3A_182 = arith.index_cast %mul3A_181 : i32 to index
      %get3A_183 = tpu.vector_load %arg4[%get3A_182] {strides = array<i32>} : memref<4096xi32, #tpu.memory_space<vmem>>, vector<16xi32>,
      %get3A_184 = vector.shape_cast %get3A_183 : vector<16xi32> to vector<16xi32>
      %mul3A_185 = arith.constant 16 : i32
      %mul3A_186 = arith.muli %scan3A_179, %mul3A_185 : i32
      %get3A_187 = arith.index_cast %mul3A_186 : i32 to index
      %get3A_188 = tpu.vector_load %arg5[%get3A_187] {strides = array<i32>} : memref<4096xi32, #tpu.memory_space<vmem>>, vector<16xi32>,
      %get3A_189 = vector.shape_cast %get3A_188 : vector<16xi32> to vector<16xi32>
      %mul3A_190 = arith.constant 2048 : i32
      %mul3A_191 = vector.broadcast %mul3A_190 : i32 to vector<16xi32>
      %mul3A_192 = arith.muli %get3A_184, %mul3A_191 : vector<16xi32>
      %add3A_193 = arith.addi %mul3A_192, %get3A_189 : vector<16xi32>
      %mul3A_194 = arith.constant 16 : i32
      %mul3A_195 = arith.muli %scan3A_179, %mul3A_194 : i32
      %swap3A_196 = arith.index_cast %mul3A_195 : i32 to index
      %swap3A_197 = tpu.vector_load %arg6[%swap3A_196] {strides = array<i32>} : memref<4096xi32, #tpu.memory_space<vmem>>, vector<16xi32>,
      %swap3A_198 = vector.shape_cast %swap3A_197 : vector<16xi32> to vector<16xi32>
      %swap3A_199 = vector.shape_cast %add3A_193 : vector<16xi32> to vector<16xi32>
      tpu.vector_store %arg6[%swap3A_196], %swap3A_199 {strides = array<i32>} : memref<4096xi32, #tpu.memory_space<vmem>>, vector<16xi32>,
      %scan3A_200 = arith.constant 3 : i32
      %scan3A_201 = arith.addi %scan3A_137, %scan3A_200 : i32
      %mul3A_202 = arith.constant 16 : i32
      %mul3A_203 = arith.muli %scan3A_201, %mul3A_202 : i32
      %get3A_204 = arith.index_cast %mul3A_203 : i32 to index
      %get3A_205 = tpu.vector_load %arg4[%get3A_204] {strides = array<i32>} : memref<4096xi32, #tpu.memory_space<vmem>>, vector<16xi32>,
      %get3A_206 = vector.shape_cast %get3A_205 : vector<16xi32> to vector<16xi32>
      %mul3A_207 = arith.constant 16 : i32
      %mul3A_208 = arith.muli %scan3A_201, %mul3A_207 : i32
      %get3A_209 = arith.index_cast %mul3A_208 : i32 to index
      %get3A_210 = tpu.vector_load %arg5[%get3A_209] {strides = array<i32>} : memref<4096xi32, #tpu.memory_space<vmem>>, vector<16xi32>,
      %get3A_211 = vector.shape_cast %get3A_210 : vector<16xi32> to vector<16xi32>
      %mul3A_212 = arith.constant 2048 : i32
      %mul3A_213 = vector.broadcast %mul3A_212 : i32 to vector<16xi32>
      %mul3A_214 = arith.muli %get3A_206, %mul3A_213 : vector<16xi32>
      %add3A_215 = arith.addi %mul3A_214, %get3A_211 : vector<16xi32>
      %mul3A_216 = arith.constant 16 : i32
      %mul3A_217 = arith.muli %scan3A_201, %mul3A_216 : i32
      %swap3A_218 = arith.index_cast %mul3A_217 : i32 to index
      %swap3A_219 = tpu.vector_load %arg6[%swap3A_218] {strides = array<i32>} : memref<4096xi32, #tpu.memory_space<vmem>>, vector<16xi32>,
      %swap3A_220 = vector.shape_cast %swap3A_219 : vector<16xi32> to vector<16xi32>
      %swap3A_221 = vector.shape_cast %add3A_215 : vector<16xi32> to vector<16xi32>
      tpu.vector_store %arg6[%swap3A_218], %swap3A_221 {strides = array<i32>} : memref<4096xi32, #tpu.memory_space<vmem>>, vector<16xi32>,
    }
    %scan3A_45 = arith.constant 256 : i32
    %mul3A_46 = arith.constant 1024 : i32
    %mul3A_47 = arith.muli %arg0, %mul3A_46 : i32
    %add3A_48 = arith.constant 0 : i32
    %add3A_49 = arith.addi %mul3A_47, %add3A_48 : i32
    %mul3A_50 = arith.constant 2048 : i32
    %mul3A_51 = arith.muli %add3A_49, %mul3A_50 : i32
    %mul3A_52 = arith.constant 32768 : i32
    %mul3A_53 = arith.muli %arg1, %mul3A_52 : i32
    "tpu.region"() ({
      %run_scoped3A = tpu.sem_alloc : memref<!tpu.dma_semaphore, #tpu.memory_space<semaphore_mem>>
      %dma_start3A_137 = tpu.memref_slice %arg10[%mul3A_53] : memref<526336xf32, #tpu.memory_space<vmem_shared>> -> memref<32768xf32, #tpu.memory_space<vmem_shared>>
      %dma_start3A_138 = tpu.memref_slice %arg10[%mul3A_53] : memref<526336xf32, #tpu.memory_space<vmem_shared>> -> memref<32768xf32, #tpu.memory_space<vmem_shared>>
      tpu.enqueue_dma source(%arg8 : memref<32768xf32, #tpu.memory_space<vmem>>) target(%dma_start3A_138 : memref<32768xf32, #tpu.memory_space<vmem_shared>>) target_semaphore(%run_scoped3A : memref<!tpu.dma_semaphore, #tpu.memory_space<semaphore_mem>>)
      %dma_wait3A_139 = tpu.memref_slice %arg10[%mul3A_53] : memref<526336xf32, #tpu.memory_space<vmem_shared>> -> memref<32768xf32, #tpu.memory_space<vmem_shared>>
      %dma_wait3A_140 = tpu.memref_slice %arg10[%mul3A_53] : memref<526336xf32, #tpu.memory_space<vmem_shared>> -> memref<32768xf32, #tpu.memory_space<vmem_shared>>
      tpu.wait_dma2 semaphore(%run_scoped3A : memref<!tpu.dma_semaphore, #tpu.memory_space<semaphore_mem>>) src(%arg8 : memref<32768xf32, #tpu.memory_space<vmem>>) dst(%dma_wait3A_140 : memref<32768xf32, #tpu.memory_space<vmem_shared>>)
      tpu.yield
    }) : () -> ()
    %barrier3A = arith.constant 0 : index
    tpu.barrier barrier_id(%barrier3A)
    %scan3A_54 = arith.constant 0 : i32
    %scan3A_55 = arith.constant 0 : i32
    %scan3A_56 = arith.constant 256 : i32
    %scan3A_57 = arith.addi %scan3A_55, %scan3A_56 : i32
    %scan3A_58 = arith.constant 4 : i32
    scf.for %scan3A_137 = %scan3A_55 to %scan3A_57 step %scan3A_58  : i32 {
      %mul3A_138 = arith.constant 16 : i32
      %mul3A_139 = arith.muli %scan3A_137, %mul3A_138 : i32
      %get3A = arith.index_cast %mul3A_139 : i32 to index
      %get3A_140 = tpu.vector_load %arg6[%get3A] {strides = array<i32>} : memref<4096xi32, #tpu.memory_space<vmem>>, vector<16xi32>,
      %get3A_141 = vector.shape_cast %get3A_140 : vector<16xi32> to vector<16xi32>
      %sub3A = vector.broadcast %mul3A_51 : i32 to vector<16xi32>
      %sub3A_142 = arith.subi %get3A_141, %sub3A : vector<16xi32>
      %ge3A = arith.constant 0 : i32
      %ge3A_143 = vector.broadcast %ge3A : i32 to vector<16xi32>
      %ge3A_144 = arith.cmpi sge, %sub3A_142, %ge3A_143 : vector<16xi32>
      %lt3A = arith.constant 524288 : i32
      %lt3A_145 = vector.broadcast %lt3A : i32 to vector<16xi32>
      %lt3A_146 = arith.cmpi slt, %sub3A_142, %lt3A_145 : vector<16xi32>
      %and3A = arith.andi %ge3A_144, %lt3A_146 : vector<16xi1>
      %select_n3A = arith.select %and3A, %sub3A_142, %add3A_17 : vector<16xi1>, vector<16xi32>
      %mul3A_147 = arith.constant 16 : i32
      %mul3A_148 = arith.muli %scan3A_137, %mul3A_147 : i32
      %swap3A = arith.index_cast %mul3A_148 : i32 to index
      %swap3A_149 = tpu.vector_load %arg7[%swap3A] {strides = array<i32>} : memref<4096xi32, #tpu.memory_space<vmem>>, vector<16xi32>,
      %swap3A_150 = vector.shape_cast %swap3A_149 : vector<16xi32> to vector<16xi32>
      %swap3A_151 = vector.shape_cast %select_n3A : vector<16xi32> to vector<16xi32>
      tpu.vector_store %arg7[%swap3A], %swap3A_151 {strides = array<i32>} : memref<4096xi32, #tpu.memory_space<vmem>>, vector<16xi32>,
      %scan3A_152 = arith.constant 1 : i32
      %scan3A_153 = arith.addi %scan3A_137, %scan3A_152 : i32
      %mul3A_154 = arith.constant 16 : i32
      %mul3A_155 = arith.muli %scan3A_153, %mul3A_154 : i32
      %get3A_156 = arith.index_cast %mul3A_155 : i32 to index
      %get3A_157 = tpu.vector_load %arg6[%get3A_156] {strides = array<i32>} : memref<4096xi32, #tpu.memory_space<vmem>>, vector<16xi32>,
      %get3A_158 = vector.shape_cast %get3A_157 : vector<16xi32> to vector<16xi32>
      %sub3A_159 = vector.broadcast %mul3A_51 : i32 to vector<16xi32>
      %sub3A_160 = arith.subi %get3A_158, %sub3A_159 : vector<16xi32>
      %ge3A_161 = arith.constant 0 : i32
      %ge3A_162 = vector.broadcast %ge3A_161 : i32 to vector<16xi32>
      %ge3A_163 = arith.cmpi sge, %sub3A_160, %ge3A_162 : vector<16xi32>
      %lt3A_164 = arith.constant 524288 : i32
      %lt3A_165 = vector.broadcast %lt3A_164 : i32 to vector<16xi32>
      %lt3A_166 = arith.cmpi slt, %sub3A_160, %lt3A_165 : vector<16xi32>
      %and3A_167 = arith.andi %ge3A_163, %lt3A_166 : vector<16xi1>
      %select_n3A_168 = arith.select %and3A_167, %sub3A_160, %add3A_17 : vector<16xi1>, vector<16xi32>
      %mul3A_169 = arith.constant 16 : i32
      %mul3A_170 = arith.muli %scan3A_153, %mul3A_169 : i32
      %swap3A_171 = arith.index_cast %mul3A_170 : i32 to index
      %swap3A_172 = tpu.vector_load %arg7[%swap3A_171] {strides = array<i32>} : memref<4096xi32, #tpu.memory_space<vmem>>, vector<16xi32>,
      %swap3A_173 = vector.shape_cast %swap3A_172 : vector<16xi32> to vector<16xi32>
      %swap3A_174 = vector.shape_cast %select_n3A_168 : vector<16xi32> to vector<16xi32>
      tpu.vector_store %arg7[%swap3A_171], %swap3A_174 {strides = array<i32>} : memref<4096xi32, #tpu.memory_space<vmem>>, vector<16xi32>,
      %scan3A_175 = arith.constant 2 : i32
      %scan3A_176 = arith.addi %scan3A_137, %scan3A_175 : i32
      %mul3A_177 = arith.constant 16 : i32
      %mul3A_178 = arith.muli %scan3A_176, %mul3A_177 : i32
      %get3A_179 = arith.index_cast %mul3A_178 : i32 to index
      %get3A_180 = tpu.vector_load %arg6[%get3A_179] {strides = array<i32>} : memref<4096xi32, #tpu.memory_space<vmem>>, vector<16xi32>,
      %get3A_181 = vector.shape_cast %get3A_180 : vector<16xi32> to vector<16xi32>
      %sub3A_182 = vector.broadcast %mul3A_51 : i32 to vector<16xi32>
      %sub3A_183 = arith.subi %get3A_181, %sub3A_182 : vector<16xi32>
      %ge3A_184 = arith.constant 0 : i32
      %ge3A_185 = vector.broadcast %ge3A_184 : i32 to vector<16xi32>
      %ge3A_186 = arith.cmpi sge, %sub3A_183, %ge3A_185 : vector<16xi32>
      %lt3A_187 = arith.constant 524288 : i32
      %lt3A_188 = vector.broadcast %lt3A_187 : i32 to vector<16xi32>
      %lt3A_189 = arith.cmpi slt, %sub3A_183, %lt3A_188 : vector<16xi32>
      %and3A_190 = arith.andi %ge3A_186, %lt3A_189 : vector<16xi1>
      %select_n3A_191 = arith.select %and3A_190, %sub3A_183, %add3A_17 : vector<16xi1>, vector<16xi32>
      %mul3A_192 = arith.constant 16 : i32
      %mul3A_193 = arith.muli %scan3A_176, %mul3A_192 : i32
      %swap3A_194 = arith.index_cast %mul3A_193 : i32 to index
      %swap3A_195 = tpu.vector_load %arg7[%swap3A_194] {strides = array<i32>} : memref<4096xi32, #tpu.memory_space<vmem>>, vector<16xi32>,
      %swap3A_196 = vector.shape_cast %swap3A_195 : vector<16xi32> to vector<16xi32>
      %swap3A_197 = vector.shape_cast %select_n3A_191 : vector<16xi32> to vector<16xi32>
      tpu.vector_store %arg7[%swap3A_194], %swap3A_197 {strides = array<i32>} : memref<4096xi32, #tpu.memory_space<vmem>>, vector<16xi32>,
      %scan3A_198 = arith.constant 3 : i32
      %scan3A_199 = arith.addi %scan3A_137, %scan3A_198 : i32
      %mul3A_200 = arith.constant 16 : i32
      %mul3A_201 = arith.muli %scan3A_199, %mul3A_200 : i32
      %get3A_202 = arith.index_cast %mul3A_201 : i32 to index
      %get3A_203 = tpu.vector_load %arg6[%get3A_202] {strides = array<i32>} : memref<4096xi32, #tpu.memory_space<vmem>>, vector<16xi32>,
      %get3A_204 = vector.shape_cast %get3A_203 : vector<16xi32> to vector<16xi32>
      %sub3A_205 = vector.broadcast %mul3A_51 : i32 to vector<16xi32>
      %sub3A_206 = arith.subi %get3A_204, %sub3A_205 : vector<16xi32>
      %ge3A_207 = arith.constant 0 : i32
      %ge3A_208 = vector.broadcast %ge3A_207 : i32 to vector<16xi32>
      %ge3A_209 = arith.cmpi sge, %sub3A_206, %ge3A_208 : vector<16xi32>
      %lt3A_210 = arith.constant 524288 : i32
      %lt3A_211 = vector.broadcast %lt3A_210 : i32 to vector<16xi32>
      %lt3A_212 = arith.cmpi slt, %sub3A_206, %lt3A_211 : vector<16xi32>
      %and3A_213 = arith.andi %ge3A_209, %lt3A_212 : vector<16xi1>
      %select_n3A_214 = arith.select %and3A_213, %sub3A_206, %add3A_17 : vector<16xi1>, vector<16xi32>
      %mul3A_215 = arith.constant 16 : i32
      %mul3A_216 = arith.muli %scan3A_199, %mul3A_215 : i32
      %swap3A_217 = arith.index_cast %mul3A_216 : i32 to index
      %swap3A_218 = tpu.vector_load %arg7[%swap3A_217] {strides = array<i32>} : memref<4096xi32, #tpu.memory_space<vmem>>, vector<16xi32>,
      %swap3A_219 = vector.shape_cast %swap3A_218 : vector<16xi32> to vector<16xi32>
      %swap3A_220 = vector.shape_cast %select_n3A_214 : vector<16xi32> to vector<16xi32>
      tpu.vector_store %arg7[%swap3A_217], %swap3A_220 {strides = array<i32>} : memref<4096xi32, #tpu.memory_space<vmem>>, vector<16xi32>,
    }
    %scan3A_59 = arith.constant 256 : i32
    "tpu.region"() ({
      %run_scoped3A = tpu.sem_alloc : memref<!tpu.dma_semaphore, #tpu.memory_space<semaphore_mem>>
      %dma_start3A_137 = arith.constant 0 : i32
      %dma_start3A_138 = tpu.memref_slice %arg10[%dma_start3A_137] : memref<526336xf32, #tpu.memory_space<vmem_shared>> -> memref<526336xf32, #tpu.memory_space<vmem_shared>>
      tpu.enqueue_indirect_dma source(%arg9 : memref<4096xf32, #tpu.memory_space<vmem>>) target(%dma_start3A_138 : memref<526336xf32, #tpu.memory_space<vmem_shared>>) offsets(%arg7 : memref<4096xi32, #tpu.memory_space<vmem>>) semaphore(%run_scoped3A : memref<!tpu.dma_semaphore, #tpu.memory_space<semaphore_mem>>) {add = true}
      %dma_wait3A_139 = arith.constant 0 : i32
      %dma_wait3A_140 = tpu.memref_slice %arg10[%dma_wait3A_139] : memref<526336xf32, #tpu.memory_space<vmem_shared>> -> memref<526336xf32, #tpu.memory_space<vmem_shared>>
      tpu.wait_indirect_dma semaphore(%run_scoped3A : memref<!tpu.dma_semaphore, #tpu.memory_space<semaphore_mem>>) src(%arg9 : memref<4096xf32, #tpu.memory_space<vmem>>) dst(%dma_wait3A_140 : memref<526336xf32, #tpu.memory_space<vmem_shared>>)
      tpu.yield
    }) : () -> ()
    %barrier3A_60 = arith.constant 0 : index
    tpu.barrier barrier_id(%barrier3A_60)
    %mul3A_61 = arith.constant 2048 : i32
    %mul3A_62 = arith.muli %add3A_49, %mul3A_61 : i32
    %mul3A_63 = arith.constant 32768 : i32
    %mul3A_64 = arith.muli %arg1, %mul3A_63 : i32
    %add3A_65 = arith.addi %mul3A_62, %mul3A_64 : i32
    %mul3A_66 = arith.constant 32768 : i32
    %mul3A_67 = arith.muli %arg1, %mul3A_66 : i32
    "tpu.region"() ({
      %run_scoped3A = tpu.sem_alloc : memref<!tpu.dma_semaphore, #tpu.memory_space<semaphore_mem>>
      %dma_start3A_137 = tpu.memref_slice %arg3[%add3A_65] : memref<4194304xf32, #tpu.memory_space<hbm>> -> memref<32768xf32, #tpu.memory_space<hbm>>
      %dma_start3A_138 = tpu.memref_slice %arg10[%mul3A_67] : memref<526336xf32, #tpu.memory_space<vmem_shared>> -> memref<32768xf32, #tpu.memory_space<vmem_shared>>
      tpu.enqueue_dma source(%dma_start3A_138 : memref<32768xf32, #tpu.memory_space<vmem_shared>>) target(%dma_start3A_137 : memref<32768xf32, #tpu.memory_space<hbm>>) target_semaphore(%run_scoped3A : memref<!tpu.dma_semaphore, #tpu.memory_space<semaphore_mem>>)
      %dma_wait3A_139 = tpu.memref_slice %arg3[%add3A_65] : memref<4194304xf32, #tpu.memory_space<hbm>> -> memref<32768xf32, #tpu.memory_space<hbm>>
      %dma_wait3A_140 = tpu.memref_slice %arg10[%mul3A_67] : memref<526336xf32, #tpu.memory_space<vmem_shared>> -> memref<32768xf32, #tpu.memory_space<vmem_shared>>
      tpu.wait_dma2 semaphore(%run_scoped3A : memref<!tpu.dma_semaphore, #tpu.memory_space<semaphore_mem>>) src(%dma_wait3A_140 : memref<32768xf32, #tpu.memory_space<vmem_shared>>) dst(%dma_wait3A_139 : memref<32768xf32, #tpu.memory_space<hbm>>)
      tpu.yield
    }) : () -> ()
    %mul3A_68 = arith.constant 1024 : i32
    %mul3A_69 = arith.muli %arg0, %mul3A_68 : i32
    %add3A_70 = arith.constant 256 : i32
    %add3A_71 = arith.addi %mul3A_69, %add3A_70 : i32
    %mul3A_72 = arith.constant 2048 : i32
    %mul3A_73 = arith.muli %add3A_71, %mul3A_72 : i32
    %mul3A_74 = arith.constant 32768 : i32
    %mul3A_75 = arith.muli %arg1, %mul3A_74 : i32
    "tpu.region"() ({
      %run_scoped3A = tpu.sem_alloc : memref<!tpu.dma_semaphore, #tpu.memory_space<semaphore_mem>>
      %dma_start3A_137 = tpu.memref_slice %arg10[%mul3A_75] : memref<526336xf32, #tpu.memory_space<vmem_shared>> -> memref<32768xf32, #tpu.memory_space<vmem_shared>>
      %dma_start3A_138 = tpu.memref_slice %arg10[%mul3A_75] : memref<526336xf32, #tpu.memory_space<vmem_shared>> -> memref<32768xf32, #tpu.memory_space<vmem_shared>>
      tpu.enqueue_dma source(%arg8 : memref<32768xf32, #tpu.memory_space<vmem>>) target(%dma_start3A_138 : memref<32768xf32, #tpu.memory_space<vmem_shared>>) target_semaphore(%run_scoped3A : memref<!tpu.dma_semaphore, #tpu.memory_space<semaphore_mem>>)
      %dma_wait3A_139 = tpu.memref_slice %arg10[%mul3A_75] : memref<526336xf32, #tpu.memory_space<vmem_shared>> -> memref<32768xf32, #tpu.memory_space<vmem_shared>>
      %dma_wait3A_140 = tpu.memref_slice %arg10[%mul3A_75] : memref<526336xf32, #tpu.memory_space<vmem_shared>> -> memref<32768xf32, #tpu.memory_space<vmem_shared>>
      tpu.wait_dma2 semaphore(%run_scoped3A : memref<!tpu.dma_semaphore, #tpu.memory_space<semaphore_mem>>) src(%arg8 : memref<32768xf32, #tpu.memory_space<vmem>>) dst(%dma_wait3A_140 : memref<32768xf32, #tpu.memory_space<vmem_shared>>)
      tpu.yield
    }) : () -> ()
    %barrier3A_76 = arith.constant 0 : index
    tpu.barrier barrier_id(%barrier3A_76)
    %scan3A_77 = arith.constant 0 : i32
    %scan3A_78 = arith.constant 0 : i32
    %scan3A_79 = arith.constant 256 : i32
    %scan3A_80 = arith.addi %scan3A_78, %scan3A_79 : i32
    %scan3A_81 = arith.constant 4 : i32
    scf.for %scan3A_137 = %scan3A_78 to %scan3A_80 step %scan3A_81  : i32 {
      %mul3A_138 = arith.constant 16 : i32
      %mul3A_139 = arith.muli %scan3A_137, %mul3A_138 : i32
      %get3A = arith.index_cast %mul3A_139 : i32 to index
      %get3A_140 = tpu.vector_load %arg6[%get3A] {strides = array<i32>} : memref<4096xi32, #tpu.memory_space<vmem>>, vector<16xi32>,
      %get3A_141 = vector.shape_cast %get3A_140 : vector<16xi32> to vector<16xi32>
      %sub3A = vector.broadcast %mul3A_73 : i32 to vector<16xi32>
      %sub3A_142 = arith.subi %get3A_141, %sub3A : vector<16xi32>
      %ge3A = arith.constant 0 : i32
      %ge3A_143 = vector.broadcast %ge3A : i32 to vector<16xi32>
      %ge3A_144 = arith.cmpi sge, %sub3A_142, %ge3A_143 : vector<16xi32>
      %lt3A = arith.constant 524288 : i32
      %lt3A_145 = vector.broadcast %lt3A : i32 to vector<16xi32>
      %lt3A_146 = arith.cmpi slt, %sub3A_142, %lt3A_145 : vector<16xi32>
      %and3A = arith.andi %ge3A_144, %lt3A_146 : vector<16xi1>
      %select_n3A = arith.select %and3A, %sub3A_142, %add3A_17 : vector<16xi1>, vector<16xi32>
      %mul3A_147 = arith.constant 16 : i32
      %mul3A_148 = arith.muli %scan3A_137, %mul3A_147 : i32
      %swap3A = arith.index_cast %mul3A_148 : i32 to index
      %swap3A_149 = tpu.vector_load %arg7[%swap3A] {strides = array<i32>} : memref<4096xi32, #tpu.memory_space<vmem>>, vector<16xi32>,
      %swap3A_150 = vector.shape_cast %swap3A_149 : vector<16xi32> to vector<16xi32>
      %swap3A_151 = vector.shape_cast %select_n3A : vector<16xi32> to vector<16xi32>
      tpu.vector_store %arg7[%swap3A], %swap3A_151 {strides = array<i32>} : memref<4096xi32, #tpu.memory_space<vmem>>, vector<16xi32>,
      %scan3A_152 = arith.constant 1 : i32
      %scan3A_153 = arith.addi %scan3A_137, %scan3A_152 : i32
      %mul3A_154 = arith.constant 16 : i32
      %mul3A_155 = arith.muli %scan3A_153, %mul3A_154 : i32
      %get3A_156 = arith.index_cast %mul3A_155 : i32 to index
      %get3A_157 = tpu.vector_load %arg6[%get3A_156] {strides = array<i32>} : memref<4096xi32, #tpu.memory_space<vmem>>, vector<16xi32>,
      %get3A_158 = vector.shape_cast %get3A_157 : vector<16xi32> to vector<16xi32>
      %sub3A_159 = vector.broadcast %mul3A_73 : i32 to vector<16xi32>
      %sub3A_160 = arith.subi %get3A_158, %sub3A_159 : vector<16xi32>
      %ge3A_161 = arith.constant 0 : i32
      %ge3A_162 = vector.broadcast %ge3A_161 : i32 to vector<16xi32>
      %ge3A_163 = arith.cmpi sge, %sub3A_160, %ge3A_162 : vector<16xi32>
      %lt3A_164 = arith.constant 524288 : i32
      %lt3A_165 = vector.broadcast %lt3A_164 : i32 to vector<16xi32>
      %lt3A_166 = arith.cmpi slt, %sub3A_160, %lt3A_165 : vector<16xi32>
      %and3A_167 = arith.andi %ge3A_163, %lt3A_166 : vector<16xi1>
      %select_n3A_168 = arith.select %and3A_167, %sub3A_160, %add3A_17 : vector<16xi1>, vector<16xi32>
      %mul3A_169 = arith.constant 16 : i32
      %mul3A_170 = arith.muli %scan3A_153, %mul3A_169 : i32
      %swap3A_171 = arith.index_cast %mul3A_170 : i32 to index
      %swap3A_172 = tpu.vector_load %arg7[%swap3A_171] {strides = array<i32>} : memref<4096xi32, #tpu.memory_space<vmem>>, vector<16xi32>,
      %swap3A_173 = vector.shape_cast %swap3A_172 : vector<16xi32> to vector<16xi32>
      %swap3A_174 = vector.shape_cast %select_n3A_168 : vector<16xi32> to vector<16xi32>
      tpu.vector_store %arg7[%swap3A_171], %swap3A_174 {strides = array<i32>} : memref<4096xi32, #tpu.memory_space<vmem>>, vector<16xi32>,
      %scan3A_175 = arith.constant 2 : i32
      %scan3A_176 = arith.addi %scan3A_137, %scan3A_175 : i32
      %mul3A_177 = arith.constant 16 : i32
      %mul3A_178 = arith.muli %scan3A_176, %mul3A_177 : i32
      %get3A_179 = arith.index_cast %mul3A_178 : i32 to index
      %get3A_180 = tpu.vector_load %arg6[%get3A_179] {strides = array<i32>} : memref<4096xi32, #tpu.memory_space<vmem>>, vector<16xi32>,
      %get3A_181 = vector.shape_cast %get3A_180 : vector<16xi32> to vector<16xi32>
      %sub3A_182 = vector.broadcast %mul3A_73 : i32 to vector<16xi32>
      %sub3A_183 = arith.subi %get3A_181, %sub3A_182 : vector<16xi32>
      %ge3A_184 = arith.constant 0 : i32
      %ge3A_185 = vector.broadcast %ge3A_184 : i32 to vector<16xi32>
      %ge3A_186 = arith.cmpi sge, %sub3A_183, %ge3A_185 : vector<16xi32>
      %lt3A_187 = arith.constant 524288 : i32
      %lt3A_188 = vector.broadcast %lt3A_187 : i32 to vector<16xi32>
      %lt3A_189 = arith.cmpi slt, %sub3A_183, %lt3A_188 : vector<16xi32>
      %and3A_190 = arith.andi %ge3A_186, %lt3A_189 : vector<16xi1>
      %select_n3A_191 = arith.select %and3A_190, %sub3A_183, %add3A_17 : vector<16xi1>, vector<16xi32>
      %mul3A_192 = arith.constant 16 : i32
      %mul3A_193 = arith.muli %scan3A_176, %mul3A_192 : i32
      %swap3A_194 = arith.index_cast %mul3A_193 : i32 to index
      %swap3A_195 = tpu.vector_load %arg7[%swap3A_194] {strides = array<i32>} : memref<4096xi32, #tpu.memory_space<vmem>>, vector<16xi32>,
      %swap3A_196 = vector.shape_cast %swap3A_195 : vector<16xi32> to vector<16xi32>
      %swap3A_197 = vector.shape_cast %select_n3A_191 : vector<16xi32> to vector<16xi32>
      tpu.vector_store %arg7[%swap3A_194], %swap3A_197 {strides = array<i32>} : memref<4096xi32, #tpu.memory_space<vmem>>, vector<16xi32>,
      %scan3A_198 = arith.constant 3 : i32
      %scan3A_199 = arith.addi %scan3A_137, %scan3A_198 : i32
      %mul3A_200 = arith.constant 16 : i32
      %mul3A_201 = arith.muli %scan3A_199, %mul3A_200 : i32
      %get3A_202 = arith.index_cast %mul3A_201 : i32 to index
      %get3A_203 = tpu.vector_load %arg6[%get3A_202] {strides = array<i32>} : memref<4096xi32, #tpu.memory_space<vmem>>, vector<16xi32>,
      %get3A_204 = vector.shape_cast %get3A_203 : vector<16xi32> to vector<16xi32>
      %sub3A_205 = vector.broadcast %mul3A_73 : i32 to vector<16xi32>
      %sub3A_206 = arith.subi %get3A_204, %sub3A_205 : vector<16xi32>
      %ge3A_207 = arith.constant 0 : i32
      %ge3A_208 = vector.broadcast %ge3A_207 : i32 to vector<16xi32>
      %ge3A_209 = arith.cmpi sge, %sub3A_206, %ge3A_208 : vector<16xi32>
      %lt3A_210 = arith.constant 524288 : i32
      %lt3A_211 = vector.broadcast %lt3A_210 : i32 to vector<16xi32>
      %lt3A_212 = arith.cmpi slt, %sub3A_206, %lt3A_211 : vector<16xi32>
      %and3A_213 = arith.andi %ge3A_209, %lt3A_212 : vector<16xi1>
      %select_n3A_214 = arith.select %and3A_213, %sub3A_206, %add3A_17 : vector<16xi1>, vector<16xi32>
      %mul3A_215 = arith.constant 16 : i32
      %mul3A_216 = arith.muli %scan3A_199, %mul3A_215 : i32
      %swap3A_217 = arith.index_cast %mul3A_216 : i32 to index
      %swap3A_218 = tpu.vector_load %arg7[%swap3A_217] {strides = array<i32>} : memref<4096xi32, #tpu.memory_space<vmem>>, vector<16xi32>,
      %swap3A_219 = vector.shape_cast %swap3A_218 : vector<16xi32> to vector<16xi32>
      %swap3A_220 = vector.shape_cast %select_n3A_214 : vector<16xi32> to vector<16xi32>
      tpu.vector_store %arg7[%swap3A_217], %swap3A_220 {strides = array<i32>} : memref<4096xi32, #tpu.memory_space<vmem>>, vector<16xi32>,
    }
    %scan3A_82 = arith.constant 256 : i32
    "tpu.region"() ({
      %run_scoped3A = tpu.sem_alloc : memref<!tpu.dma_semaphore, #tpu.memory_space<semaphore_mem>>
      %dma_start3A_137 = arith.constant 0 : i32
      %dma_start3A_138 = tpu.memref_slice %arg10[%dma_start3A_137] : memref<526336xf32, #tpu.memory_space<vmem_shared>> -> memref<526336xf32, #tpu.memory_space<vmem_shared>>
      tpu.enqueue_indirect_dma source(%arg9 : memref<4096xf32, #tpu.memory_space<vmem>>) target(%dma_start3A_138 : memref<526336xf32, #tpu.memory_space<vmem_shared>>) offsets(%arg7 : memref<4096xi32, #tpu.memory_space<vmem>>) semaphore(%run_scoped3A : memref<!tpu.dma_semaphore, #tpu.memory_space<semaphore_mem>>) {add = true}
      %dma_wait3A_139 = arith.constant 0 : i32
      %dma_wait3A_140 = tpu.memref_slice %arg10[%dma_wait3A_139] : memref<526336xf32, #tpu.memory_space<vmem_shared>> -> memref<526336xf32, #tpu.memory_space<vmem_shared>>
      tpu.wait_indirect_dma semaphore(%run_scoped3A : memref<!tpu.dma_semaphore, #tpu.memory_space<semaphore_mem>>) src(%arg9 : memref<4096xf32, #tpu.memory_space<vmem>>) dst(%dma_wait3A_140 : memref<526336xf32, #tpu.memory_space<vmem_shared>>)
      tpu.yield
    }) : () -> ()
    %barrier3A_83 = arith.constant 0 : index
    tpu.barrier barrier_id(%barrier3A_83)
    %mul3A_84 = arith.constant 2048 : i32
    %mul3A_85 = arith.muli %add3A_71, %mul3A_84 : i32
    %mul3A_86 = arith.constant 32768 : i32
    %mul3A_87 = arith.muli %arg1, %mul3A_86 : i32
    %add3A_88 = arith.addi %mul3A_85, %mul3A_87 : i32
    %mul3A_89 = arith.constant 32768 : i32
    %mul3A_90 = arith.muli %arg1, %mul3A_89 : i32
    "tpu.region"() ({
      %run_scoped3A = tpu.sem_alloc : memref<!tpu.dma_semaphore, #tpu.memory_space<semaphore_mem>>
      %dma_start3A_137 = tpu.memref_slice %arg3[%add3A_88] : memref<4194304xf32, #tpu.memory_space<hbm>> -> memref<32768xf32, #tpu.memory_space<hbm>>
      %dma_start3A_138 = tpu.memref_slice %arg10[%mul3A_90] : memref<526336xf32, #tpu.memory_space<vmem_shared>> -> memref<32768xf32, #tpu.memory_space<vmem_shared>>
      tpu.enqueue_dma source(%dma_start3A_138 : memref<32768xf32, #tpu.memory_space<vmem_shared>>) target(%dma_start3A_137 : memref<32768xf32, #tpu.memory_space<hbm>>) target_semaphore(%run_scoped3A : memref<!tpu.dma_semaphore, #tpu.memory_space<semaphore_mem>>)
      %dma_wait3A_139 = tpu.memref_slice %arg3[%add3A_88] : memref<4194304xf32, #tpu.memory_space<hbm>> -> memref<32768xf32, #tpu.memory_space<hbm>>
      %dma_wait3A_140 = tpu.memref_slice %arg10[%mul3A_90] : memref<526336xf32, #tpu.memory_space<vmem_shared>> -> memref<32768xf32, #tpu.memory_space<vmem_shared>>
      tpu.wait_dma2 semaphore(%run_scoped3A : memref<!tpu.dma_semaphore, #tpu.memory_space<semaphore_mem>>) src(%dma_wait3A_140 : memref<32768xf32, #tpu.memory_space<vmem_shared>>) dst(%dma_wait3A_139 : memref<32768xf32, #tpu.memory_space<hbm>>)
      tpu.yield
    }) : () -> ()
    %mul3A_91 = arith.constant 1024 : i32
    %mul3A_92 = arith.muli %arg0, %mul3A_91 : i32
    %add3A_93 = arith.constant 512 : i32
    %add3A_94 = arith.addi %mul3A_92, %add3A_93 : i32
    %mul3A_95 = arith.constant 2048 : i32
    %mul3A_96 = arith.muli %add3A_94, %mul3A_95 : i32
    %mul3A_97 = arith.constant 32768 : i32
    %mul3A_98 = arith.muli %arg1, %mul3A_97 : i32
    "tpu.region"() ({
      %run_scoped3A = tpu.sem_alloc : memref<!tpu.dma_semaphore, #tpu.memory_space<semaphore_mem>>
      %dma_start3A_137 = tpu.memref_slice %arg10[%mul3A_98] : memref<526336xf32, #tpu.memory_space<vmem_shared>> -> memref<32768xf32, #tpu.memory_space<vmem_shared>>
      %dma_start3A_138 = tpu.memref_slice %arg10[%mul3A_98] : memref<526336xf32, #tpu.memory_space<vmem_shared>> -> memref<32768xf32, #tpu.memory_space<vmem_shared>>
      tpu.enqueue_dma source(%arg8 : memref<32768xf32, #tpu.memory_space<vmem>>) target(%dma_start3A_138 : memref<32768xf32, #tpu.memory_space<vmem_shared>>) target_semaphore(%run_scoped3A : memref<!tpu.dma_semaphore, #tpu.memory_space<semaphore_mem>>)
      %dma_wait3A_139 = tpu.memref_slice %arg10[%mul3A_98] : memref<526336xf32, #tpu.memory_space<vmem_shared>> -> memref<32768xf32, #tpu.memory_space<vmem_shared>>
      %dma_wait3A_140 = tpu.memref_slice %arg10[%mul3A_98] : memref<526336xf32, #tpu.memory_space<vmem_shared>> -> memref<32768xf32, #tpu.memory_space<vmem_shared>>
      tpu.wait_dma2 semaphore(%run_scoped3A : memref<!tpu.dma_semaphore, #tpu.memory_space<semaphore_mem>>) src(%arg8 : memref<32768xf32, #tpu.memory_space<vmem>>) dst(%dma_wait3A_140 : memref<32768xf32, #tpu.memory_space<vmem_shared>>)
      tpu.yield
    }) : () -> ()
    %barrier3A_99 = arith.constant 0 : index
    tpu.barrier barrier_id(%barrier3A_99)
    %scan3A_100 = arith.constant 0 : i32
    %scan3A_101 = arith.constant 0 : i32
    %scan3A_102 = arith.constant 256 : i32
    %scan3A_103 = arith.addi %scan3A_101, %scan3A_102 : i32
    %scan3A_104 = arith.constant 4 : i32
    scf.for %scan3A_137 = %scan3A_101 to %scan3A_103 step %scan3A_104  : i32 {
      %mul3A_138 = arith.constant 16 : i32
      %mul3A_139 = arith.muli %scan3A_137, %mul3A_138 : i32
      %get3A = arith.index_cast %mul3A_139 : i32 to index
      %get3A_140 = tpu.vector_load %arg6[%get3A] {strides = array<i32>} : memref<4096xi32, #tpu.memory_space<vmem>>, vector<16xi32>,
      %get3A_141 = vector.shape_cast %get3A_140 : vector<16xi32> to vector<16xi32>
      %sub3A = vector.broadcast %mul3A_96 : i32 to vector<16xi32>
      %sub3A_142 = arith.subi %get3A_141, %sub3A : vector<16xi32>
      %ge3A = arith.constant 0 : i32
      %ge3A_143 = vector.broadcast %ge3A : i32 to vector<16xi32>
      %ge3A_144 = arith.cmpi sge, %sub3A_142, %ge3A_143 : vector<16xi32>
      %lt3A = arith.constant 524288 : i32
      %lt3A_145 = vector.broadcast %lt3A : i32 to vector<16xi32>
      %lt3A_146 = arith.cmpi slt, %sub3A_142, %lt3A_145 : vector<16xi32>
      %and3A = arith.andi %ge3A_144, %lt3A_146 : vector<16xi1>
      %select_n3A = arith.select %and3A, %sub3A_142, %add3A_17 : vector<16xi1>, vector<16xi32>
      %mul3A_147 = arith.constant 16 : i32
      %mul3A_148 = arith.muli %scan3A_137, %mul3A_147 : i32
      %swap3A = arith.index_cast %mul3A_148 : i32 to index
      %swap3A_149 = tpu.vector_load %arg7[%swap3A] {strides = array<i32>} : memref<4096xi32, #tpu.memory_space<vmem>>, vector<16xi32>,
      %swap3A_150 = vector.shape_cast %swap3A_149 : vector<16xi32> to vector<16xi32>
      %swap3A_151 = vector.shape_cast %select_n3A : vector<16xi32> to vector<16xi32>
      tpu.vector_store %arg7[%swap3A], %swap3A_151 {strides = array<i32>} : memref<4096xi32, #tpu.memory_space<vmem>>, vector<16xi32>,
      %scan3A_152 = arith.constant 1 : i32
      %scan3A_153 = arith.addi %scan3A_137, %scan3A_152 : i32
      %mul3A_154 = arith.constant 16 : i32
      %mul3A_155 = arith.muli %scan3A_153, %mul3A_154 : i32
      %get3A_156 = arith.index_cast %mul3A_155 : i32 to index
      %get3A_157 = tpu.vector_load %arg6[%get3A_156] {strides = array<i32>} : memref<4096xi32, #tpu.memory_space<vmem>>, vector<16xi32>,
      %get3A_158 = vector.shape_cast %get3A_157 : vector<16xi32> to vector<16xi32>
      %sub3A_159 = vector.broadcast %mul3A_96 : i32 to vector<16xi32>
      %sub3A_160 = arith.subi %get3A_158, %sub3A_159 : vector<16xi32>
      %ge3A_161 = arith.constant 0 : i32
      %ge3A_162 = vector.broadcast %ge3A_161 : i32 to vector<16xi32>
      %ge3A_163 = arith.cmpi sge, %sub3A_160, %ge3A_162 : vector<16xi32>
      %lt3A_164 = arith.constant 524288 : i32
      %lt3A_165 = vector.broadcast %lt3A_164 : i32 to vector<16xi32>
      %lt3A_166 = arith.cmpi slt, %sub3A_160, %lt3A_165 : vector<16xi32>
      %and3A_167 = arith.andi %ge3A_163, %lt3A_166 : vector<16xi1>
      %select_n3A_168 = arith.select %and3A_167, %sub3A_160, %add3A_17 : vector<16xi1>, vector<16xi32>
      %mul3A_169 = arith.constant 16 : i32
      %mul3A_170 = arith.muli %scan3A_153, %mul3A_169 : i32
      %swap3A_171 = arith.index_cast %mul3A_170 : i32 to index
      %swap3A_172 = tpu.vector_load %arg7[%swap3A_171] {strides = array<i32>} : memref<4096xi32, #tpu.memory_space<vmem>>, vector<16xi32>,
      %swap3A_173 = vector.shape_cast %swap3A_172 : vector<16xi32> to vector<16xi32>
      %swap3A_174 = vector.shape_cast %select_n3A_168 : vector<16xi32> to vector<16xi32>
      tpu.vector_store %arg7[%swap3A_171], %swap3A_174 {strides = array<i32>} : memref<4096xi32, #tpu.memory_space<vmem>>, vector<16xi32>,
      %scan3A_175 = arith.constant 2 : i32
      %scan3A_176 = arith.addi %scan3A_137, %scan3A_175 : i32
      %mul3A_177 = arith.constant 16 : i32
      %mul3A_178 = arith.muli %scan3A_176, %mul3A_177 : i32
      %get3A_179 = arith.index_cast %mul3A_178 : i32 to index
      %get3A_180 = tpu.vector_load %arg6[%get3A_179] {strides = array<i32>} : memref<4096xi32, #tpu.memory_space<vmem>>, vector<16xi32>,
      %get3A_181 = vector.shape_cast %get3A_180 : vector<16xi32> to vector<16xi32>
      %sub3A_182 = vector.broadcast %mul3A_96 : i32 to vector<16xi32>
      %sub3A_183 = arith.subi %get3A_181, %sub3A_182 : vector<16xi32>
      %ge3A_184 = arith.constant 0 : i32
      %ge3A_185 = vector.broadcast %ge3A_184 : i32 to vector<16xi32>
      %ge3A_186 = arith.cmpi sge, %sub3A_183, %ge3A_185 : vector<16xi32>
      %lt3A_187 = arith.constant 524288 : i32
      %lt3A_188 = vector.broadcast %lt3A_187 : i32 to vector<16xi32>
      %lt3A_189 = arith.cmpi slt, %sub3A_183, %lt3A_188 : vector<16xi32>
      %and3A_190 = arith.andi %ge3A_186, %lt3A_189 : vector<16xi1>
      %select_n3A_191 = arith.select %and3A_190, %sub3A_183, %add3A_17 : vector<16xi1>, vector<16xi32>
      %mul3A_192 = arith.constant 16 : i32
      %mul3A_193 = arith.muli %scan3A_176, %mul3A_192 : i32
      %swap3A_194 = arith.index_cast %mul3A_193 : i32 to index
      %swap3A_195 = tpu.vector_load %arg7[%swap3A_194] {strides = array<i32>} : memref<4096xi32, #tpu.memory_space<vmem>>, vector<16xi32>,
      %swap3A_196 = vector.shape_cast %swap3A_195 : vector<16xi32> to vector<16xi32>
      %swap3A_197 = vector.shape_cast %select_n3A_191 : vector<16xi32> to vector<16xi32>
      tpu.vector_store %arg7[%swap3A_194], %swap3A_197 {strides = array<i32>} : memref<4096xi32, #tpu.memory_space<vmem>>, vector<16xi32>,
      %scan3A_198 = arith.constant 3 : i32
      %scan3A_199 = arith.addi %scan3A_137, %scan3A_198 : i32
      %mul3A_200 = arith.constant 16 : i32
      %mul3A_201 = arith.muli %scan3A_199, %mul3A_200 : i32
      %get3A_202 = arith.index_cast %mul3A_201 : i32 to index
      %get3A_203 = tpu.vector_load %arg6[%get3A_202] {strides = array<i32>} : memref<4096xi32, #tpu.memory_space<vmem>>, vector<16xi32>,
      %get3A_204 = vector.shape_cast %get3A_203 : vector<16xi32> to vector<16xi32>
      %sub3A_205 = vector.broadcast %mul3A_96 : i32 to vector<16xi32>
      %sub3A_206 = arith.subi %get3A_204, %sub3A_205 : vector<16xi32>
      %ge3A_207 = arith.constant 0 : i32
      %ge3A_208 = vector.broadcast %ge3A_207 : i32 to vector<16xi32>
      %ge3A_209 = arith.cmpi sge, %sub3A_206, %ge3A_208 : vector<16xi32>
      %lt3A_210 = arith.constant 524288 : i32
      %lt3A_211 = vector.broadcast %lt3A_210 : i32 to vector<16xi32>
      %lt3A_212 = arith.cmpi slt, %sub3A_206, %lt3A_211 : vector<16xi32>
      %and3A_213 = arith.andi %ge3A_209, %lt3A_212 : vector<16xi1>
      %select_n3A_214 = arith.select %and3A_213, %sub3A_206, %add3A_17 : vector<16xi1>, vector<16xi32>
      %mul3A_215 = arith.constant 16 : i32
      %mul3A_216 = arith.muli %scan3A_199, %mul3A_215 : i32
      %swap3A_217 = arith.index_cast %mul3A_216 : i32 to index
      %swap3A_218 = tpu.vector_load %arg7[%swap3A_217] {strides = array<i32>} : memref<4096xi32, #tpu.memory_space<vmem>>, vector<16xi32>,
      %swap3A_219 = vector.shape_cast %swap3A_218 : vector<16xi32> to vector<16xi32>
      %swap3A_220 = vector.shape_cast %select_n3A_214 : vector<16xi32> to vector<16xi32>
      tpu.vector_store %arg7[%swap3A_217], %swap3A_220 {strides = array<i32>} : memref<4096xi32, #tpu.memory_space<vmem>>, vector<16xi32>,
    }
    %scan3A_105 = arith.constant 256 : i32
    "tpu.region"() ({
      %run_scoped3A = tpu.sem_alloc : memref<!tpu.dma_semaphore, #tpu.memory_space<semaphore_mem>>
      %dma_start3A_137 = arith.constant 0 : i32
      %dma_start3A_138 = tpu.memref_slice %arg10[%dma_start3A_137] : memref<526336xf32, #tpu.memory_space<vmem_shared>> -> memref<526336xf32, #tpu.memory_space<vmem_shared>>
      tpu.enqueue_indirect_dma source(%arg9 : memref<4096xf32, #tpu.memory_space<vmem>>) target(%dma_start3A_138 : memref<526336xf32, #tpu.memory_space<vmem_shared>>) offsets(%arg7 : memref<4096xi32, #tpu.memory_space<vmem>>) semaphore(%run_scoped3A : memref<!tpu.dma_semaphore, #tpu.memory_space<semaphore_mem>>) {add = true}
      %dma_wait3A_139 = arith.constant 0 : i32
      %dma_wait3A_140 = tpu.memref_slice %arg10[%dma_wait3A_139] : memref<526336xf32, #tpu.memory_space<vmem_shared>> -> memref<526336xf32, #tpu.memory_space<vmem_shared>>
      tpu.wait_indirect_dma semaphore(%run_scoped3A : memref<!tpu.dma_semaphore, #tpu.memory_space<semaphore_mem>>) src(%arg9 : memref<4096xf32, #tpu.memory_space<vmem>>) dst(%dma_wait3A_140 : memref<526336xf32, #tpu.memory_space<vmem_shared>>)
      tpu.yield
    }) : () -> ()
    %barrier3A_106 = arith.constant 0 : index
    tpu.barrier barrier_id(%barrier3A_106)
    %mul3A_107 = arith.constant 2048 : i32
    %mul3A_108 = arith.muli %add3A_94, %mul3A_107 : i32
    %mul3A_109 = arith.constant 32768 : i32
    %mul3A_110 = arith.muli %arg1, %mul3A_109 : i32
    %add3A_111 = arith.addi %mul3A_108, %mul3A_110 : i32
    %mul3A_112 = arith.constant 32768 : i32
    %mul3A_113 = arith.muli %arg1, %mul3A_112 : i32
    "tpu.region"() ({
      %run_scoped3A = tpu.sem_alloc : memref<!tpu.dma_semaphore, #tpu.memory_space<semaphore_mem>>
      %dma_start3A_137 = tpu.memref_slice %arg3[%add3A_111] : memref<4194304xf32, #tpu.memory_space<hbm>> -> memref<32768xf32, #tpu.memory_space<hbm>>
      %dma_start3A_138 = tpu.memref_slice %arg10[%mul3A_113] : memref<526336xf32, #tpu.memory_space<vmem_shared>> -> memref<32768xf32, #tpu.memory_space<vmem_shared>>
      tpu.enqueue_dma source(%dma_start3A_138 : memref<32768xf32, #tpu.memory_space<vmem_shared>>) target(%dma_start3A_137 : memref<32768xf32, #tpu.memory_space<hbm>>) target_semaphore(%run_scoped3A : memref<!tpu.dma_semaphore, #tpu.memory_space<semaphore_mem>>)
      %dma_wait3A_139 = tpu.memref_slice %arg3[%add3A_111] : memref<4194304xf32, #tpu.memory_space<hbm>> -> memref<32768xf32, #tpu.memory_space<hbm>>
      %dma_wait3A_140 = tpu.memref_slice %arg10[%mul3A_113] : memref<526336xf32, #tpu.memory_space<vmem_shared>> -> memref<32768xf32, #tpu.memory_space<vmem_shared>>
      tpu.wait_dma2 semaphore(%run_scoped3A : memref<!tpu.dma_semaphore, #tpu.memory_space<semaphore_mem>>) src(%dma_wait3A_140 : memref<32768xf32, #tpu.memory_space<vmem_shared>>) dst(%dma_wait3A_139 : memref<32768xf32, #tpu.memory_space<hbm>>)
      tpu.yield
    }) : () -> ()
    %mul3A_114 = arith.constant 1024 : i32
    %mul3A_115 = arith.muli %arg0, %mul3A_114 : i32
    %add3A_116 = arith.constant 768 : i32
    %add3A_117 = arith.addi %mul3A_115, %add3A_116 : i32
    %mul3A_118 = arith.constant 2048 : i32
    %mul3A_119 = arith.muli %add3A_117, %mul3A_118 : i32
    %mul3A_120 = arith.constant 32768 : i32
    %mul3A_121 = arith.muli %arg1, %mul3A_120 : i32
    "tpu.region"() ({
      %run_scoped3A = tpu.sem_alloc : memref<!tpu.dma_semaphore, #tpu.memory_space<semaphore_mem>>
      %dma_start3A_137 = tpu.memref_slice %arg10[%mul3A_121] : memref<526336xf32, #tpu.memory_space<vmem_shared>> -> memref<32768xf32, #tpu.memory_space<vmem_shared>>
      %dma_start3A_138 = tpu.memref_slice %arg10[%mul3A_121] : memref<526336xf32, #tpu.memory_space<vmem_shared>> -> memref<32768xf32, #tpu.memory_space<vmem_shared>>
      tpu.enqueue_dma source(%arg8 : memref<32768xf32, #tpu.memory_space<vmem>>) target(%dma_start3A_138 : memref<32768xf32, #tpu.memory_space<vmem_shared>>) target_semaphore(%run_scoped3A : memref<!tpu.dma_semaphore, #tpu.memory_space<semaphore_mem>>)
      %dma_wait3A_139 = tpu.memref_slice %arg10[%mul3A_121] : memref<526336xf32, #tpu.memory_space<vmem_shared>> -> memref<32768xf32, #tpu.memory_space<vmem_shared>>
      %dma_wait3A_140 = tpu.memref_slice %arg10[%mul3A_121] : memref<526336xf32, #tpu.memory_space<vmem_shared>> -> memref<32768xf32, #tpu.memory_space<vmem_shared>>
      tpu.wait_dma2 semaphore(%run_scoped3A : memref<!tpu.dma_semaphore, #tpu.memory_space<semaphore_mem>>) src(%arg8 : memref<32768xf32, #tpu.memory_space<vmem>>) dst(%dma_wait3A_140 : memref<32768xf32, #tpu.memory_space<vmem_shared>>)
      tpu.yield
    }) : () -> ()
    %barrier3A_122 = arith.constant 0 : index
    tpu.barrier barrier_id(%barrier3A_122)
    %scan3A_123 = arith.constant 0 : i32
    %scan3A_124 = arith.constant 0 : i32
    %scan3A_125 = arith.constant 256 : i32
    %scan3A_126 = arith.addi %scan3A_124, %scan3A_125 : i32
    %scan3A_127 = arith.constant 4 : i32
    scf.for %scan3A_137 = %scan3A_124 to %scan3A_126 step %scan3A_127  : i32 {
      %mul3A_138 = arith.constant 16 : i32
      %mul3A_139 = arith.muli %scan3A_137, %mul3A_138 : i32
      %get3A = arith.index_cast %mul3A_139 : i32 to index
      %get3A_140 = tpu.vector_load %arg6[%get3A] {strides = array<i32>} : memref<4096xi32, #tpu.memory_space<vmem>>, vector<16xi32>,
      %get3A_141 = vector.shape_cast %get3A_140 : vector<16xi32> to vector<16xi32>
      %sub3A = vector.broadcast %mul3A_119 : i32 to vector<16xi32>
      %sub3A_142 = arith.subi %get3A_141, %sub3A : vector<16xi32>
      %ge3A = arith.constant 0 : i32
      %ge3A_143 = vector.broadcast %ge3A : i32 to vector<16xi32>
      %ge3A_144 = arith.cmpi sge, %sub3A_142, %ge3A_143 : vector<16xi32>
      %lt3A = arith.constant 524288 : i32
      %lt3A_145 = vector.broadcast %lt3A : i32 to vector<16xi32>
      %lt3A_146 = arith.cmpi slt, %sub3A_142, %lt3A_145 : vector<16xi32>
      %and3A = arith.andi %ge3A_144, %lt3A_146 : vector<16xi1>
      %select_n3A = arith.select %and3A, %sub3A_142, %add3A_17 : vector<16xi1>, vector<16xi32>
      %mul3A_147 = arith.constant 16 : i32
      %mul3A_148 = arith.muli %scan3A_137, %mul3A_147 : i32
      %swap3A = arith.index_cast %mul3A_148 : i32 to index
      %swap3A_149 = tpu.vector_load %arg7[%swap3A] {strides = array<i32>} : memref<4096xi32, #tpu.memory_space<vmem>>, vector<16xi32>,
      %swap3A_150 = vector.shape_cast %swap3A_149 : vector<16xi32> to vector<16xi32>
      %swap3A_151 = vector.shape_cast %select_n3A : vector<16xi32> to vector<16xi32>
      tpu.vector_store %arg7[%swap3A], %swap3A_151 {strides = array<i32>} : memref<4096xi32, #tpu.memory_space<vmem>>, vector<16xi32>,
      %scan3A_152 = arith.constant 1 : i32
      %scan3A_153 = arith.addi %scan3A_137, %scan3A_152 : i32
      %mul3A_154 = arith.constant 16 : i32
      %mul3A_155 = arith.muli %scan3A_153, %mul3A_154 : i32
      %get3A_156 = arith.index_cast %mul3A_155 : i32 to index
      %get3A_157 = tpu.vector_load %arg6[%get3A_156] {strides = array<i32>} : memref<4096xi32, #tpu.memory_space<vmem>>, vector<16xi32>,
      %get3A_158 = vector.shape_cast %get3A_157 : vector<16xi32> to vector<16xi32>
      %sub3A_159 = vector.broadcast %mul3A_119 : i32 to vector<16xi32>
      %sub3A_160 = arith.subi %get3A_158, %sub3A_159 : vector<16xi32>
      %ge3A_161 = arith.constant 0 : i32
      %ge3A_162 = vector.broadcast %ge3A_161 : i32 to vector<16xi32>
      %ge3A_163 = arith.cmpi sge, %sub3A_160, %ge3A_162 : vector<16xi32>
      %lt3A_164 = arith.constant 524288 : i32
      %lt3A_165 = vector.broadcast %lt3A_164 : i32 to vector<16xi32>
      %lt3A_166 = arith.cmpi slt, %sub3A_160, %lt3A_165 : vector<16xi32>
      %and3A_167 = arith.andi %ge3A_163, %lt3A_166 : vector<16xi1>
      %select_n3A_168 = arith.select %and3A_167, %sub3A_160, %add3A_17 : vector<16xi1>, vector<16xi32>
      %mul3A_169 = arith.constant 16 : i32
      %mul3A_170 = arith.muli %scan3A_153, %mul3A_169 : i32
      %swap3A_171 = arith.index_cast %mul3A_170 : i32 to index
      %swap3A_172 = tpu.vector_load %arg7[%swap3A_171] {strides = array<i32>} : memref<4096xi32, #tpu.memory_space<vmem>>, vector<16xi32>,
      %swap3A_173 = vector.shape_cast %swap3A_172 : vector<16xi32> to vector<16xi32>
      %swap3A_174 = vector.shape_cast %select_n3A_168 : vector<16xi32> to vector<16xi32>
      tpu.vector_store %arg7[%swap3A_171], %swap3A_174 {strides = array<i32>} : memref<4096xi32, #tpu.memory_space<vmem>>, vector<16xi32>,
      %scan3A_175 = arith.constant 2 : i32
      %scan3A_176 = arith.addi %scan3A_137, %scan3A_175 : i32
      %mul3A_177 = arith.constant 16 : i32
      %mul3A_178 = arith.muli %scan3A_176, %mul3A_177 : i32
      %get3A_179 = arith.index_cast %mul3A_178 : i32 to index
      %get3A_180 = tpu.vector_load %arg6[%get3A_179] {strides = array<i32>} : memref<4096xi32, #tpu.memory_space<vmem>>, vector<16xi32>,
      %get3A_181 = vector.shape_cast %get3A_180 : vector<16xi32> to vector<16xi32>
      %sub3A_182 = vector.broadcast %mul3A_119 : i32 to vector<16xi32>
      %sub3A_183 = arith.subi %get3A_181, %sub3A_182 : vector<16xi32>
      %ge3A_184 = arith.constant 0 : i32
      %ge3A_185 = vector.broadcast %ge3A_184 : i32 to vector<16xi32>
      %ge3A_186 = arith.cmpi sge, %sub3A_183, %ge3A_185 : vector<16xi32>
      %lt3A_187 = arith.constant 524288 : i32
      %lt3A_188 = vector.broadcast %lt3A_187 : i32 to vector<16xi32>
      %lt3A_189 = arith.cmpi slt, %sub3A_183, %lt3A_188 : vector<16xi32>
      %and3A_190 = arith.andi %ge3A_186, %lt3A_189 : vector<16xi1>
      %select_n3A_191 = arith.select %and3A_190, %sub3A_183, %add3A_17 : vector<16xi1>, vector<16xi32>
      %mul3A_192 = arith.constant 16 : i32
      %mul3A_193 = arith.muli %scan3A_176, %mul3A_192 : i32
      %swap3A_194 = arith.index_cast %mul3A_193 : i32 to index
      %swap3A_195 = tpu.vector_load %arg7[%swap3A_194] {strides = array<i32>} : memref<4096xi32, #tpu.memory_space<vmem>>, vector<16xi32>,
      %swap3A_196 = vector.shape_cast %swap3A_195 : vector<16xi32> to vector<16xi32>
      %swap3A_197 = vector.shape_cast %select_n3A_191 : vector<16xi32> to vector<16xi32>
      tpu.vector_store %arg7[%swap3A_194], %swap3A_197 {strides = array<i32>} : memref<4096xi32, #tpu.memory_space<vmem>>, vector<16xi32>,
      %scan3A_198 = arith.constant 3 : i32
      %scan3A_199 = arith.addi %scan3A_137, %scan3A_198 : i32
      %mul3A_200 = arith.constant 16 : i32
      %mul3A_201 = arith.muli %scan3A_199, %mul3A_200 : i32
      %get3A_202 = arith.index_cast %mul3A_201 : i32 to index
      %get3A_203 = tpu.vector_load %arg6[%get3A_202] {strides = array<i32>} : memref<4096xi32, #tpu.memory_space<vmem>>, vector<16xi32>,
      %get3A_204 = vector.shape_cast %get3A_203 : vector<16xi32> to vector<16xi32>
      %sub3A_205 = vector.broadcast %mul3A_119 : i32 to vector<16xi32>
      %sub3A_206 = arith.subi %get3A_204, %sub3A_205 : vector<16xi32>
      %ge3A_207 = arith.constant 0 : i32
      %ge3A_208 = vector.broadcast %ge3A_207 : i32 to vector<16xi32>
      %ge3A_209 = arith.cmpi sge, %sub3A_206, %ge3A_208 : vector<16xi32>
      %lt3A_210 = arith.constant 524288 : i32
      %lt3A_211 = vector.broadcast %lt3A_210 : i32 to vector<16xi32>
      %lt3A_212 = arith.cmpi slt, %sub3A_206, %lt3A_211 : vector<16xi32>
      %and3A_213 = arith.andi %ge3A_209, %lt3A_212 : vector<16xi1>
      %select_n3A_214 = arith.select %and3A_213, %sub3A_206, %add3A_17 : vector<16xi1>, vector<16xi32>
      %mul3A_215 = arith.constant 16 : i32
      %mul3A_216 = arith.muli %scan3A_199, %mul3A_215 : i32
      %swap3A_217 = arith.index_cast %mul3A_216 : i32 to index
      %swap3A_218 = tpu.vector_load %arg7[%swap3A_217] {strides = array<i32>} : memref<4096xi32, #tpu.memory_space<vmem>>, vector<16xi32>,
      %swap3A_219 = vector.shape_cast %swap3A_218 : vector<16xi32> to vector<16xi32>
      %swap3A_220 = vector.shape_cast %select_n3A_214 : vector<16xi32> to vector<16xi32>
      tpu.vector_store %arg7[%swap3A_217], %swap3A_220 {strides = array<i32>} : memref<4096xi32, #tpu.memory_space<vmem>>, vector<16xi32>,
    }
    %scan3A_128 = arith.constant 256 : i32
    "tpu.region"() ({
      %run_scoped3A = tpu.sem_alloc : memref<!tpu.dma_semaphore, #tpu.memory_space<semaphore_mem>>
      %dma_start3A_137 = arith.constant 0 : i32
      %dma_start3A_138 = tpu.memref_slice %arg10[%dma_start3A_137] : memref<526336xf32, #tpu.memory_space<vmem_shared>> -> memref<526336xf32, #tpu.memory_space<vmem_shared>>
      tpu.enqueue_indirect_dma source(%arg9 : memref<4096xf32, #tpu.memory_space<vmem>>) target(%dma_start3A_138 : memref<526336xf32, #tpu.memory_space<vmem_shared>>) offsets(%arg7 : memref<4096xi32, #tpu.memory_space<vmem>>) semaphore(%run_scoped3A : memref<!tpu.dma_semaphore, #tpu.memory_space<semaphore_mem>>) {add = true}
      %dma_wait3A_139 = arith.constant 0 : i32
      %dma_wait3A_140 = tpu.memref_slice %arg10[%dma_wait3A_139] : memref<526336xf32, #tpu.memory_space<vmem_shared>> -> memref<526336xf32, #tpu.memory_space<vmem_shared>>
      tpu.wait_indirect_dma semaphore(%run_scoped3A : memref<!tpu.dma_semaphore, #tpu.memory_space<semaphore_mem>>) src(%arg9 : memref<4096xf32, #tpu.memory_space<vmem>>) dst(%dma_wait3A_140 : memref<526336xf32, #tpu.memory_space<vmem_shared>>)
      tpu.yield
    }) : () -> ()
    %barrier3A_129 = arith.constant 0 : index
    tpu.barrier barrier_id(%barrier3A_129)
    %mul3A_130 = arith.constant 2048 : i32
    %mul3A_131 = arith.muli %add3A_117, %mul3A_130 : i32
    %mul3A_132 = arith.constant 32768 : i32
    %mul3A_133 = arith.muli %arg1, %mul3A_132 : i32
    %add3A_134 = arith.addi %mul3A_131, %mul3A_133 : i32
    %mul3A_135 = arith.constant 32768 : i32
    %mul3A_136 = arith.muli %arg1, %mul3A_135 : i32
    "tpu.region"() ({
      %run_scoped3A = tpu.sem_alloc : memref<!tpu.dma_semaphore, #tpu.memory_space<semaphore_mem>>
      %dma_start3A_137 = tpu.memref_slice %arg3[%add3A_134] : memref<4194304xf32, #tpu.memory_space<hbm>> -> memref<32768xf32, #tpu.memory_space<hbm>>
      %dma_start3A_138 = tpu.memref_slice %arg10[%mul3A_136] : memref<526336xf32, #tpu.memory_space<vmem_shared>> -> memref<32768xf32, #tpu.memory_space<vmem_shared>>
      tpu.enqueue_dma source(%dma_start3A_138 : memref<32768xf32, #tpu.memory_space<vmem_shared>>) target(%dma_start3A_137 : memref<32768xf32, #tpu.memory_space<hbm>>) target_semaphore(%run_scoped3A : memref<!tpu.dma_semaphore, #tpu.memory_space<semaphore_mem>>)
      %dma_wait3A_139 = tpu.memref_slice %arg3[%add3A_134] : memref<4194304xf32, #tpu.memory_space<hbm>> -> memref<32768xf32, #tpu.memory_space<hbm>>
      %dma_wait3A_140 = tpu.memref_slice %arg10[%mul3A_136] : memref<526336xf32, #tpu.memory_space<vmem_shared>> -> memref<32768xf32, #tpu.memory_space<vmem_shared>>
      tpu.wait_dma2 semaphore(%run_scoped3A : memref<!tpu.dma_semaphore, #tpu.memory_space<semaphore_mem>>) src(%dma_wait3A_140 : memref<32768xf32, #tpu.memory_space<vmem_shared>>) dst(%dma_wait3A_139 : memref<32768xf32, #tpu.memory_space<hbm>>)
      tpu.yield
    }) : () -> ()
    return
  }
}

#map = affine_map<(d0, d1) -> (0, 0)>
#map1 = affine_map<(d0, d1) -> (0)>
module attributes {stable_mosaic.version = 14 : i64} {
  func.func @_sc_adj_body(%arg0: i32, %arg1: i32, %arg2: memref<2x65536xi32, #tpu.memory_space<hbm>>, %arg3: memref<4194304xf32, #tpu.memory_space<hbm>>, %arg4: memref<4096xi32, #tpu.memory_space<vmem>>, %arg5: memref<4096xi32, #tpu.memory_space<vmem>>, %arg6: memref<4096xi32, #tpu.memory_space<vmem>>, %arg7: memref<4096xi32, #tpu.memory_space<vmem>>, %arg8: memref<32768xf32, #tpu.memory_space<vmem>>, %arg9: memref<4096xf32, #tpu.memory_space<vmem>>, %arg10: memref<526336xf32, #tpu.memory_space<vmem_shared>>, %arg11: memref<!tpu.dma_semaphore, #tpu.memory_space<semaphore_mem>>) attributes {dimension_semantics = [#tpu.dimension_semantics<core_parallel>, #tpu.dimension_semantics<subcore_parallel>], iteration_bounds = array<i64: 2, 16>, scalar_prefetch = 0 : i64, scratch_operands = 8 : i64, tpu.core_type = #tpu.core_type<sc_vector_subcore>, window_params = [{transform_indices = #map}, {transform_indices = #map1}]} {
    %scan3A = arith.constant 0 : i32
    %scan3A_0 = arith.constant 0 : i32
    %scan3A_1 = arith.constant 2048 : i32
    %scan3A_2 = arith.addi %scan3A_0, %scan3A_1 : i32
    %scan3A_3 = arith.constant 1 : i32
    scf.for %scan3A_137 = %scan3A_0 to %scan3A_2 step %scan3A_3  : i32 {
      %broadcast_in_dim3A = arith.constant 0.000000e+00 : f32
      %broadcast_in_dim3A_138 = vector.broadcast %broadcast_in_dim3A : f32 to vector<16xf32>
      %mul3A_139 = arith.constant 16 : i32
      %mul3A_140 = arith.muli %scan3A_137, %mul3A_139 : i32
      %swap3A = arith.index_cast %mul3A_140 : i32 to index
      %swap3A_141 = tpu.vector_load %arg8[%swap3A] {strides = array<i32>} : memref<32768xf32, #tpu.memory_space<vmem>>, vector<16xf32>,
      %swap3A_142 = vector.shape_cast %swap3A_141 : vector<16xf32> to vector<16xf32>
      %swap3A_143 = vector.shape_cast %broadcast_in_dim3A_138 : vector<16xf32> to vector<16xf32>
      tpu.vector_store %arg8[%swap3A], %swap3A_143 {strides = array<i32>} : memref<32768xf32, #tpu.memory_space<vmem>>, vector<16xf32>,
    }
    %scan3A_4 = arith.constant 2048 : i32
    %scan3A_5 = arith.constant 0 : i32
    %scan3A_6 = arith.constant 0 : i32
    %scan3A_7 = arith.constant 256 : i32
    %scan3A_8 = arith.addi %scan3A_6, %scan3A_7 : i32
    %scan3A_9 = arith.constant 1 : i32
    scf.for %scan3A_137 = %scan3A_6 to %scan3A_8 step %scan3A_9  : i32 {
      %broadcast_in_dim3A = arith.constant 1.000000e+00 : f32
      %broadcast_in_dim3A_138 = vector.broadcast %broadcast_in_dim3A : f32 to vector<16xf32>
      %mul3A_139 = arith.constant 16 : i32
      %mul3A_140 = arith.muli %scan3A_137, %mul3A_139 : i32
      %swap3A = arith.index_cast %mul3A_140 : i32 to index
      %swap3A_141 = tpu.vector_load %arg9[%swap3A] {strides = array<i32>} : memref<4096xf32, #tpu.memory_space<vmem>>, vector<16xf32>,
      %swap3A_142 = vector.shape_cast %swap3A_141 : vector<16xf32> to vector<16xf32>
      %swap3A_143 = vector.shape_cast %broadcast_in_dim3A_138 : vector<16xf32> to vector<16xf32>
      tpu.vector_store %arg9[%swap3A], %swap3A_143 {strides = array<i32>} : memref<4096xf32, #tpu.memory_space<vmem>>, vector<16xf32>,
    }
    %scan3A_10 = arith.constant 256 : i32
    %mul3A = arith.constant 128 : i32
    %mul3A_11 = arith.muli %arg1, %mul3A : i32
    %add3A = arith.constant 524288 : i32
    %add3A_12 = arith.addi %add3A, %mul3A_11 : i32
    %iota3A = tpu.iota {dimensions = array<i32: 0>} : vector<16xi32>
    %mul3A_13 = arith.constant 8 : i32
    %mul3A_14 = vector.broadcast %mul3A_13 : i32 to vector<16xi32>
    %mul3A_15 = arith.muli %iota3A, %mul3A_14 : vector<16xi32>
    %add3A_16 = vector.broadcast %add3A_12 : i32 to vector<16xi32>
    %add3A_17 = arith.addi %add3A_16, %mul3A_15 : vector<16xi32>
    %mul3A_18 = arith.constant 4096 : i32
    %mul3A_19 = arith.muli %arg1, %mul3A_18 : i32
    %dma_start3A = arith.constant 0 : i32
    %dma_start3A_20 = tpu.memref_slice %arg2[%dma_start3A, %mul3A_19] : memref<2x65536xi32, #tpu.memory_space<hbm>> -> memref<1x4096xi32, #tpu.memory_space<hbm>>
    %dma_start3A_21 = tpu.memref_squeeze %dma_start3A_20 : memref<1x4096xi32, #tpu.memory_space<hbm>> -> memref<4096xi32, #tpu.memory_space<hbm>>
    %dma_start3A_22 = tpu.memref_slice %arg2[%dma_start3A, %mul3A_19] : memref<2x65536xi32, #tpu.memory_space<hbm>> -> memref<1x4096xi32, #tpu.memory_space<hbm>>
    %dma_start3A_23 = tpu.memref_squeeze %dma_start3A_22 : memref<1x4096xi32, #tpu.memory_space<hbm>> -> memref<4096xi32, #tpu.memory_space<hbm>>
    tpu.enqueue_dma source(%dma_start3A_23 : memref<4096xi32, #tpu.memory_space<hbm>>) target(%arg4 : memref<4096xi32, #tpu.memory_space<vmem>>) target_semaphore(%arg11 : memref<!tpu.dma_semaphore, #tpu.memory_space<semaphore_mem>>)
    %mul3A_24 = arith.constant 4096 : i32
    %mul3A_25 = arith.muli %arg1, %mul3A_24 : i32
    %dma_start3A_26 = arith.constant 1 : i32
    %dma_start3A_27 = tpu.memref_slice %arg2[%dma_start3A_26, %mul3A_25] : memref<2x65536xi32, #tpu.memory_space<hbm>> -> memref<1x4096xi32, #tpu.memory_space<hbm>>
    %dma_start3A_28 = tpu.memref_squeeze %dma_start3A_27 : memref<1x4096xi32, #tpu.memory_space<hbm>> -> memref<4096xi32, #tpu.memory_space<hbm>>
    %dma_start3A_29 = tpu.memref_slice %arg2[%dma_start3A_26, %mul3A_25] : memref<2x65536xi32, #tpu.memory_space<hbm>> -> memref<1x4096xi32, #tpu.memory_space<hbm>>
    %dma_start3A_30 = tpu.memref_squeeze %dma_start3A_29 : memref<1x4096xi32, #tpu.memory_space<hbm>> -> memref<4096xi32, #tpu.memory_space<hbm>>
    tpu.enqueue_dma source(%dma_start3A_30 : memref<4096xi32, #tpu.memory_space<hbm>>) target(%arg5 : memref<4096xi32, #tpu.memory_space<vmem>>) target_semaphore(%arg11 : memref<!tpu.dma_semaphore, #tpu.memory_space<semaphore_mem>>)
    %dma_wait3A = arith.constant 0 : i32
    %dma_wait3A_31 = tpu.memref_slice %arg2[%dma_wait3A, %mul3A_19] : memref<2x65536xi32, #tpu.memory_space<hbm>> -> memref<1x4096xi32, #tpu.memory_space<hbm>>
    %dma_wait3A_32 = tpu.memref_squeeze %dma_wait3A_31 : memref<1x4096xi32, #tpu.memory_space<hbm>> -> memref<4096xi32, #tpu.memory_space<hbm>>
    %dma_wait3A_33 = tpu.memref_slice %arg2[%dma_wait3A, %mul3A_19] : memref<2x65536xi32, #tpu.memory_space<hbm>> -> memref<1x4096xi32, #tpu.memory_space<hbm>>
    %dma_wait3A_34 = tpu.memref_squeeze %dma_wait3A_33 : memref<1x4096xi32, #tpu.memory_space<hbm>> -> memref<4096xi32, #tpu.memory_space<hbm>>
    tpu.wait_dma2 semaphore(%arg11 : memref<!tpu.dma_semaphore, #tpu.memory_space<semaphore_mem>>) src(%dma_wait3A_34 : memref<4096xi32, #tpu.memory_space<hbm>>) dst(%arg4 : memref<4096xi32, #tpu.memory_space<vmem>>)
    %dma_wait3A_35 = arith.constant 1 : i32
    %dma_wait3A_36 = tpu.memref_slice %arg2[%dma_wait3A_35, %mul3A_25] : memref<2x65536xi32, #tpu.memory_space<hbm>> -> memref<1x4096xi32, #tpu.memory_space<hbm>>
    %dma_wait3A_37 = tpu.memref_squeeze %dma_wait3A_36 : memref<1x4096xi32, #tpu.memory_space<hbm>> -> memref<4096xi32, #tpu.memory_space<hbm>>
    %dma_wait3A_38 = tpu.memref_slice %arg2[%dma_wait3A_35, %mul3A_25] : memref<2x65536xi32, #tpu.memory_space<hbm>> -> memref<1x4096xi32, #tpu.memory_space<hbm>>
    %dma_wait3A_39 = tpu.memref_squeeze %dma_wait3A_38 : memref<1x4096xi32, #tpu.memory_space<hbm>> -> memref<4096xi32, #tpu.memory_space<hbm>>
    tpu.wait_dma2 semaphore(%arg11 : memref<!tpu.dma_semaphore, #tpu.memory_space<semaphore_mem>>) src(%dma_wait3A_39 : memref<4096xi32, #tpu.memory_space<hbm>>) dst(%arg5 : memref<4096xi32, #tpu.memory_space<vmem>>)
    %scan3A_40 = arith.constant 0 : i32
    %scan3A_41 = arith.constant 0 : i32
    %scan3A_42 = arith.constant 256 : i32
    %scan3A_43 = arith.addi %scan3A_41, %scan3A_42 : i32
    %scan3A_44 = arith.constant 4 : i32
    scf.for %scan3A_137 = %scan3A_41 to %scan3A_43 step %scan3A_44  : i32 {
      %mul3A_138 = arith.constant 16 : i32
      %mul3A_139 = arith.muli %scan3A_137, %mul3A_138 : i32
      %get3A = arith.index_cast %mul3A_139 : i32 to index
      %get3A_140 = tpu.vector_load %arg4[%get3A] {strides = array<i32>} : memref<4096xi32, #tpu.memory_space<vmem>>, vector<16xi32>,
      %get3A_141 = vector.shape_cast %get3A_140 : vector<16xi32> to vector<16xi32>
      %mul3A_142 = arith.constant 16 : i32
      %mul3A_143 = arith.muli %scan3A_137, %mul3A_142 : i32
      %get3A_144 = arith.index_cast %mul3A_143 : i32 to index
      %get3A_145 = tpu.vector_load %arg5[%get3A_144] {strides = array<i32>} : memref<4096xi32, #tpu.memory_space<vmem>>, vector<16xi32>,
      %get3A_146 = vector.shape_cast %get3A_145 : vector<16xi32> to vector<16xi32>
      %mul3A_147 = arith.constant 2048 : i32
      %mul3A_148 = vector.broadcast %mul3A_147 : i32 to vector<16xi32>
      %mul3A_149 = arith.muli %get3A_141, %mul3A_148 : vector<16xi32>
      %add3A_150 = arith.addi %mul3A_149, %get3A_146 : vector<16xi32>
      %mul3A_151 = arith.constant 16 : i32
      %mul3A_152 = arith.muli %scan3A_137, %mul3A_151 : i32
      %swap3A = arith.index_cast %mul3A_152 : i32 to index
      %swap3A_153 = tpu.vector_load %arg6[%swap3A] {strides = array<i32>} : memref<4096xi32, #tpu.memory_space<vmem>>, vector<16xi32>,
      %swap3A_154 = vector.shape_cast %swap3A_153 : vector<16xi32> to vector<16xi32>
      %swap3A_155 = vector.shape_cast %add3A_150 : vector<16xi32> to vector<16xi32>
      tpu.vector_store %arg6[%swap3A], %swap3A_155 {strides = array<i32>} : memref<4096xi32, #tpu.memory_space<vmem>>, vector<16xi32>,
      %scan3A_156 = arith.constant 1 : i32
      %scan3A_157 = arith.addi %scan3A_137, %scan3A_156 : i32
      %mul3A_158 = arith.constant 16 : i32
      %mul3A_159 = arith.muli %scan3A_157, %mul3A_158 : i32
      %get3A_160 = arith.index_cast %mul3A_159 : i32 to index
      %get3A_161 = tpu.vector_load %arg4[%get3A_160] {strides = array<i32>} : memref<4096xi32, #tpu.memory_space<vmem>>, vector<16xi32>,
      %get3A_162 = vector.shape_cast %get3A_161 : vector<16xi32> to vector<16xi32>
      %mul3A_163 = arith.constant 16 : i32
      %mul3A_164 = arith.muli %scan3A_157, %mul3A_163 : i32
      %get3A_165 = arith.index_cast %mul3A_164 : i32 to index
      %get3A_166 = tpu.vector_load %arg5[%get3A_165] {strides = array<i32>} : memref<4096xi32, #tpu.memory_space<vmem>>, vector<16xi32>,
      %get3A_167 = vector.shape_cast %get3A_166 : vector<16xi32> to vector<16xi32>
      %mul3A_168 = arith.constant 2048 : i32
      %mul3A_169 = vector.broadcast %mul3A_168 : i32 to vector<16xi32>
      %mul3A_170 = arith.muli %get3A_162, %mul3A_169 : vector<16xi32>
      %add3A_171 = arith.addi %mul3A_170, %get3A_167 : vector<16xi32>
      %mul3A_172 = arith.constant 16 : i32
      %mul3A_173 = arith.muli %scan3A_157, %mul3A_172 : i32
      %swap3A_174 = arith.index_cast %mul3A_173 : i32 to index
      %swap3A_175 = tpu.vector_load %arg6[%swap3A_174] {strides = array<i32>} : memref<4096xi32, #tpu.memory_space<vmem>>, vector<16xi32>,
      %swap3A_176 = vector.shape_cast %swap3A_175 : vector<16xi32> to vector<16xi32>
      %swap3A_177 = vector.shape_cast %add3A_171 : vector<16xi32> to vector<16xi32>
      tpu.vector_store %arg6[%swap3A_174], %swap3A_177 {strides = array<i32>} : memref<4096xi32, #tpu.memory_space<vmem>>, vector<16xi32>,
      %scan3A_178 = arith.constant 2 : i32
      %scan3A_179 = arith.addi %scan3A_137, %scan3A_178 : i32
      %mul3A_180 = arith.constant 16 : i32
      %mul3A_181 = arith.muli %scan3A_179, %mul3A_180 : i32
      %get3A_182 = arith.index_cast %mul3A_181 : i32 to index
      %get3A_183 = tpu.vector_load %arg4[%get3A_182] {strides = array<i32>} : memref<4096xi32, #tpu.memory_space<vmem>>, vector<16xi32>,
      %get3A_184 = vector.shape_cast %get3A_183 : vector<16xi32> to vector<16xi32>
      %mul3A_185 = arith.constant 16 : i32
      %mul3A_186 = arith.muli %scan3A_179, %mul3A_185 : i32
      %get3A_187 = arith.index_cast %mul3A_186 : i32 to index
      %get3A_188 = tpu.vector_load %arg5[%get3A_187] {strides = array<i32>} : memref<4096xi32, #tpu.memory_space<vmem>>, vector<16xi32>,
      %get3A_189 = vector.shape_cast %get3A_188 : vector<16xi32> to vector<16xi32>
      %mul3A_190 = arith.constant 2048 : i32
      %mul3A_191 = vector.broadcast %mul3A_190 : i32 to vector<16xi32>
      %mul3A_192 = arith.muli %get3A_184, %mul3A_191 : vector<16xi32>
      %add3A_193 = arith.addi %mul3A_192, %get3A_189 : vector<16xi32>
      %mul3A_194 = arith.constant 16 : i32
      %mul3A_195 = arith.muli %scan3A_179, %mul3A_194 : i32
      %swap3A_196 = arith.index_cast %mul3A_195 : i32 to index
      %swap3A_197 = tpu.vector_load %arg6[%swap3A_196] {strides = array<i32>} : memref<4096xi32, #tpu.memory_space<vmem>>, vector<16xi32>,
      %swap3A_198 = vector.shape_cast %swap3A_197 : vector<16xi32> to vector<16xi32>
      %swap3A_199 = vector.shape_cast %add3A_193 : vector<16xi32> to vector<16xi32>
      tpu.vector_store %arg6[%swap3A_196], %swap3A_199 {strides = array<i32>} : memref<4096xi32, #tpu.memory_space<vmem>>, vector<16xi32>,
      %scan3A_200 = arith.constant 3 : i32
      %scan3A_201 = arith.addi %scan3A_137, %scan3A_200 : i32
      %mul3A_202 = arith.constant 16 : i32
      %mul3A_203 = arith.muli %scan3A_201, %mul3A_202 : i32
      %get3A_204 = arith.index_cast %mul3A_203 : i32 to index
      %get3A_205 = tpu.vector_load %arg4[%get3A_204] {strides = array<i32>} : memref<4096xi32, #tpu.memory_space<vmem>>, vector<16xi32>,
      %get3A_206 = vector.shape_cast %get3A_205 : vector<16xi32> to vector<16xi32>
      %mul3A_207 = arith.constant 16 : i32
      %mul3A_208 = arith.muli %scan3A_201, %mul3A_207 : i32
      %get3A_209 = arith.index_cast %mul3A_208 : i32 to index
      %get3A_210 = tpu.vector_load %arg5[%get3A_209] {strides = array<i32>} : memref<4096xi32, #tpu.memory_space<vmem>>, vector<16xi32>,
      %get3A_211 = vector.shape_cast %get3A_210 : vector<16xi32> to vector<16xi32>
      %mul3A_212 = arith.constant 2048 : i32
      %mul3A_213 = vector.broadcast %mul3A_212 : i32 to vector<16xi32>
      %mul3A_214 = arith.muli %get3A_206, %mul3A_213 : vector<16xi32>
      %add3A_215 = arith.addi %mul3A_214, %get3A_211 : vector<16xi32>
      %mul3A_216 = arith.constant 16 : i32
      %mul3A_217 = arith.muli %scan3A_201, %mul3A_216 : i32
      %swap3A_218 = arith.index_cast %mul3A_217 : i32 to index
      %swap3A_219 = tpu.vector_load %arg6[%swap3A_218] {strides = array<i32>} : memref<4096xi32, #tpu.memory_space<vmem>>, vector<16xi32>,
      %swap3A_220 = vector.shape_cast %swap3A_219 : vector<16xi32> to vector<16xi32>
      %swap3A_221 = vector.shape_cast %add3A_215 : vector<16xi32> to vector<16xi32>
      tpu.vector_store %arg6[%swap3A_218], %swap3A_221 {strides = array<i32>} : memref<4096xi32, #tpu.memory_space<vmem>>, vector<16xi32>,
    }
    %scan3A_45 = arith.constant 256 : i32
    %mul3A_46 = arith.constant 1024 : i32
    %mul3A_47 = arith.muli %arg0, %mul3A_46 : i32
    %add3A_48 = arith.constant 0 : i32
    %add3A_49 = arith.addi %mul3A_47, %add3A_48 : i32
    %mul3A_50 = arith.constant 2048 : i32
    %mul3A_51 = arith.muli %add3A_49, %mul3A_50 : i32
    %mul3A_52 = arith.constant 32768 : i32
    %mul3A_53 = arith.muli %arg1, %mul3A_52 : i32
    "tpu.region"() ({
      %run_scoped3A = tpu.sem_alloc : memref<!tpu.dma_semaphore, #tpu.memory_space<semaphore_mem>>
      %dma_start3A_137 = tpu.memref_slice %arg10[%mul3A_53] : memref<526336xf32, #tpu.memory_space<vmem_shared>> -> memref<32768xf32, #tpu.memory_space<vmem_shared>>
      %dma_start3A_138 = tpu.memref_slice %arg10[%mul3A_53] : memref<526336xf32, #tpu.memory_space<vmem_shared>> -> memref<32768xf32, #tpu.memory_space<vmem_shared>>
      tpu.enqueue_dma source(%arg8 : memref<32768xf32, #tpu.memory_space<vmem>>) target(%dma_start3A_138 : memref<32768xf32, #tpu.memory_space<vmem_shared>>) target_semaphore(%run_scoped3A : memref<!tpu.dma_semaphore, #tpu.memory_space<semaphore_mem>>)
      %dma_wait3A_139 = tpu.memref_slice %arg10[%mul3A_53] : memref<526336xf32, #tpu.memory_space<vmem_shared>> -> memref<32768xf32, #tpu.memory_space<vmem_shared>>
      %dma_wait3A_140 = tpu.memref_slice %arg10[%mul3A_53] : memref<526336xf32, #tpu.memory_space<vmem_shared>> -> memref<32768xf32, #tpu.memory_space<vmem_shared>>
      tpu.wait_dma2 semaphore(%run_scoped3A : memref<!tpu.dma_semaphore, #tpu.memory_space<semaphore_mem>>) src(%arg8 : memref<32768xf32, #tpu.memory_space<vmem>>) dst(%dma_wait3A_140 : memref<32768xf32, #tpu.memory_space<vmem_shared>>)
      tpu.yield
    }) : () -> ()
    %barrier3A = arith.constant 0 : index
    tpu.barrier barrier_id(%barrier3A)
    %scan3A_54 = arith.constant 0 : i32
    %scan3A_55 = arith.constant 0 : i32
    %scan3A_56 = arith.constant 256 : i32
    %scan3A_57 = arith.addi %scan3A_55, %scan3A_56 : i32
    %scan3A_58 = arith.constant 4 : i32
    scf.for %scan3A_137 = %scan3A_55 to %scan3A_57 step %scan3A_58  : i32 {
      %mul3A_138 = arith.constant 16 : i32
      %mul3A_139 = arith.muli %scan3A_137, %mul3A_138 : i32
      %get3A = arith.index_cast %mul3A_139 : i32 to index
      %get3A_140 = tpu.vector_load %arg6[%get3A] {strides = array<i32>} : memref<4096xi32, #tpu.memory_space<vmem>>, vector<16xi32>,
      %get3A_141 = vector.shape_cast %get3A_140 : vector<16xi32> to vector<16xi32>
      %sub3A = vector.broadcast %mul3A_51 : i32 to vector<16xi32>
      %sub3A_142 = arith.subi %get3A_141, %sub3A : vector<16xi32>
      %ge3A = arith.constant 0 : i32
      %ge3A_143 = vector.broadcast %ge3A : i32 to vector<16xi32>
      %ge3A_144 = arith.cmpi sge, %sub3A_142, %ge3A_143 : vector<16xi32>
      %lt3A = arith.constant 524288 : i32
      %lt3A_145 = vector.broadcast %lt3A : i32 to vector<16xi32>
      %lt3A_146 = arith.cmpi slt, %sub3A_142, %lt3A_145 : vector<16xi32>
      %and3A = arith.andi %ge3A_144, %lt3A_146 : vector<16xi1>
      %select_n3A = arith.select %and3A, %sub3A_142, %add3A_17 : vector<16xi1>, vector<16xi32>
      %mul3A_147 = arith.constant 16 : i32
      %mul3A_148 = arith.muli %scan3A_137, %mul3A_147 : i32
      %swap3A = arith.index_cast %mul3A_148 : i32 to index
      %swap3A_149 = tpu.vector_load %arg7[%swap3A] {strides = array<i32>} : memref<4096xi32, #tpu.memory_space<vmem>>, vector<16xi32>,
      %swap3A_150 = vector.shape_cast %swap3A_149 : vector<16xi32> to vector<16xi32>
      %swap3A_151 = vector.shape_cast %select_n3A : vector<16xi32> to vector<16xi32>
      tpu.vector_store %arg7[%swap3A], %swap3A_151 {strides = array<i32>} : memref<4096xi32, #tpu.memory_space<vmem>>, vector<16xi32>,
      %scan3A_152 = arith.constant 1 : i32
      %scan3A_153 = arith.addi %scan3A_137, %scan3A_152 : i32
      %mul3A_154 = arith.constant 16 : i32
      %mul3A_155 = arith.muli %scan3A_153, %mul3A_154 : i32
      %get3A_156 = arith.index_cast %mul3A_155 : i32 to index
      %get3A_157 = tpu.vector_load %arg6[%get3A_156] {strides = array<i32>} : memref<4096xi32, #tpu.memory_space<vmem>>, vector<16xi32>,
      %get3A_158 = vector.shape_cast %get3A_157 : vector<16xi32> to vector<16xi32>
      %sub3A_159 = vector.broadcast %mul3A_51 : i32 to vector<16xi32>
      %sub3A_160 = arith.subi %get3A_158, %sub3A_159 : vector<16xi32>
      %ge3A_161 = arith.constant 0 : i32
      %ge3A_162 = vector.broadcast %ge3A_161 : i32 to vector<16xi32>
      %ge3A_163 = arith.cmpi sge, %sub3A_160, %ge3A_162 : vector<16xi32>
      %lt3A_164 = arith.constant 524288 : i32
      %lt3A_165 = vector.broadcast %lt3A_164 : i32 to vector<16xi32>
      %lt3A_166 = arith.cmpi slt, %sub3A_160, %lt3A_165 : vector<16xi32>
      %and3A_167 = arith.andi %ge3A_163, %lt3A_166 : vector<16xi1>
      %select_n3A_168 = arith.select %and3A_167, %sub3A_160, %add3A_17 : vector<16xi1>, vector<16xi32>
      %mul3A_169 = arith.constant 16 : i32
      %mul3A_170 = arith.muli %scan3A_153, %mul3A_169 : i32
      %swap3A_171 = arith.index_cast %mul3A_170 : i32 to index
      %swap3A_172 = tpu.vector_load %arg7[%swap3A_171] {strides = array<i32>} : memref<4096xi32, #tpu.memory_space<vmem>>, vector<16xi32>,
      %swap3A_173 = vector.shape_cast %swap3A_172 : vector<16xi32> to vector<16xi32>
      %swap3A_174 = vector.shape_cast %select_n3A_168 : vector<16xi32> to vector<16xi32>
      tpu.vector_store %arg7[%swap3A_171], %swap3A_174 {strides = array<i32>} : memref<4096xi32, #tpu.memory_space<vmem>>, vector<16xi32>,
      %scan3A_175 = arith.constant 2 : i32
      %scan3A_176 = arith.addi %scan3A_137, %scan3A_175 : i32
      %mul3A_177 = arith.constant 16 : i32
      %mul3A_178 = arith.muli %scan3A_176, %mul3A_177 : i32
      %get3A_179 = arith.index_cast %mul3A_178 : i32 to index
      %get3A_180 = tpu.vector_load %arg6[%get3A_179] {strides = array<i32>} : memref<4096xi32, #tpu.memory_space<vmem>>, vector<16xi32>,
      %get3A_181 = vector.shape_cast %get3A_180 : vector<16xi32> to vector<16xi32>
      %sub3A_182 = vector.broadcast %mul3A_51 : i32 to vector<16xi32>
      %sub3A_183 = arith.subi %get3A_181, %sub3A_182 : vector<16xi32>
      %ge3A_184 = arith.constant 0 : i32
      %ge3A_185 = vector.broadcast %ge3A_184 : i32 to vector<16xi32>
      %ge3A_186 = arith.cmpi sge, %sub3A_183, %ge3A_185 : vector<16xi32>
      %lt3A_187 = arith.constant 524288 : i32
      %lt3A_188 = vector.broadcast %lt3A_187 : i32 to vector<16xi32>
      %lt3A_189 = arith.cmpi slt, %sub3A_183, %lt3A_188 : vector<16xi32>
      %and3A_190 = arith.andi %ge3A_186, %lt3A_189 : vector<16xi1>
      %select_n3A_191 = arith.select %and3A_190, %sub3A_183, %add3A_17 : vector<16xi1>, vector<16xi32>
      %mul3A_192 = arith.constant 16 : i32
      %mul3A_193 = arith.muli %scan3A_176, %mul3A_192 : i32
      %swap3A_194 = arith.index_cast %mul3A_193 : i32 to index
      %swap3A_195 = tpu.vector_load %arg7[%swap3A_194] {strides = array<i32>} : memref<4096xi32, #tpu.memory_space<vmem>>, vector<16xi32>,
      %swap3A_196 = vector.shape_cast %swap3A_195 : vector<16xi32> to vector<16xi32>
      %swap3A_197 = vector.shape_cast %select_n3A_191 : vector<16xi32> to vector<16xi32>
      tpu.vector_store %arg7[%swap3A_194], %swap3A_197 {strides = array<i32>} : memref<4096xi32, #tpu.memory_space<vmem>>, vector<16xi32>,
      %scan3A_198 = arith.constant 3 : i32
      %scan3A_199 = arith.addi %scan3A_137, %scan3A_198 : i32
      %mul3A_200 = arith.constant 16 : i32
      %mul3A_201 = arith.muli %scan3A_199, %mul3A_200 : i32
      %get3A_202 = arith.index_cast %mul3A_201 : i32 to index
      %get3A_203 = tpu.vector_load %arg6[%get3A_202] {strides = array<i32>} : memref<4096xi32, #tpu.memory_space<vmem>>, vector<16xi32>,
      %get3A_204 = vector.shape_cast %get3A_203 : vector<16xi32> to vector<16xi32>
      %sub3A_205 = vector.broadcast %mul3A_51 : i32 to vector<16xi32>
      %sub3A_206 = arith.subi %get3A_204, %sub3A_205 : vector<16xi32>
      %ge3A_207 = arith.constant 0 : i32
      %ge3A_208 = vector.broadcast %ge3A_207 : i32 to vector<16xi32>
      %ge3A_209 = arith.cmpi sge, %sub3A_206, %ge3A_208 : vector<16xi32>
      %lt3A_210 = arith.constant 524288 : i32
      %lt3A_211 = vector.broadcast %lt3A_210 : i32 to vector<16xi32>
      %lt3A_212 = arith.cmpi slt, %sub3A_206, %lt3A_211 : vector<16xi32>
      %and3A_213 = arith.andi %ge3A_209, %lt3A_212 : vector<16xi1>
      %select_n3A_214 = arith.select %and3A_213, %sub3A_206, %add3A_17 : vector<16xi1>, vector<16xi32>
      %mul3A_215 = arith.constant 16 : i32
      %mul3A_216 = arith.muli %scan3A_199, %mul3A_215 : i32
      %swap3A_217 = arith.index_cast %mul3A_216 : i32 to index
      %swap3A_218 = tpu.vector_load %arg7[%swap3A_217] {strides = array<i32>} : memref<4096xi32, #tpu.memory_space<vmem>>, vector<16xi32>,
      %swap3A_219 = vector.shape_cast %swap3A_218 : vector<16xi32> to vector<16xi32>
      %swap3A_220 = vector.shape_cast %select_n3A_214 : vector<16xi32> to vector<16xi32>
      tpu.vector_store %arg7[%swap3A_217], %swap3A_220 {strides = array<i32>} : memref<4096xi32, #tpu.memory_space<vmem>>, vector<16xi32>,
    }
    %scan3A_59 = arith.constant 256 : i32
    "tpu.region"() ({
      %run_scoped3A = tpu.sem_alloc : memref<!tpu.dma_semaphore, #tpu.memory_space<semaphore_mem>>
      %dma_start3A_137 = arith.constant 0 : i32
      %dma_start3A_138 = tpu.memref_slice %arg10[%dma_start3A_137] : memref<526336xf32, #tpu.memory_space<vmem_shared>> -> memref<526336xf32, #tpu.memory_space<vmem_shared>>
      tpu.enqueue_indirect_dma source(%arg9 : memref<4096xf32, #tpu.memory_space<vmem>>) target(%dma_start3A_138 : memref<526336xf32, #tpu.memory_space<vmem_shared>>) offsets(%arg7 : memref<4096xi32, #tpu.memory_space<vmem>>) semaphore(%run_scoped3A : memref<!tpu.dma_semaphore, #tpu.memory_space<semaphore_mem>>) {add = true}
      %dma_wait3A_139 = arith.constant 0 : i32
      %dma_wait3A_140 = tpu.memref_slice %arg10[%dma_wait3A_139] : memref<526336xf32, #tpu.memory_space<vmem_shared>> -> memref<526336xf32, #tpu.memory_space<vmem_shared>>
      tpu.wait_indirect_dma semaphore(%run_scoped3A : memref<!tpu.dma_semaphore, #tpu.memory_space<semaphore_mem>>) src(%arg9 : memref<4096xf32, #tpu.memory_space<vmem>>) dst(%dma_wait3A_140 : memref<526336xf32, #tpu.memory_space<vmem_shared>>)
      tpu.yield
    }) : () -> ()
    %barrier3A_60 = arith.constant 0 : index
    tpu.barrier barrier_id(%barrier3A_60)
    %mul3A_61 = arith.constant 2048 : i32
    %mul3A_62 = arith.muli %add3A_49, %mul3A_61 : i32
    %mul3A_63 = arith.constant 32768 : i32
    %mul3A_64 = arith.muli %arg1, %mul3A_63 : i32
    %add3A_65 = arith.addi %mul3A_62, %mul3A_64 : i32
    %mul3A_66 = arith.constant 32768 : i32
    %mul3A_67 = arith.muli %arg1, %mul3A_66 : i32
    "tpu.region"() ({
      %run_scoped3A = tpu.sem_alloc : memref<!tpu.dma_semaphore, #tpu.memory_space<semaphore_mem>>
      %dma_start3A_137 = tpu.memref_slice %arg3[%add3A_65] : memref<4194304xf32, #tpu.memory_space<hbm>> -> memref<32768xf32, #tpu.memory_space<hbm>>
      %dma_start3A_138 = tpu.memref_slice %arg10[%mul3A_67] : memref<526336xf32, #tpu.memory_space<vmem_shared>> -> memref<32768xf32, #tpu.memory_space<vmem_shared>>
      tpu.enqueue_dma source(%dma_start3A_138 : memref<32768xf32, #tpu.memory_space<vmem_shared>>) target(%dma_start3A_137 : memref<32768xf32, #tpu.memory_space<hbm>>) target_semaphore(%run_scoped3A : memref<!tpu.dma_semaphore, #tpu.memory_space<semaphore_mem>>)
      %dma_wait3A_139 = tpu.memref_slice %arg3[%add3A_65] : memref<4194304xf32, #tpu.memory_space<hbm>> -> memref<32768xf32, #tpu.memory_space<hbm>>
      %dma_wait3A_140 = tpu.memref_slice %arg10[%mul3A_67] : memref<526336xf32, #tpu.memory_space<vmem_shared>> -> memref<32768xf32, #tpu.memory_space<vmem_shared>>
      tpu.wait_dma2 semaphore(%run_scoped3A : memref<!tpu.dma_semaphore, #tpu.memory_space<semaphore_mem>>) src(%dma_wait3A_140 : memref<32768xf32, #tpu.memory_space<vmem_shared>>) dst(%dma_wait3A_139 : memref<32768xf32, #tpu.memory_space<hbm>>)
      tpu.yield
    }) : () -> ()
    %mul3A_68 = arith.constant 1024 : i32
    %mul3A_69 = arith.muli %arg0, %mul3A_68 : i32
    %add3A_70 = arith.constant 256 : i32
    %add3A_71 = arith.addi %mul3A_69, %add3A_70 : i32
    %mul3A_72 = arith.constant 2048 : i32
    %mul3A_73 = arith.muli %add3A_71, %mul3A_72 : i32
    %mul3A_74 = arith.constant 32768 : i32
    %mul3A_75 = arith.muli %arg1, %mul3A_74 : i32
    "tpu.region"() ({
      %run_scoped3A = tpu.sem_alloc : memref<!tpu.dma_semaphore, #tpu.memory_space<semaphore_mem>>
      %dma_start3A_137 = tpu.memref_slice %arg10[%mul3A_75] : memref<526336xf32, #tpu.memory_space<vmem_shared>> -> memref<32768xf32, #tpu.memory_space<vmem_shared>>
      %dma_start3A_138 = tpu.memref_slice %arg10[%mul3A_75] : memref<526336xf32, #tpu.memory_space<vmem_shared>> -> memref<32768xf32, #tpu.memory_space<vmem_shared>>
      tpu.enqueue_dma source(%arg8 : memref<32768xf32, #tpu.memory_space<vmem>>) target(%dma_start3A_138 : memref<32768xf32, #tpu.memory_space<vmem_shared>>) target_semaphore(%run_scoped3A : memref<!tpu.dma_semaphore, #tpu.memory_space<semaphore_mem>>)
      %dma_wait3A_139 = tpu.memref_slice %arg10[%mul3A_75] : memref<526336xf32, #tpu.memory_space<vmem_shared>> -> memref<32768xf32, #tpu.memory_space<vmem_shared>>
      %dma_wait3A_140 = tpu.memref_slice %arg10[%mul3A_75] : memref<526336xf32, #tpu.memory_space<vmem_shared>> -> memref<32768xf32, #tpu.memory_space<vmem_shared>>
      tpu.wait_dma2 semaphore(%run_scoped3A : memref<!tpu.dma_semaphore, #tpu.memory_space<semaphore_mem>>) src(%arg8 : memref<32768xf32, #tpu.memory_space<vmem>>) dst(%dma_wait3A_140 : memref<32768xf32, #tpu.memory_space<vmem_shared>>)
      tpu.yield
    }) : () -> ()
    %barrier3A_76 = arith.constant 0 : index
    tpu.barrier barrier_id(%barrier3A_76)
    %scan3A_77 = arith.constant 0 : i32
    %scan3A_78 = arith.constant 0 : i32
    %scan3A_79 = arith.constant 256 : i32
    %scan3A_80 = arith.addi %scan3A_78, %scan3A_79 : i32
    %scan3A_81 = arith.constant 4 : i32
    scf.for %scan3A_137 = %scan3A_78 to %scan3A_80 step %scan3A_81  : i32 {
      %mul3A_138 = arith.constant 16 : i32
      %mul3A_139 = arith.muli %scan3A_137, %mul3A_138 : i32
      %get3A = arith.index_cast %mul3A_139 : i32 to index
      %get3A_140 = tpu.vector_load %arg6[%get3A] {strides = array<i32>} : memref<4096xi32, #tpu.memory_space<vmem>>, vector<16xi32>,
      %get3A_141 = vector.shape_cast %get3A_140 : vector<16xi32> to vector<16xi32>
      %sub3A = vector.broadcast %mul3A_73 : i32 to vector<16xi32>
      %sub3A_142 = arith.subi %get3A_141, %sub3A : vector<16xi32>
      %ge3A = arith.constant 0 : i32
      %ge3A_143 = vector.broadcast %ge3A : i32 to vector<16xi32>
      %ge3A_144 = arith.cmpi sge, %sub3A_142, %ge3A_143 : vector<16xi32>
      %lt3A = arith.constant 524288 : i32
      %lt3A_145 = vector.broadcast %lt3A : i32 to vector<16xi32>
      %lt3A_146 = arith.cmpi slt, %sub3A_142, %lt3A_145 : vector<16xi32>
      %and3A = arith.andi %ge3A_144, %lt3A_146 : vector<16xi1>
      %select_n3A = arith.select %and3A, %sub3A_142, %add3A_17 : vector<16xi1>, vector<16xi32>
      %mul3A_147 = arith.constant 16 : i32
      %mul3A_148 = arith.muli %scan3A_137, %mul3A_147 : i32
      %swap3A = arith.index_cast %mul3A_148 : i32 to index
      %swap3A_149 = tpu.vector_load %arg7[%swap3A] {strides = array<i32>} : memref<4096xi32, #tpu.memory_space<vmem>>, vector<16xi32>,
      %swap3A_150 = vector.shape_cast %swap3A_149 : vector<16xi32> to vector<16xi32>
      %swap3A_151 = vector.shape_cast %select_n3A : vector<16xi32> to vector<16xi32>
      tpu.vector_store %arg7[%swap3A], %swap3A_151 {strides = array<i32>} : memref<4096xi32, #tpu.memory_space<vmem>>, vector<16xi32>,
      %scan3A_152 = arith.constant 1 : i32
      %scan3A_153 = arith.addi %scan3A_137, %scan3A_152 : i32
      %mul3A_154 = arith.constant 16 : i32
      %mul3A_155 = arith.muli %scan3A_153, %mul3A_154 : i32
      %get3A_156 = arith.index_cast %mul3A_155 : i32 to index
      %get3A_157 = tpu.vector_load %arg6[%get3A_156] {strides = array<i32>} : memref<4096xi32, #tpu.memory_space<vmem>>, vector<16xi32>,
      %get3A_158 = vector.shape_cast %get3A_157 : vector<16xi32> to vector<16xi32>
      %sub3A_159 = vector.broadcast %mul3A_73 : i32 to vector<16xi32>
      %sub3A_160 = arith.subi %get3A_158, %sub3A_159 : vector<16xi32>
      %ge3A_161 = arith.constant 0 : i32
      %ge3A_162 = vector.broadcast %ge3A_161 : i32 to vector<16xi32>
      %ge3A_163 = arith.cmpi sge, %sub3A_160, %ge3A_162 : vector<16xi32>
      %lt3A_164 = arith.constant 524288 : i32
      %lt3A_165 = vector.broadcast %lt3A_164 : i32 to vector<16xi32>
      %lt3A_166 = arith.cmpi slt, %sub3A_160, %lt3A_165 : vector<16xi32>
      %and3A_167 = arith.andi %ge3A_163, %lt3A_166 : vector<16xi1>
      %select_n3A_168 = arith.select %and3A_167, %sub3A_160, %add3A_17 : vector<16xi1>, vector<16xi32>
      %mul3A_169 = arith.constant 16 : i32
      %mul3A_170 = arith.muli %scan3A_153, %mul3A_169 : i32
      %swap3A_171 = arith.index_cast %mul3A_170 : i32 to index
      %swap3A_172 = tpu.vector_load %arg7[%swap3A_171] {strides = array<i32>} : memref<4096xi32, #tpu.memory_space<vmem>>, vector<16xi32>,
      %swap3A_173 = vector.shape_cast %swap3A_172 : vector<16xi32> to vector<16xi32>
      %swap3A_174 = vector.shape_cast %select_n3A_168 : vector<16xi32> to vector<16xi32>
      tpu.vector_store %arg7[%swap3A_171], %swap3A_174 {strides = array<i32>} : memref<4096xi32, #tpu.memory_space<vmem>>, vector<16xi32>,
      %scan3A_175 = arith.constant 2 : i32
      %scan3A_176 = arith.addi %scan3A_137, %scan3A_175 : i32
      %mul3A_177 = arith.constant 16 : i32
      %mul3A_178 = arith.muli %scan3A_176, %mul3A_177 : i32
      %get3A_179 = arith.index_cast %mul3A_178 : i32 to index
      %get3A_180 = tpu.vector_load %arg6[%get3A_179] {strides = array<i32>} : memref<4096xi32, #tpu.memory_space<vmem>>, vector<16xi32>,
      %get3A_181 = vector.shape_cast %get3A_180 : vector<16xi32> to vector<16xi32>
      %sub3A_182 = vector.broadcast %mul3A_73 : i32 to vector<16xi32>
      %sub3A_183 = arith.subi %get3A_181, %sub3A_182 : vector<16xi32>
      %ge3A_184 = arith.constant 0 : i32
      %ge3A_185 = vector.broadcast %ge3A_184 : i32 to vector<16xi32>
      %ge3A_186 = arith.cmpi sge, %sub3A_183, %ge3A_185 : vector<16xi32>
      %lt3A_187 = arith.constant 524288 : i32
      %lt3A_188 = vector.broadcast %lt3A_187 : i32 to vector<16xi32>
      %lt3A_189 = arith.cmpi slt, %sub3A_183, %lt3A_188 : vector<16xi32>
      %and3A_190 = arith.andi %ge3A_186, %lt3A_189 : vector<16xi1>
      %select_n3A_191 = arith.select %and3A_190, %sub3A_183, %add3A_17 : vector<16xi1>, vector<16xi32>
      %mul3A_192 = arith.constant 16 : i32
      %mul3A_193 = arith.muli %scan3A_176, %mul3A_192 : i32
      %swap3A_194 = arith.index_cast %mul3A_193 : i32 to index
      %swap3A_195 = tpu.vector_load %arg7[%swap3A_194] {strides = array<i32>} : memref<4096xi32, #tpu.memory_space<vmem>>, vector<16xi32>,
      %swap3A_196 = vector.shape_cast %swap3A_195 : vector<16xi32> to vector<16xi32>
      %swap3A_197 = vector.shape_cast %select_n3A_191 : vector<16xi32> to vector<16xi32>
      tpu.vector_store %arg7[%swap3A_194], %swap3A_197 {strides = array<i32>} : memref<4096xi32, #tpu.memory_space<vmem>>, vector<16xi32>,
      %scan3A_198 = arith.constant 3 : i32
      %scan3A_199 = arith.addi %scan3A_137, %scan3A_198 : i32
      %mul3A_200 = arith.constant 16 : i32
      %mul3A_201 = arith.muli %scan3A_199, %mul3A_200 : i32
      %get3A_202 = arith.index_cast %mul3A_201 : i32 to index
      %get3A_203 = tpu.vector_load %arg6[%get3A_202] {strides = array<i32>} : memref<4096xi32, #tpu.memory_space<vmem>>, vector<16xi32>,
      %get3A_204 = vector.shape_cast %get3A_203 : vector<16xi32> to vector<16xi32>
      %sub3A_205 = vector.broadcast %mul3A_73 : i32 to vector<16xi32>
      %sub3A_206 = arith.subi %get3A_204, %sub3A_205 : vector<16xi32>
      %ge3A_207 = arith.constant 0 : i32
      %ge3A_208 = vector.broadcast %ge3A_207 : i32 to vector<16xi32>
      %ge3A_209 = arith.cmpi sge, %sub3A_206, %ge3A_208 : vector<16xi32>
      %lt3A_210 = arith.constant 524288 : i32
      %lt3A_211 = vector.broadcast %lt3A_210 : i32 to vector<16xi32>
      %lt3A_212 = arith.cmpi slt, %sub3A_206, %lt3A_211 : vector<16xi32>
      %and3A_213 = arith.andi %ge3A_209, %lt3A_212 : vector<16xi1>
      %select_n3A_214 = arith.select %and3A_213, %sub3A_206, %add3A_17 : vector<16xi1>, vector<16xi32>
      %mul3A_215 = arith.constant 16 : i32
      %mul3A_216 = arith.muli %scan3A_199, %mul3A_215 : i32
      %swap3A_217 = arith.index_cast %mul3A_216 : i32 to index
      %swap3A_218 = tpu.vector_load %arg7[%swap3A_217] {strides = array<i32>} : memref<4096xi32, #tpu.memory_space<vmem>>, vector<16xi32>,
      %swap3A_219 = vector.shape_cast %swap3A_218 : vector<16xi32> to vector<16xi32>
      %swap3A_220 = vector.shape_cast %select_n3A_214 : vector<16xi32> to vector<16xi32>
      tpu.vector_store %arg7[%swap3A_217], %swap3A_220 {strides = array<i32>} : memref<4096xi32, #tpu.memory_space<vmem>>, vector<16xi32>,
    }
    %scan3A_82 = arith.constant 256 : i32
    "tpu.region"() ({
      %run_scoped3A = tpu.sem_alloc : memref<!tpu.dma_semaphore, #tpu.memory_space<semaphore_mem>>
      %dma_start3A_137 = arith.constant 0 : i32
      %dma_start3A_138 = tpu.memref_slice %arg10[%dma_start3A_137] : memref<526336xf32, #tpu.memory_space<vmem_shared>> -> memref<526336xf32, #tpu.memory_space<vmem_shared>>
      tpu.enqueue_indirect_dma source(%arg9 : memref<4096xf32, #tpu.memory_space<vmem>>) target(%dma_start3A_138 : memref<526336xf32, #tpu.memory_space<vmem_shared>>) offsets(%arg7 : memref<4096xi32, #tpu.memory_space<vmem>>) semaphore(%run_scoped3A : memref<!tpu.dma_semaphore, #tpu.memory_space<semaphore_mem>>) {add = true}
      %dma_wait3A_139 = arith.constant 0 : i32
      %dma_wait3A_140 = tpu.memref_slice %arg10[%dma_wait3A_139] : memref<526336xf32, #tpu.memory_space<vmem_shared>> -> memref<526336xf32, #tpu.memory_space<vmem_shared>>
      tpu.wait_indirect_dma semaphore(%run_scoped3A : memref<!tpu.dma_semaphore, #tpu.memory_space<semaphore_mem>>) src(%arg9 : memref<4096xf32, #tpu.memory_space<vmem>>) dst(%dma_wait3A_140 : memref<526336xf32, #tpu.memory_space<vmem_shared>>)
      tpu.yield
    }) : () -> ()
    %barrier3A_83 = arith.constant 0 : index
    tpu.barrier barrier_id(%barrier3A_83)
    %mul3A_84 = arith.constant 2048 : i32
    %mul3A_85 = arith.muli %add3A_71, %mul3A_84 : i32
    %mul3A_86 = arith.constant 32768 : i32
    %mul3A_87 = arith.muli %arg1, %mul3A_86 : i32
    %add3A_88 = arith.addi %mul3A_85, %mul3A_87 : i32
    %mul3A_89 = arith.constant 32768 : i32
    %mul3A_90 = arith.muli %arg1, %mul3A_89 : i32
    "tpu.region"() ({
      %run_scoped3A = tpu.sem_alloc : memref<!tpu.dma_semaphore, #tpu.memory_space<semaphore_mem>>
      %dma_start3A_137 = tpu.memref_slice %arg3[%add3A_88] : memref<4194304xf32, #tpu.memory_space<hbm>> -> memref<32768xf32, #tpu.memory_space<hbm>>
      %dma_start3A_138 = tpu.memref_slice %arg10[%mul3A_90] : memref<526336xf32, #tpu.memory_space<vmem_shared>> -> memref<32768xf32, #tpu.memory_space<vmem_shared>>
      tpu.enqueue_dma source(%dma_start3A_138 : memref<32768xf32, #tpu.memory_space<vmem_shared>>) target(%dma_start3A_137 : memref<32768xf32, #tpu.memory_space<hbm>>) target_semaphore(%run_scoped3A : memref<!tpu.dma_semaphore, #tpu.memory_space<semaphore_mem>>)
      %dma_wait3A_139 = tpu.memref_slice %arg3[%add3A_88] : memref<4194304xf32, #tpu.memory_space<hbm>> -> memref<32768xf32, #tpu.memory_space<hbm>>
      %dma_wait3A_140 = tpu.memref_slice %arg10[%mul3A_90] : memref<526336xf32, #tpu.memory_space<vmem_shared>> -> memref<32768xf32, #tpu.memory_space<vmem_shared>>
      tpu.wait_dma2 semaphore(%run_scoped3A : memref<!tpu.dma_semaphore, #tpu.memory_space<semaphore_mem>>) src(%dma_wait3A_140 : memref<32768xf32, #tpu.memory_space<vmem_shared>>) dst(%dma_wait3A_139 : memref<32768xf32, #tpu.memory_space<hbm>>)
      tpu.yield
    }) : () -> ()
    %mul3A_91 = arith.constant 1024 : i32
    %mul3A_92 = arith.muli %arg0, %mul3A_91 : i32
    %add3A_93 = arith.constant 512 : i32
    %add3A_94 = arith.addi %mul3A_92, %add3A_93 : i32
    %mul3A_95 = arith.constant 2048 : i32
    %mul3A_96 = arith.muli %add3A_94, %mul3A_95 : i32
    %mul3A_97 = arith.constant 32768 : i32
    %mul3A_98 = arith.muli %arg1, %mul3A_97 : i32
    "tpu.region"() ({
      %run_scoped3A = tpu.sem_alloc : memref<!tpu.dma_semaphore, #tpu.memory_space<semaphore_mem>>
      %dma_start3A_137 = tpu.memref_slice %arg10[%mul3A_98] : memref<526336xf32, #tpu.memory_space<vmem_shared>> -> memref<32768xf32, #tpu.memory_space<vmem_shared>>
      %dma_start3A_138 = tpu.memref_slice %arg10[%mul3A_98] : memref<526336xf32, #tpu.memory_space<vmem_shared>> -> memref<32768xf32, #tpu.memory_space<vmem_shared>>
      tpu.enqueue_dma source(%arg8 : memref<32768xf32, #tpu.memory_space<vmem>>) target(%dma_start3A_138 : memref<32768xf32, #tpu.memory_space<vmem_shared>>) target_semaphore(%run_scoped3A : memref<!tpu.dma_semaphore, #tpu.memory_space<semaphore_mem>>)
      %dma_wait3A_139 = tpu.memref_slice %arg10[%mul3A_98] : memref<526336xf32, #tpu.memory_space<vmem_shared>> -> memref<32768xf32, #tpu.memory_space<vmem_shared>>
      %dma_wait3A_140 = tpu.memref_slice %arg10[%mul3A_98] : memref<526336xf32, #tpu.memory_space<vmem_shared>> -> memref<32768xf32, #tpu.memory_space<vmem_shared>>
      tpu.wait_dma2 semaphore(%run_scoped3A : memref<!tpu.dma_semaphore, #tpu.memory_space<semaphore_mem>>) src(%arg8 : memref<32768xf32, #tpu.memory_space<vmem>>) dst(%dma_wait3A_140 : memref<32768xf32, #tpu.memory_space<vmem_shared>>)
      tpu.yield
    }) : () -> ()
    %barrier3A_99 = arith.constant 0 : index
    tpu.barrier barrier_id(%barrier3A_99)
    %scan3A_100 = arith.constant 0 : i32
    %scan3A_101 = arith.constant 0 : i32
    %scan3A_102 = arith.constant 256 : i32
    %scan3A_103 = arith.addi %scan3A_101, %scan3A_102 : i32
    %scan3A_104 = arith.constant 4 : i32
    scf.for %scan3A_137 = %scan3A_101 to %scan3A_103 step %scan3A_104  : i32 {
      %mul3A_138 = arith.constant 16 : i32
      %mul3A_139 = arith.muli %scan3A_137, %mul3A_138 : i32
      %get3A = arith.index_cast %mul3A_139 : i32 to index
      %get3A_140 = tpu.vector_load %arg6[%get3A] {strides = array<i32>} : memref<4096xi32, #tpu.memory_space<vmem>>, vector<16xi32>,
      %get3A_141 = vector.shape_cast %get3A_140 : vector<16xi32> to vector<16xi32>
      %sub3A = vector.broadcast %mul3A_96 : i32 to vector<16xi32>
      %sub3A_142 = arith.subi %get3A_141, %sub3A : vector<16xi32>
      %ge3A = arith.constant 0 : i32
      %ge3A_143 = vector.broadcast %ge3A : i32 to vector<16xi32>
      %ge3A_144 = arith.cmpi sge, %sub3A_142, %ge3A_143 : vector<16xi32>
      %lt3A = arith.constant 524288 : i32
      %lt3A_145 = vector.broadcast %lt3A : i32 to vector<16xi32>
      %lt3A_146 = arith.cmpi slt, %sub3A_142, %lt3A_145 : vector<16xi32>
      %and3A = arith.andi %ge3A_144, %lt3A_146 : vector<16xi1>
      %select_n3A = arith.select %and3A, %sub3A_142, %add3A_17 : vector<16xi1>, vector<16xi32>
      %mul3A_147 = arith.constant 16 : i32
      %mul3A_148 = arith.muli %scan3A_137, %mul3A_147 : i32
      %swap3A = arith.index_cast %mul3A_148 : i32 to index
      %swap3A_149 = tpu.vector_load %arg7[%swap3A] {strides = array<i32>} : memref<4096xi32, #tpu.memory_space<vmem>>, vector<16xi32>,
      %swap3A_150 = vector.shape_cast %swap3A_149 : vector<16xi32> to vector<16xi32>
      %swap3A_151 = vector.shape_cast %select_n3A : vector<16xi32> to vector<16xi32>
      tpu.vector_store %arg7[%swap3A], %swap3A_151 {strides = array<i32>} : memref<4096xi32, #tpu.memory_space<vmem>>, vector<16xi32>,
      %scan3A_152 = arith.constant 1 : i32
      %scan3A_153 = arith.addi %scan3A_137, %scan3A_152 : i32
      %mul3A_154 = arith.constant 16 : i32
      %mul3A_155 = arith.muli %scan3A_153, %mul3A_154 : i32
      %get3A_156 = arith.index_cast %mul3A_155 : i32 to index
      %get3A_157 = tpu.vector_load %arg6[%get3A_156] {strides = array<i32>} : memref<4096xi32, #tpu.memory_space<vmem>>, vector<16xi32>,
      %get3A_158 = vector.shape_cast %get3A_157 : vector<16xi32> to vector<16xi32>
      %sub3A_159 = vector.broadcast %mul3A_96 : i32 to vector<16xi32>
      %sub3A_160 = arith.subi %get3A_158, %sub3A_159 : vector<16xi32>
      %ge3A_161 = arith.constant 0 : i32
      %ge3A_162 = vector.broadcast %ge3A_161 : i32 to vector<16xi32>
      %ge3A_163 = arith.cmpi sge, %sub3A_160, %ge3A_162 : vector<16xi32>
      %lt3A_164 = arith.constant 524288 : i32
      %lt3A_165 = vector.broadcast %lt3A_164 : i32 to vector<16xi32>
      %lt3A_166 = arith.cmpi slt, %sub3A_160, %lt3A_165 : vector<16xi32>
      %and3A_167 = arith.andi %ge3A_163, %lt3A_166 : vector<16xi1>
      %select_n3A_168 = arith.select %and3A_167, %sub3A_160, %add3A_17 : vector<16xi1>, vector<16xi32>
      %mul3A_169 = arith.constant 16 : i32
      %mul3A_170 = arith.muli %scan3A_153, %mul3A_169 : i32
      %swap3A_171 = arith.index_cast %mul3A_170 : i32 to index
      %swap3A_172 = tpu.vector_load %arg7[%swap3A_171] {strides = array<i32>} : memref<4096xi32, #tpu.memory_space<vmem>>, vector<16xi32>,
      %swap3A_173 = vector.shape_cast %swap3A_172 : vector<16xi32> to vector<16xi32>
      %swap3A_174 = vector.shape_cast %select_n3A_168 : vector<16xi32> to vector<16xi32>
      tpu.vector_store %arg7[%swap3A_171], %swap3A_174 {strides = array<i32>} : memref<4096xi32, #tpu.memory_space<vmem>>, vector<16xi32>,
      %scan3A_175 = arith.constant 2 : i32
      %scan3A_176 = arith.addi %scan3A_137, %scan3A_175 : i32
      %mul3A_177 = arith.constant 16 : i32
      %mul3A_178 = arith.muli %scan3A_176, %mul3A_177 : i32
      %get3A_179 = arith.index_cast %mul3A_178 : i32 to index
      %get3A_180 = tpu.vector_load %arg6[%get3A_179] {strides = array<i32>} : memref<4096xi32, #tpu.memory_space<vmem>>, vector<16xi32>,
      %get3A_181 = vector.shape_cast %get3A_180 : vector<16xi32> to vector<16xi32>
      %sub3A_182 = vector.broadcast %mul3A_96 : i32 to vector<16xi32>
      %sub3A_183 = arith.subi %get3A_181, %sub3A_182 : vector<16xi32>
      %ge3A_184 = arith.constant 0 : i32
      %ge3A_185 = vector.broadcast %ge3A_184 : i32 to vector<16xi32>
      %ge3A_186 = arith.cmpi sge, %sub3A_183, %ge3A_185 : vector<16xi32>
      %lt3A_187 = arith.constant 524288 : i32
      %lt3A_188 = vector.broadcast %lt3A_187 : i32 to vector<16xi32>
      %lt3A_189 = arith.cmpi slt, %sub3A_183, %lt3A_188 : vector<16xi32>
      %and3A_190 = arith.andi %ge3A_186, %lt3A_189 : vector<16xi1>
      %select_n3A_191 = arith.select %and3A_190, %sub3A_183, %add3A_17 : vector<16xi1>, vector<16xi32>
      %mul3A_192 = arith.constant 16 : i32
      %mul3A_193 = arith.muli %scan3A_176, %mul3A_192 : i32
      %swap3A_194 = arith.index_cast %mul3A_193 : i32 to index
      %swap3A_195 = tpu.vector_load %arg7[%swap3A_194] {strides = array<i32>} : memref<4096xi32, #tpu.memory_space<vmem>>, vector<16xi32>,
      %swap3A_196 = vector.shape_cast %swap3A_195 : vector<16xi32> to vector<16xi32>
      %swap3A_197 = vector.shape_cast %select_n3A_191 : vector<16xi32> to vector<16xi32>
      tpu.vector_store %arg7[%swap3A_194], %swap3A_197 {strides = array<i32>} : memref<4096xi32, #tpu.memory_space<vmem>>, vector<16xi32>,
      %scan3A_198 = arith.constant 3 : i32
      %scan3A_199 = arith.addi %scan3A_137, %scan3A_198 : i32
      %mul3A_200 = arith.constant 16 : i32
      %mul3A_201 = arith.muli %scan3A_199, %mul3A_200 : i32
      %get3A_202 = arith.index_cast %mul3A_201 : i32 to index
      %get3A_203 = tpu.vector_load %arg6[%get3A_202] {strides = array<i32>} : memref<4096xi32, #tpu.memory_space<vmem>>, vector<16xi32>,
      %get3A_204 = vector.shape_cast %get3A_203 : vector<16xi32> to vector<16xi32>
      %sub3A_205 = vector.broadcast %mul3A_96 : i32 to vector<16xi32>
      %sub3A_206 = arith.subi %get3A_204, %sub3A_205 : vector<16xi32>
      %ge3A_207 = arith.constant 0 : i32
      %ge3A_208 = vector.broadcast %ge3A_207 : i32 to vector<16xi32>
      %ge3A_209 = arith.cmpi sge, %sub3A_206, %ge3A_208 : vector<16xi32>
      %lt3A_210 = arith.constant 524288 : i32
      %lt3A_211 = vector.broadcast %lt3A_210 : i32 to vector<16xi32>
      %lt3A_212 = arith.cmpi slt, %sub3A_206, %lt3A_211 : vector<16xi32>
      %and3A_213 = arith.andi %ge3A_209, %lt3A_212 : vector<16xi1>
      %select_n3A_214 = arith.select %and3A_213, %sub3A_206, %add3A_17 : vector<16xi1>, vector<16xi32>
      %mul3A_215 = arith.constant 16 : i32
      %mul3A_216 = arith.muli %scan3A_199, %mul3A_215 : i32
      %swap3A_217 = arith.index_cast %mul3A_216 : i32 to index
      %swap3A_218 = tpu.vector_load %arg7[%swap3A_217] {strides = array<i32>} : memref<4096xi32, #tpu.memory_space<vmem>>, vector<16xi32>,
      %swap3A_219 = vector.shape_cast %swap3A_218 : vector<16xi32> to vector<16xi32>
      %swap3A_220 = vector.shape_cast %select_n3A_214 : vector<16xi32> to vector<16xi32>
      tpu.vector_store %arg7[%swap3A_217], %swap3A_220 {strides = array<i32>} : memref<4096xi32, #tpu.memory_space<vmem>>, vector<16xi32>,
    }
    %scan3A_105 = arith.constant 256 : i32
    "tpu.region"() ({
      %run_scoped3A = tpu.sem_alloc : memref<!tpu.dma_semaphore, #tpu.memory_space<semaphore_mem>>
      %dma_start3A_137 = arith.constant 0 : i32
      %dma_start3A_138 = tpu.memref_slice %arg10[%dma_start3A_137] : memref<526336xf32, #tpu.memory_space<vmem_shared>> -> memref<526336xf32, #tpu.memory_space<vmem_shared>>
      tpu.enqueue_indirect_dma source(%arg9 : memref<4096xf32, #tpu.memory_space<vmem>>) target(%dma_start3A_138 : memref<526336xf32, #tpu.memory_space<vmem_shared>>) offsets(%arg7 : memref<4096xi32, #tpu.memory_space<vmem>>) semaphore(%run_scoped3A : memref<!tpu.dma_semaphore, #tpu.memory_space<semaphore_mem>>) {add = true}
      %dma_wait3A_139 = arith.constant 0 : i32
      %dma_wait3A_140 = tpu.memref_slice %arg10[%dma_wait3A_139] : memref<526336xf32, #tpu.memory_space<vmem_shared>> -> memref<526336xf32, #tpu.memory_space<vmem_shared>>
      tpu.wait_indirect_dma semaphore(%run_scoped3A : memref<!tpu.dma_semaphore, #tpu.memory_space<semaphore_mem>>) src(%arg9 : memref<4096xf32, #tpu.memory_space<vmem>>) dst(%dma_wait3A_140 : memref<526336xf32, #tpu.memory_space<vmem_shared>>)
      tpu.yield
    }) : () -> ()
    %barrier3A_106 = arith.constant 0 : index
    tpu.barrier barrier_id(%barrier3A_106)
    %mul3A_107 = arith.constant 2048 : i32
    %mul3A_108 = arith.muli %add3A_94, %mul3A_107 : i32
    %mul3A_109 = arith.constant 32768 : i32
    %mul3A_110 = arith.muli %arg1, %mul3A_109 : i32
    %add3A_111 = arith.addi %mul3A_108, %mul3A_110 : i32
    %mul3A_112 = arith.constant 32768 : i32
    %mul3A_113 = arith.muli %arg1, %mul3A_112 : i32
    "tpu.region"() ({
      %run_scoped3A = tpu.sem_alloc : memref<!tpu.dma_semaphore, #tpu.memory_space<semaphore_mem>>
      %dma_start3A_137 = tpu.memref_slice %arg3[%add3A_111] : memref<4194304xf32, #tpu.memory_space<hbm>> -> memref<32768xf32, #tpu.memory_space<hbm>>
      %dma_start3A_138 = tpu.memref_slice %arg10[%mul3A_113] : memref<526336xf32, #tpu.memory_space<vmem_shared>> -> memref<32768xf32, #tpu.memory_space<vmem_shared>>
      tpu.enqueue_dma source(%dma_start3A_138 : memref<32768xf32, #tpu.memory_space<vmem_shared>>) target(%dma_start3A_137 : memref<32768xf32, #tpu.memory_space<hbm>>) target_semaphore(%run_scoped3A : memref<!tpu.dma_semaphore, #tpu.memory_space<semaphore_mem>>)
      %dma_wait3A_139 = tpu.memref_slice %arg3[%add3A_111] : memref<4194304xf32, #tpu.memory_space<hbm>> -> memref<32768xf32, #tpu.memory_space<hbm>>
      %dma_wait3A_140 = tpu.memref_slice %arg10[%mul3A_113] : memref<526336xf32, #tpu.memory_space<vmem_shared>> -> memref<32768xf32, #tpu.memory_space<vmem_shared>>
      tpu.wait_dma2 semaphore(%run_scoped3A : memref<!tpu.dma_semaphore, #tpu.memory_space<semaphore_mem>>) src(%dma_wait3A_140 : memref<32768xf32, #tpu.memory_space<vmem_shared>>) dst(%dma_wait3A_139 : memref<32768xf32, #tpu.memory_space<hbm>>)
      tpu.yield
    }) : () -> ()
    %mul3A_114 = arith.constant 1024 : i32
    %mul3A_115 = arith.muli %arg0, %mul3A_114 : i32
    %add3A_116 = arith.constant 768 : i32
    %add3A_117 = arith.addi %mul3A_115, %add3A_116 : i32
    %mul3A_118 = arith.constant 2048 : i32
    %mul3A_119 = arith.muli %add3A_117, %mul3A_118 : i32
    %mul3A_120 = arith.constant 32768 : i32
    %mul3A_121 = arith.muli %arg1, %mul3A_120 : i32
    "tpu.region"() ({
      %run_scoped3A = tpu.sem_alloc : memref<!tpu.dma_semaphore, #tpu.memory_space<semaphore_mem>>
      %dma_start3A_137 = tpu.memref_slice %arg10[%mul3A_121] : memref<526336xf32, #tpu.memory_space<vmem_shared>> -> memref<32768xf32, #tpu.memory_space<vmem_shared>>
      %dma_start3A_138 = tpu.memref_slice %arg10[%mul3A_121] : memref<526336xf32, #tpu.memory_space<vmem_shared>> -> memref<32768xf32, #tpu.memory_space<vmem_shared>>
      tpu.enqueue_dma source(%arg8 : memref<32768xf32, #tpu.memory_space<vmem>>) target(%dma_start3A_138 : memref<32768xf32, #tpu.memory_space<vmem_shared>>) target_semaphore(%run_scoped3A : memref<!tpu.dma_semaphore, #tpu.memory_space<semaphore_mem>>)
      %dma_wait3A_139 = tpu.memref_slice %arg10[%mul3A_121] : memref<526336xf32, #tpu.memory_space<vmem_shared>> -> memref<32768xf32, #tpu.memory_space<vmem_shared>>
      %dma_wait3A_140 = tpu.memref_slice %arg10[%mul3A_121] : memref<526336xf32, #tpu.memory_space<vmem_shared>> -> memref<32768xf32, #tpu.memory_space<vmem_shared>>
      tpu.wait_dma2 semaphore(%run_scoped3A : memref<!tpu.dma_semaphore, #tpu.memory_space<semaphore_mem>>) src(%arg8 : memref<32768xf32, #tpu.memory_space<vmem>>) dst(%dma_wait3A_140 : memref<32768xf32, #tpu.memory_space<vmem_shared>>)
      tpu.yield
    }) : () -> ()
    %barrier3A_122 = arith.constant 0 : index
    tpu.barrier barrier_id(%barrier3A_122)
    %scan3A_123 = arith.constant 0 : i32
    %scan3A_124 = arith.constant 0 : i32
    %scan3A_125 = arith.constant 256 : i32
    %scan3A_126 = arith.addi %scan3A_124, %scan3A_125 : i32
    %scan3A_127 = arith.constant 4 : i32
    scf.for %scan3A_137 = %scan3A_124 to %scan3A_126 step %scan3A_127  : i32 {
      %mul3A_138 = arith.constant 16 : i32
      %mul3A_139 = arith.muli %scan3A_137, %mul3A_138 : i32
      %get3A = arith.index_cast %mul3A_139 : i32 to index
      %get3A_140 = tpu.vector_load %arg6[%get3A] {strides = array<i32>} : memref<4096xi32, #tpu.memory_space<vmem>>, vector<16xi32>,
      %get3A_141 = vector.shape_cast %get3A_140 : vector<16xi32> to vector<16xi32>
      %sub3A = vector.broadcast %mul3A_119 : i32 to vector<16xi32>
      %sub3A_142 = arith.subi %get3A_141, %sub3A : vector<16xi32>
      %ge3A = arith.constant 0 : i32
      %ge3A_143 = vector.broadcast %ge3A : i32 to vector<16xi32>
      %ge3A_144 = arith.cmpi sge, %sub3A_142, %ge3A_143 : vector<16xi32>
      %lt3A = arith.constant 524288 : i32
      %lt3A_145 = vector.broadcast %lt3A : i32 to vector<16xi32>
      %lt3A_146 = arith.cmpi slt, %sub3A_142, %lt3A_145 : vector<16xi32>
      %and3A = arith.andi %ge3A_144, %lt3A_146 : vector<16xi1>
      %select_n3A = arith.select %and3A, %sub3A_142, %add3A_17 : vector<16xi1>, vector<16xi32>
      %mul3A_147 = arith.constant 16 : i32
      %mul3A_148 = arith.muli %scan3A_137, %mul3A_147 : i32
      %swap3A = arith.index_cast %mul3A_148 : i32 to index
      %swap3A_149 = tpu.vector_load %arg7[%swap3A] {strides = array<i32>} : memref<4096xi32, #tpu.memory_space<vmem>>, vector<16xi32>,
      %swap3A_150 = vector.shape_cast %swap3A_149 : vector<16xi32> to vector<16xi32>
      %swap3A_151 = vector.shape_cast %select_n3A : vector<16xi32> to vector<16xi32>
      tpu.vector_store %arg7[%swap3A], %swap3A_151 {strides = array<i32>} : memref<4096xi32, #tpu.memory_space<vmem>>, vector<16xi32>,
      %scan3A_152 = arith.constant 1 : i32
      %scan3A_153 = arith.addi %scan3A_137, %scan3A_152 : i32
      %mul3A_154 = arith.constant 16 : i32
      %mul3A_155 = arith.muli %scan3A_153, %mul3A_154 : i32
      %get3A_156 = arith.index_cast %mul3A_155 : i32 to index
      %get3A_157 = tpu.vector_load %arg6[%get3A_156] {strides = array<i32>} : memref<4096xi32, #tpu.memory_space<vmem>>, vector<16xi32>,
      %get3A_158 = vector.shape_cast %get3A_157 : vector<16xi32> to vector<16xi32>
      %sub3A_159 = vector.broadcast %mul3A_119 : i32 to vector<16xi32>
      %sub3A_160 = arith.subi %get3A_158, %sub3A_159 : vector<16xi32>
      %ge3A_161 = arith.constant 0 : i32
      %ge3A_162 = vector.broadcast %ge3A_161 : i32 to vector<16xi32>
      %ge3A_163 = arith.cmpi sge, %sub3A_160, %ge3A_162 : vector<16xi32>
      %lt3A_164 = arith.constant 524288 : i32
      %lt3A_165 = vector.broadcast %lt3A_164 : i32 to vector<16xi32>
      %lt3A_166 = arith.cmpi slt, %sub3A_160, %lt3A_165 : vector<16xi32>
      %and3A_167 = arith.andi %ge3A_163, %lt3A_166 : vector<16xi1>
      %select_n3A_168 = arith.select %and3A_167, %sub3A_160, %add3A_17 : vector<16xi1>, vector<16xi32>
      %mul3A_169 = arith.constant 16 : i32
      %mul3A_170 = arith.muli %scan3A_153, %mul3A_169 : i32
      %swap3A_171 = arith.index_cast %mul3A_170 : i32 to index
      %swap3A_172 = tpu.vector_load %arg7[%swap3A_171] {strides = array<i32>} : memref<4096xi32, #tpu.memory_space<vmem>>, vector<16xi32>,
      %swap3A_173 = vector.shape_cast %swap3A_172 : vector<16xi32> to vector<16xi32>
      %swap3A_174 = vector.shape_cast %select_n3A_168 : vector<16xi32> to vector<16xi32>
      tpu.vector_store %arg7[%swap3A_171], %swap3A_174 {strides = array<i32>} : memref<4096xi32, #tpu.memory_space<vmem>>, vector<16xi32>,
      %scan3A_175 = arith.constant 2 : i32
      %scan3A_176 = arith.addi %scan3A_137, %scan3A_175 : i32
      %mul3A_177 = arith.constant 16 : i32
      %mul3A_178 = arith.muli %scan3A_176, %mul3A_177 : i32
      %get3A_179 = arith.index_cast %mul3A_178 : i32 to index
      %get3A_180 = tpu.vector_load %arg6[%get3A_179] {strides = array<i32>} : memref<4096xi32, #tpu.memory_space<vmem>>, vector<16xi32>,
      %get3A_181 = vector.shape_cast %get3A_180 : vector<16xi32> to vector<16xi32>
      %sub3A_182 = vector.broadcast %mul3A_119 : i32 to vector<16xi32>
      %sub3A_183 = arith.subi %get3A_181, %sub3A_182 : vector<16xi32>
      %ge3A_184 = arith.constant 0 : i32
      %ge3A_185 = vector.broadcast %ge3A_184 : i32 to vector<16xi32>
      %ge3A_186 = arith.cmpi sge, %sub3A_183, %ge3A_185 : vector<16xi32>
      %lt3A_187 = arith.constant 524288 : i32
      %lt3A_188 = vector.broadcast %lt3A_187 : i32 to vector<16xi32>
      %lt3A_189 = arith.cmpi slt, %sub3A_183, %lt3A_188 : vector<16xi32>
      %and3A_190 = arith.andi %ge3A_186, %lt3A_189 : vector<16xi1>
      %select_n3A_191 = arith.select %and3A_190, %sub3A_183, %add3A_17 : vector<16xi1>, vector<16xi32>
      %mul3A_192 = arith.constant 16 : i32
      %mul3A_193 = arith.muli %scan3A_176, %mul3A_192 : i32
      %swap3A_194 = arith.index_cast %mul3A_193 : i32 to index
      %swap3A_195 = tpu.vector_load %arg7[%swap3A_194] {strides = array<i32>} : memref<4096xi32, #tpu.memory_space<vmem>>, vector<16xi32>,
      %swap3A_196 = vector.shape_cast %swap3A_195 : vector<16xi32> to vector<16xi32>
      %swap3A_197 = vector.shape_cast %select_n3A_191 : vector<16xi32> to vector<16xi32>
      tpu.vector_store %arg7[%swap3A_194], %swap3A_197 {strides = array<i32>} : memref<4096xi32, #tpu.memory_space<vmem>>, vector<16xi32>,
      %scan3A_198 = arith.constant 3 : i32
      %scan3A_199 = arith.addi %scan3A_137, %scan3A_198 : i32
      %mul3A_200 = arith.constant 16 : i32
      %mul3A_201 = arith.muli %scan3A_199, %mul3A_200 : i32
      %get3A_202 = arith.index_cast %mul3A_201 : i32 to index
      %get3A_203 = tpu.vector_load %arg6[%get3A_202] {strides = array<i32>} : memref<4096xi32, #tpu.memory_space<vmem>>, vector<16xi32>,
      %get3A_204 = vector.shape_cast %get3A_203 : vector<16xi32> to vector<16xi32>
      %sub3A_205 = vector.broadcast %mul3A_119 : i32 to vector<16xi32>
      %sub3A_206 = arith.subi %get3A_204, %sub3A_205 : vector<16xi32>
      %ge3A_207 = arith.constant 0 : i32
      %ge3A_208 = vector.broadcast %ge3A_207 : i32 to vector<16xi32>
      %ge3A_209 = arith.cmpi sge, %sub3A_206, %ge3A_208 : vector<16xi32>
      %lt3A_210 = arith.constant 524288 : i32
      %lt3A_211 = vector.broadcast %lt3A_210 : i32 to vector<16xi32>
      %lt3A_212 = arith.cmpi slt, %sub3A_206, %lt3A_211 : vector<16xi32>
      %and3A_213 = arith.andi %ge3A_209, %lt3A_212 : vector<16xi1>
      %select_n3A_214 = arith.select %and3A_213, %sub3A_206, %add3A_17 : vector<16xi1>, vector<16xi32>
      %mul3A_215 = arith.constant 16 : i32
      %mul3A_216 = arith.muli %scan3A_199, %mul3A_215 : i32
      %swap3A_217 = arith.index_cast %mul3A_216 : i32 to index
      %swap3A_218 = tpu.vector_load %arg7[%swap3A_217] {strides = array<i32>} : memref<4096xi32, #tpu.memory_space<vmem>>, vector<16xi32>,
      %swap3A_219 = vector.shape_cast %swap3A_218 : vector<16xi32> to vector<16xi32>
      %swap3A_220 = vector.shape_cast %select_n3A_214 : vector<16xi32> to vector<16xi32>
      tpu.vector_store %arg7[%swap3A_217], %swap3A_220 {strides = array<i32>} : memref<4096xi32, #tpu.memory_space<vmem>>, vector<16xi32>,
    }
    %scan3A_128 = arith.constant 256 : i32
    "tpu.region"() ({
      %run_scoped3A = tpu.sem_alloc : memref<!tpu.dma_semaphore, #tpu.memory_space<semaphore_mem>>
      %dma_start3A_137 = arith.constant 0 : i32
      %dma_start3A_138 = tpu.memref_slice %arg10[%dma_start3A_137] : memref<526336xf32, #tpu.memory_space<vmem_shared>> -> memref<526336xf32, #tpu.memory_space<vmem_shared>>
      tpu.enqueue_indirect_dma source(%arg9 : memref<4096xf32, #tpu.memory_space<vmem>>) target(%dma_start3A_138 : memref<526336xf32, #tpu.memory_space<vmem_shared>>) offsets(%arg7 : memref<4096xi32, #tpu.memory_space<vmem>>) semaphore(%run_scoped3A : memref<!tpu.dma_semaphore, #tpu.memory_space<semaphore_mem>>) {add = true}
      %dma_wait3A_139 = arith.constant 0 : i32
      %dma_wait3A_140 = tpu.memref_slice %arg10[%dma_wait3A_139] : memref<526336xf32, #tpu.memory_space<vmem_shared>> -> memref<526336xf32, #tpu.memory_space<vmem_shared>>
      tpu.wait_indirect_dma semaphore(%run_scoped3A : memref<!tpu.dma_semaphore, #tpu.memory_space<semaphore_mem>>) src(%arg9 : memref<4096xf32, #tpu.memory_space<vmem>>) dst(%dma_wait3A_140 : memref<526336xf32, #tpu.memory_space<vmem_shared>>)
      tpu.yield
    }) : () -> ()
    %barrier3A_129 = arith.constant 0 : index
    tpu.barrier barrier_id(%barrier3A_129)
    %mul3A_130 = arith.constant 2048 : i32
    %mul3A_131 = arith.muli %add3A_117, %mul3A_130 : i32
    %mul3A_132 = arith.constant 32768 : i32
    %mul3A_133 = arith.muli %arg1, %mul3A_132 : i32
    %add3A_134 = arith.addi %mul3A_131, %mul3A_133 : i32
    %mul3A_135 = arith.constant 32768 : i32
    %mul3A_136 = arith.muli %arg1, %mul3A_135 : i32
    "tpu.region"() ({
      %run_scoped3A = tpu.sem_alloc : memref<!tpu.dma_semaphore, #tpu.memory_space<semaphore_mem>>
      %dma_start3A_137 = tpu.memref_slice %arg3[%add3A_134] : memref<4194304xf32, #tpu.memory_space<hbm>> -> memref<32768xf32, #tpu.memory_space<hbm>>
      %dma_start3A_138 = tpu.memref_slice %arg10[%mul3A_136] : memref<526336xf32, #tpu.memory_space<vmem_shared>> -> memref<32768xf32, #tpu.memory_space<vmem_shared>>
      tpu.enqueue_dma source(%dma_start3A_138 : memref<32768xf32, #tpu.memory_space<vmem_shared>>) target(%dma_start3A_137 : memref<32768xf32, #tpu.memory_space<hbm>>) target_semaphore(%run_scoped3A : memref<!tpu.dma_semaphore, #tpu.memory_space<semaphore_mem>>)
      %dma_wait3A_139 = tpu.memref_slice %arg3[%add3A_134] : memref<4194304xf32, #tpu.memory_space<hbm>> -> memref<32768xf32, #tpu.memory_space<hbm>>
      %dma_wait3A_140 = tpu.memref_slice %arg10[%mul3A_136] : memref<526336xf32, #tpu.memory_space<vmem_shared>> -> memref<32768xf32, #tpu.memory_space<vmem_shared>>
      tpu.wait_dma2 semaphore(%run_scoped3A : memref<!tpu.dma_semaphore, #tpu.memory_space<semaphore_mem>>) src(%dma_wait3A_140 : memref<32768xf32, #tpu.memory_space<vmem_shared>>) dst(%dma_wait3A_139 : memref<32768xf32, #tpu.memory_space<hbm>>)
      tpu.yield
    }) : () -> ()
    return
  }
}

module attributes {stable_mosaic.version = 14 : i64} {
  func.func @_k_adjin_deg_body(%arg0: i32, %arg1: memref<128x2048xf32, #tpu.memory_space<vmem>>, %arg2: memref<128x2048xf32, #tpu.memory_space<vmem>>, %arg3: memref<128x2048xf32, #tpu.memory_space<vmem>>, %arg4: memref<128x2048xf32, #tpu.memory_space<vmem>>, %arg5: memref<3x128x2048xbf16, #tpu.memory_space<vmem>>, %arg6: memref<3x1x128xf32, #tpu.memory_space<vmem>>, %arg7: memref<3x1x2048xf32, #tpu.memory_space<vmem>>) attributes {dimension_semantics = [#tpu.dimension_semantics<arbitrary>], iteration_bounds = array<i64: 16>, scalar_prefetch = 0 : i64, scratch_operands = 0 : i64, tpu.core_type = #tpu.core_type<tc>, window_params = [{transform_indices = @transform_0, window_bounds = array<i64: 128, 2048>}, {transform_indices = @transform_1, window_bounds = array<i64: 128, 2048>}, {transform_indices = @transform_2, window_bounds = array<i64: 128, 2048>}, {transform_indices = @transform_3, window_bounds = array<i64: 128, 2048>}, {transform_indices = @transform_4, window_bounds = array<i64: 3, 128, 2048>}, {transform_indices = @transform_5, window_bounds = array<i64: 3, 1, 128>}, {pipeline_mode = #tpu.pipeline_mode<synchronous>, transform_indices = @transform_6, window_bounds = array<i64: 3, 1, 2048>}]} {
    %get3A = arith.constant 0 : index
    %get3A_0 = arith.constant 0 : index
    %get3A_1 = vector.load %arg1[%get3A, %get3A_0] : memref<128x2048xf32, #tpu.memory_space<vmem>>, vector<128x2048xf32>
    %get3A_2 = arith.constant 0 : index
    %get3A_3 = arith.constant 0 : index
    %get3A_4 = vector.load %arg2[%get3A_2, %get3A_3] : memref<128x2048xf32, #tpu.memory_space<vmem>>, vector<128x2048xf32>
    %get3A_5 = arith.constant 0 : index
    %get3A_6 = arith.constant 0 : index
    %get3A_7 = vector.load %arg3[%get3A_5, %get3A_6] : memref<128x2048xf32, #tpu.memory_space<vmem>>, vector<128x2048xf32>
    %add3A = arith.addf %get3A_1, %get3A_4 : vector<128x2048xf32>
    %add3A_8 = arith.addf %add3A, %get3A_7 : vector<128x2048xf32>
    %swap3A = arith.constant 0 : index
    %swap3A_9 = arith.constant 0 : index
    %swap3A_10 = vector.load %arg4[%swap3A, %swap3A_9] : memref<128x2048xf32, #tpu.memory_space<vmem>>, vector<128x2048xf32>
    tpu.vector_store %arg4[%swap3A, %swap3A_9], %add3A_8 {strides = array<i32>} : memref<128x2048xf32, #tpu.memory_space<vmem>>, vector<128x2048xf32>,
    %stack3A = vector.shape_cast %get3A_1 : vector<128x2048xf32> to vector<1x128x2048xf32>
    %stack3A_11 = vector.shape_cast %get3A_4 : vector<128x2048xf32> to vector<1x128x2048xf32>
    %stack3A_12 = vector.shape_cast %get3A_7 : vector<128x2048xf32> to vector<1x128x2048xf32>
    %stack3A_13 = tpu.concatenate %stack3A, %stack3A_11, %stack3A_12 in 0 : vector<1x128x2048xf32>, vector<1x128x2048xf32>, vector<1x128x2048xf32> -> vector<3x128x2048xf32>
    %convert_element_type3A = arith.truncf %stack3A_13 : vector<3x128x2048xf32> to vector<3x128x2048xbf16>
    %swap3A_14 = arith.constant 0 : index
    %swap3A_15 = arith.constant 0 : index
    %swap3A_16 = arith.constant 0 : index
    %swap3A_17 = vector.load %arg5[%swap3A_14, %swap3A_15, %swap3A_16] : memref<3x128x2048xbf16, #tpu.memory_space<vmem>>, vector<3x128x2048xbf16>
    tpu.vector_store %arg5[%swap3A_14, %swap3A_15, %swap3A_16], %convert_element_type3A {strides = array<i32>} : memref<3x128x2048xbf16, #tpu.memory_space<vmem>>, vector<3x128x2048xbf16>,
    %reduce_sum3A = arith.constant dense<0.000000e+00> : vector<3x128xf32>
    %reduce_sum3A_18 = vector.multi_reduction <add>, %stack3A_13, %reduce_sum3A [2] : vector<3x128x2048xf32> to vector<3x128xf32>
    %broadcast_in_dim3A = vector.shape_cast %reduce_sum3A_18 : vector<3x128xf32> to vector<3x1x128xf32>
    %swap3A_19 = arith.constant 0 : index
    %swap3A_20 = arith.constant 0 : index
    %swap3A_21 = arith.constant 0 : index
    %swap3A_22 = vector.load %arg6[%swap3A_19, %swap3A_20, %swap3A_21] : memref<3x1x128xf32, #tpu.memory_space<vmem>>, vector<3x1x128xf32>
    tpu.vector_store %arg6[%swap3A_19, %swap3A_20, %swap3A_21], %broadcast_in_dim3A {strides = array<i32>} : memref<3x1x128xf32, #tpu.memory_space<vmem>>, vector<3x1x128xf32>,
    %eq3A = arith.constant 0 : i32
    %eq3A_23 = arith.cmpi eq, %arg0, %eq3A : i32
    %convert_element_type3A_24 = arith.extui %eq3A_23 : i1 to i32
    %cond3A = arith.constant 0 : i32
    %cond3A_25 = arith.cmpi ne, %convert_element_type3A_24, %cond3A : i32
    scf.if %cond3A_25 {
      %broadcast_in_dim3A_38 = arith.constant 0.000000e+00 : f32
      %broadcast_in_dim3A_39 = vector.broadcast %broadcast_in_dim3A_38 : f32 to vector<3x1x2048xf32>
      %swap3A_40 = arith.constant 0 : index
      %swap3A_41 = arith.constant 0 : index
      %swap3A_42 = arith.constant 0 : index
      %swap3A_43 = vector.load %arg7[%swap3A_40, %swap3A_41, %swap3A_42] : memref<3x1x2048xf32, #tpu.memory_space<vmem>>, vector<3x1x2048xf32>
      tpu.vector_store %arg7[%swap3A_40, %swap3A_41, %swap3A_42], %broadcast_in_dim3A_39 {strides = array<i32>} : memref<3x1x2048xf32, #tpu.memory_space<vmem>>, vector<3x1x2048xf32>,
    } else {
    }
    %get3A_26 = arith.constant 0 : index
    %get3A_27 = arith.constant 0 : index
    %get3A_28 = arith.constant 0 : index
    %get3A_29 = vector.load %arg7[%get3A_26, %get3A_27, %get3A_28] : memref<3x1x2048xf32, #tpu.memory_space<vmem>>, vector<3x1x2048xf32>
    %reduce_sum3A_30 = arith.constant dense<0.000000e+00> : vector<3x2048xf32>
    %reduce_sum3A_31 = vector.multi_reduction <add>, %stack3A_13, %reduce_sum3A_30 [1] : vector<3x128x2048xf32> to vector<3x2048xf32>
    %broadcast_in_dim3A_32 = vector.shape_cast %reduce_sum3A_31 : vector<3x2048xf32> to vector<3x1x2048xf32>
    %add3A_33 = arith.addf %get3A_29, %broadcast_in_dim3A_32 : vector<3x1x2048xf32>
    %swap3A_34 = arith.constant 0 : index
    %swap3A_35 = arith.constant 0 : index
    %swap3A_36 = arith.constant 0 : index
    %swap3A_37 = vector.load %arg7[%swap3A_34, %swap3A_35, %swap3A_36] : memref<3x1x2048xf32, #tpu.memory_space<vmem>>, vector<3x1x2048xf32>
    tpu.vector_store %arg7[%swap3A_34, %swap3A_35, %swap3A_36], %add3A_33 {strides = array<i32>} : memref<3x1x2048xf32, #tpu.memory_space<vmem>>, vector<3x1x2048xf32>,
    return
  }
  func.func @transform_0(%arg0: i32) -> (i32, i32) {
    %c0_i32 = arith.constant 0 : i32
    %c0_i32_0 = arith.constant 0 : i32
    return %arg0, %c0_i32 : i32, i32
  }
  func.func @transform_1(%arg0: i32) -> (i32, i32) {
    %c0_i32 = arith.constant 0 : i32
    %c0_i32_0 = arith.constant 0 : i32
    return %arg0, %c0_i32 : i32, i32
  }
  func.func @transform_2(%arg0: i32) -> (i32, i32) {
    %c0_i32 = arith.constant 0 : i32
    %c0_i32_0 = arith.constant 0 : i32
    return %arg0, %c0_i32 : i32, i32
  }
  func.func @transform_3(%arg0: i32) -> (i32, i32) {
    %c0_i32 = arith.constant 0 : i32
    %c0_i32_0 = arith.constant 0 : i32
    return %arg0, %c0_i32 : i32, i32
  }
  func.func @transform_4(%arg0: i32) -> (i32, i32, i32) {
    %c0_i32 = arith.constant 0 : i32
    %c0_i32_0 = arith.constant 0 : i32
    %c0_i32_1 = arith.constant 0 : i32
    return %c0_i32, %arg0, %c0_i32_0 : i32, i32, i32
  }
  func.func @transform_5(%arg0: i32) -> (i32, i32, i32) {
    %c0_i32 = arith.constant 0 : i32
    %c0_i32_0 = arith.constant 0 : i32
    %c0_i32_1 = arith.constant 0 : i32
    return %c0_i32, %c0_i32_0, %arg0 : i32, i32, i32
  }
  func.func @transform_6(%arg0: i32) -> (i32, i32, i32) {
    %c0_i32 = arith.constant 0 : i32
    %c0_i32_0 = arith.constant 0 : i32
    %c0_i32_1 = arith.constant 0 : i32
    %c0_i32_2 = arith.constant 0 : i32
    return %c0_i32, %c0_i32_0, %c0_i32_1 : i32, i32, i32
  }
}

module attributes {stable_mosaic.version = 14 : i64} {
  func.func @_k_hs3_body(%arg0: memref<2048x256xf32, #tpu.memory_space<vmem>>, %arg1: memref<2048x256xf32, #tpu.memory_space<vmem>>, %arg2: memref<2048x256xf32, #tpu.memory_space<vmem>>, %arg3: memref<3x256x128xf32, #tpu.memory_space<vmem>>, %arg4: memref<3x1x2048xf32, #tpu.memory_space<vmem>>, %arg5: memref<3x2048x128xbf16, #tpu.memory_space<vmem>>, %arg6: memref<3x2048x128xbf16, #tpu.memory_space<vmem>>) attributes {dimension_semantics = [], scalar_prefetch = 0 : i64, scratch_operands = 0 : i64, tpu.core_type = #tpu.core_type<tc>} {
    %get3A = arith.constant 0 : index
    %get3A_0 = arith.constant 0 : index
    %get3A_1 = arith.constant 0 : index
    %get3A_2 = vector.load %arg4[%get3A, %get3A_0, %get3A_1] : memref<3x1x2048xf32, #tpu.memory_space<vmem>>, vector<1x1x2048xf32>
    %get3A_3 = vector.shape_cast %get3A_2 : vector<1x1x2048xf32> to vector<2048xf32>
    %max3A = arith.constant 1.000000e+00 : f32
    %max3A_4 = vector.broadcast %max3A : f32 to vector<2048xf32>
    %max3A_5 = arith.maximumf %get3A_3, %max3A_4 : vector<2048xf32>
    %rsqrt3A = math.rsqrt %max3A_5 : vector<2048xf32>
    %get3A_6 = arith.constant 0 : index
    %get3A_7 = arith.constant 0 : index
    %get3A_8 = vector.load %arg0[%get3A_6, %get3A_7] : memref<2048x256xf32, #tpu.memory_space<vmem>>, vector<2048x256xf32>
    %get3A_9 = arith.constant 0 : index
    %get3A_10 = arith.constant 0 : index
    %get3A_11 = arith.constant 0 : index
    %get3A_12 = vector.load %arg3[%get3A_9, %get3A_10, %get3A_11] : memref<3x256x128xf32, #tpu.memory_space<vmem>>, vector<1x256x128xf32>
    %get3A_13 = vector.shape_cast %get3A_12 : vector<1x256x128xf32> to vector<256x128xf32>
    %dot_general3A = arith.constant dense<0.000000e+00> : vector<2048x128xf32>
    %dot_general3A_14 = tpu.matmul %get3A_8, %get3A_13, %dot_general3A {dimension_numbers = #tpu.dot_dimension_numbers<[1], [0], [0], [1], [0, 0, 1, 1], [], []>, transpose_lhs_hint = false} : vector<2048x256xf32>, vector<256x128xf32>, vector<2048x128xf32> -> vector<2048x128xf32>
    %broadcast_in_dim3A = vector.shape_cast %rsqrt3A : vector<2048xf32> to vector<2048x1xf32>
    %mul3A = vector.broadcast %broadcast_in_dim3A : vector<2048x1xf32> to vector<2048x128xf32>
    %mul3A_15 = arith.mulf %dot_general3A_14, %mul3A : vector<2048x128xf32>
    %convert_element_type3A = arith.truncf %mul3A_15 : vector<2048x128xf32> to vector<2048x128xbf16>
    %convert_element_type3A_16 = arith.extf %convert_element_type3A : vector<2048x128xbf16> to vector<2048x128xf32>
    %sub3A = arith.subf %mul3A_15, %convert_element_type3A_16 : vector<2048x128xf32>
    %convert_element_type3A_17 = arith.truncf %sub3A : vector<2048x128xf32> to vector<2048x128xbf16>
    %swap3A = arith.constant 0 : index
    %swap3A_18 = arith.constant 0 : index
    %swap3A_19 = arith.constant 0 : index
    %swap3A_20 = vector.load %arg5[%swap3A, %swap3A_18, %swap3A_19] : memref<3x2048x128xbf16, #tpu.memory_space<vmem>>, vector<1x2048x128xbf16>
    %swap3A_21 = vector.shape_cast %swap3A_20 : vector<1x2048x128xbf16> to vector<2048x128xbf16>
    %swap3A_22 = vector.shape_cast %convert_element_type3A : vector<2048x128xbf16> to vector<1x2048x128xbf16>
    tpu.vector_store %arg5[%swap3A, %swap3A_18, %swap3A_19], %swap3A_22 {strides = array<i32>} : memref<3x2048x128xbf16, #tpu.memory_space<vmem>>, vector<1x2048x128xbf16>,
    %swap3A_23 = arith.constant 0 : index
    %swap3A_24 = arith.constant 0 : index
    %swap3A_25 = arith.constant 0 : index
    %swap3A_26 = vector.load %arg6[%swap3A_23, %swap3A_24, %swap3A_25] : memref<3x2048x128xbf16, #tpu.memory_space<vmem>>, vector<1x2048x128xbf16>
    %swap3A_27 = vector.shape_cast %swap3A_26 : vector<1x2048x128xbf16> to vector<2048x128xbf16>
    %swap3A_28 = vector.shape_cast %convert_element_type3A_17 : vector<2048x128xbf16> to vector<1x2048x128xbf16>
    tpu.vector_store %arg6[%swap3A_23, %swap3A_24, %swap3A_25], %swap3A_28 {strides = array<i32>} : memref<3x2048x128xbf16, #tpu.memory_space<vmem>>, vector<1x2048x128xbf16>,
    %get3A_29 = arith.constant 1 : index
    %get3A_30 = arith.constant 0 : index
    %get3A_31 = arith.constant 0 : index
    %get3A_32 = vector.load %arg4[%get3A_29, %get3A_30, %get3A_31] : memref<3x1x2048xf32, #tpu.memory_space<vmem>>, vector<1x1x2048xf32>
    %get3A_33 = vector.shape_cast %get3A_32 : vector<1x1x2048xf32> to vector<2048xf32>
    %max3A_34 = arith.constant 1.000000e+00 : f32
    %max3A_35 = vector.broadcast %max3A_34 : f32 to vector<2048xf32>
    %max3A_36 = arith.maximumf %get3A_33, %max3A_35 : vector<2048xf32>
    %rsqrt3A_37 = math.rsqrt %max3A_36 : vector<2048xf32>
    %get3A_38 = arith.constant 0 : index
    %get3A_39 = arith.constant 0 : index
    %get3A_40 = vector.load %arg1[%get3A_38, %get3A_39] : memref<2048x256xf32, #tpu.memory_space<vmem>>, vector<2048x256xf32>
    %get3A_41 = arith.constant 1 : index
    %get3A_42 = arith.constant 0 : index
    %get3A_43 = arith.constant 0 : index
    %get3A_44 = vector.load %arg3[%get3A_41, %get3A_42, %get3A_43] : memref<3x256x128xf32, #tpu.memory_space<vmem>>, vector<1x256x128xf32>
    %get3A_45 = vector.shape_cast %get3A_44 : vector<1x256x128xf32> to vector<256x128xf32>
    %dot_general3A_46 = arith.constant dense<0.000000e+00> : vector<2048x128xf32>
    %dot_general3A_47 = tpu.matmul %get3A_40, %get3A_45, %dot_general3A_46 {dimension_numbers = #tpu.dot_dimension_numbers<[1], [0], [0], [1], [0, 0, 1, 1], [], []>, transpose_lhs_hint = false} : vector<2048x256xf32>, vector<256x128xf32>, vector<2048x128xf32> -> vector<2048x128xf32>
    %broadcast_in_dim3A_48 = vector.shape_cast %rsqrt3A_37 : vector<2048xf32> to vector<2048x1xf32>
    %mul3A_49 = vector.broadcast %broadcast_in_dim3A_48 : vector<2048x1xf32> to vector<2048x128xf32>
    %mul3A_50 = arith.mulf %dot_general3A_47, %mul3A_49 : vector<2048x128xf32>
    %convert_element_type3A_51 = arith.truncf %mul3A_50 : vector<2048x128xf32> to vector<2048x128xbf16>
    %convert_element_type3A_52 = arith.extf %convert_element_type3A_51 : vector<2048x128xbf16> to vector<2048x128xf32>
    %sub3A_53 = arith.subf %mul3A_50, %convert_element_type3A_52 : vector<2048x128xf32>
    %convert_element_type3A_54 = arith.truncf %sub3A_53 : vector<2048x128xf32> to vector<2048x128xbf16>
    %swap3A_55 = arith.constant 1 : index
    %swap3A_56 = arith.constant 0 : index
    %swap3A_57 = arith.constant 0 : index
    %swap3A_58 = vector.load %arg5[%swap3A_55, %swap3A_56, %swap3A_57] : memref<3x2048x128xbf16, #tpu.memory_space<vmem>>, vector<1x2048x128xbf16>
    %swap3A_59 = vector.shape_cast %swap3A_58 : vector<1x2048x128xbf16> to vector<2048x128xbf16>
    %swap3A_60 = vector.shape_cast %convert_element_type3A_51 : vector<2048x128xbf16> to vector<1x2048x128xbf16>
    tpu.vector_store %arg5[%swap3A_55, %swap3A_56, %swap3A_57], %swap3A_60 {strides = array<i32>} : memref<3x2048x128xbf16, #tpu.memory_space<vmem>>, vector<1x2048x128xbf16>,
    %swap3A_61 = arith.constant 1 : index
    %swap3A_62 = arith.constant 0 : index
    %swap3A_63 = arith.constant 0 : index
    %swap3A_64 = vector.load %arg6[%swap3A_61, %swap3A_62, %swap3A_63] : memref<3x2048x128xbf16, #tpu.memory_space<vmem>>, vector<1x2048x128xbf16>
    %swap3A_65 = vector.shape_cast %swap3A_64 : vector<1x2048x128xbf16> to vector<2048x128xbf16>
    %swap3A_66 = vector.shape_cast %convert_element_type3A_54 : vector<2048x128xbf16> to vector<1x2048x128xbf16>
    tpu.vector_store %arg6[%swap3A_61, %swap3A_62, %swap3A_63], %swap3A_66 {strides = array<i32>} : memref<3x2048x128xbf16, #tpu.memory_space<vmem>>, vector<1x2048x128xbf16>,
    %get3A_67 = arith.constant 2 : index
    %get3A_68 = arith.constant 0 : index
    %get3A_69 = arith.constant 0 : index
    %get3A_70 = vector.load %arg4[%get3A_67, %get3A_68, %get3A_69] : memref<3x1x2048xf32, #tpu.memory_space<vmem>>, vector<1x1x2048xf32>
    %get3A_71 = vector.shape_cast %get3A_70 : vector<1x1x2048xf32> to vector<2048xf32>
    %max3A_72 = arith.constant 1.000000e+00 : f32
    %max3A_73 = vector.broadcast %max3A_72 : f32 to vector<2048xf32>
    %max3A_74 = arith.maximumf %get3A_71, %max3A_73 : vector<2048xf32>
    %rsqrt3A_75 = math.rsqrt %max3A_74 : vector<2048xf32>
    %get3A_76 = arith.constant 0 : index
    %get3A_77 = arith.constant 0 : index
    %get3A_78 = vector.load %arg2[%get3A_76, %get3A_77] : memref<2048x256xf32, #tpu.memory_space<vmem>>, vector<2048x256xf32>
    %get3A_79 = arith.constant 2 : index
    %get3A_80 = arith.constant 0 : index
    %get3A_81 = arith.constant 0 : index
    %get3A_82 = vector.load %arg3[%get3A_79, %get3A_80, %get3A_81] : memref<3x256x128xf32, #tpu.memory_space<vmem>>, vector<1x256x128xf32>
    %get3A_83 = vector.shape_cast %get3A_82 : vector<1x256x128xf32> to vector<256x128xf32>
    %dot_general3A_84 = arith.constant dense<0.000000e+00> : vector<2048x128xf32>
    %dot_general3A_85 = tpu.matmul %get3A_78, %get3A_83, %dot_general3A_84 {dimension_numbers = #tpu.dot_dimension_numbers<[1], [0], [0], [1], [0, 0, 1, 1], [], []>, transpose_lhs_hint = false} : vector<2048x256xf32>, vector<256x128xf32>, vector<2048x128xf32> -> vector<2048x128xf32>
    %broadcast_in_dim3A_86 = vector.shape_cast %rsqrt3A_75 : vector<2048xf32> to vector<2048x1xf32>
    %mul3A_87 = vector.broadcast %broadcast_in_dim3A_86 : vector<2048x1xf32> to vector<2048x128xf32>
    %mul3A_88 = arith.mulf %dot_general3A_85, %mul3A_87 : vector<2048x128xf32>
    %convert_element_type3A_89 = arith.truncf %mul3A_88 : vector<2048x128xf32> to vector<2048x128xbf16>
    %convert_element_type3A_90 = arith.extf %convert_element_type3A_89 : vector<2048x128xbf16> to vector<2048x128xf32>
    %sub3A_91 = arith.subf %mul3A_88, %convert_element_type3A_90 : vector<2048x128xf32>
    %convert_element_type3A_92 = arith.truncf %sub3A_91 : vector<2048x128xf32> to vector<2048x128xbf16>
    %swap3A_93 = arith.constant 2 : index
    %swap3A_94 = arith.constant 0 : index
    %swap3A_95 = arith.constant 0 : index
    %swap3A_96 = vector.load %arg5[%swap3A_93, %swap3A_94, %swap3A_95] : memref<3x2048x128xbf16, #tpu.memory_space<vmem>>, vector<1x2048x128xbf16>
    %swap3A_97 = vector.shape_cast %swap3A_96 : vector<1x2048x128xbf16> to vector<2048x128xbf16>
    %swap3A_98 = vector.shape_cast %convert_element_type3A_89 : vector<2048x128xbf16> to vector<1x2048x128xbf16>
    tpu.vector_store %arg5[%swap3A_93, %swap3A_94, %swap3A_95], %swap3A_98 {strides = array<i32>} : memref<3x2048x128xbf16, #tpu.memory_space<vmem>>, vector<1x2048x128xbf16>,
    %swap3A_99 = arith.constant 2 : index
    %swap3A_100 = arith.constant 0 : index
    %swap3A_101 = arith.constant 0 : index
    %swap3A_102 = vector.load %arg6[%swap3A_99, %swap3A_100, %swap3A_101] : memref<3x2048x128xbf16, #tpu.memory_space<vmem>>, vector<1x2048x128xbf16>
    %swap3A_103 = vector.shape_cast %swap3A_102 : vector<1x2048x128xbf16> to vector<2048x128xbf16>
    %swap3A_104 = vector.shape_cast %convert_element_type3A_92 : vector<2048x128xbf16> to vector<1x2048x128xbf16>
    tpu.vector_store %arg6[%swap3A_99, %swap3A_100, %swap3A_101], %swap3A_104 {strides = array<i32>} : memref<3x2048x128xbf16, #tpu.memory_space<vmem>>, vector<1x2048x128xbf16>,
    return
  }
}

module attributes {stable_mosaic.version = 14 : i64} {
  func.func @_k_agg_body(%arg0: i32, %arg1: memref<1x2048x2048xbf16, #tpu.memory_space<vmem>>, %arg2: memref<1x2048x128xbf16, #tpu.memory_space<vmem>>, %arg3: memref<1x2048x128xbf16, #tpu.memory_space<vmem>>, %arg4: memref<1x1x2048xf32, #tpu.memory_space<vmem>>, %arg5: memref<1x1x128xf32, #tpu.memory_space<vmem>>, %arg6: memref<1x2048x128xf32, #tpu.memory_space<vmem>>) attributes {dimension_semantics = [#tpu.dimension_semantics<arbitrary>], iteration_bounds = array<i64: 3>, scalar_prefetch = 0 : i64, scratch_operands = 0 : i64, tpu.core_type = #tpu.core_type<tc>, window_params = [{transform_indices = @transform_0, window_bounds = array<i64: 1, 2048, 2048>}, {transform_indices = @transform_1, window_bounds = array<i64: 1, 2048, 128>}, {transform_indices = @transform_2, window_bounds = array<i64: 1, 2048, 128>}, {transform_indices = @transform_3, window_bounds = array<i64: 1, 1, 2048>}, {transform_indices = @transform_4, window_bounds = array<i64: 1, 1, 128>}, {transform_indices = @transform_5, window_bounds = array<i64: 1, 2048, 128>}]} {
    %get3A = arith.constant 0 : index
    %get3A_0 = arith.constant 0 : index
    %get3A_1 = arith.constant 0 : index
    %get3A_2 = vector.load %arg1[%get3A, %get3A_0, %get3A_1] : memref<1x2048x2048xbf16, #tpu.memory_space<vmem>>, vector<1x2048x2048xbf16>
    %get3A_3 = vector.shape_cast %get3A_2 : vector<1x2048x2048xbf16> to vector<2048x2048xbf16>
    %get3A_4 = arith.constant 0 : index
    %get3A_5 = arith.constant 0 : index
    %get3A_6 = arith.constant 0 : index
    %get3A_7 = vector.load %arg2[%get3A_4, %get3A_5, %get3A_6] : memref<1x2048x128xbf16, #tpu.memory_space<vmem>>, vector<1x2048x128xbf16>
    %get3A_8 = vector.shape_cast %get3A_7 : vector<1x2048x128xbf16> to vector<2048x128xbf16>
    %dot_general3A = arith.constant dense<0.000000e+00> : vector<2048x128xf32>
    %dot_general3A_9 = tpu.matmul %get3A_3, %get3A_8, %dot_general3A {dimension_numbers = #tpu.dot_dimension_numbers<[0], [0], [1], [1], [0, 1, 1, 1], [], []>, transpose_lhs_hint = false} : vector<2048x2048xbf16>, vector<2048x128xbf16>, vector<2048x128xf32> -> vector<2048x128xf32>
    %get3A_10 = arith.constant 0 : index
    %get3A_11 = arith.constant 0 : index
    %get3A_12 = arith.constant 0 : index
    %get3A_13 = vector.load %arg3[%get3A_10, %get3A_11, %get3A_12] : memref<1x2048x128xbf16, #tpu.memory_space<vmem>>, vector<1x2048x128xbf16>
    %get3A_14 = vector.shape_cast %get3A_13 : vector<1x2048x128xbf16> to vector<2048x128xbf16>
    %dot_general3A_15 = arith.constant dense<0.000000e+00> : vector<2048x128xf32>
    %dot_general3A_16 = tpu.matmul %get3A_3, %get3A_14, %dot_general3A_15 {dimension_numbers = #tpu.dot_dimension_numbers<[0], [0], [1], [1], [0, 1, 1, 1], [], []>, transpose_lhs_hint = false} : vector<2048x2048xbf16>, vector<2048x128xbf16>, vector<2048x128xf32> -> vector<2048x128xf32>
    %add3A = arith.addf %dot_general3A_9, %dot_general3A_16 : vector<2048x128xf32>
    %get3A_17 = arith.constant 0 : index
    %get3A_18 = arith.constant 0 : index
    %get3A_19 = arith.constant 0 : index
    %get3A_20 = vector.load %arg4[%get3A_17, %get3A_18, %get3A_19] : memref<1x1x2048xf32, #tpu.memory_space<vmem>>, vector<1x1x2048xf32>
    %get3A_21 = vector.shape_cast %get3A_20 : vector<1x1x2048xf32> to vector<2048xf32>
    %max3A = arith.constant 1.000000e+00 : f32
    %max3A_22 = vector.broadcast %max3A : f32 to vector<2048xf32>
    %max3A_23 = arith.maximumf %get3A_21, %max3A_22 : vector<2048xf32>
    %rsqrt3A = math.rsqrt %max3A_23 : vector<2048xf32>
    %broadcast_in_dim3A = vector.shape_cast %rsqrt3A : vector<2048xf32> to vector<2048x1xf32>
    %mul3A = vector.broadcast %broadcast_in_dim3A : vector<2048x1xf32> to vector<2048x128xf32>
    %mul3A_24 = arith.mulf %add3A, %mul3A : vector<2048x128xf32>
    %get3A_25 = arith.constant 0 : index
    %get3A_26 = arith.constant 0 : index
    %get3A_27 = arith.constant 0 : index
    %get3A_28 = vector.load %arg5[%get3A_25, %get3A_26, %get3A_27] : memref<1x1x128xf32, #tpu.memory_space<vmem>>, vector<1x1x128xf32>
    %get3A_29 = vector.shape_cast %get3A_28 : vector<1x1x128xf32> to vector<128xf32>
    %broadcast_in_dim3A_30 = vector.shape_cast %get3A_29 : vector<128xf32> to vector<1x128xf32>
    %add3A_31 = vector.broadcast %broadcast_in_dim3A_30 : vector<1x128xf32> to vector<2048x128xf32>
    %add3A_32 = arith.addf %mul3A_24, %add3A_31 : vector<2048x128xf32>
    %max3A_33 = arith.constant 0.000000e+00 : f32
    %max3A_34 = vector.broadcast %max3A_33 : f32 to vector<2048x128xf32>
    %max3A_35 = arith.maximumf %add3A_32, %max3A_34 : vector<2048x128xf32>
    %swap3A = arith.constant 0 : index
    %swap3A_36 = arith.constant 0 : index
    %swap3A_37 = arith.constant 0 : index
    %swap3A_38 = vector.load %arg6[%swap3A, %swap3A_36, %swap3A_37] : memref<1x2048x128xf32, #tpu.memory_space<vmem>>, vector<1x2048x128xf32>
    %swap3A_39 = vector.shape_cast %swap3A_38 : vector<1x2048x128xf32> to vector<2048x128xf32>
    %swap3A_40 = vector.shape_cast %max3A_35 : vector<2048x128xf32> to vector<1x2048x128xf32>
    tpu.vector_store %arg6[%swap3A, %swap3A_36, %swap3A_37], %swap3A_40 {strides = array<i32>} : memref<1x2048x128xf32, #tpu.memory_space<vmem>>, vector<1x2048x128xf32>,
    return
  }
  func.func @transform_0(%arg0: i32) -> (i32, i32, i32) {
    %c0_i32 = arith.constant 0 : i32
    %c0_i32_0 = arith.constant 0 : i32
    %c0_i32_1 = arith.constant 0 : i32
    return %arg0, %c0_i32, %c0_i32_0 : i32, i32, i32
  }
  func.func @transform_1(%arg0: i32) -> (i32, i32, i32) {
    %c0_i32 = arith.constant 0 : i32
    %c0_i32_0 = arith.constant 0 : i32
    %c0_i32_1 = arith.constant 0 : i32
    return %arg0, %c0_i32, %c0_i32_0 : i32, i32, i32
  }
  func.func @transform_2(%arg0: i32) -> (i32, i32, i32) {
    %c0_i32 = arith.constant 0 : i32
    %c0_i32_0 = arith.constant 0 : i32
    %c0_i32_1 = arith.constant 0 : i32
    return %arg0, %c0_i32, %c0_i32_0 : i32, i32, i32
  }
  func.func @transform_3(%arg0: i32) -> (i32, i32, i32) {
    %c0_i32 = arith.constant 0 : i32
    %c0_i32_0 = arith.constant 0 : i32
    %c0_i32_1 = arith.constant 0 : i32
    return %arg0, %c0_i32, %c0_i32_0 : i32, i32, i32
  }
  func.func @transform_4(%arg0: i32) -> (i32, i32, i32) {
    %c0_i32 = arith.constant 0 : i32
    %c0_i32_0 = arith.constant 0 : i32
    %c0_i32_1 = arith.constant 0 : i32
    return %arg0, %c0_i32, %c0_i32_0 : i32, i32, i32
  }
  func.func @transform_5(%arg0: i32) -> (i32, i32, i32) {
    %c0_i32 = arith.constant 0 : i32
    %c0_i32_0 = arith.constant 0 : i32
    %c0_i32_1 = arith.constant 0 : i32
    return %arg0, %c0_i32, %c0_i32_0 : i32, i32, i32
  }
}

module attributes {stable_mosaic.version = 14 : i64} {
  func.func @_k_gfn_body(%arg0: i32, %arg1: memref<256x2048xf32, #tpu.memory_space<vmem>>, %arg2: memref<2048x1024xf32, #tpu.memory_space<vmem>>, %arg3: memref<1x1024xf32, #tpu.memory_space<vmem>>, %arg4: memref<1024x2048xf32, #tpu.memory_space<vmem>>, %arg5: memref<1x2048xf32, #tpu.memory_space<vmem>>, %arg6: memref<256x2048xf32, #tpu.memory_space<vmem>>) attributes {dimension_semantics = [#tpu.dimension_semantics<arbitrary>], iteration_bounds = array<i64: 8>, scalar_prefetch = 0 : i64, scratch_operands = 0 : i64, tpu.core_type = #tpu.core_type<tc>, window_params = [{transform_indices = @transform_0, window_bounds = array<i64: 256, 2048>}, {pipeline_mode = #tpu.pipeline_mode<synchronous>, transform_indices = @transform_1, window_bounds = array<i64: 2048, 1024>}, {pipeline_mode = #tpu.pipeline_mode<synchronous>, transform_indices = @transform_2, window_bounds = array<i64: 1, 1024>}, {pipeline_mode = #tpu.pipeline_mode<synchronous>, transform_indices = @transform_3, window_bounds = array<i64: 1024, 2048>}, {pipeline_mode = #tpu.pipeline_mode<synchronous>, transform_indices = @transform_4, window_bounds = array<i64: 1, 2048>}, {transform_indices = @transform_5, window_bounds = array<i64: 256, 2048>}]} {
    %get3A = arith.constant 0 : index
    %get3A_0 = arith.constant 0 : index
    %get3A_1 = vector.load %arg1[%get3A, %get3A_0] : memref<256x2048xf32, #tpu.memory_space<vmem>>, vector<256x2048xf32>
    %get3A_2 = arith.constant 0 : index
    %get3A_3 = arith.constant 0 : index
    %get3A_4 = vector.load %arg2[%get3A_2, %get3A_3] : memref<2048x1024xf32, #tpu.memory_space<vmem>>, vector<2048x1024xf32>
    %dot_general3A = arith.constant dense<0.000000e+00> : vector<256x1024xf32>
    %dot_general3A_5 = tpu.matmul %get3A_1, %get3A_4, %dot_general3A {dimension_numbers = #tpu.dot_dimension_numbers<[1], [0], [0], [1], [0, 0, 1, 1], [], []>, transpose_lhs_hint = false} : vector<256x2048xf32>, vector<2048x1024xf32>, vector<256x1024xf32> -> vector<256x1024xf32>
    %get3A_6 = arith.constant 0 : index
    %get3A_7 = arith.constant 0 : index
    %get3A_8 = vector.load %arg3[%get3A_6, %get3A_7] : memref<1x1024xf32, #tpu.memory_space<vmem>>, vector<1x1024xf32>
    %get3A_9 = vector.shape_cast %get3A_8 : vector<1x1024xf32> to vector<1024xf32>
    %broadcast_in_dim3A = vector.shape_cast %get3A_9 : vector<1024xf32> to vector<1x1024xf32>
    %add3A = vector.broadcast %broadcast_in_dim3A : vector<1x1024xf32> to vector<256x1024xf32>
    %add3A_10 = arith.addf %dot_general3A_5, %add3A : vector<256x1024xf32>
    %max3A = arith.constant 0.000000e+00 : f32
    %max3A_11 = vector.broadcast %max3A : f32 to vector<256x1024xf32>
    %max3A_12 = arith.maximumf %add3A_10, %max3A_11 : vector<256x1024xf32>
    %get3A_13 = arith.constant 0 : index
    %get3A_14 = arith.constant 0 : index
    %get3A_15 = vector.load %arg4[%get3A_13, %get3A_14] : memref<1024x2048xf32, #tpu.memory_space<vmem>>, vector<1024x2048xf32>
    %dot_general3A_16 = arith.constant dense<0.000000e+00> : vector<256x2048xf32>
    %dot_general3A_17 = tpu.matmul %max3A_12, %get3A_15, %dot_general3A_16 {dimension_numbers = #tpu.dot_dimension_numbers<[1], [0], [0], [1], [0, 0, 1, 1], [], []>, transpose_lhs_hint = false} : vector<256x1024xf32>, vector<1024x2048xf32>, vector<256x2048xf32> -> vector<256x2048xf32>
    %get3A_18 = arith.constant 0 : index
    %get3A_19 = arith.constant 0 : index
    %get3A_20 = vector.load %arg5[%get3A_18, %get3A_19] : memref<1x2048xf32, #tpu.memory_space<vmem>>, vector<1x2048xf32>
    %get3A_21 = vector.shape_cast %get3A_20 : vector<1x2048xf32> to vector<2048xf32>
    %broadcast_in_dim3A_22 = vector.shape_cast %get3A_21 : vector<2048xf32> to vector<1x2048xf32>
    %add3A_23 = vector.broadcast %broadcast_in_dim3A_22 : vector<1x2048xf32> to vector<256x2048xf32>
    %add3A_24 = arith.addf %dot_general3A_17, %add3A_23 : vector<256x2048xf32>
    %jit3A = arith.constant 0.000000e+00 : f32
    %jit3A_25 = arith.constant 1.000000e+00 : f32
    %max3A_26 = vector.broadcast %jit3A : f32 to vector<256x2048xf32>
    %max3A_27 = arith.maximumf %max3A_26, %add3A_24 : vector<256x2048xf32>
    %min3A = vector.broadcast %jit3A_25 : f32 to vector<256x2048xf32>
    %min3A_28 = arith.minimumf %min3A, %max3A_27 : vector<256x2048xf32>
    %add3A_29 = arith.constant 1.000000e-01 : f32
    %add3A_30 = vector.broadcast %add3A_29 : f32 to vector<256x2048xf32>
    %add3A_31 = arith.addf %min3A_28, %add3A_30 : vector<256x2048xf32>
    %round3A = math.roundeven %add3A_31 : vector<256x2048xf32>
    %swap3A = arith.constant 0 : index
    %swap3A_32 = arith.constant 0 : index
    %swap3A_33 = vector.load %arg6[%swap3A, %swap3A_32] : memref<256x2048xf32, #tpu.memory_space<vmem>>, vector<256x2048xf32>
    tpu.vector_store %arg6[%swap3A, %swap3A_32], %round3A {strides = array<i32>} : memref<256x2048xf32, #tpu.memory_space<vmem>>, vector<256x2048xf32>,
    return
  }
  func.func @transform_0(%arg0: i32) -> (i32, i32) {
    %c0_i32 = arith.constant 0 : i32
    %c0_i32_0 = arith.constant 0 : i32
    return %arg0, %c0_i32 : i32, i32
  }
  func.func @transform_1(%arg0: i32) -> (i32, i32) {
    %c0_i32 = arith.constant 0 : i32
    %c0_i32_0 = arith.constant 0 : i32
    %c0_i32_1 = arith.constant 0 : i32
    return %c0_i32, %c0_i32_0 : i32, i32
  }
  func.func @transform_2(%arg0: i32) -> (i32, i32) {
    %c0_i32 = arith.constant 0 : i32
    %c0_i32_0 = arith.constant 0 : i32
    %c0_i32_1 = arith.constant 0 : i32
    return %c0_i32, %c0_i32_0 : i32, i32
  }
  func.func @transform_3(%arg0: i32) -> (i32, i32) {
    %c0_i32 = arith.constant 0 : i32
    %c0_i32_0 = arith.constant 0 : i32
    %c0_i32_1 = arith.constant 0 : i32
    return %c0_i32, %c0_i32_0 : i32, i32
  }
  func.func @transform_4(%arg0: i32) -> (i32, i32) {
    %c0_i32 = arith.constant 0 : i32
    %c0_i32_0 = arith.constant 0 : i32
    %c0_i32_1 = arith.constant 0 : i32
    return %c0_i32, %c0_i32_0 : i32, i32
  }
  func.func @transform_5(%arg0: i32) -> (i32, i32) {
    %c0_i32 = arith.constant 0 : i32
    %c0_i32_0 = arith.constant 0 : i32
    return %arg0, %c0_i32 : i32, i32
  }
}

module attributes {stable_mosaic.version = 14 : i64} {
  func.func @_k_abuild_body(%arg0: i32, %arg1: i32, %arg2: memref<512x512xf32, #tpu.memory_space<vmem>>, %arg3: memref<512x512xf32, #tpu.memory_space<vmem>>, %arg4: memref<512x512xf32, #tpu.memory_space<vmem>>, %arg5: memref<1x512xf32, #tpu.memory_space<vmem>>) attributes {dimension_semantics = [#tpu.dimension_semantics<arbitrary>, #tpu.dimension_semantics<arbitrary>], iteration_bounds = array<i64: 4, 4>, scalar_prefetch = 0 : i64, scratch_operands = 0 : i64, tpu.core_type = #tpu.core_type<tc>, window_params = [{transform_indices = @transform_0, window_bounds = array<i64: 512, 512>}, {transform_indices = @transform_1, window_bounds = array<i64: 512, 512>}, {transform_indices = @transform_2, window_bounds = array<i64: 512, 512>}, {transform_indices = @transform_3, window_bounds = array<i64: 1, 512>}]} {
    %get3A = arith.constant 0 : index
    %get3A_0 = arith.constant 0 : index
    %get3A_1 = vector.load %arg2[%get3A, %get3A_0] : memref<512x512xf32, #tpu.memory_space<vmem>>, vector<512x512xf32>
    %get3A_2 = arith.constant 0 : index
    %get3A_3 = arith.constant 0 : index
    %get3A_4 = vector.load %arg3[%get3A_2, %get3A_3] : memref<512x512xf32, #tpu.memory_space<vmem>>, vector<512x512xf32>
    %transpose3A = tpu.transpose %get3A_4, [1, 0] : vector<512x512xf32> -> vector<512x512xf32>
    %add3A = arith.addf %get3A_1, %transpose3A : vector<512x512xf32>
    %iota3A = tpu.iota {dimensions = array<i32: 0>} : vector<512x512xi32>
    %mul3A = arith.constant 512 : i32
    %mul3A_5 = arith.muli %arg0, %mul3A : i32
    %add3A_6 = vector.broadcast %mul3A_5 : i32 to vector<512x512xi32>
    %add3A_7 = arith.addi %iota3A, %add3A_6 : vector<512x512xi32>
    %iota3A_8 = tpu.iota {dimensions = array<i32: 1>} : vector<512x512xi32>
    %mul3A_9 = arith.constant 512 : i32
    %mul3A_10 = arith.muli %arg1, %mul3A_9 : i32
    %add3A_11 = vector.broadcast %mul3A_10 : i32 to vector<512x512xi32>
    %add3A_12 = arith.addi %iota3A_8, %add3A_11 : vector<512x512xi32>
    %ne3A = arith.constant 0.000000e+00 : f32
    %ne3A_13 = vector.broadcast %ne3A : f32 to vector<512x512xf32>
    %ne3A_14 = arith.cmpf one, %add3A, %ne3A_13 : vector<512x512xf32>
    %convert_element_type3A = arith.extui %ne3A_14 : vector<512x512xi1> to vector<512x512xi32>
    %convert_element_type3A_15 = arith.sitofp %convert_element_type3A : vector<512x512xi32> to vector<512x512xf32>
    %eq3A = arith.cmpi eq, %add3A_7, %add3A_12 : vector<512x512xi32>
    %convert_element_type3A_16 = arith.extui %eq3A : vector<512x512xi1> to vector<512x512xi32>
    %convert_element_type3A_17 = arith.sitofp %convert_element_type3A_16 : vector<512x512xi32> to vector<512x512xf32>
    %add3A_18 = arith.addf %convert_element_type3A_15, %convert_element_type3A_17 : vector<512x512xf32>
    %swap3A = arith.constant 0 : index
    %swap3A_19 = arith.constant 0 : index
    %swap3A_20 = vector.load %arg4[%swap3A, %swap3A_19] : memref<512x512xf32, #tpu.memory_space<vmem>>, vector<512x512xf32>
    tpu.vector_store %arg4[%swap3A, %swap3A_19], %add3A_18 {strides = array<i32>} : memref<512x512xf32, #tpu.memory_space<vmem>>, vector<512x512xf32>,
    %eq3A_21 = arith.constant 0 : i32
    %eq3A_22 = arith.cmpi eq, %arg1, %eq3A_21 : i32
    %convert_element_type3A_23 = arith.extui %eq3A_22 : i1 to i32
    %cond3A = arith.constant 0 : i32
    %cond3A_24 = arith.cmpi ne, %convert_element_type3A_23, %cond3A : i32
    scf.if %cond3A_24 {
      %broadcast_in_dim3A_33 = arith.constant 0.000000e+00 : f32
      %broadcast_in_dim3A_34 = vector.broadcast %broadcast_in_dim3A_33 : f32 to vector<1x512xf32>
      %swap3A_35 = arith.constant 0 : index
      %swap3A_36 = arith.constant 0 : index
      %swap3A_37 = vector.load %arg5[%swap3A_35, %swap3A_36] : memref<1x512xf32, #tpu.memory_space<vmem>>, vector<1x512xf32>
      tpu.vector_store %arg5[%swap3A_35, %swap3A_36], %broadcast_in_dim3A_34 {strides = array<i32>} : memref<1x512xf32, #tpu.memory_space<vmem>>, vector<1x512xf32>,
    } else {
    }
    %get3A_25 = arith.constant 0 : index
    %get3A_26 = arith.constant 0 : index
    %get3A_27 = vector.load %arg5[%get3A_25, %get3A_26] : memref<1x512xf32, #tpu.memory_space<vmem>>, vector<1x512xf32>
    %reduce_sum3A = arith.constant dense<0.000000e+00> : vector<512xf32>
    %reduce_sum3A_28 = vector.multi_reduction <add>, %add3A_18, %reduce_sum3A [1] : vector<512x512xf32> to vector<512xf32>
    %broadcast_in_dim3A = vector.shape_cast %reduce_sum3A_28 : vector<512xf32> to vector<1x512xf32>
    %add3A_29 = arith.addf %get3A_27, %broadcast_in_dim3A : vector<1x512xf32>
    %swap3A_30 = arith.constant 0 : index
    %swap3A_31 = arith.constant 0 : index
    %swap3A_32 = vector.load %arg5[%swap3A_30, %swap3A_31] : memref<1x512xf32, #tpu.memory_space<vmem>>, vector<1x512xf32>
    tpu.vector_store %arg5[%swap3A_30, %swap3A_31], %add3A_29 {strides = array<i32>} : memref<1x512xf32, #tpu.memory_space<vmem>>, vector<1x512xf32>,
    return
  }
  func.func @transform_0(%arg0: i32, %arg1: i32) -> (i32, i32) {
    %c0_i32 = arith.constant 0 : i32
    return %arg0, %arg1 : i32, i32
  }
  func.func @transform_1(%arg0: i32, %arg1: i32) -> (i32, i32) {
    %c0_i32 = arith.constant 0 : i32
    return %arg1, %arg0 : i32, i32
  }
  func.func @transform_2(%arg0: i32, %arg1: i32) -> (i32, i32) {
    %c0_i32 = arith.constant 0 : i32
    return %arg0, %arg1 : i32, i32
  }
  func.func @transform_3(%arg0: i32, %arg1: i32) -> (i32, i32) {
    %c0_i32 = arith.constant 0 : i32
    %c0_i32_0 = arith.constant 0 : i32
    return %c0_i32, %arg0 : i32, i32
  }
}

module attributes {stable_mosaic.version = 14 : i64} {
  func.func @_k_hs3_body(%arg0: memref<2048x128xf32, #tpu.memory_space<vmem>>, %arg1: memref<2048x128xf32, #tpu.memory_space<vmem>>, %arg2: memref<2048x128xf32, #tpu.memory_space<vmem>>, %arg3: memref<3x128x64xf32, #tpu.memory_space<vmem>>, %arg4: memref<3x1x2048xf32, #tpu.memory_space<vmem>>, %arg5: memref<3x2048x64xbf16, #tpu.memory_space<vmem>>, %arg6: memref<3x2048x64xbf16, #tpu.memory_space<vmem>>) attributes {dimension_semantics = [], scalar_prefetch = 0 : i64, scratch_operands = 0 : i64, tpu.core_type = #tpu.core_type<tc>} {
    %get3A = arith.constant 0 : index
    %get3A_0 = arith.constant 0 : index
    %get3A_1 = arith.constant 0 : index
    %get3A_2 = vector.load %arg4[%get3A, %get3A_0, %get3A_1] : memref<3x1x2048xf32, #tpu.memory_space<vmem>>, vector<1x1x2048xf32>
    %get3A_3 = vector.shape_cast %get3A_2 : vector<1x1x2048xf32> to vector<2048xf32>
    %max3A = arith.constant 1.000000e+00 : f32
    %max3A_4 = vector.broadcast %max3A : f32 to vector<2048xf32>
    %max3A_5 = arith.maximumf %get3A_3, %max3A_4 : vector<2048xf32>
    %rsqrt3A = math.rsqrt %max3A_5 : vector<2048xf32>
    %get3A_6 = arith.constant 0 : index
    %get3A_7 = arith.constant 0 : index
    %get3A_8 = vector.load %arg0[%get3A_6, %get3A_7] : memref<2048x128xf32, #tpu.memory_space<vmem>>, vector<2048x128xf32>
    %get3A_9 = arith.constant 0 : index
    %get3A_10 = arith.constant 0 : index
    %get3A_11 = arith.constant 0 : index
    %get3A_12 = vector.load %arg3[%get3A_9, %get3A_10, %get3A_11] : memref<3x128x64xf32, #tpu.memory_space<vmem>>, vector<1x128x64xf32>
    %get3A_13 = vector.shape_cast %get3A_12 : vector<1x128x64xf32> to vector<128x64xf32>
    %dot_general3A = arith.constant dense<0.000000e+00> : vector<2048x64xf32>
    %dot_general3A_14 = tpu.matmul %get3A_8, %get3A_13, %dot_general3A {dimension_numbers = #tpu.dot_dimension_numbers<[1], [0], [0], [1], [0, 0, 1, 1], [], []>, transpose_lhs_hint = false} : vector<2048x128xf32>, vector<128x64xf32>, vector<2048x64xf32> -> vector<2048x64xf32>
    %broadcast_in_dim3A = vector.shape_cast %rsqrt3A : vector<2048xf32> to vector<2048x1xf32>
    %mul3A = vector.broadcast %broadcast_in_dim3A : vector<2048x1xf32> to vector<2048x64xf32>
    %mul3A_15 = arith.mulf %dot_general3A_14, %mul3A : vector<2048x64xf32>
    %convert_element_type3A = arith.truncf %mul3A_15 : vector<2048x64xf32> to vector<2048x64xbf16>
    %convert_element_type3A_16 = arith.extf %convert_element_type3A : vector<2048x64xbf16> to vector<2048x64xf32>
    %sub3A = arith.subf %mul3A_15, %convert_element_type3A_16 : vector<2048x64xf32>
    %convert_element_type3A_17 = arith.truncf %sub3A : vector<2048x64xf32> to vector<2048x64xbf16>
    %swap3A = arith.constant 0 : index
    %swap3A_18 = arith.constant 0 : index
    %swap3A_19 = arith.constant 0 : index
    %swap3A_20 = vector.load %arg5[%swap3A, %swap3A_18, %swap3A_19] : memref<3x2048x64xbf16, #tpu.memory_space<vmem>>, vector<1x2048x64xbf16>
    %swap3A_21 = vector.shape_cast %swap3A_20 : vector<1x2048x64xbf16> to vector<2048x64xbf16>
    %swap3A_22 = vector.shape_cast %convert_element_type3A : vector<2048x64xbf16> to vector<1x2048x64xbf16>
    tpu.vector_store %arg5[%swap3A, %swap3A_18, %swap3A_19], %swap3A_22 {strides = array<i32>} : memref<3x2048x64xbf16, #tpu.memory_space<vmem>>, vector<1x2048x64xbf16>,
    %swap3A_23 = arith.constant 0 : index
    %swap3A_24 = arith.constant 0 : index
    %swap3A_25 = arith.constant 0 : index
    %swap3A_26 = vector.load %arg6[%swap3A_23, %swap3A_24, %swap3A_25] : memref<3x2048x64xbf16, #tpu.memory_space<vmem>>, vector<1x2048x64xbf16>
    %swap3A_27 = vector.shape_cast %swap3A_26 : vector<1x2048x64xbf16> to vector<2048x64xbf16>
    %swap3A_28 = vector.shape_cast %convert_element_type3A_17 : vector<2048x64xbf16> to vector<1x2048x64xbf16>
    tpu.vector_store %arg6[%swap3A_23, %swap3A_24, %swap3A_25], %swap3A_28 {strides = array<i32>} : memref<3x2048x64xbf16, #tpu.memory_space<vmem>>, vector<1x2048x64xbf16>,
    %get3A_29 = arith.constant 1 : index
    %get3A_30 = arith.constant 0 : index
    %get3A_31 = arith.constant 0 : index
    %get3A_32 = vector.load %arg4[%get3A_29, %get3A_30, %get3A_31] : memref<3x1x2048xf32, #tpu.memory_space<vmem>>, vector<1x1x2048xf32>
    %get3A_33 = vector.shape_cast %get3A_32 : vector<1x1x2048xf32> to vector<2048xf32>
    %max3A_34 = arith.constant 1.000000e+00 : f32
    %max3A_35 = vector.broadcast %max3A_34 : f32 to vector<2048xf32>
    %max3A_36 = arith.maximumf %get3A_33, %max3A_35 : vector<2048xf32>
    %rsqrt3A_37 = math.rsqrt %max3A_36 : vector<2048xf32>
    %get3A_38 = arith.constant 0 : index
    %get3A_39 = arith.constant 0 : index
    %get3A_40 = vector.load %arg1[%get3A_38, %get3A_39] : memref<2048x128xf32, #tpu.memory_space<vmem>>, vector<2048x128xf32>
    %get3A_41 = arith.constant 1 : index
    %get3A_42 = arith.constant 0 : index
    %get3A_43 = arith.constant 0 : index
    %get3A_44 = vector.load %arg3[%get3A_41, %get3A_42, %get3A_43] : memref<3x128x64xf32, #tpu.memory_space<vmem>>, vector<1x128x64xf32>
    %get3A_45 = vector.shape_cast %get3A_44 : vector<1x128x64xf32> to vector<128x64xf32>
    %dot_general3A_46 = arith.constant dense<0.000000e+00> : vector<2048x64xf32>
    %dot_general3A_47 = tpu.matmul %get3A_40, %get3A_45, %dot_general3A_46 {dimension_numbers = #tpu.dot_dimension_numbers<[1], [0], [0], [1], [0, 0, 1, 1], [], []>, transpose_lhs_hint = false} : vector<2048x128xf32>, vector<128x64xf32>, vector<2048x64xf32> -> vector<2048x64xf32>
    %broadcast_in_dim3A_48 = vector.shape_cast %rsqrt3A_37 : vector<2048xf32> to vector<2048x1xf32>
    %mul3A_49 = vector.broadcast %broadcast_in_dim3A_48 : vector<2048x1xf32> to vector<2048x64xf32>
    %mul3A_50 = arith.mulf %dot_general3A_47, %mul3A_49 : vector<2048x64xf32>
    %convert_element_type3A_51 = arith.truncf %mul3A_50 : vector<2048x64xf32> to vector<2048x64xbf16>
    %convert_element_type3A_52 = arith.extf %convert_element_type3A_51 : vector<2048x64xbf16> to vector<2048x64xf32>
    %sub3A_53 = arith.subf %mul3A_50, %convert_element_type3A_52 : vector<2048x64xf32>
    %convert_element_type3A_54 = arith.truncf %sub3A_53 : vector<2048x64xf32> to vector<2048x64xbf16>
    %swap3A_55 = arith.constant 1 : index
    %swap3A_56 = arith.constant 0 : index
    %swap3A_57 = arith.constant 0 : index
    %swap3A_58 = vector.load %arg5[%swap3A_55, %swap3A_56, %swap3A_57] : memref<3x2048x64xbf16, #tpu.memory_space<vmem>>, vector<1x2048x64xbf16>
    %swap3A_59 = vector.shape_cast %swap3A_58 : vector<1x2048x64xbf16> to vector<2048x64xbf16>
    %swap3A_60 = vector.shape_cast %convert_element_type3A_51 : vector<2048x64xbf16> to vector<1x2048x64xbf16>
    tpu.vector_store %arg5[%swap3A_55, %swap3A_56, %swap3A_57], %swap3A_60 {strides = array<i32>} : memref<3x2048x64xbf16, #tpu.memory_space<vmem>>, vector<1x2048x64xbf16>,
    %swap3A_61 = arith.constant 1 : index
    %swap3A_62 = arith.constant 0 : index
    %swap3A_63 = arith.constant 0 : index
    %swap3A_64 = vector.load %arg6[%swap3A_61, %swap3A_62, %swap3A_63] : memref<3x2048x64xbf16, #tpu.memory_space<vmem>>, vector<1x2048x64xbf16>
    %swap3A_65 = vector.shape_cast %swap3A_64 : vector<1x2048x64xbf16> to vector<2048x64xbf16>
    %swap3A_66 = vector.shape_cast %convert_element_type3A_54 : vector<2048x64xbf16> to vector<1x2048x64xbf16>
    tpu.vector_store %arg6[%swap3A_61, %swap3A_62, %swap3A_63], %swap3A_66 {strides = array<i32>} : memref<3x2048x64xbf16, #tpu.memory_space<vmem>>, vector<1x2048x64xbf16>,
    %get3A_67 = arith.constant 2 : index
    %get3A_68 = arith.constant 0 : index
    %get3A_69 = arith.constant 0 : index
    %get3A_70 = vector.load %arg4[%get3A_67, %get3A_68, %get3A_69] : memref<3x1x2048xf32, #tpu.memory_space<vmem>>, vector<1x1x2048xf32>
    %get3A_71 = vector.shape_cast %get3A_70 : vector<1x1x2048xf32> to vector<2048xf32>
    %max3A_72 = arith.constant 1.000000e+00 : f32
    %max3A_73 = vector.broadcast %max3A_72 : f32 to vector<2048xf32>
    %max3A_74 = arith.maximumf %get3A_71, %max3A_73 : vector<2048xf32>
    %rsqrt3A_75 = math.rsqrt %max3A_74 : vector<2048xf32>
    %get3A_76 = arith.constant 0 : index
    %get3A_77 = arith.constant 0 : index
    %get3A_78 = vector.load %arg2[%get3A_76, %get3A_77] : memref<2048x128xf32, #tpu.memory_space<vmem>>, vector<2048x128xf32>
    %get3A_79 = arith.constant 2 : index
    %get3A_80 = arith.constant 0 : index
    %get3A_81 = arith.constant 0 : index
    %get3A_82 = vector.load %arg3[%get3A_79, %get3A_80, %get3A_81] : memref<3x128x64xf32, #tpu.memory_space<vmem>>, vector<1x128x64xf32>
    %get3A_83 = vector.shape_cast %get3A_82 : vector<1x128x64xf32> to vector<128x64xf32>
    %dot_general3A_84 = arith.constant dense<0.000000e+00> : vector<2048x64xf32>
    %dot_general3A_85 = tpu.matmul %get3A_78, %get3A_83, %dot_general3A_84 {dimension_numbers = #tpu.dot_dimension_numbers<[1], [0], [0], [1], [0, 0, 1, 1], [], []>, transpose_lhs_hint = false} : vector<2048x128xf32>, vector<128x64xf32>, vector<2048x64xf32> -> vector<2048x64xf32>
    %broadcast_in_dim3A_86 = vector.shape_cast %rsqrt3A_75 : vector<2048xf32> to vector<2048x1xf32>
    %mul3A_87 = vector.broadcast %broadcast_in_dim3A_86 : vector<2048x1xf32> to vector<2048x64xf32>
    %mul3A_88 = arith.mulf %dot_general3A_85, %mul3A_87 : vector<2048x64xf32>
    %convert_element_type3A_89 = arith.truncf %mul3A_88 : vector<2048x64xf32> to vector<2048x64xbf16>
    %convert_element_type3A_90 = arith.extf %convert_element_type3A_89 : vector<2048x64xbf16> to vector<2048x64xf32>
    %sub3A_91 = arith.subf %mul3A_88, %convert_element_type3A_90 : vector<2048x64xf32>
    %convert_element_type3A_92 = arith.truncf %sub3A_91 : vector<2048x64xf32> to vector<2048x64xbf16>
    %swap3A_93 = arith.constant 2 : index
    %swap3A_94 = arith.constant 0 : index
    %swap3A_95 = arith.constant 0 : index
    %swap3A_96 = vector.load %arg5[%swap3A_93, %swap3A_94, %swap3A_95] : memref<3x2048x64xbf16, #tpu.memory_space<vmem>>, vector<1x2048x64xbf16>
    %swap3A_97 = vector.shape_cast %swap3A_96 : vector<1x2048x64xbf16> to vector<2048x64xbf16>
    %swap3A_98 = vector.shape_cast %convert_element_type3A_89 : vector<2048x64xbf16> to vector<1x2048x64xbf16>
    tpu.vector_store %arg5[%swap3A_93, %swap3A_94, %swap3A_95], %swap3A_98 {strides = array<i32>} : memref<3x2048x64xbf16, #tpu.memory_space<vmem>>, vector<1x2048x64xbf16>,
    %swap3A_99 = arith.constant 2 : index
    %swap3A_100 = arith.constant 0 : index
    %swap3A_101 = arith.constant 0 : index
    %swap3A_102 = vector.load %arg6[%swap3A_99, %swap3A_100, %swap3A_101] : memref<3x2048x64xbf16, #tpu.memory_space<vmem>>, vector<1x2048x64xbf16>
    %swap3A_103 = vector.shape_cast %swap3A_102 : vector<1x2048x64xbf16> to vector<2048x64xbf16>
    %swap3A_104 = vector.shape_cast %convert_element_type3A_92 : vector<2048x64xbf16> to vector<1x2048x64xbf16>
    tpu.vector_store %arg6[%swap3A_99, %swap3A_100, %swap3A_101], %swap3A_104 {strides = array<i32>} : memref<3x2048x64xbf16, #tpu.memory_space<vmem>>, vector<1x2048x64xbf16>,
    return
  }
}

module attributes {stable_mosaic.version = 14 : i64} {
  func.func @_k_agg_body(%arg0: i32, %arg1: memref<1x2048x2048xbf16, #tpu.memory_space<vmem>>, %arg2: memref<1x2048x64xbf16, #tpu.memory_space<vmem>>, %arg3: memref<1x2048x64xbf16, #tpu.memory_space<vmem>>, %arg4: memref<1x1x2048xf32, #tpu.memory_space<vmem>>, %arg5: memref<1x1x64xf32, #tpu.memory_space<vmem>>, %arg6: memref<1x2048x64xf32, #tpu.memory_space<vmem>>) attributes {dimension_semantics = [#tpu.dimension_semantics<arbitrary>], iteration_bounds = array<i64: 3>, scalar_prefetch = 0 : i64, scratch_operands = 0 : i64, tpu.core_type = #tpu.core_type<tc>, window_params = [{transform_indices = @transform_0, window_bounds = array<i64: 1, 2048, 2048>}, {transform_indices = @transform_1, window_bounds = array<i64: 1, 2048, 64>}, {transform_indices = @transform_2, window_bounds = array<i64: 1, 2048, 64>}, {transform_indices = @transform_3, window_bounds = array<i64: 1, 1, 2048>}, {transform_indices = @transform_4, window_bounds = array<i64: 1, 1, 64>}, {transform_indices = @transform_5, window_bounds = array<i64: 1, 2048, 64>}]} {
    %get3A = arith.constant 0 : index
    %get3A_0 = arith.constant 0 : index
    %get3A_1 = arith.constant 0 : index
    %get3A_2 = vector.load %arg1[%get3A, %get3A_0, %get3A_1] : memref<1x2048x2048xbf16, #tpu.memory_space<vmem>>, vector<1x2048x2048xbf16>
    %get3A_3 = vector.shape_cast %get3A_2 : vector<1x2048x2048xbf16> to vector<2048x2048xbf16>
    %get3A_4 = arith.constant 0 : index
    %get3A_5 = arith.constant 0 : index
    %get3A_6 = arith.constant 0 : index
    %get3A_7 = vector.load %arg2[%get3A_4, %get3A_5, %get3A_6] : memref<1x2048x64xbf16, #tpu.memory_space<vmem>>, vector<1x2048x64xbf16>
    %get3A_8 = vector.shape_cast %get3A_7 : vector<1x2048x64xbf16> to vector<2048x64xbf16>
    %dot_general3A = arith.constant dense<0.000000e+00> : vector<2048x64xf32>
    %dot_general3A_9 = tpu.matmul %get3A_3, %get3A_8, %dot_general3A {dimension_numbers = #tpu.dot_dimension_numbers<[0], [0], [1], [1], [0, 1, 1, 1], [], []>, transpose_lhs_hint = false} : vector<2048x2048xbf16>, vector<2048x64xbf16>, vector<2048x64xf32> -> vector<2048x64xf32>
    %get3A_10 = arith.constant 0 : index
    %get3A_11 = arith.constant 0 : index
    %get3A_12 = arith.constant 0 : index
    %get3A_13 = vector.load %arg3[%get3A_10, %get3A_11, %get3A_12] : memref<1x2048x64xbf16, #tpu.memory_space<vmem>>, vector<1x2048x64xbf16>
    %get3A_14 = vector.shape_cast %get3A_13 : vector<1x2048x64xbf16> to vector<2048x64xbf16>
    %dot_general3A_15 = arith.constant dense<0.000000e+00> : vector<2048x64xf32>
    %dot_general3A_16 = tpu.matmul %get3A_3, %get3A_14, %dot_general3A_15 {dimension_numbers = #tpu.dot_dimension_numbers<[0], [0], [1], [1], [0, 1, 1, 1], [], []>, transpose_lhs_hint = false} : vector<2048x2048xbf16>, vector<2048x64xbf16>, vector<2048x64xf32> -> vector<2048x64xf32>
    %add3A = arith.addf %dot_general3A_9, %dot_general3A_16 : vector<2048x64xf32>
    %get3A_17 = arith.constant 0 : index
    %get3A_18 = arith.constant 0 : index
    %get3A_19 = arith.constant 0 : index
    %get3A_20 = vector.load %arg4[%get3A_17, %get3A_18, %get3A_19] : memref<1x1x2048xf32, #tpu.memory_space<vmem>>, vector<1x1x2048xf32>
    %get3A_21 = vector.shape_cast %get3A_20 : vector<1x1x2048xf32> to vector<2048xf32>
    %max3A = arith.constant 1.000000e+00 : f32
    %max3A_22 = vector.broadcast %max3A : f32 to vector<2048xf32>
    %max3A_23 = arith.maximumf %get3A_21, %max3A_22 : vector<2048xf32>
    %rsqrt3A = math.rsqrt %max3A_23 : vector<2048xf32>
    %broadcast_in_dim3A = vector.shape_cast %rsqrt3A : vector<2048xf32> to vector<2048x1xf32>
    %mul3A = vector.broadcast %broadcast_in_dim3A : vector<2048x1xf32> to vector<2048x64xf32>
    %mul3A_24 = arith.mulf %add3A, %mul3A : vector<2048x64xf32>
    %get3A_25 = arith.constant 0 : index
    %get3A_26 = arith.constant 0 : index
    %get3A_27 = arith.constant 0 : index
    %get3A_28 = vector.load %arg5[%get3A_25, %get3A_26, %get3A_27] : memref<1x1x64xf32, #tpu.memory_space<vmem>>, vector<1x1x64xf32>
    %get3A_29 = vector.shape_cast %get3A_28 : vector<1x1x64xf32> to vector<64xf32>
    %broadcast_in_dim3A_30 = vector.shape_cast %get3A_29 : vector<64xf32> to vector<1x64xf32>
    %add3A_31 = vector.broadcast %broadcast_in_dim3A_30 : vector<1x64xf32> to vector<2048x64xf32>
    %add3A_32 = arith.addf %mul3A_24, %add3A_31 : vector<2048x64xf32>
    %swap3A = arith.constant 0 : index
    %swap3A_33 = arith.constant 0 : index
    %swap3A_34 = arith.constant 0 : index
    %swap3A_35 = vector.load %arg6[%swap3A, %swap3A_33, %swap3A_34] : memref<1x2048x64xf32, #tpu.memory_space<vmem>>, vector<1x2048x64xf32>
    %swap3A_36 = vector.shape_cast %swap3A_35 : vector<1x2048x64xf32> to vector<2048x64xf32>
    %swap3A_37 = vector.shape_cast %add3A_32 : vector<2048x64xf32> to vector<1x2048x64xf32>
    tpu.vector_store %arg6[%swap3A, %swap3A_33, %swap3A_34], %swap3A_37 {strides = array<i32>} : memref<1x2048x64xf32, #tpu.memory_space<vmem>>, vector<1x2048x64xf32>,
    return
  }
  func.func @transform_0(%arg0: i32) -> (i32, i32, i32) {
    %c0_i32 = arith.constant 0 : i32
    %c0_i32_0 = arith.constant 0 : i32
    %c0_i32_1 = arith.constant 0 : i32
    return %arg0, %c0_i32, %c0_i32_0 : i32, i32, i32
  }
  func.func @transform_1(%arg0: i32) -> (i32, i32, i32) {
    %c0_i32 = arith.constant 0 : i32
    %c0_i32_0 = arith.constant 0 : i32
    %c0_i32_1 = arith.constant 0 : i32
    return %arg0, %c0_i32, %c0_i32_0 : i32, i32, i32
  }
  func.func @transform_2(%arg0: i32) -> (i32, i32, i32) {
    %c0_i32 = arith.constant 0 : i32
    %c0_i32_0 = arith.constant 0 : i32
    %c0_i32_1 = arith.constant 0 : i32
    return %arg0, %c0_i32, %c0_i32_0 : i32, i32, i32
  }
  func.func @transform_3(%arg0: i32) -> (i32, i32, i32) {
    %c0_i32 = arith.constant 0 : i32
    %c0_i32_0 = arith.constant 0 : i32
    %c0_i32_1 = arith.constant 0 : i32
    return %arg0, %c0_i32, %c0_i32_0 : i32, i32, i32
  }
  func.func @transform_4(%arg0: i32) -> (i32, i32, i32) {
    %c0_i32 = arith.constant 0 : i32
    %c0_i32_0 = arith.constant 0 : i32
    %c0_i32_1 = arith.constant 0 : i32
    return %arg0, %c0_i32, %c0_i32_0 : i32, i32, i32
  }
  func.func @transform_5(%arg0: i32) -> (i32, i32, i32) {
    %c0_i32 = arith.constant 0 : i32
    %c0_i32_0 = arith.constant 0 : i32
    %c0_i32_1 = arith.constant 0 : i32
    return %arg0, %c0_i32, %c0_i32_0 : i32, i32, i32
  }
}

module attributes {stable_mosaic.version = 14 : i64} {
  func.func @_k_fuse_body(%arg0: memref<3x2048x64xf32, #tpu.memory_space<vmem>>, %arg1: memref<3x64x64xf32, #tpu.memory_space<vmem>>, %arg2: memref<2048x64xf32, #tpu.memory_space<vmem>>) attributes {dimension_semantics = [], scalar_prefetch = 0 : i64, scratch_operands = 0 : i64, tpu.core_type = #tpu.core_type<tc>} {
    %get3A = arith.constant 0 : index
    %get3A_0 = arith.constant 0 : index
    %get3A_1 = arith.constant 0 : index
    %get3A_2 = vector.load %arg0[%get3A, %get3A_0, %get3A_1] : memref<3x2048x64xf32, #tpu.memory_space<vmem>>, vector<1x2048x64xf32>
    %get3A_3 = vector.shape_cast %get3A_2 : vector<1x2048x64xf32> to vector<2048x64xf32>
    %get3A_4 = arith.constant 0 : index
    %get3A_5 = arith.constant 0 : index
    %get3A_6 = arith.constant 0 : index
    %get3A_7 = vector.load %arg1[%get3A_4, %get3A_5, %get3A_6] : memref<3x64x64xf32, #tpu.memory_space<vmem>>, vector<1x64x64xf32>
    %get3A_8 = vector.shape_cast %get3A_7 : vector<1x64x64xf32> to vector<64x64xf32>
    %dot_general3A = arith.constant dense<0.000000e+00> : vector<2048x64xf32>
    %dot_general3A_9 = tpu.matmul %get3A_3, %get3A_8, %dot_general3A {dimension_numbers = #tpu.dot_dimension_numbers<[1], [0], [0], [1], [0, 0, 1, 1], [], []>, transpose_lhs_hint = false} : vector<2048x64xf32>, vector<64x64xf32>, vector<2048x64xf32> -> vector<2048x64xf32>
    %get3A_10 = arith.constant 1 : index
    %get3A_11 = arith.constant 0 : index
    %get3A_12 = arith.constant 0 : index
    %get3A_13 = vector.load %arg0[%get3A_10, %get3A_11, %get3A_12] : memref<3x2048x64xf32, #tpu.memory_space<vmem>>, vector<1x2048x64xf32>
    %get3A_14 = vector.shape_cast %get3A_13 : vector<1x2048x64xf32> to vector<2048x64xf32>
    %get3A_15 = arith.constant 1 : index
    %get3A_16 = arith.constant 0 : index
    %get3A_17 = arith.constant 0 : index
    %get3A_18 = vector.load %arg1[%get3A_15, %get3A_16, %get3A_17] : memref<3x64x64xf32, #tpu.memory_space<vmem>>, vector<1x64x64xf32>
    %get3A_19 = vector.shape_cast %get3A_18 : vector<1x64x64xf32> to vector<64x64xf32>
    %dot_general3A_20 = arith.constant dense<0.000000e+00> : vector<2048x64xf32>
    %dot_general3A_21 = tpu.matmul %get3A_14, %get3A_19, %dot_general3A_20 {dimension_numbers = #tpu.dot_dimension_numbers<[1], [0], [0], [1], [0, 0, 1, 1], [], []>, transpose_lhs_hint = false} : vector<2048x64xf32>, vector<64x64xf32>, vector<2048x64xf32> -> vector<2048x64xf32>
    %add3A = arith.addf %dot_general3A_9, %dot_general3A_21 : vector<2048x64xf32>
    %get3A_22 = arith.constant 2 : index
    %get3A_23 = arith.constant 0 : index
    %get3A_24 = arith.constant 0 : index
    %get3A_25 = vector.load %arg0[%get3A_22, %get3A_23, %get3A_24] : memref<3x2048x64xf32, #tpu.memory_space<vmem>>, vector<1x2048x64xf32>
    %get3A_26 = vector.shape_cast %get3A_25 : vector<1x2048x64xf32> to vector<2048x64xf32>
    %get3A_27 = arith.constant 2 : index
    %get3A_28 = arith.constant 0 : index
    %get3A_29 = arith.constant 0 : index
    %get3A_30 = vector.load %arg1[%get3A_27, %get3A_28, %get3A_29] : memref<3x64x64xf32, #tpu.memory_space<vmem>>, vector<1x64x64xf32>
    %get3A_31 = vector.shape_cast %get3A_30 : vector<1x64x64xf32> to vector<64x64xf32>
    %dot_general3A_32 = arith.constant dense<0.000000e+00> : vector<2048x64xf32>
    %dot_general3A_33 = tpu.matmul %get3A_26, %get3A_31, %dot_general3A_32 {dimension_numbers = #tpu.dot_dimension_numbers<[1], [0], [0], [1], [0, 0, 1, 1], [], []>, transpose_lhs_hint = false} : vector<2048x64xf32>, vector<64x64xf32>, vector<2048x64xf32> -> vector<2048x64xf32>
    %add3A_34 = arith.addf %add3A, %dot_general3A_33 : vector<2048x64xf32>
    %reduce_max3A = arith.constant dense<0xFF800000> : vector<2048xf32>
    %reduce_max3A_35 = vector.multi_reduction <maximumf>, %add3A_34, %reduce_max3A [1] : vector<2048x64xf32> to vector<2048xf32>
    %broadcast_in_dim3A = vector.shape_cast %reduce_max3A_35 : vector<2048xf32> to vector<2048x1xf32>
    %sub3A = vector.broadcast %broadcast_in_dim3A : vector<2048x1xf32> to vector<2048x64xf32>
    %sub3A_36 = arith.subf %add3A_34, %sub3A : vector<2048x64xf32>
    %exp3A = math.exp %sub3A_36 : vector<2048x64xf32>
    %reduce_sum3A = arith.constant dense<0.000000e+00> : vector<2048xf32>
    %reduce_sum3A_37 = vector.multi_reduction <add>, %exp3A, %reduce_sum3A [1] : vector<2048x64xf32> to vector<2048xf32>
    %broadcast_in_dim3A_38 = vector.shape_cast %reduce_sum3A_37 : vector<2048xf32> to vector<2048x1xf32>
    %div3A = vector.broadcast %broadcast_in_dim3A_38 : vector<2048x1xf32> to vector<2048x64xf32>
    %div3A_39 = arith.divf %exp3A, %div3A : vector<2048x64xf32>
    %max3A = arith.constant 0.000000e+00 : f32
    %max3A_40 = vector.broadcast %max3A : f32 to vector<2048x64xf32>
    %max3A_41 = arith.maximumf %div3A_39, %max3A_40 : vector<2048x64xf32>
    %swap3A = arith.constant 0 : index
    %swap3A_42 = arith.constant 0 : index
    %swap3A_43 = vector.load %arg2[%swap3A, %swap3A_42] : memref<2048x64xf32, #tpu.memory_space<vmem>>, vector<2048x64xf32>
    tpu.vector_store %arg2[%swap3A, %swap3A_42], %max3A_41 {strides = array<i32>} : memref<2048x64xf32, #tpu.memory_space<vmem>>, vector<2048x64xf32>,
    return
  }
}

module attributes {stable_mosaic.version = 14 : i64} {
  func.func @_k_proj_body(%arg0: memref<2048x64xf32, #tpu.memory_space<vmem>>, %arg1: memref<64x64xf32, #tpu.memory_space<vmem>>, %arg2: memref<1x2048xf32, #tpu.memory_space<vmem>>, %arg3: memref<2048x64xf32, #tpu.memory_space<vmem>>) attributes {dimension_semantics = [], scalar_prefetch = 0 : i64, scratch_operands = 0 : i64, tpu.core_type = #tpu.core_type<tc>} {
    %get3A = arith.constant 0 : index
    %get3A_0 = arith.constant 0 : index
    %get3A_1 = vector.load %arg2[%get3A, %get3A_0] : memref<1x2048xf32, #tpu.memory_space<vmem>>, vector<1x2048xf32>
    %get3A_2 = vector.shape_cast %get3A_1 : vector<1x2048xf32> to vector<2048xf32>
    %max3A = arith.constant 1.000000e+00 : f32
    %max3A_3 = vector.broadcast %max3A : f32 to vector<2048xf32>
    %max3A_4 = arith.maximumf %get3A_2, %max3A_3 : vector<2048xf32>
    %rsqrt3A = math.rsqrt %max3A_4 : vector<2048xf32>
    %get3A_5 = arith.constant 0 : index
    %get3A_6 = arith.constant 0 : index
    %get3A_7 = vector.load %arg0[%get3A_5, %get3A_6] : memref<2048x64xf32, #tpu.memory_space<vmem>>, vector<2048x64xf32>
    %get3A_8 = arith.constant 0 : index
    %get3A_9 = arith.constant 0 : index
    %get3A_10 = vector.load %arg1[%get3A_8, %get3A_9] : memref<64x64xf32, #tpu.memory_space<vmem>>, vector<64x64xf32>
    %dot_general3A = arith.constant dense<0.000000e+00> : vector<2048x64xf32>
    %dot_general3A_11 = tpu.matmul %get3A_7, %get3A_10, %dot_general3A {dimension_numbers = #tpu.dot_dimension_numbers<[1], [0], [0], [1], [0, 0, 1, 1], [], []>, transpose_lhs_hint = false} : vector<2048x64xf32>, vector<64x64xf32>, vector<2048x64xf32> -> vector<2048x64xf32>
    %broadcast_in_dim3A = vector.shape_cast %rsqrt3A : vector<2048xf32> to vector<2048x1xf32>
    %mul3A = vector.broadcast %broadcast_in_dim3A : vector<2048x1xf32> to vector<2048x64xf32>
    %mul3A_12 = arith.mulf %dot_general3A_11, %mul3A : vector<2048x64xf32>
    %swap3A = arith.constant 0 : index
    %swap3A_13 = arith.constant 0 : index
    %swap3A_14 = vector.load %arg3[%swap3A, %swap3A_13] : memref<2048x64xf32, #tpu.memory_space<vmem>>, vector<2048x64xf32>
    tpu.vector_store %arg3[%swap3A, %swap3A_13], %mul3A_12 {strides = array<i32>} : memref<2048x64xf32, #tpu.memory_space<vmem>>, vector<2048x64xf32>,
    return
  }
}

module attributes {stable_mosaic.version = 14 : i64} {
  func.func @_k_dconv_body(%arg0: i32, %arg1: memref<128x2048xf32, #tpu.memory_space<vmem>>, %arg2: memref<2048x64xf32, #tpu.memory_space<vmem>>, %arg3: memref<1x128xf32, #tpu.memory_space<vmem>>, %arg4: memref<1x64xf32, #tpu.memory_space<vmem>>, %arg5: memref<128x64xf32, #tpu.memory_space<vmem>>) attributes {dimension_semantics = [#tpu.dimension_semantics<arbitrary>], iteration_bounds = array<i64: 16>, scalar_prefetch = 0 : i64, scratch_operands = 0 : i64, tpu.core_type = #tpu.core_type<tc>, window_params = [{transform_indices = @transform_0, window_bounds = array<i64: 128, 2048>}, {pipeline_mode = #tpu.pipeline_mode<synchronous>, transform_indices = @transform_1, window_bounds = array<i64: 2048, 64>}, {transform_indices = @transform_2, window_bounds = array<i64: 1, 128>}, {pipeline_mode = #tpu.pipeline_mode<synchronous>, transform_indices = @transform_3, window_bounds = array<i64: 1, 64>}, {transform_indices = @transform_4, window_bounds = array<i64: 128, 64>}]} {
    %get3A = arith.constant 0 : index
    %get3A_0 = arith.constant 0 : index
    %get3A_1 = vector.load %arg1[%get3A, %get3A_0] : memref<128x2048xf32, #tpu.memory_space<vmem>>, vector<128x2048xf32>
    %get3A_2 = arith.constant 0 : index
    %get3A_3 = arith.constant 0 : index
    %get3A_4 = vector.load %arg2[%get3A_2, %get3A_3] : memref<2048x64xf32, #tpu.memory_space<vmem>>, vector<2048x64xf32>
    %dot_general3A = arith.constant dense<0.000000e+00> : vector<128x64xf32>
    %dot_general3A_5 = tpu.matmul %get3A_1, %get3A_4, %dot_general3A {dimension_numbers = #tpu.dot_dimension_numbers<[1], [0], [0], [1], [0, 0, 1, 1], [], []>, transpose_lhs_hint = false} : vector<128x2048xf32>, vector<2048x64xf32>, vector<128x64xf32> -> vector<128x64xf32>
    %get3A_6 = arith.constant 0 : index
    %get3A_7 = arith.constant 0 : index
    %get3A_8 = vector.load %arg3[%get3A_6, %get3A_7] : memref<1x128xf32, #tpu.memory_space<vmem>>, vector<1x128xf32>
    %get3A_9 = vector.shape_cast %get3A_8 : vector<1x128xf32> to vector<128xf32>
    %max3A = arith.constant 1.000000e+00 : f32
    %max3A_10 = vector.broadcast %max3A : f32 to vector<128xf32>
    %max3A_11 = arith.maximumf %get3A_9, %max3A_10 : vector<128xf32>
    %rsqrt3A = math.rsqrt %max3A_11 : vector<128xf32>
    %broadcast_in_dim3A = vector.shape_cast %rsqrt3A : vector<128xf32> to vector<128x1xf32>
    %mul3A = vector.broadcast %broadcast_in_dim3A : vector<128x1xf32> to vector<128x64xf32>
    %mul3A_12 = arith.mulf %dot_general3A_5, %mul3A : vector<128x64xf32>
    %get3A_13 = arith.constant 0 : index
    %get3A_14 = arith.constant 0 : index
    %get3A_15 = vector.load %arg4[%get3A_13, %get3A_14] : memref<1x64xf32, #tpu.memory_space<vmem>>, vector<1x64xf32>
    %get3A_16 = vector.shape_cast %get3A_15 : vector<1x64xf32> to vector<64xf32>
    %broadcast_in_dim3A_17 = vector.shape_cast %get3A_16 : vector<64xf32> to vector<1x64xf32>
    %add3A = vector.broadcast %broadcast_in_dim3A_17 : vector<1x64xf32> to vector<128x64xf32>
    %add3A_18 = arith.addf %mul3A_12, %add3A : vector<128x64xf32>
    %max3A_19 = arith.constant 0.000000e+00 : f32
    %max3A_20 = vector.broadcast %max3A_19 : f32 to vector<128x64xf32>
    %max3A_21 = arith.maximumf %add3A_18, %max3A_20 : vector<128x64xf32>
    %swap3A = arith.constant 0 : index
    %swap3A_22 = arith.constant 0 : index
    %swap3A_23 = vector.load %arg5[%swap3A, %swap3A_22] : memref<128x64xf32, #tpu.memory_space<vmem>>, vector<128x64xf32>
    tpu.vector_store %arg5[%swap3A, %swap3A_22], %max3A_21 {strides = array<i32>} : memref<128x64xf32, #tpu.memory_space<vmem>>, vector<128x64xf32>,
    return
  }
  func.func @transform_0(%arg0: i32) -> (i32, i32) {
    %c0_i32 = arith.constant 0 : i32
    %c0_i32_0 = arith.constant 0 : i32
    return %arg0, %c0_i32 : i32, i32
  }
  func.func @transform_1(%arg0: i32) -> (i32, i32) {
    %c0_i32 = arith.constant 0 : i32
    %c0_i32_0 = arith.constant 0 : i32
    %c0_i32_1 = arith.constant 0 : i32
    return %c0_i32, %c0_i32_0 : i32, i32
  }
  func.func @transform_2(%arg0: i32) -> (i32, i32) {
    %c0_i32 = arith.constant 0 : i32
    %c0_i32_0 = arith.constant 0 : i32
    return %c0_i32, %arg0 : i32, i32
  }
  func.func @transform_3(%arg0: i32) -> (i32, i32) {
    %c0_i32 = arith.constant 0 : i32
    %c0_i32_0 = arith.constant 0 : i32
    %c0_i32_1 = arith.constant 0 : i32
    return %c0_i32, %c0_i32_0 : i32, i32
  }
  func.func @transform_4(%arg0: i32) -> (i32, i32) {
    %c0_i32 = arith.constant 0 : i32
    %c0_i32_0 = arith.constant 0 : i32
    return %arg0, %c0_i32 : i32, i32
  }
}

module attributes {stable_mosaic.version = 14 : i64} {
  func.func @_k_proj_body(%arg0: memref<2048x64xf32, #tpu.memory_space<vmem>>, %arg1: memref<64x32xf32, #tpu.memory_space<vmem>>, %arg2: memref<1x2048xf32, #tpu.memory_space<vmem>>, %arg3: memref<2048x32xf32, #tpu.memory_space<vmem>>) attributes {dimension_semantics = [], scalar_prefetch = 0 : i64, scratch_operands = 0 : i64, tpu.core_type = #tpu.core_type<tc>} {
    %get3A = arith.constant 0 : index
    %get3A_0 = arith.constant 0 : index
    %get3A_1 = vector.load %arg2[%get3A, %get3A_0] : memref<1x2048xf32, #tpu.memory_space<vmem>>, vector<1x2048xf32>
    %get3A_2 = vector.shape_cast %get3A_1 : vector<1x2048xf32> to vector<2048xf32>
    %max3A = arith.constant 1.000000e+00 : f32
    %max3A_3 = vector.broadcast %max3A : f32 to vector<2048xf32>
    %max3A_4 = arith.maximumf %get3A_2, %max3A_3 : vector<2048xf32>
    %rsqrt3A = math.rsqrt %max3A_4 : vector<2048xf32>
    %get3A_5 = arith.constant 0 : index
    %get3A_6 = arith.constant 0 : index
    %get3A_7 = vector.load %arg0[%get3A_5, %get3A_6] : memref<2048x64xf32, #tpu.memory_space<vmem>>, vector<2048x64xf32>
    %get3A_8 = arith.constant 0 : index
    %get3A_9 = arith.constant 0 : index
    %get3A_10 = vector.load %arg1[%get3A_8, %get3A_9] : memref<64x32xf32, #tpu.memory_space<vmem>>, vector<64x32xf32>
    %dot_general3A = arith.constant dense<0.000000e+00> : vector<2048x32xf32>
    %dot_general3A_11 = tpu.matmul %get3A_7, %get3A_10, %dot_general3A {dimension_numbers = #tpu.dot_dimension_numbers<[1], [0], [0], [1], [0, 0, 1, 1], [], []>, transpose_lhs_hint = false} : vector<2048x64xf32>, vector<64x32xf32>, vector<2048x32xf32> -> vector<2048x32xf32>
    %broadcast_in_dim3A = vector.shape_cast %rsqrt3A : vector<2048xf32> to vector<2048x1xf32>
    %mul3A = vector.broadcast %broadcast_in_dim3A : vector<2048x1xf32> to vector<2048x32xf32>
    %mul3A_12 = arith.mulf %dot_general3A_11, %mul3A : vector<2048x32xf32>
    %swap3A = arith.constant 0 : index
    %swap3A_13 = arith.constant 0 : index
    %swap3A_14 = vector.load %arg3[%swap3A, %swap3A_13] : memref<2048x32xf32, #tpu.memory_space<vmem>>, vector<2048x32xf32>
    tpu.vector_store %arg3[%swap3A, %swap3A_13], %mul3A_12 {strides = array<i32>} : memref<2048x32xf32, #tpu.memory_space<vmem>>, vector<2048x32xf32>,
    return
  }
}

module attributes {stable_mosaic.version = 14 : i64} {
  func.func @_k_dconv_body(%arg0: i32, %arg1: memref<128x2048xf32, #tpu.memory_space<vmem>>, %arg2: memref<2048x32xf32, #tpu.memory_space<vmem>>, %arg3: memref<1x128xf32, #tpu.memory_space<vmem>>, %arg4: memref<1x32xf32, #tpu.memory_space<vmem>>, %arg5: memref<128x32xf32, #tpu.memory_space<vmem>>) attributes {dimension_semantics = [#tpu.dimension_semantics<arbitrary>], iteration_bounds = array<i64: 16>, scalar_prefetch = 0 : i64, scratch_operands = 0 : i64, tpu.core_type = #tpu.core_type<tc>, window_params = [{transform_indices = @transform_0, window_bounds = array<i64: 128, 2048>}, {pipeline_mode = #tpu.pipeline_mode<synchronous>, transform_indices = @transform_1, window_bounds = array<i64: 2048, 32>}, {transform_indices = @transform_2, window_bounds = array<i64: 1, 128>}, {pipeline_mode = #tpu.pipeline_mode<synchronous>, transform_indices = @transform_3, window_bounds = array<i64: 1, 32>}, {transform_indices = @transform_4, window_bounds = array<i64: 128, 32>}]} {
    %get3A = arith.constant 0 : index
    %get3A_0 = arith.constant 0 : index
    %get3A_1 = vector.load %arg1[%get3A, %get3A_0] : memref<128x2048xf32, #tpu.memory_space<vmem>>, vector<128x2048xf32>
    %get3A_2 = arith.constant 0 : index
    %get3A_3 = arith.constant 0 : index
    %get3A_4 = vector.load %arg2[%get3A_2, %get3A_3] : memref<2048x32xf32, #tpu.memory_space<vmem>>, vector<2048x32xf32>
    %dot_general3A = arith.constant dense<0.000000e+00> : vector<128x32xf32>
    %dot_general3A_5 = tpu.matmul %get3A_1, %get3A_4, %dot_general3A {dimension_numbers = #tpu.dot_dimension_numbers<[1], [0], [0], [1], [0, 0, 1, 1], [], []>, transpose_lhs_hint = false} : vector<128x2048xf32>, vector<2048x32xf32>, vector<128x32xf32> -> vector<128x32xf32>
    %get3A_6 = arith.constant 0 : index
    %get3A_7 = arith.constant 0 : index
    %get3A_8 = vector.load %arg3[%get3A_6, %get3A_7] : memref<1x128xf32, #tpu.memory_space<vmem>>, vector<1x128xf32>
    %get3A_9 = vector.shape_cast %get3A_8 : vector<1x128xf32> to vector<128xf32>
    %max3A = arith.constant 1.000000e+00 : f32
    %max3A_10 = vector.broadcast %max3A : f32 to vector<128xf32>
    %max3A_11 = arith.maximumf %get3A_9, %max3A_10 : vector<128xf32>
    %rsqrt3A = math.rsqrt %max3A_11 : vector<128xf32>
    %broadcast_in_dim3A = vector.shape_cast %rsqrt3A : vector<128xf32> to vector<128x1xf32>
    %mul3A = vector.broadcast %broadcast_in_dim3A : vector<128x1xf32> to vector<128x32xf32>
    %mul3A_12 = arith.mulf %dot_general3A_5, %mul3A : vector<128x32xf32>
    %get3A_13 = arith.constant 0 : index
    %get3A_14 = arith.constant 0 : index
    %get3A_15 = vector.load %arg4[%get3A_13, %get3A_14] : memref<1x32xf32, #tpu.memory_space<vmem>>, vector<1x32xf32>
    %get3A_16 = vector.shape_cast %get3A_15 : vector<1x32xf32> to vector<32xf32>
    %broadcast_in_dim3A_17 = vector.shape_cast %get3A_16 : vector<32xf32> to vector<1x32xf32>
    %add3A = vector.broadcast %broadcast_in_dim3A_17 : vector<1x32xf32> to vector<128x32xf32>
    %add3A_18 = arith.addf %mul3A_12, %add3A : vector<128x32xf32>
    %swap3A = arith.constant 0 : index
    %swap3A_19 = arith.constant 0 : index
    %swap3A_20 = vector.load %arg5[%swap3A, %swap3A_19] : memref<128x32xf32, #tpu.memory_space<vmem>>, vector<128x32xf32>
    tpu.vector_store %arg5[%swap3A, %swap3A_19], %add3A_18 {strides = array<i32>} : memref<128x32xf32, #tpu.memory_space<vmem>>, vector<128x32xf32>,
    return
  }
  func.func @transform_0(%arg0: i32) -> (i32, i32) {
    %c0_i32 = arith.constant 0 : i32
    %c0_i32_0 = arith.constant 0 : i32
    return %arg0, %c0_i32 : i32, i32
  }
  func.func @transform_1(%arg0: i32) -> (i32, i32) {
    %c0_i32 = arith.constant 0 : i32
    %c0_i32_0 = arith.constant 0 : i32
    %c0_i32_1 = arith.constant 0 : i32
    return %c0_i32, %c0_i32_0 : i32, i32
  }
  func.func @transform_2(%arg0: i32) -> (i32, i32) {
    %c0_i32 = arith.constant 0 : i32
    %c0_i32_0 = arith.constant 0 : i32
    return %c0_i32, %arg0 : i32, i32
  }
  func.func @transform_3(%arg0: i32) -> (i32, i32) {
    %c0_i32 = arith.constant 0 : i32
    %c0_i32_0 = arith.constant 0 : i32
    %c0_i32_1 = arith.constant 0 : i32
    return %c0_i32, %c0_i32_0 : i32, i32
  }
  func.func @transform_4(%arg0: i32) -> (i32, i32) {
    %c0_i32 = arith.constant 0 : i32
    %c0_i32_0 = arith.constant 0 : i32
    return %arg0, %c0_i32 : i32, i32
  }
}

module attributes {stable_mosaic.version = 14 : i64} {
  func.func @_k_rec_body(%arg0: i32, %arg1: memref<128x32xf32, #tpu.memory_space<vmem>>, %arg2: memref<2048x32xf32, #tpu.memory_space<vmem>>, %arg3: memref<128x2048xf32, #tpu.memory_space<vmem>>) attributes {dimension_semantics = [#tpu.dimension_semantics<arbitrary>], iteration_bounds = array<i64: 16>, scalar_prefetch = 0 : i64, scratch_operands = 0 : i64, tpu.core_type = #tpu.core_type<tc>, window_params = [{transform_indices = @transform_0, window_bounds = array<i64: 128, 32>}, {pipeline_mode = #tpu.pipeline_mode<synchronous>, transform_indices = @transform_1, window_bounds = array<i64: 2048, 32>}, {transform_indices = @transform_2, window_bounds = array<i64: 128, 2048>}]} {
    %get3A = arith.constant 0 : index
    %get3A_0 = arith.constant 0 : index
    %get3A_1 = vector.load %arg1[%get3A, %get3A_0] : memref<128x32xf32, #tpu.memory_space<vmem>>, vector<128x32xf32>
    %get3A_2 = arith.constant 0 : index
    %get3A_3 = arith.constant 0 : index
    %get3A_4 = vector.load %arg2[%get3A_2, %get3A_3] : memref<2048x32xf32, #tpu.memory_space<vmem>>, vector<2048x32xf32>
    %dot_general3A = arith.constant dense<0.000000e+00> : vector<128x2048xf32>
    %dot_general3A_5 = tpu.matmul %get3A_1, %get3A_4, %dot_general3A {dimension_numbers = #tpu.dot_dimension_numbers<[1], [1], [0], [0], [0, 0, 1, 0], [], []>, transpose_lhs_hint = false} : vector<128x32xf32>, vector<2048x32xf32>, vector<128x2048xf32> -> vector<128x2048xf32>
    %swap3A = arith.constant 0 : index
    %swap3A_6 = arith.constant 0 : index
    %swap3A_7 = vector.load %arg3[%swap3A, %swap3A_6] : memref<128x2048xf32, #tpu.memory_space<vmem>>, vector<128x2048xf32>
    tpu.vector_store %arg3[%swap3A, %swap3A_6], %dot_general3A_5 {strides = array<i32>} : memref<128x2048xf32, #tpu.memory_space<vmem>>, vector<128x2048xf32>,
    return
  }
  func.func @transform_0(%arg0: i32) -> (i32, i32) {
    %c0_i32 = arith.constant 0 : i32
    %c0_i32_0 = arith.constant 0 : i32
    return %arg0, %c0_i32 : i32, i32
  }
  func.func @transform_1(%arg0: i32) -> (i32, i32) {
    %c0_i32 = arith.constant 0 : i32
    %c0_i32_0 = arith.constant 0 : i32
    %c0_i32_1 = arith.constant 0 : i32
    return %c0_i32, %c0_i32_0 : i32, i32
  }
  func.func @transform_2(%arg0: i32) -> (i32, i32) {
    %c0_i32 = arith.constant 0 : i32
    %c0_i32_0 = arith.constant 0 : i32
    return %arg0, %c0_i32 : i32, i32
  }
}

</mosaic_0001>

<sc_bundles>
// kernel: kernel.18.cloned.1.call-start
scs
__scs_entry_jumppad:
0x0: {  	(pc) =	sbr.rel $0x88, $3  }
0x1: {  	(tag) =	ssettag $0x0;
	lr =	simm.s32 $0x1  }
0x2: {  	[smem:$0x3F84] =	sst lr;
	_ =	strace $0xD0000000  }
0x3: {  	_ = 	snop  }
0x4: {  	_ = 	snop  }
0x5: {  	_ = 	snop  }
0x6: {  	_ = 	snop  }
0x7: {  	_ = 	snop  }
__scs_overlays_trampoline_lowered:
0x8: {  	[smem:$0x3F93] =	sst s0  }
0x9: {  	[smem:$0x3F94] =	sst s1  }
0xa: {  	[smem:$0x3F95] =	sst s2  }
0xb: {  	[smem:$0x3F96] =	sst s3  }
0xc: {  	[smem:$0x3F97] =	sst s4  }
0xd: {  	[smem:$0x3F98] =	sst s5  }
0xe: {  	[smem:$0x3F99] =	sst s6  }
0xf: {  	[smem:$0x3F9A] =	sst s7  }
0x10: {  	[smem:$0x3F9B] =	sst s8  }
0x11: {  	[smem:$0x3F9C] =	sst s9;
	s0 =	simm.s32 @!p0 $0x0  }
0x12: {  	s1 =	sld [smem:$0x3F82];
	s0 =	simm.s32 @p0 $0x1  }
0x13: {  	[smem:$0x3F9D] =	sst s0;
	s0 =	simm.s32 @!p1 $0x0  }
0x14: {  	s2 =	sld [smem:$0x3F81];
	s0 =	simm.s32 @p1 $0x1  }
0x15: {  	[smem:$0x3F9E] =	sst s0;
	s0 =	simm.s32 @!p2 $0x0  }
0x16: {  	s3 =	sld [smem:$0x3FDB];
	s0 =	simm.s32 @p2 $0x1  }
0x17: {  	s4 =	simm.s32 $0x1BF5;
	[smem:$0x3FA0] =	sst s0  }
0x18: {  	s0 =	sld [smem:$0x3F83];
	_ =	swait.ge [sflag:s4], $0x0  }
0x19: {  	s7 =	sld [smem:$0x3F84]  }
0x1a: {  	s8 =	sadd.s32 $0xFFFFE003, lr  }
0x1b: {  	s9 =	sadd.s32 $0xFFFFFEF7, lr;
	s5 =	simm.s32 $0xFFFFFFFF;
	p2 =	slt.u32 s8, $0xFFFFF086  }
0x1c: {  	p1 =	slt.u32 s9, $0xF7A;
	s5 =	simm.s32 @!p2 $0x0  }
0x1d: {  	s5 =	simm.s32 @p1 $0x1;
	p0 =	seq.s32 s7, s2  }
0x1e: {  	s7 =	smul.u32 @!p0 $0xF7A, s2;
	p2 =	seq.s32 @!p0 s5, $0x0  }
0x1f: {  	s9 =	smul.u32 $0xF7A, s1;
	s8 =	simm.s32 @!p0 $0x1BF5;
	p2 =	por !p2, p0  }
0x20: {  	[sflag:s8] =	ssyncset.s32 @!p0 $0xFFFFF086;
	s6 =	sadd.s32 @!p0 s3, s7;
	s7 =	simm.s32 @!p0 $0x108  }
0x21: {  	s3 =	sadd.s32 s3, s9;
	s6 =	sadd.s32 @!p0 $0x88, s6;
	s7 =	simm.s32 @p2 $0x1082  }
0x22: {  	[simem:s7], [sflag:s8] =	dma.local @!p0 [hbm:s6], $0xF7A  }
0x23: {  	s9 =	sor.u32 $0xD0000000, s2;
	s6 =	simm.s32 $0x108;
	_ =	swait.ge @!p0 [sflag:s8], $0x0  }
0x24: {  	s3 =	sadd.s32 $0x88, s3;
	s6 =	simm.s32 @!p1 $0x1082;
	[sflag:s4] =	ssyncset.s32 $0xFFFFF086  }
0x25: {  	[simem:s6], [sflag:s4] =	dma.local [hbm:s3], $0xF7A  }
0x26: {  	[smem:$0x3F84] =	sst s1;
	(tag) =	ssettag s2;
	_ =	strace s9  }
0x27: {  	s1 =	sld [smem:$0x3F94]  }
0x28: {  	s2 =	sld [smem:$0x3F95]  }
0x29: {  	s4 =	sld [smem:$0x3F97]  }
0x2a: {  	p0 =	seq.s32 s5, $0x0;
	s5 =	sld [smem:$0x3F98]  }
0x2b: {  	s6 =	sld [smem:$0x3F99]  }
0x2c: {  	s7 =	sld [smem:$0x3F9A]  }
0x2d: {  	s3 =	simm.s32 $0x108;
	s8 =	sld [smem:$0x3F9B]  }
0x2e: {  	s3 =	simm.s32 @!p0 $0x1082;
	s9 =	sld [smem:$0x3F9C]  }
0x2f: {  	lr =	sadd.s32 s0, s3;
	s0 =	sld [smem:$0x3F93]  }
0x30: {  	s3 =	sld [smem:$0x3F96]  }
0x31: {  	[smem:$0x3F9F] =	sst s10  }
0x32: {  	s10 =	sld [smem:$0x3F9D];
	_ =	sdelay $0x3  }
0x33: {  	p0 =	seq.s32 s10, $0x1;
	s10 =	sld [smem:$0x3F9F];
	_ =	sdelay $0x3  }
0x34: {  	[smem:$0x3F9F] =	sst s10  }
0x35: {  	s10 =	sld [smem:$0x3F9E];
	_ =	sdelay $0x3  }
0x36: {  	p1 =	seq.s32 s10, $0x1;
	s10 =	sld [smem:$0x3F9F];
	_ =	sdelay $0x3  }
0x37: {  	[smem:$0x3F9F] =	sst s10  }
0x38: {  	s10 =	sld [smem:$0x3FA0]  }
0x39: {  	_ = 	snop;
	(pc) =	sbr.ind lr, $3  }
0x3a: {  	_ = 	snop  }
0x3b: {  	_ = 	snop  }
0x3c: {  	p2 =	seq.s32 s10, $0x1;
	s10 =	sld [smem:$0x3F9F]  }
0x3d: {  	_ =	shalt  }
0x3e: {  	_ =	shalt  }
0x3f: {  	_ =	shalt  }
0x40: {  	_ =	shalt  }
0x41: {  	_ =	shalt  }
0x42: {  	_ =	shalt  }
0x43: {  	_ =	shalt  }
0x44: {  	_ =	shalt  }
0x45: {  	_ =	shalt  }
0x46: {  	_ =	shalt  }
0x47: {  	_ =	shalt  }
0x48: {  	_ =	shalt  }
0x49: {  	_ =	shalt  }
0x4a: {  	_ =	shalt  }
0x4b: {  	_ =	shalt  }
0x4c: {  	_ =	shalt  }
0x4d: {  	_ =	shalt  }
0x4e: {  	_ =	shalt  }
0x4f: {  	_ =	shalt  }
0x50: {  	_ =	shalt  }
0x51: {  	_ =	shalt  }
0x52: {  	_ =	shalt  }
0x53: {  	_ =	shalt  }
0x54: {  	_ =	shalt  }
0x55: {  	_ =	shalt  }
0x56: {  	_ =	shalt  }
0x57: {  	_ =	shalt  }
0x58: {  	_ =	shalt  }
0x59: {  	_ =	shalt  }
0x5a: {  	_ =	shalt  }
0x5b: {  	_ =	shalt  }
0x5c: {  	_ =	shalt  }
0x5d: {  	_ =	shalt  }
0x5e: {  	_ =	shalt  }
0x5f: {  	_ =	shalt  }
0x60: {  	_ =	shalt  }
0x61: {  	_ =	shalt  }
0x62: {  	_ =	shalt  }
0x63: {  	_ =	shalt  }
0x64: {  	_ =	shalt  }
0x65: {  	_ =	shalt  }
0x66: {  	_ =	shalt  }
0x67: {  	_ =	shalt  }
0x68: {  	_ =	shalt  }
0x69: {  	_ =	shalt  }
0x6a: {  	_ =	shalt  }
0x6b: {  	_ =	shalt  }
0x6c: {  	_ =	shalt  }
0x6d: {  	_ =	shalt  }
0x6e: {  	_ =	shalt  }
0x6f: {  	_ =	shalt  }
0x70: {  	_ =	shalt  }
0x71: {  	_ =	shalt  }
0x72: {  	_ =	shalt  }
0x73: {  	_ =	shalt  }
0x74: {  	_ =	shalt  }
0x75: {  	_ =	shalt  }
0x76: {  	_ =	shalt  }
0x77: {  	_ =	shalt  }
0x78: {  	_ =	shalt  }
0x79: {  	_ =	shalt  }
0x7a: {  	_ =	shalt  }
0x7b: {  	_ =	shalt  }
0x7c: {  	_ =	shalt  }
0x7d: {  	_ =	shalt  }
0x7e: {  	_ =	shalt  }
0x7f: {  	_ =	shalt  }
0x80: {  	_ =	shalt  }
0x81: {  	_ =	shalt  }
0x82: {  	_ =	shalt  }
0x83: {  	_ =	shalt  }
0x84: {  	_ =	shalt  }
0x85: {  	_ =	shalt  }
0x86: {  	_ =	shalt  }
0x87: {  	_ =	shalt  }
.Lfunc_end0:
.L_simem_size_0:
called_computation_lowered:
.L_overlay_start_0:
0x88: {  	s2 =	sld [smem:$0x3FD9]  }
0x89: {  	s3 =	sld [smem:$0x3FFE];
	_ =	sdelay $0x1  }
0x8a: {  	s1 =	srdreg.scid  }
0x8b: {  	s0 =	sand.u32 $0x1, s1  }
0x8c: {  	s15 =	sshll.u32 s0, $0xA;
	s2 =	sadd.s32 s3, s2  }
0x8d: {  	s2 =	sadd.s32 s2, s15  }
0x8e: {  	[smem:$0x3FAB] =	sst s2  }
0x8f: {  	_ = 	snop  }
0x90: {  	s2 =	sld [smem:$0x3FD0];
	_ =	sdelay $0x2  }
0x91: {  	s4 =	simm.s32 $0xC;
	s5 =	simm.s32 $0x10;
	s16 =	sld [smem:$0x3FC6]  }
0x92: {  	[smem:s5], [sflag:s4] =	dma.local [hbm:s2], $0x1  }
0x93: {  	_ =	swait.eq [sflag:s4], $0x1  }
0x94: {  	[sflag:s4] =	ssyncset.done $0x0  }
0x95: {  	[sflag:s4] =	ssyncadd.s32 $0xFFFFFFFF  }
0x96: {  	s17 =	sld [smem:$0x12];
	(tm) =	ssettm $0x1  }
0x97: {  	s18 =	sld [smem:$0x3FFB];
	_ =	sdelay $0x3  }
0x98: {  	_ =	strace s18  }
0x99: {  	s4 =	sld [smem:$0x3FFC];
	_ =	sdelay $0x3  }
0x9a: {  	_ =	strace s4  }
0x9b: {  	s4 =	sld [smem:$0x3FFD];
	_ =	sdelay $0x3  }
0x9c: {  	_ =	strace s4  }
0x9d: {  	_ =	strace $0x8FFFFFFF  }
0x9e: {  	s19 =	sld [smem:$0x3FDB];
	_ =	sdelay $0x1  }
0x9f: {  	s20 =	simm.s32 $_scs_section_size  }
0xa0: {  	s6 =	simm.s32 $_size__tile_overlayer_lowered;
	s7 =	simm.s32 $_tile_overlayer_lowered  }
0xa1: {  	s23 =	simm.s32 $0x1BFF;
	s22 =	sshll.u32 s7, $0x1;
	s4 =	sadd.s32 s20, s19  }
0xa2: {  	s8 =	simm.s32 $0x0;
	s21 =	sshll.u32 s6, $0x1;
	s6 =	sadd.s32 s22, s4  }
0xa3: {  	[timem:s8], [sflag:s23] =	dma.local [hbm:s6], s21  }
0xa4: {  	_ =	swait.ge [sflag:s23], s21  }
0xa5: {  	s5 =	ssub.s32 $0x0, s21;
	[sflag:s23] =	ssyncset.done $0x0  }
0xa6: {  	[sflag:s23] =	ssyncadd.s32 s5;
	_ =	sdelay $0x1  }
0xa7: {  	s24 =	simm.s32 $0x1B8B  }
0xa8: {  	_ =	swait.ge [sflag:s24], $0x1  }
0xa9: {  	[sflag:s24] =	ssyncset.done $0x0  }
0xaa: {  	s25 =	simm.s32 $0x1B8E;
	[sflag:s24] =	ssyncadd.s32 $0xFFFFFFFF  }
0xab: {  	s26 =	simm.s32 $execute0_lowered;
	[smem:$0x3FD2] =	sst s25  }
0xac: {  	s5 =	sshll.u32 s26, $0x1;
	_ =	strace $0x80000046;
	[dreg:$0x1] =	wrdreg $0xFFFFFFFF  }
0xad: {  	s28 =	simm.s32 $_size_execute0_lowered;
	s4 =	sadd.s32 s4, s5;
	[dreg:$0x0] =	wrdreg $0x0  }
0xae: {  	s5 =	sshll.u32 s28, $0x1;
	[dreg:$0x2] =	wrdreg s4  }
0xaf: {  	[dreg:$0x3] =	wrdreg s5  }
0xb0: {  	[dreg:$0x4] =	wrdreg $0xC0  }
0xb1: {  	_ =	task [dreg:s8], $0x5FFFF  }
0xb2: {  	[dreg:$0x1] =	wrdreg $0xFFFFFFFF  }
0xb3: {  	[dreg:$0x0] =	wrdreg $0x60  }
0xb4: {  	[dreg:$0x2] =	wrdreg s16  }
0xb5: {  	[dreg:$0x3] =	wrdreg s17  }
0xb6: {  	[dreg:$0x4] =	wrdreg $0xD0000  }
0xb7: {  	[dreg:$0x5] =	wrdreg $0x9  }
0xb8: {  	_ =	task.clear_ibuf [dreg:s8], $0x6FFFF;
	_ =	strace $0x90000046  }
0xb9: {  	s29 =	simm.s32 $0x9;
	_ =	strace $0x80000048  }
0xba: {  	_ =	swait.ge [sflag:s29], $0x1  }
0xbb: {  	[sflag:s29] =	ssyncadd.s32 $0xFFFFFFFF  }
0xbc: {  	_ =	strace $0x90000048  }
0xbd: {  	_ =	sfence  }
0xbe: {  	s30 =	sld [smem:$0x0];
	_ =	sdelay $0x2  }
0xbf: {  	s31 =	sshll.u32 s1, $0xD;
	s1 =	sshrl.u32 s1, $0x2  }
0xc0: {  	s3 =	sand.u32 $0x4000, s31;
	s1 =	sadd.s32 s1, s30  }
0xc1: {  	s0 =	sor.u32 s3, s0;
	s1 =	sshll.u32 s1, $0x11  }
0xc2: {  	s0 =	sor.u32 s1, s0  }
0xc3: {  	s0 =	sadd.s32 $0x8F2B, s0  }
0xc4: {  	[sflag:s0] =	ssyncadd.remote.s32 $0x1  }
0xc5: {  	_ =	sfence.sel $0xFFFF  }
0xc6: {  	[dreg:$0x0] =	wrdreg $0xFFFFFFFF;
	(pc) =	sbr.abs _section_cstart, $3  }
0xc7: {  	[dreg:$0x1] =	wrdreg $0xFFFFFFFF  }
0xc8: {  	_ =	task.clear_ibuf [dreg:s8], $0x2FFFF;
	_ =	strace $0x9FFFFFFF  }
0xc9: {  	(tm) =	ssettm $0x7FFFFFFF  }
tec
execute0_lowered:
.L_overlay_start_1:
0x0: {  	(tag) =	ssettag $0x1  }
0x1: {  	s4 =	rddreg [dreg:$0x0]  }
0x2: {  	s10 =	rddreg [dreg:$0x1]  }
0x3: {  	s0 =	srdreg.scid;
	s1 =	rddreg [dreg:$0x2]  }
0x4: {  	s2 =	simm.s32 $0x0;
	s3 =	stileid.u32;
	s19 =	simm.s32 $0xC000  }
0x5: {  	s20 =	simm.s32 $0x0;
	s5 =	sand.u32 $0x1, s0;
	s0 =	rddreg [dreg:$0x3]  }
0x6: {  	[smem:$0x7FF] =	sst s2;
	s25 =	sshll.u32 s3, $0xA;
	s8 =	sshll.u32 s3, $0xF  }
0x7: {  	s26 =	sshll.u32 s3, $0x7;
	s6 =	ssub.s32 $0x2, s5;
	_ =	strace $0x80000047  }
0x8: {  	v0 =	vlaneseq.u32;
	s15 =	sshll.u32 s5, $0x15;
	s4 =	sadd.s32 s4, s25;
	s12 =	sor.u32 $0x80000, s26  }
0x9: {  	v0 =	vmul.u32 $0x8, v0;
	s7 =	sshrl.u32 s6, $0x1;
	s28 =	sor.u32 s8, s15;
	s5 =	sadd.s32 $0x10, s4  }
0xa: {  	s16 =	sor.u32 $0x80000, s15;
	s17 =	sor.u32 $0x100000, s15;
	s18 =	sor.u32 $0x180000, s15  }
0xb: {  	v0 =	vor.u32 s12, v0;
	s12 =	simm.s32 $0x80;
	v1 =	vmov s15;
	s15 =	simm.s32 $0x1;
	s11 =	ssub.s32 s6, s7  }
0xc: {  	s29 =	sshrl.u32 s28, $0x3;
	s6 =	sadd.s32 s8, s1;
	s9 =	sor.u32 s8, s16  }
0xd: {  	s13 =	sor.u32 s8, s17;
	s14 =	sor.u32 s8, s18;
	v2 =	vmov s16;
	s16 =	simm.s32 $0x4000  }
0xe: {  	v3 =	vmov s17;
	s17 =	simm.s32 $0x2;
	v4 =	vmov s18;
	s18 =	simm.s32 $0x3000;
	s7 =	sadd.s32 s10, s29  }
0xf: {  	s9 =	sshrl.u32 s9, $0x3;
	s30 =	sshrl.u32 s13, $0x3;
	s31 =	sshrl.u32 s14, $0x3  }
0x10: {  	s11 =	smax.u32 s11, $0x1;
	s13 =	simm.s32 $0x100;
	s14 =	simm.s32 $0x1000  }
0x11: {  	v5 =	vimm.f32 $0.0e+00;
	v6 =	vimm.f32 $1.000000000e+00;
	s8 =	sadd.s32 s10, s9;
	s9 =	sadd.s32 s10, s30;
	s10 =	sadd.s32 s10, s31  }
.LBB2_1:
0x12: {  	s21 =	simm.s32 $0x0  }
.LBB2_2:
0x13: {  	p0 =	sne.s32 s21, $0x1FFC0  }
.Ltmp0:
0x14: {  	_ = 	snop;
	(pc) =	sbr.rel @p0 .LBB2_2-.Ltmp0, $3  }
0x15: {  	_ =	sdelay $0x1  }
0x16: {  	s22 =	sshra.s32 s21, $0x2  }
0x17: {  	s21 =	sadd.s32 $0x40, s21;
	[tilespmem:s22+$0x4000] =	vst v5  }
0x18: {  	s21 =	simm.s32 $0x40;
	s22 =	simm.s32 $0x0  }
.LBB2_4:
0x19: {  	p0 =	sne.s32 s21, $0x3FC0;
	[tilespmem:s22+$0xC000] =	vst v6;
	s22 =	smov.u32 s21;
	s21 =	sadd.s32 $0x40, s21  }
.Ltmp1:
0x1a: {  	(pc) =	sbr.rel @p0 .LBB2_4-.Ltmp1, $2  }
0x1b: {  	_ =	sdelay $0x2  }
0x1c: {  	s22 =	sshra.s32 s22, $0x2  }
0x1d: {  	[tilespmem:s22+$0xC000] =	vst v6  }
0x1e: {  	[tilespmem:s2], [sflag:$0x1] =	stream.strided.gather [hbm4b:s4+s12], $0x1000, s13, s12, $0x38;
	[tilespmem:$0x15080] =	vst v63  }
0x1f: {  	_ = 	snop  }
0x20: {  	[tilespmem:s14], [sflag:$0x1] =	stream.strided.gather [hbm4b:s5+s12], $0x1000, s13, s12, $0x38;
	[tilespmem:$0x15080] =	vst v63  }
0x21: {  	_ =	swait.ge [sflag:s15], $0x1000  }
0x22: {  	[sflag:s15] =	ssyncset.done $0x0  }
0x23: {  	[sflag:s15] =	ssyncadd.s32 $0xFFFFF000  }
0x24: {  	_ =	swait.ge [sflag:s15], $0x1000  }
0x25: {  	[sflag:s15] =	ssyncset.done $0x0  }
0x26: {  	s23 =	simm.s32 $0x20;
	[sflag:s15] =	ssyncadd.s32 $0xFFFFF000  }
0x27: {  	s21 =	simm.s32 $0x1020;
	v7 =	vld [tilespmem:s23+$0xFFFFFFE0]  }
0x28: {  	v8 =	vld [tilespmem:s21+$0xFFFFFFE0];
	_ =	sdelay $0x3  }
0x29: {  	v7 =	vshll.u32 v7, $0xB  }
0x2a: {  	s22 =	simm.s32 $0x2020;
	v7 =	vadd.s32 v8, v7  }
0x2b: {  	[tilespmem:s22+$0xFFFFFFE0] =	vst v7  }
0x2c: {  	v7 =	vld [tilespmem:s23+$0xFFFFFFF0]  }
0x2d: {  	v8 =	vld [tilespmem:s21+$0xFFFFFFF0];
	_ =	sdelay $0x3  }
0x2e: {  	v7 =	vshll.u32 v7, $0xB  }
0x2f: {  	v7 =	vadd.s32 v8, v7  }
0x30: {  	[tilespmem:s22+$0xFFFFFFF0] =	vst v7  }
0x31: {  	v7 =	vld [tilespmem:s23+$0x0]  }
0x32: {  	v8 =	vld [tilespmem:s21+$0x0];
	_ =	sdelay $0x3  }
0x33: {  	v7 =	vshll.u32 v7, $0xB  }
0x34: {  	v7 =	vadd.s32 v8, v7  }
0x35: {  	[tilespmem:s22+$0x0] =	vst v7  }
0x36: {  	v7 =	vld [tilespmem:s23+$0x10]  }
0x37: {  	v8 =	vld [tilespmem:s21+$0x10];
	_ =	sdelay $0x3  }
0x38: {  	v7 =	vshll.u32 v7, $0xB  }
0x39: {  	v7 =	vadd.s32 v8, v7  }
0x3a: {  	s24 =	simm.s32 $0x60;
	s23 =	simm.s32 $0x0;
	[tilespmem:s22+$0x10] =	vst v7  }
.LBB2_6:
0x3b: {  	v7 =	vld [tilespmem:s24+$0xFFFFFFE0];
	s23 =	sadd.s32 $0x4, s23;
	s21 =	sadd.s32 $0x40, s21  }
0x3c: {  	v8 =	vld [tilespmem:s21+$0xFFFFFFE0];
	p0 =	slt.u32 s23, $0xFC;
	_ =	sdelay $0x3  }
0x3d: {  	v7 =	vshll.u32 v7, $0xB  }
0x3e: {  	s22 =	sadd.s32 $0x40, s22;
	v7 =	vadd.s32 v8, v7  }
0x3f: {  	[tilespmem:s22+$0xFFFFFFE0] =	vst v7  }
0x40: {  	v7 =	vld [tilespmem:s24+$0xFFFFFFF0]  }
0x41: {  	v8 =	vld [tilespmem:s21+$0xFFFFFFF0];
	_ =	sdelay $0x3  }
0x42: {  	v7 =	vshll.u32 v7, $0xB  }
0x43: {  	v7 =	vadd.s32 v8, v7  }
0x44: {  	[tilespmem:s22+$0xFFFFFFF0] =	vst v7  }
0x45: {  	v7 =	vld [tilespmem:s24+$0x0]  }
0x46: {  	v8 =	vld [tilespmem:s21+$0x0];
	_ =	sdelay $0x3  }
0x47: {  	v7 =	vshll.u32 v7, $0xB  }
0x48: {  	v7 =	vadd.s32 v8, v7  }
0x49: {  	[tilespmem:s22+$0x0] =	vst v7  }
0x4a: {  	v7 =	vld [tilespmem:s24+$0x10]  }
0x4b: {  	v8 =	vld [tilespmem:s21+$0x10];
	_ =	sdelay $0x1  }
.Ltmp2:
0x4c: {  	(pc) =	sbr.rel @p0 .LBB2_6-.Ltmp2, $4  }
0x4d: {  	_ = 	snop  }
0x4e: {  	v7 =	vshll.u32 v7, $0xB  }
0x4f: {  	v7 =	vadd.s32 v8, v7  }
0x50: {  	s24 =	sadd.s32 $0x40, s24;
	[tilespmem:s22+$0x10] =	vst v7  }
0x51: {  	[spmem:s6] =	stream.linear.scatter [tilespmem:s16], [sflag:$0x2], $0x8000, $0x38;
	[tilespmem:$0x15080] =	vst v63  }
0x52: {  	_ =	swait.ge [sflag:s17], $0x8000  }
0x53: {  	[sflag:s17] =	ssyncset.done $0x0  }
0x54: {  	[sflag:s17] =	ssyncadd.s32 $0xFFFF8000  }
0x55: {  	s22 =	simm.s32 $0x2020;
	[bflag:$0x0] =	sbarrier.arrive $0xFFFF  }
0x56: {  	v7 =	vld [tilespmem:s22+$0xFFFFFFE0];
	_ =	sdelay $0x4  }
0x57: {  	v7 =	vsub.s32 v7, v1  }
0x58: {  	vm0 =	vlt.u32 v7, $0x80000  }
0x59: {  	s21 =	simm.s32 $0x3020;
	v7 =	vsel vm0, v7, v0  }
0x5a: {  	[tilespmem:s21+$0xFFFFFFE0] =	vst v7  }
0x5b: {  	v7 =	vld [tilespmem:s22+$0xFFFFFFF0];
	_ =	sdelay $0x4  }
0x5c: {  	v7 =	vsub.s32 v7, v1  }
0x5d: {  	vm13 =	vlt.u32 v7, $0x80000  }
0x5e: {  	v7 =	vsel vm13, v7, v0  }
0x5f: {  	[tilespmem:s21+$0xFFFFFFF0] =	vst v7  }
0x60: {  	v7 =	vld [tilespmem:s22+$0x0];
	_ =	sdelay $0x4  }
0x61: {  	v7 =	vsub.s32 v7, v1  }
0x62: {  	vm14 =	vlt.u32 v7, $0x80000  }
0x63: {  	v7 =	vsel vm14, v7, v0  }
0x64: {  	[tilespmem:s21+$0x0] =	vst v7  }
0x65: {  	v7 =	vld [tilespmem:s22+$0x10];
	_ =	sdelay $0x4  }
0x66: {  	v7 =	vsub.s32 v7, v1  }
0x67: {  	vm15 =	vlt.u32 v7, $0x80000  }
0x68: {  	v7 =	vsel vm15, v7, v0  }
0x69: {  	s23 =	simm.s32 $0x2060;
	s22 =	simm.s32 $0x0;
	[tilespmem:s21+$0x10] =	vst v7  }
.LBB2_8:
0x6a: {  	v7 =	vld [tilespmem:s23+$0xFFFFFFE0];
	s22 =	sadd.s32 $0x4, s22  }
0x6b: {  	p0 =	slt.u32 s22, $0xFC;
	_ =	sdelay $0x3  }
0x6c: {  	v7 =	vsub.s32 v7, v1  }
0x6d: {  	vm0 =	vlt.u32 v7, $0x80000  }
0x6e: {  	s21 =	sadd.s32 $0x40, s21;
	v7 =	vsel vm0, v7, v0  }
0x6f: {  	[tilespmem:s21+$0xFFFFFFE0] =	vst v7  }
0x70: {  	v7 =	vld [tilespmem:s23+$0xFFFFFFF0];
	_ =	sdelay $0x4  }
0x71: {  	v7 =	vsub.s32 v7, v1  }
0x72: {  	vm0 =	vlt.u32 v7, $0x80000  }
0x73: {  	v7 =	vsel vm0, v7, v0  }
0x74: {  	[tilespmem:s21+$0xFFFFFFF0] =	vst v7  }
0x75: {  	v7 =	vld [tilespmem:s23+$0x0];
	_ =	sdelay $0x4  }
0x76: {  	v7 =	vsub.s32 v7, v1  }
0x77: {  	vm0 =	vlt.u32 v7, $0x80000  }
0x78: {  	v7 =	vsel vm0, v7, v0  }
0x79: {  	[tilespmem:s21+$0x0] =	vst v7  }
0x7a: {  	v7 =	vld [tilespmem:s23+$0x10];
	_ =	sdelay $0x3  }
.Ltmp3:
0x7b: {  	(pc) =	sbr.rel @p0 .LBB2_8-.Ltmp3, $4  }
0x7c: {  	v7 =	vsub.s32 v7, v1  }
0x7d: {  	vm0 =	vlt.u32 v7, $0x80000  }
0x7e: {  	v7 =	vsel vm0, v7, v0  }
0x7f: {  	s23 =	sadd.s32 $0x40, s23;
	[tilespmem:s21+$0x10] =	vst v7  }
0x80: {  	[spmem:s1] =	stream.indirect.scatter.add.f32 [tilespmem:s19], [sflag:$0x2], $0x1, s18, s14, $0xb8;
	[tilespmem:$0x15080] =	vst v63  }
0x81: {  	_ =	swait.ge [sflag:s17], $0x1000  }
0x82: {  	[sflag:s17] =	ssyncset.done $0x0  }
0x83: {  	s21 =	sshll.u32 s3, $0x6;
	[sflag:s17] =	ssyncadd.s32 $0xFFFFF000  }
0x84: {  	s22 =	sshrl.u32 s6, $0x3;
	s21 =	sor.u32 $0x1C02, s21;
	[bflag:$0x0] =	sbarrier.arrive $0xFFFF  }
0x85: {  	[hbm:s7], [sflag:s21] =	dma.local [spmem:s22], $0x1000  }
0x86: {  	_ =	swait.ge [sflag:s17], $0x1000  }
0x87: {  	[sflag:s17] =	ssyncset.done $0x0  }
0x88: {  	[sflag:s17] =	ssyncadd.s32 $0xFFFFF000  }
0x89: {  	[spmem:s6] =	stream.linear.scatter [tilespmem:s16], [sflag:$0x2], $0x8000, $0x38;
	[tilespmem:$0x15080] =	vst v63  }
0x8a: {  	_ =	swait.ge [sflag:s17], $0x8000  }
0x8b: {  	[sflag:s17] =	ssyncset.done $0x0  }
0x8c: {  	[sflag:s17] =	ssyncadd.s32 $0xFFFF8000  }
0x8d: {  	s24 =	simm.s32 $0x2020;
	[bflag:$0x0] =	sbarrier.arrive $0xFFFF  }
0x8e: {  	v7 =	vld [tilespmem:s24+$0xFFFFFFE0];
	_ =	sdelay $0x4  }
0x8f: {  	v7 =	vsub.s32 v7, v2  }
0x90: {  	vm0 =	vlt.u32 v7, $0x80000  }
0x91: {  	s23 =	simm.s32 $0x3020;
	v7 =	vsel vm0, v7, v0  }
0x92: {  	[tilespmem:s23+$0xFFFFFFE0] =	vst v7  }
0x93: {  	v7 =	vld [tilespmem:s24+$0xFFFFFFF0];
	_ =	sdelay $0x4  }
0x94: {  	v7 =	vsub.s32 v7, v2  }
0x95: {  	vm13 =	vlt.u32 v7, $0x80000  }
0x96: {  	v7 =	vsel vm13, v7, v0  }
0x97: {  	[tilespmem:s23+$0xFFFFFFF0] =	vst v7  }
0x98: {  	v7 =	vld [tilespmem:s24+$0x0];
	_ =	sdelay $0x4  }
0x99: {  	v7 =	vsub.s32 v7, v2  }
0x9a: {  	vm14 =	vlt.u32 v7, $0x80000  }
0x9b: {  	v7 =	vsel vm14, v7, v0  }
0x9c: {  	[tilespmem:s23+$0x0] =	vst v7  }
0x9d: {  	v7 =	vld [tilespmem:s24+$0x10];
	_ =	sdelay $0x4  }
0x9e: {  	v7 =	vsub.s32 v7, v2  }
0x9f: {  	vm15 =	vlt.u32 v7, $0x80000  }
0xa0: {  	v7 =	vsel vm15, v7, v0  }
0xa1: {  	s25 =	simm.s32 $0x2060;
	s24 =	simm.s32 $0x0;
	[tilespmem:s23+$0x10] =	vst v7  }
.LBB2_10:
0xa2: {  	v7 =	vld [tilespmem:s25+$0xFFFFFFE0];
	s24 =	sadd.s32 $0x4, s24  }
0xa3: {  	p0 =	slt.u32 s24, $0xFC;
	_ =	sdelay $0x3  }
0xa4: {  	v7 =	vsub.s32 v7, v2  }
0xa5: {  	vm0 =	vlt.u32 v7, $0x80000  }
0xa6: {  	s23 =	sadd.s32 $0x40, s23;
	v7 =	vsel vm0, v7, v0  }
0xa7: {  	[tilespmem:s23+$0xFFFFFFE0] =	vst v7  }
0xa8: {  	v7 =	vld [tilespmem:s25+$0xFFFFFFF0];
	_ =	sdelay $0x4  }
0xa9: {  	v7 =	vsub.s32 v7, v2  }
0xaa: {  	vm0 =	vlt.u32 v7, $0x80000  }
0xab: {  	v7 =	vsel vm0, v7, v0  }
0xac: {  	[tilespmem:s23+$0xFFFFFFF0] =	vst v7  }
0xad: {  	v7 =	vld [tilespmem:s25+$0x0];
	_ =	sdelay $0x4  }
0xae: {  	v7 =	vsub.s32 v7, v2  }
0xaf: {  	vm0 =	vlt.u32 v7, $0x80000  }
0xb0: {  	v7 =	vsel vm0, v7, v0  }
0xb1: {  	[tilespmem:s23+$0x0] =	vst v7  }
0xb2: {  	v7 =	vld [tilespmem:s25+$0x10];
	_ =	sdelay $0x3  }
.Ltmp4:
0xb3: {  	(pc) =	sbr.rel @p0 .LBB2_10-.Ltmp4, $4  }
0xb4: {  	v7 =	vsub.s32 v7, v2  }
0xb5: {  	vm0 =	vlt.u32 v7, $0x80000  }
0xb6: {  	v7 =	vsel vm0, v7, v0  }
0xb7: {  	s25 =	sadd.s32 $0x40, s25;
	[tilespmem:s23+$0x10] =	vst v7  }
0xb8: {  	[spmem:s1] =	stream.indirect.scatter.add.f32 [tilespmem:s19], [sflag:$0x2], $0x1, s18, s14, $0xb8;
	[tilespmem:$0x15080] =	vst v63  }
0xb9: {  	_ =	swait.ge [sflag:s17], $0x1000  }
0xba: {  	[sflag:s17] =	ssyncset.done $0x0  }
0xbb: {  	[sflag:s17] =	ssyncadd.s32 $0xFFFFF000  }
0xbc: {  	[bflag:$0x0] =	sbarrier.arrive $0xFFFF  }
0xbd: {  	[hbm:s8], [sflag:s21] =	dma.local [spmem:s22], $0x1000  }
0xbe: {  	_ =	swait.ge [sflag:s17], $0x1000  }
0xbf: {  	[sflag:s17] =	ssyncset.done $0x0  }
0xc0: {  	[sflag:s17] =	ssyncadd.s32 $0xFFFFF000  }
0xc1: {  	[spmem:s6] =	stream.linear.scatter [tilespmem:s16], [sflag:$0x2], $0x8000, $0x38;
	[tilespmem:$0x15080] =	vst v63  }
0xc2: {  	_ =	swait.ge [sflag:s17], $0x8000  }
0xc3: {  	[sflag:s17] =	ssyncset.done $0x0  }
0xc4: {  	[sflag:s17] =	ssyncadd.s32 $0xFFFF8000  }
0xc5: {  	s24 =	simm.s32 $0x2020;
	[bflag:$0x0] =	sbarrier.arrive $0xFFFF  }
0xc6: {  	v7 =	vld [tilespmem:s24+$0xFFFFFFE0];
	_ =	sdelay $0x4  }
0xc7: {  	v7 =	vsub.s32 v7, v3  }
0xc8: {  	vm0 =	vlt.u32 v7, $0x80000  }
0xc9: {  	s23 =	simm.s32 $0x3020;
	v7 =	vsel vm0, v7, v0  }
0xca: {  	[tilespmem:s23+$0xFFFFFFE0] =	vst v7  }
0xcb: {  	v7 =	vld [tilespmem:s24+$0xFFFFFFF0];
	_ =	sdelay $0x4  }
0xcc: {  	v7 =	vsub.s32 v7, v3  }
0xcd: {  	vm13 =	vlt.u32 v7, $0x80000  }
0xce: {  	v7 =	vsel vm13, v7, v0  }
0xcf: {  	[tilespmem:s23+$0xFFFFFFF0] =	vst v7  }
0xd0: {  	v7 =	vld [tilespmem:s24+$0x0];
	_ =	sdelay $0x4  }
0xd1: {  	v7 =	vsub.s32 v7, v3  }
0xd2: {  	vm14 =	vlt.u32 v7, $0x80000  }
0xd3: {  	v7 =	vsel vm14, v7, v0  }
0xd4: {  	[tilespmem:s23+$0x0] =	vst v7  }
0xd5: {  	v7 =	vld [tilespmem:s24+$0x10];
	_ =	sdelay $0x4  }
0xd6: {  	v7 =	vsub.s32 v7, v3  }
0xd7: {  	vm15 =	vlt.u32 v7, $0x80000  }
0xd8: {  	v7 =	vsel vm15, v7, v0  }
0xd9: {  	s25 =	simm.s32 $0x2060;
	s24 =	simm.s32 $0x0;
	[tilespmem:s23+$0x10] =	vst v7  }
.LBB2_12:
0xda: {  	v7 =	vld [tilespmem:s25+$0xFFFFFFE0];
	s24 =	sadd.s32 $0x4, s24  }
0xdb: {  	p0 =	slt.u32 s24, $0xFC;
	_ =	sdelay $0x3  }
0xdc: {  	v7 =	vsub.s32 v7, v3  }
0xdd: {  	vm0 =	vlt.u32 v7, $0x80000  }
0xde: {  	s23 =	sadd.s32 $0x40, s23;
	v7 =	vsel vm0, v7, v0  }
0xdf: {  	[tilespmem:s23+$0xFFFFFFE0] =	vst v7  }
0xe0: {  	v7 =	vld [tilespmem:s25+$0xFFFFFFF0];
	_ =	sdelay $0x4  }
0xe1: {  	v7 =	vsub.s32 v7, v3  }
0xe2: {  	vm0 =	vlt.u32 v7, $0x80000  }
0xe3: {  	v7 =	vsel vm0, v7, v0  }
0xe4: {  	[tilespmem:s23+$0xFFFFFFF0] =	vst v7  }
0xe5: {  	v7 =	vld [tilespmem:s25+$0x0];
	_ =	sdelay $0x4  }
0xe6: {  	v7 =	vsub.s32 v7, v3  }
0xe7: {  	vm0 =	vlt.u32 v7, $0x80000  }
0xe8: {  	v7 =	vsel vm0, v7, v0  }
0xe9: {  	[tilespmem:s23+$0x0] =	vst v7  }
0xea: {  	v7 =	vld [tilespmem:s25+$0x10];
	_ =	sdelay $0x3  }
.Ltmp5:
0xeb: {  	(pc) =	sbr.rel @p0 .LBB2_12-.Ltmp5, $4  }
0xec: {  	v7 =	vsub.s32 v7, v3  }
0xed: {  	vm0 =	vlt.u32 v7, $0x80000  }
0xee: {  	v7 =	vsel vm0, v7, v0  }
0xef: {  	s25 =	sadd.s32 $0x40, s25;
	[tilespmem:s23+$0x10] =	vst v7  }
0xf0: {  	[spmem:s1] =	stream.indirect.scatter.add.f32 [tilespmem:s19], [sflag:$0x2], $0x1, s18, s14, $0xb8;
	[tilespmem:$0x15080] =	vst v63  }
0xf1: {  	_ =	swait.ge [sflag:s17], $0x1000  }
0xf2: {  	[sflag:s17] =	ssyncset.done $0x0  }
0xf3: {  	[sflag:s17] =	ssyncadd.s32 $0xFFFFF000  }
0xf4: {  	[bflag:$0x0] =	sbarrier.arrive $0xFFFF  }
0xf5: {  	[hbm:s9], [sflag:s21] =	dma.local [spmem:s22], $0x1000  }
0xf6: {  	_ =	swait.ge [sflag:s17], $0x1000  }
0xf7: {  	[sflag:s17] =	ssyncset.done $0x0  }
0xf8: {  	[sflag:s17] =	ssyncadd.s32 $0xFFFFF000  }
0xf9: {  	[spmem:s6] =	stream.linear.scatter [tilespmem:s16], [sflag:$0x2], $0x8000, $0x38;
	[tilespmem:$0x15080] =	vst v63  }
0xfa: {  	_ =	swait.ge [sflag:s17], $0x8000  }
0xfb: {  	[sflag:s17] =	ssyncset.done $0x0  }
0xfc: {  	[sflag:s17] =	ssyncadd.s32 $0xFFFF8000  }
0xfd: {  	s24 =	simm.s32 $0x2020;
	[bflag:$0x0] =	sbarrier.arrive $0xFFFF  }
0xfe: {  	v7 =	vld [tilespmem:s24+$0xFFFFFFE0];
	_ =	sdelay $0x4  }
0xff: {  	v7 =	vsub.s32 v7, v4  }
0x100: {  	vm0 =	vlt.u32 v7, $0x80000  }
0x101: {  	s23 =	simm.s32 $0x3020;
	v7 =	vsel vm0, v7, v0  }
0x102: {  	[tilespmem:s23+$0xFFFFFFE0] =	vst v7  }
0x103: {  	v7 =	vld [tilespmem:s24+$0xFFFFFFF0];
	_ =	sdelay $0x4  }
0x104: {  	v7 =	vsub.s32 v7, v4  }
0x105: {  	vm13 =	vlt.u32 v7, $0x80000  }
0x106: {  	v7 =	vsel vm13, v7, v0  }
0x107: {  	[tilespmem:s23+$0xFFFFFFF0] =	vst v7  }
0x108: {  	v7 =	vld [tilespmem:s24+$0x0];
	_ =	sdelay $0x4  }
0x109: {  	v7 =	vsub.s32 v7, v4  }
0x10a: {  	vm14 =	vlt.u32 v7, $0x80000  }
0x10b: {  	v7 =	vsel vm14, v7, v0  }
0x10c: {  	[tilespmem:s23+$0x0] =	vst v7  }
0x10d: {  	v7 =	vld [tilespmem:s24+$0x10];
	_ =	sdelay $0x4  }
0x10e: {  	v7 =	vsub.s32 v7, v4  }
0x10f: {  	vm15 =	vlt.u32 v7, $0x80000  }
0x110: {  	v7 =	vsel vm15, v7, v0  }
0x111: {  	s25 =	simm.s32 $0x2060;
	s24 =	simm.s32 $0x0;
	[tilespmem:s23+$0x10] =	vst v7  }
.LBB2_14:
0x112: {  	v7 =	vld [tilespmem:s25+$0xFFFFFFE0];
	s24 =	sadd.s32 $0x4, s24  }
0x113: {  	p0 =	slt.u32 s24, $0xFC;
	_ =	sdelay $0x3  }
0x114: {  	v7 =	vsub.s32 v7, v4  }
0x115: {  	vm0 =	vlt.u32 v7, $0x80000  }
0x116: {  	s23 =	sadd.s32 $0x40, s23;
	v7 =	vsel vm0, v7, v0  }
0x117: {  	[tilespmem:s23+$0xFFFFFFE0] =	vst v7  }
0x118: {  	v7 =	vld [tilespmem:s25+$0xFFFFFFF0];
	_ =	sdelay $0x4  }
0x119: {  	v7 =	vsub.s32 v7, v4  }
0x11a: {  	vm0 =	vlt.u32 v7, $0x80000  }
0x11b: {  	v7 =	vsel vm0, v7, v0  }
0x11c: {  	[tilespmem:s23+$0xFFFFFFF0] =	vst v7  }
0x11d: {  	v7 =	vld [tilespmem:s25+$0x0];
	_ =	sdelay $0x4  }
0x11e: {  	v7 =	vsub.s32 v7, v4  }
0x11f: {  	vm0 =	vlt.u32 v7, $0x80000  }
0x120: {  	v7 =	vsel vm0, v7, v0  }
0x121: {  	[tilespmem:s23+$0x0] =	vst v7  }
0x122: {  	v7 =	vld [tilespmem:s25+$0x10];
	_ =	sdelay $0x3  }
.Ltmp6:
0x123: {  	(pc) =	sbr.rel @p0 .LBB2_14-.Ltmp6, $4  }
0x124: {  	v7 =	vsub.s32 v7, v4  }
0x125: {  	vm0 =	vlt.u32 v7, $0x80000  }
0x126: {  	v7 =	vsel vm0, v7, v0  }
0x127: {  	s25 =	sadd.s32 $0x40, s25;
	[tilespmem:s23+$0x10] =	vst v7  }
0x128: {  	[spmem:s1] =	stream.indirect.scatter.add.f32 [tilespmem:s19], [sflag:$0x2], $0x1, s18, s14, $0xb8;
	[tilespmem:$0x15080] =	vst v63  }
0x129: {  	_ =	swait.ge [sflag:s17], $0x1000  }
0x12a: {  	s20 =	sadd.s32 $0x1, s20;
	[sflag:s17] =	ssyncset.done $0x0  }
0x12b: {  	p0 =	sne.s32 s20, s11;
	[sflag:s17] =	ssyncadd.s32 $0xFFFFF000  }
.Ltmp7:
0x12c: {  	[bflag:$0x0] =	sbarrier.arrive $0xFFFF;
	(pc) =	sbr.rel @p0 .LBB2_1-.Ltmp7, $4  }
0x12d: {  	[hbm:s10], [sflag:s21] =	dma.local [spmem:s22], $0x1000  }
0x12e: {  	_ =	swait.ge [sflag:s17], $0x1000  }
0x12f: {  	[sflag:s17] =	ssyncset.done $0x0  }
0x130: {  	[sflag:s17] =	ssyncadd.s32 $0xFFFFF000  }
0x131: {  	_ =	sfence.sel $0x180000  }
0x132: {  	[bflag:$0x0] =	sbarrier.arrive $0xFFFF  }
0x133: {  	p0 =	sne.s32 s3, $0x0;
	_ =	strace $0x90000047  }
0x134: {  	s0 =	sadd.s32 @!p0 $0x100000, s0;
	[bflag:$0x2] =	sbarrier.arrive $0xFFFF  }
0x135: {  	[sflag:s0] =	ssyncadd.tile.s32 @!p0 $0x1;
	_ =	shalt  }
.Lfunc_end2:
_tile_overlayer_lowered:
.L_overlay_start_2:
0x136: {  	(tag) =	ssettag $0x2  }
0x137: {  	s0 =	rddreg [dreg:$0x0];
	s2 =	stileid.u32  }
0x138: {  	s1 =	rddreg [dreg:$0x1];
	p0 =	sne.s32 s2, $0x0  }
0x139: {  	s3 =	rddreg [dreg:$0x2];
	[bflag:$0x3] =	sbarrier.arrive $0xFFFF;
	s2 =	simm.s32 @!p0 $0x1C02  }
0x13a: {  	[timem:s3], [sflag:s2] =	dma.local @!p0 [hbm:s0], s1  }
0x13b: {  	s0 =	simm.s32 @!p0 $0x2  }
0x13c: {  	_ =	swait.ge @!p0 [sflag:s0], s1  }
0x13d: {  	s1 =	ssub.s32 @!p0 $0x0, s1;
	[sflag:s0] =	ssyncset.done @!p0 $0x0  }
0x13e: {  	[sflag:s0] =	ssyncadd.s32 @!p0 s1  }
0x13f: {  	[bflag:$0x3] =	sbarrier.arrive $0xFFFF  }
0x140: {  	_ =	shalt  }

// kernel: kernel.21.cloned.1.call-start
scs
__scs_entry_jumppad:
0x0: {  	(pc) =	sbr.rel $0x88, $3  }
0x1: {  	(tag) =	ssettag $0x0;
	lr =	simm.s32 $0x1  }
0x2: {  	[smem:$0x3F84] =	sst lr;
	_ =	strace $0xD0000000  }
0x3: {  	_ = 	snop  }
0x4: {  	_ = 	snop  }
0x5: {  	_ = 	snop  }
0x6: {  	_ = 	snop  }
0x7: {  	_ = 	snop  }
__scs_overlays_trampoline_lowered:
0x8: {  	[smem:$0x3F93] =	sst s0  }
0x9: {  	[smem:$0x3F94] =	sst s1  }
0xa: {  	[smem:$0x3F95] =	sst s2  }
0xb: {  	[smem:$0x3F96] =	sst s3  }
0xc: {  	[smem:$0x3F97] =	sst s4  }
0xd: {  	[smem:$0x3F98] =	sst s5  }
0xe: {  	[smem:$0x3F99] =	sst s6  }
0xf: {  	[smem:$0x3F9A] =	sst s7  }
0x10: {  	[smem:$0x3F9B] =	sst s8  }
0x11: {  	[smem:$0x3F9C] =	sst s9;
	s0 =	simm.s32 @!p0 $0x0  }
0x12: {  	s1 =	sld [smem:$0x3F82];
	s0 =	simm.s32 @p0 $0x1  }
0x13: {  	[smem:$0x3F9D] =	sst s0;
	s0 =	simm.s32 @!p1 $0x0  }
0x14: {  	s2 =	sld [smem:$0x3F81];
	s0 =	simm.s32 @p1 $0x1  }
0x15: {  	[smem:$0x3F9E] =	sst s0;
	s0 =	simm.s32 @!p2 $0x0  }
0x16: {  	s3 =	sld [smem:$0x3FDB];
	s0 =	simm.s32 @p2 $0x1  }
0x17: {  	s4 =	simm.s32 $0x1BF5;
	[smem:$0x3FA0] =	sst s0  }
0x18: {  	s0 =	sld [smem:$0x3F83];
	_ =	swait.ge [sflag:s4], $0x0  }
0x19: {  	s7 =	sld [smem:$0x3F84]  }
0x1a: {  	s8 =	sadd.s32 $0xFFFFE003, lr  }
0x1b: {  	s9 =	sadd.s32 $0xFFFFFEF7, lr;
	s5 =	simm.s32 $0xFFFFFFFF;
	p2 =	slt.u32 s8, $0xFFFFF086  }
0x1c: {  	p1 =	slt.u32 s9, $0xF7A;
	s5 =	simm.s32 @!p2 $0x0  }
0x1d: {  	s5 =	simm.s32 @p1 $0x1;
	p0 =	seq.s32 s7, s2  }
0x1e: {  	s7 =	smul.u32 @!p0 $0xF7A, s2;
	p2 =	seq.s32 @!p0 s5, $0x0  }
0x1f: {  	s9 =	smul.u32 $0xF7A, s1;
	s8 =	simm.s32 @!p0 $0x1BF5;
	p2 =	por !p2, p0  }
0x20: {  	[sflag:s8] =	ssyncset.s32 @!p0 $0xFFFFF086;
	s6 =	sadd.s32 @!p0 s3, s7;
	s7 =	simm.s32 @!p0 $0x108  }
0x21: {  	s3 =	sadd.s32 s3, s9;
	s6 =	sadd.s32 @!p0 $0x88, s6;
	s7 =	simm.s32 @p2 $0x1082  }
0x22: {  	[simem:s7], [sflag:s8] =	dma.local @!p0 [hbm:s6], $0xF7A  }
0x23: {  	s9 =	sor.u32 $0xD0000000, s2;
	s6 =	simm.s32 $0x108;
	_ =	swait.ge @!p0 [sflag:s8], $0x0  }
0x24: {  	s3 =	sadd.s32 $0x88, s3;
	s6 =	simm.s32 @!p1 $0x1082;
	[sflag:s4] =	ssyncset.s32 $0xFFFFF086  }
0x25: {  	[simem:s6], [sflag:s4] =	dma.local [hbm:s3], $0xF7A  }
0x26: {  	[smem:$0x3F84] =	sst s1;
	(tag) =	ssettag s2;
	_ =	strace s9  }
0x27: {  	s1 =	sld [smem:$0x3F94]  }
0x28: {  	s2 =	sld [smem:$0x3F95]  }
0x29: {  	s4 =	sld [smem:$0x3F97]  }
0x2a: {  	p0 =	seq.s32 s5, $0x0;
	s5 =	sld [smem:$0x3F98]  }
0x2b: {  	s6 =	sld [smem:$0x3F99]  }
0x2c: {  	s7 =	sld [smem:$0x3F9A]  }
0x2d: {  	s3 =	simm.s32 $0x108;
	s8 =	sld [smem:$0x3F9B]  }
0x2e: {  	s3 =	simm.s32 @!p0 $0x1082;
	s9 =	sld [smem:$0x3F9C]  }
0x2f: {  	lr =	sadd.s32 s0, s3;
	s0 =	sld [smem:$0x3F93]  }
0x30: {  	s3 =	sld [smem:$0x3F96]  }
0x31: {  	[smem:$0x3F9F] =	sst s10  }
0x32: {  	s10 =	sld [smem:$0x3F9D];
	_ =	sdelay $0x3  }
0x33: {  	p0 =	seq.s32 s10, $0x1;
	s10 =	sld [smem:$0x3F9F];
	_ =	sdelay $0x3  }
0x34: {  	[smem:$0x3F9F] =	sst s10  }
0x35: {  	s10 =	sld [smem:$0x3F9E];
	_ =	sdelay $0x3  }
0x36: {  	p1 =	seq.s32 s10, $0x1;
	s10 =	sld [smem:$0x3F9F];
	_ =	sdelay $0x3  }
0x37: {  	[smem:$0x3F9F] =	sst s10  }
0x38: {  	s10 =	sld [smem:$0x3FA0]  }
0x39: {  	_ = 	snop;
	(pc) =	sbr.ind lr, $3  }
0x3a: {  	_ = 	snop  }
0x3b: {  	_ = 	snop  }
0x3c: {  	p2 =	seq.s32 s10, $0x1;
	s10 =	sld [smem:$0x3F9F]  }
0x3d: {  	_ =	shalt  }
0x3e: {  	_ =	shalt  }
0x3f: {  	_ =	shalt  }
0x40: {  	_ =	shalt  }
0x41: {  	_ =	shalt  }
0x42: {  	_ =	shalt  }
0x43: {  	_ =	shalt  }
0x44: {  	_ =	shalt  }
0x45: {  	_ =	shalt  }
0x46: {  	_ =	shalt  }
0x47: {  	_ =	shalt  }
0x48: {  	_ =	shalt  }
0x49: {  	_ =	shalt  }
0x4a: {  	_ =	shalt  }
0x4b: {  	_ =	shalt  }
0x4c: {  	_ =	shalt  }
0x4d: {  	_ =	shalt  }
0x4e: {  	_ =	shalt  }
0x4f: {  	_ =	shalt  }
0x50: {  	_ =	shalt  }
0x51: {  	_ =	shalt  }
0x52: {  	_ =	shalt  }
0x53: {  	_ =	shalt  }
0x54: {  	_ =	shalt  }
0x55: {  	_ =	shalt  }
0x56: {  	_ =	shalt  }
0x57: {  	_ =	shalt  }
0x58: {  	_ =	shalt  }
0x59: {  	_ =	shalt  }
0x5a: {  	_ =	shalt  }
0x5b: {  	_ =	shalt  }
0x5c: {  	_ =	shalt  }
0x5d: {  	_ =	shalt  }
0x5e: {  	_ =	shalt  }
0x5f: {  	_ =	shalt  }
0x60: {  	_ =	shalt  }
0x61: {  	_ =	shalt  }
0x62: {  	_ =	shalt  }
0x63: {  	_ =	shalt  }
0x64: {  	_ =	shalt  }
0x65: {  	_ =	shalt  }
0x66: {  	_ =	shalt  }
0x67: {  	_ =	shalt  }
0x68: {  	_ =	shalt  }
0x69: {  	_ =	shalt  }
0x6a: {  	_ =	shalt  }
0x6b: {  	_ =	shalt  }
0x6c: {  	_ =	shalt  }
0x6d: {  	_ =	shalt  }
0x6e: {  	_ =	shalt  }
0x6f: {  	_ =	shalt  }
0x70: {  	_ =	shalt  }
0x71: {  	_ =	shalt  }
0x72: {  	_ =	shalt  }
0x73: {  	_ =	shalt  }
0x74: {  	_ =	shalt  }
0x75: {  	_ =	shalt  }
0x76: {  	_ =	shalt  }
0x77: {  	_ =	shalt  }
0x78: {  	_ =	shalt  }
0x79: {  	_ =	shalt  }
0x7a: {  	_ =	shalt  }
0x7b: {  	_ =	shalt  }
0x7c: {  	_ =	shalt  }
0x7d: {  	_ =	shalt  }
0x7e: {  	_ =	shalt  }
0x7f: {  	_ =	shalt  }
0x80: {  	_ =	shalt  }
0x81: {  	_ =	shalt  }
0x82: {  	_ =	shalt  }
0x83: {  	_ =	shalt  }
0x84: {  	_ =	shalt  }
0x85: {  	_ =	shalt  }
0x86: {  	_ =	shalt  }
0x87: {  	_ =	shalt  }
.Lfunc_end0:
.L_simem_size_0:
called_computation.1_lowered:
.L_overlay_start_0:
0x88: {  	s2 =	sld [smem:$0x3FD9]  }
0x89: {  	s3 =	sld [smem:$0x3FFE];
	_ =	sdelay $0x1  }
0x8a: {  	s1 =	srdreg.scid  }
0x8b: {  	s0 =	sand.u32 $0x1, s1  }
0x8c: {  	s16 =	sshll.u32 s0, $0xA;
	s2 =	sadd.s32 s3, s2  }
0x8d: {  	s2 =	sadd.s32 s2, s16  }
0x8e: {  	[smem:$0x3FAB] =	sst s2  }
0x8f: {  	_ = 	snop  }
0x90: {  	s17 =	sld [smem:$0x3FD0];
	_ =	sdelay $0x2  }
0x91: {  	s4 =	simm.s32 $0xC;
	s5 =	simm.s32 $0x10;
	s2 =	sld [smem:$0x3FC5]  }
0x92: {  	[smem:s5], [sflag:s4] =	dma.local [hbm:s17], $0x1  }
0x93: {  	_ =	swait.eq [sflag:s4], $0x1  }
0x94: {  	[sflag:s4] =	ssyncset.done $0x0  }
0x95: {  	[sflag:s4] =	ssyncadd.s32 $0xFFFFFFFF  }
0x96: {  	s18 =	sld [smem:$0x11];
	(tm) =	ssettm $0x1  }
0x97: {  	s19 =	sld [smem:$0x3FFB];
	_ =	sdelay $0x3  }
0x98: {  	_ =	strace s19  }
0x99: {  	s3 =	sld [smem:$0x3FFC];
	_ =	sdelay $0x3  }
0x9a: {  	_ =	strace s3  }
0x9b: {  	s3 =	sld [smem:$0x3FFD];
	_ =	sdelay $0x3  }
0x9c: {  	_ =	strace s3  }
0x9d: {  	_ =	strace $0x8FFFFFFF  }
0x9e: {  	s20 =	sld [smem:$0x3FDB];
	_ =	sdelay $0x1  }
0x9f: {  	s21 =	simm.s32 $_scs_section_size  }
0xa0: {  	s6 =	simm.s32 $_size__tile_overlayer_lowered;
	s7 =	simm.s32 $_tile_overlayer_lowered  }
0xa1: {  	s8 =	simm.s32 $0x1BFF;
	s22 =	sshll.u32 s7, $0x1;
	s5 =	sadd.s32 s21, s20  }
0xa2: {  	s23 =	simm.s32 $0x0;
	s6 =	sshll.u32 s6, $0x1;
	s7 =	sadd.s32 s22, s5  }
0xa3: {  	[timem:s23], [sflag:s8] =	dma.local [hbm:s7], s6  }
0xa4: {  	_ =	swait.ge [sflag:s8], s6  }
0xa5: {  	s6 =	ssub.s32 $0x0, s6;
	[sflag:s8] =	ssyncset.done $0x0  }
0xa6: {  	[sflag:s8] =	ssyncadd.s32 s6;
	_ =	sdelay $0x1  }
0xa7: {  	s24 =	simm.s32 $0x1B8B  }
0xa8: {  	_ =	swait.ge [sflag:s24], $0x1  }
0xa9: {  	[sflag:s24] =	ssyncset.done $0x0  }
0xaa: {  	[sflag:s24] =	ssyncadd.s32 $0xFFFFFFFF  }
0xab: {  	s6 =	sld [smem:$0x0]  }
0xac: {  	s7 =	sand.u32 $0xFFFFFFFE, s1  }
0xad: {  	p0 =	sne.s32 s1, s7  }
0xae: {  	s7 =	sshll.u32 @p0 s7, $0xE  }
0xaf: {  	s7 =	sadd.s32 @p0 $0x11B8D, s7;
	s8 =	sshll.u32 @p0 s6, $0x11  }
0xb0: {  	s7 =	sor.u32 @p0 s8, s7  }
0xb1: {  	[sflag:s7] =	ssyncadd.remote.s32 @p0 $0x1;
	_ =	sdelay $0x1  }
0xb2: {  	s7 =	simm.s32 @p0 $0x1B8D  }
0xb3: {  	_ =	swait.eq @p0 [sflag:s7], $0x1  }
0xb4: {  	[sflag:s7] =	ssyncadd.s32 @p0 $0xFFFFFFFF  }
0xb5: {  	s8 =	sshll.u32 @!p0 s1, $0xE  }
0xb6: {  	s8 =	sor.u32 @!p0 $0x4000, s8;
	s7 =	simm.s32 @!p0 $0x1B8D  }
0xb7: {  	s6 =	sshll.u32 @!p0 s6, $0x11;
	s8 =	sadd.s32 @!p0 $0x11B8D, s8;
	_ =	swait.eq @!p0 [sflag:s7], $0x1  }
0xb8: {  	s6 =	sor.u32 @!p0 s6, s8;
	[sflag:s7] =	ssyncadd.s32 @!p0 $0xFFFFFFFF  }
0xb9: {  	s25 =	simm.s32 $0x1B8E;
	[sflag:s6] =	ssyncadd.remote.s32 @!p0 $0x1  }
0xba: {  	s26 =	simm.s32 $execute0_lowered;
	[smem:$0x3FD2] =	sst s25  }
0xbb: {  	s6 =	sshll.u32 s26, $0x1;
	_ =	strace $0x80000049;
	[dreg:$0x1] =	wrdreg $0xFFFFFFFF  }
0xbc: {  	s28 =	simm.s32 $_size_execute0_lowered;
	s5 =	sadd.s32 s5, s6;
	[dreg:$0x0] =	wrdreg $0x0  }
0xbd: {  	s6 =	sshll.u32 s28, $0x1;
	[dreg:$0x2] =	wrdreg s5  }
0xbe: {  	[dreg:$0x3] =	wrdreg s6  }
0xbf: {  	[dreg:$0x4] =	wrdreg $0xC0  }
0xc0: {  	_ =	task [dreg:s23], $0x5FFFF  }
0xc1: {  	[dreg:$0x1] =	wrdreg $0xFFFFFFFF  }
0xc2: {  	[dreg:$0x0] =	wrdreg $0x60  }
0xc3: {  	[dreg:$0x2] =	wrdreg s2  }
0xc4: {  	[dreg:$0x3] =	wrdreg s18  }
0xc5: {  	[dreg:$0x4] =	wrdreg $0xD0000  }
0xc6: {  	[dreg:$0x5] =	wrdreg $0xA  }
0xc7: {  	_ =	task.clear_ibuf [dreg:s23], $0x6FFFF;
	_ =	strace $0x90000049  }
0xc8: {  	s29 =	simm.s32 $0xA;
	_ =	strace $0x8000004B  }
0xc9: {  	_ =	swait.ge [sflag:s29], $0x1  }
0xca: {  	[sflag:s29] =	ssyncadd.s32 $0xFFFFFFFF  }
0xcb: {  	_ =	strace $0x9000004B  }
0xcc: {  	_ =	sfence  }
0xcd: {  	s30 =	sld [smem:$0x0];
	_ =	sdelay $0x2  }
0xce: {  	s31 =	sshll.u32 s1, $0xD;
	s1 =	sshrl.u32 s1, $0x2  }
0xcf: {  	s4 =	sand.u32 $0x4000, s31;
	s1 =	sadd.s32 s1, s30  }
0xd0: {  	s0 =	sor.u32 s4, s0;
	s1 =	sshll.u32 s1, $0x11  }
0xd1: {  	s0 =	sor.u32 s1, s0  }
0xd2: {  	s0 =	sadd.s32 $0x8F2B, s0  }
0xd3: {  	[sflag:s0] =	ssyncadd.remote.s32 $0x1  }
0xd4: {  	_ =	sfence.sel $0xFFFF  }
0xd5: {  	[dreg:$0x0] =	wrdreg $0xFFFFFFFF;
	(pc) =	sbr.abs _section_cstart, $3  }
0xd6: {  	[dreg:$0x1] =	wrdreg $0xFFFFFFFF  }
0xd7: {  	_ =	task.clear_ibuf [dreg:s23], $0x2FFFF;
	_ =	strace $0x9FFFFFFF  }
0xd8: {  	(tm) =	ssettm $0x7FFFFFFF  }
0xd9: {  	_ =	shalt  }
tec
execute0_lowered:
.L_overlay_start_1:
0x0: {  	(tag) =	ssettag $0x1  }
0x1: {  	s4 =	rddreg [dreg:$0x0]  }
0x2: {  	s10 =	rddreg [dreg:$0x1]  }
0x3: {  	s0 =	srdreg.scid;
	s1 =	rddreg [dreg:$0x2]  }
0x4: {  	s2 =	simm.s32 $0x0;
	s3 =	stileid.u32;
	s19 =	simm.s32 $0xC000  }
0x5: {  	s20 =	simm.s32 $0x0;
	s5 =	sand.u32 $0x1, s0;
	s0 =	rddreg [dreg:$0x3]  }
0x6: {  	[smem:$0x7FF] =	sst s2;
	s25 =	sshll.u32 s3, $0xA;
	s8 =	sshll.u32 s3, $0xF  }
0x7: {  	s26 =	sshll.u32 s3, $0x7;
	s6 =	ssub.s32 $0x2, s5;
	_ =	strace $0x8000004A  }
0x8: {  	v0 =	vlaneseq.u32;
	s15 =	sshll.u32 s5, $0x15;
	s4 =	sadd.s32 s4, s25;
	s12 =	sor.u32 $0x80000, s26  }
0x9: {  	v0 =	vmul.u32 $0x8, v0;
	s7 =	sshrl.u32 s6, $0x1;
	s28 =	sor.u32 s8, s15;
	s5 =	sadd.s32 $0x10, s4  }
0xa: {  	s16 =	sor.u32 $0x80000, s15;
	s17 =	sor.u32 $0x100000, s15;
	s18 =	sor.u32 $0x180000, s15  }
0xb: {  	v0 =	vor.u32 s12, v0;
	s12 =	simm.s32 $0x80;
	v1 =	vmov s15;
	s15 =	simm.s32 $0x1;
	s11 =	ssub.s32 s6, s7  }
0xc: {  	s29 =	sshrl.u32 s28, $0x3;
	s6 =	sadd.s32 s8, s1;
	s9 =	sor.u32 s8, s16  }
0xd: {  	s13 =	sor.u32 s8, s17;
	s14 =	sor.u32 s8, s18;
	v2 =	vmov s16;
	s16 =	simm.s32 $0x4000  }
0xe: {  	v3 =	vmov s17;
	s17 =	simm.s32 $0x2;
	v4 =	vmov s18;
	s18 =	simm.s32 $0x3000;
	s7 =	sadd.s32 s10, s29  }
0xf: {  	s9 =	sshrl.u32 s9, $0x3;
	s30 =	sshrl.u32 s13, $0x3;
	s31 =	sshrl.u32 s14, $0x3  }
0x10: {  	s11 =	smax.u32 s11, $0x1;
	s13 =	simm.s32 $0x100;
	s14 =	simm.s32 $0x1000  }
0x11: {  	v5 =	vimm.f32 $0.0e+00;
	v6 =	vimm.f32 $1.000000000e+00;
	s8 =	sadd.s32 s10, s9;
	s9 =	sadd.s32 s10, s30;
	s10 =	sadd.s32 s10, s31  }
.LBB2_1:
0x12: {  	s21 =	simm.s32 $0x0  }
.LBB2_2:
0x13: {  	p0 =	sne.s32 s21, $0x1FFC0  }
.Ltmp0:
0x14: {  	_ = 	snop;
	(pc) =	sbr.rel @p0 .LBB2_2-.Ltmp0, $3  }
0x15: {  	_ =	sdelay $0x1  }
0x16: {  	s22 =	sshra.s32 s21, $0x2  }
0x17: {  	s21 =	sadd.s32 $0x40, s21;
	[tilespmem:s22+$0x4000] =	vst v5  }
0x18: {  	s21 =	simm.s32 $0x40;
	s22 =	simm.s32 $0x0  }
.LBB2_4:
0x19: {  	p0 =	sne.s32 s21, $0x3FC0;
	[tilespmem:s22+$0xC000] =	vst v6;
	s22 =	smov.u32 s21;
	s21 =	sadd.s32 $0x40, s21  }
.Ltmp1:
0x1a: {  	(pc) =	sbr.rel @p0 .LBB2_4-.Ltmp1, $2  }
0x1b: {  	_ =	sdelay $0x2  }
0x1c: {  	s22 =	sshra.s32 s22, $0x2  }
0x1d: {  	[tilespmem:s22+$0xC000] =	vst v6  }
0x1e: {  	[tilespmem:s2], [sflag:$0x1] =	stream.strided.gather [hbm4b:s4+s12], $0x1000, s13, s12, $0x38;
	[tilespmem:$0x15080] =	vst v63  }
0x1f: {  	_ = 	snop  }
0x20: {  	[tilespmem:s14], [sflag:$0x1] =	stream.strided.gather [hbm4b:s5+s12], $0x1000, s13, s12, $0x38;
	[tilespmem:$0x15080] =	vst v63  }
0x21: {  	_ =	swait.ge [sflag:s15], $0x1000  }
0x22: {  	[sflag:s15] =	ssyncset.done $0x0  }
0x23: {  	[sflag:s15] =	ssyncadd.s32 $0xFFFFF000  }
0x24: {  	_ =	swait.ge [sflag:s15], $0x1000  }
0x25: {  	[sflag:s15] =	ssyncset.done $0x0  }
0x26: {  	s23 =	simm.s32 $0x20;
	[sflag:s15] =	ssyncadd.s32 $0xFFFFF000  }
0x27: {  	s21 =	simm.s32 $0x1020;
	v7 =	vld [tilespmem:s23+$0xFFFFFFE0]  }
0x28: {  	v8 =	vld [tilespmem:s21+$0xFFFFFFE0];
	_ =	sdelay $0x3  }
0x29: {  	v7 =	vshll.u32 v7, $0xB  }
0x2a: {  	s22 =	simm.s32 $0x2020;
	v7 =	vadd.s32 v8, v7  }
0x2b: {  	[tilespmem:s22+$0xFFFFFFE0] =	vst v7  }
0x2c: {  	v7 =	vld [tilespmem:s23+$0xFFFFFFF0]  }
0x2d: {  	v8 =	vld [tilespmem:s21+$0xFFFFFFF0];
	_ =	sdelay $0x3  }
0x2e: {  	v7 =	vshll.u32 v7, $0xB  }
0x2f: {  	v7 =	vadd.s32 v8, v7  }
0x30: {  	[tilespmem:s22+$0xFFFFFFF0] =	vst v7  }
0x31: {  	v7 =	vld [tilespmem:s23+$0x0]  }
0x32: {  	v8 =	vld [tilespmem:s21+$0x0];
	_ =	sdelay $0x3  }
0x33: {  	v7 =	vshll.u32 v7, $0xB  }
0x34: {  	v7 =	vadd.s32 v8, v7  }
0x35: {  	[tilespmem:s22+$0x0] =	vst v7  }
0x36: {  	v7 =	vld [tilespmem:s23+$0x10]  }
0x37: {  	v8 =	vld [tilespmem:s21+$0x10];
	_ =	sdelay $0x3  }
0x38: {  	v7 =	vshll.u32 v7, $0xB  }
0x39: {  	v7 =	vadd.s32 v8, v7  }
0x3a: {  	s24 =	simm.s32 $0x60;
	s23 =	simm.s32 $0x0;
	[tilespmem:s22+$0x10] =	vst v7  }
.LBB2_6:
0x3b: {  	v7 =	vld [tilespmem:s24+$0xFFFFFFE0];
	s23 =	sadd.s32 $0x4, s23;
	s21 =	sadd.s32 $0x40, s21  }
0x3c: {  	v8 =	vld [tilespmem:s21+$0xFFFFFFE0];
	p0 =	slt.u32 s23, $0xFC;
	_ =	sdelay $0x3  }
0x3d: {  	v7 =	vshll.u32 v7, $0xB  }
0x3e: {  	s22 =	sadd.s32 $0x40, s22;
	v7 =	vadd.s32 v8, v7  }
0x3f: {  	[tilespmem:s22+$0xFFFFFFE0] =	vst v7  }
0x40: {  	v7 =	vld [tilespmem:s24+$0xFFFFFFF0]  }
0x41: {  	v8 =	vld [tilespmem:s21+$0xFFFFFFF0];
	_ =	sdelay $0x3  }
0x42: {  	v7 =	vshll.u32 v7, $0xB  }
0x43: {  	v7 =	vadd.s32 v8, v7  }
0x44: {  	[tilespmem:s22+$0xFFFFFFF0] =	vst v7  }
0x45: {  	v7 =	vld [tilespmem:s24+$0x0]  }
0x46: {  	v8 =	vld [tilespmem:s21+$0x0];
	_ =	sdelay $0x3  }
0x47: {  	v7 =	vshll.u32 v7, $0xB  }
0x48: {  	v7 =	vadd.s32 v8, v7  }
0x49: {  	[tilespmem:s22+$0x0] =	vst v7  }
0x4a: {  	v7 =	vld [tilespmem:s24+$0x10]  }
0x4b: {  	v8 =	vld [tilespmem:s21+$0x10];
	_ =	sdelay $0x1  }
.Ltmp2:
0x4c: {  	(pc) =	sbr.rel @p0 .LBB2_6-.Ltmp2, $4  }
0x4d: {  	_ = 	snop  }
0x4e: {  	v7 =	vshll.u32 v7, $0xB  }
0x4f: {  	v7 =	vadd.s32 v8, v7  }
0x50: {  	s24 =	sadd.s32 $0x40, s24;
	[tilespmem:s22+$0x10] =	vst v7  }
0x51: {  	[spmem:s6] =	stream.linear.scatter [tilespmem:s16], [sflag:$0x2], $0x8000, $0x38;
	[tilespmem:$0x15080] =	vst v63  }
0x52: {  	_ =	swait.ge [sflag:s17], $0x8000  }
0x53: {  	[sflag:s17] =	ssyncset.done $0x0  }
0x54: {  	[sflag:s17] =	ssyncadd.s32 $0xFFFF8000  }
0x55: {  	s22 =	simm.s32 $0x2020;
	[bflag:$0x0] =	sbarrier.arrive $0xFFFF  }
0x56: {  	v7 =	vld [tilespmem:s22+$0xFFFFFFE0];
	_ =	sdelay $0x4  }
0x57: {  	v7 =	vsub.s32 v7, v1  }
0x58: {  	vm0 =	vlt.u32 v7, $0x80000  }
0x59: {  	s21 =	simm.s32 $0x3020;
	v7 =	vsel vm0, v7, v0  }
0x5a: {  	[tilespmem:s21+$0xFFFFFFE0] =	vst v7  }
0x5b: {  	v7 =	vld [tilespmem:s22+$0xFFFFFFF0];
	_ =	sdelay $0x4  }
0x5c: {  	v7 =	vsub.s32 v7, v1  }
0x5d: {  	vm13 =	vlt.u32 v7, $0x80000  }
0x5e: {  	v7 =	vsel vm13, v7, v0  }
0x5f: {  	[tilespmem:s21+$0xFFFFFFF0] =	vst v7  }
0x60: {  	v7 =	vld [tilespmem:s22+$0x0];
	_ =	sdelay $0x4  }
0x61: {  	v7 =	vsub.s32 v7, v1  }
0x62: {  	vm14 =	vlt.u32 v7, $0x80000  }
0x63: {  	v7 =	vsel vm14, v7, v0  }
0x64: {  	[tilespmem:s21+$0x0] =	vst v7  }
0x65: {  	v7 =	vld [tilespmem:s22+$0x10];
	_ =	sdelay $0x4  }
0x66: {  	v7 =	vsub.s32 v7, v1  }
0x67: {  	vm15 =	vlt.u32 v7, $0x80000  }
0x68: {  	v7 =	vsel vm15, v7, v0  }
0x69: {  	s23 =	simm.s32 $0x2060;
	s22 =	simm.s32 $0x0;
	[tilespmem:s21+$0x10] =	vst v7  }
.LBB2_8:
0x6a: {  	v7 =	vld [tilespmem:s23+$0xFFFFFFE0];
	s22 =	sadd.s32 $0x4, s22  }
0x6b: {  	p0 =	slt.u32 s22, $0xFC;
	_ =	sdelay $0x3  }
0x6c: {  	v7 =	vsub.s32 v7, v1  }
0x6d: {  	vm0 =	vlt.u32 v7, $0x80000  }
0x6e: {  	s21 =	sadd.s32 $0x40, s21;
	v7 =	vsel vm0, v7, v0  }
0x6f: {  	[tilespmem:s21+$0xFFFFFFE0] =	vst v7  }
0x70: {  	v7 =	vld [tilespmem:s23+$0xFFFFFFF0];
	_ =	sdelay $0x4  }
0x71: {  	v7 =	vsub.s32 v7, v1  }
0x72: {  	vm0 =	vlt.u32 v7, $0x80000  }
0x73: {  	v7 =	vsel vm0, v7, v0  }
0x74: {  	[tilespmem:s21+$0xFFFFFFF0] =	vst v7  }
0x75: {  	v7 =	vld [tilespmem:s23+$0x0];
	_ =	sdelay $0x4  }
0x76: {  	v7 =	vsub.s32 v7, v1  }
0x77: {  	vm0 =	vlt.u32 v7, $0x80000  }
0x78: {  	v7 =	vsel vm0, v7, v0  }
0x79: {  	[tilespmem:s21+$0x0] =	vst v7  }
0x7a: {  	v7 =	vld [tilespmem:s23+$0x10];
	_ =	sdelay $0x3  }
.Ltmp3:
0x7b: {  	(pc) =	sbr.rel @p0 .LBB2_8-.Ltmp3, $4  }
0x7c: {  	v7 =	vsub.s32 v7, v1  }
0x7d: {  	vm0 =	vlt.u32 v7, $0x80000  }
0x7e: {  	v7 =	vsel vm0, v7, v0  }
0x7f: {  	s23 =	sadd.s32 $0x40, s23;
	[tilespmem:s21+$0x10] =	vst v7  }
0x80: {  	[spmem:s1] =	stream.indirect.scatter.add.f32 [tilespmem:s19], [sflag:$0x2], $0x1, s18, s14, $0xb8;
	[tilespmem:$0x15080] =	vst v63  }
0x81: {  	_ =	swait.ge [sflag:s17], $0x1000  }
0x82: {  	[sflag:s17] =	ssyncset.done $0x0  }
0x83: {  	s21 =	sshll.u32 s3, $0x6;
	[sflag:s17] =	ssyncadd.s32 $0xFFFFF000  }
0x84: {  	s22 =	sshrl.u32 s6, $0x3;
	s21 =	sor.u32 $0x1C02, s21;
	[bflag:$0x0] =	sbarrier.arrive $0xFFFF  }
0x85: {  	[hbm:s7], [sflag:s21] =	dma.local [spmem:s22], $0x1000  }
0x86: {  	_ =	swait.ge [sflag:s17], $0x1000  }
0x87: {  	[sflag:s17] =	ssyncset.done $0x0  }
0x88: {  	[sflag:s17] =	ssyncadd.s32 $0xFFFFF000  }
0x89: {  	[spmem:s6] =	stream.linear.scatter [tilespmem:s16], [sflag:$0x2], $0x8000, $0x38;
	[tilespmem:$0x15080] =	vst v63  }
0x8a: {  	_ =	swait.ge [sflag:s17], $0x8000  }
0x8b: {  	[sflag:s17] =	ssyncset.done $0x0  }
0x8c: {  	[sflag:s17] =	ssyncadd.s32 $0xFFFF8000  }
0x8d: {  	s24 =	simm.s32 $0x2020;
	[bflag:$0x0] =	sbarrier.arrive $0xFFFF  }
0x8e: {  	v7 =	vld [tilespmem:s24+$0xFFFFFFE0];
	_ =	sdelay $0x4  }
0x8f: {  	v7 =	vsub.s32 v7, v2  }
0x90: {  	vm0 =	vlt.u32 v7, $0x80000  }
0x91: {  	s23 =	simm.s32 $0x3020;
	v7 =	vsel vm0, v7, v0  }
0x92: {  	[tilespmem:s23+$0xFFFFFFE0] =	vst v7  }
0x93: {  	v7 =	vld [tilespmem:s24+$0xFFFFFFF0];
	_ =	sdelay $0x4  }
0x94: {  	v7 =	vsub.s32 v7, v2  }
0x95: {  	vm13 =	vlt.u32 v7, $0x80000  }
0x96: {  	v7 =	vsel vm13, v7, v0  }
0x97: {  	[tilespmem:s23+$0xFFFFFFF0] =	vst v7  }
0x98: {  	v7 =	vld [tilespmem:s24+$0x0];
	_ =	sdelay $0x4  }
0x99: {  	v7 =	vsub.s32 v7, v2  }
0x9a: {  	vm14 =	vlt.u32 v7, $0x80000  }
0x9b: {  	v7 =	vsel vm14, v7, v0  }
0x9c: {  	[tilespmem:s23+$0x0] =	vst v7  }
0x9d: {  	v7 =	vld [tilespmem:s24+$0x10];
	_ =	sdelay $0x4  }
0x9e: {  	v7 =	vsub.s32 v7, v2  }
0x9f: {  	vm15 =	vlt.u32 v7, $0x80000  }
0xa0: {  	v7 =	vsel vm15, v7, v0  }
0xa1: {  	s25 =	simm.s32 $0x2060;
	s24 =	simm.s32 $0x0;
	[tilespmem:s23+$0x10] =	vst v7  }
.LBB2_10:
0xa2: {  	v7 =	vld [tilespmem:s25+$0xFFFFFFE0];
	s24 =	sadd.s32 $0x4, s24  }
0xa3: {  	p0 =	slt.u32 s24, $0xFC;
	_ =	sdelay $0x3  }
0xa4: {  	v7 =	vsub.s32 v7, v2  }
0xa5: {  	vm0 =	vlt.u32 v7, $0x80000  }
0xa6: {  	s23 =	sadd.s32 $0x40, s23;
	v7 =	vsel vm0, v7, v0  }
0xa7: {  	[tilespmem:s23+$0xFFFFFFE0] =	vst v7  }
0xa8: {  	v7 =	vld [tilespmem:s25+$0xFFFFFFF0];
	_ =	sdelay $0x4  }
0xa9: {  	v7 =	vsub.s32 v7, v2  }
0xaa: {  	vm0 =	vlt.u32 v7, $0x80000  }
0xab: {  	v7 =	vsel vm0, v7, v0  }
0xac: {  	[tilespmem:s23+$0xFFFFFFF0] =	vst v7  }
0xad: {  	v7 =	vld [tilespmem:s25+$0x0];
	_ =	sdelay $0x4  }
0xae: {  	v7 =	vsub.s32 v7, v2  }
0xaf: {  	vm0 =	vlt.u32 v7, $0x80000  }
0xb0: {  	v7 =	vsel vm0, v7, v0  }
0xb1: {  	[tilespmem:s23+$0x0] =	vst v7  }
0xb2: {  	v7 =	vld [tilespmem:s25+$0x10];
	_ =	sdelay $0x3  }
.Ltmp4:
0xb3: {  	(pc) =	sbr.rel @p0 .LBB2_10-.Ltmp4, $4  }
0xb4: {  	v7 =	vsub.s32 v7, v2  }
0xb5: {  	vm0 =	vlt.u32 v7, $0x80000  }
0xb6: {  	v7 =	vsel vm0, v7, v0  }
0xb7: {  	s25 =	sadd.s32 $0x40, s25;
	[tilespmem:s23+$0x10] =	vst v7  }
0xb8: {  	[spmem:s1] =	stream.indirect.scatter.add.f32 [tilespmem:s19], [sflag:$0x2], $0x1, s18, s14, $0xb8;
	[tilespmem:$0x15080] =	vst v63  }
0xb9: {  	_ =	swait.ge [sflag:s17], $0x1000  }
0xba: {  	[sflag:s17] =	ssyncset.done $0x0  }
0xbb: {  	[sflag:s17] =	ssyncadd.s32 $0xFFFFF000  }
0xbc: {  	[bflag:$0x0] =	sbarrier.arrive $0xFFFF  }
0xbd: {  	[hbm:s8], [sflag:s21] =	dma.local [spmem:s22], $0x1000  }
0xbe: {  	_ =	swait.ge [sflag:s17], $0x1000  }
0xbf: {  	[sflag:s17] =	ssyncset.done $0x0  }
0xc0: {  	[sflag:s17] =	ssyncadd.s32 $0xFFFFF000  }
0xc1: {  	[spmem:s6] =	stream.linear.scatter [tilespmem:s16], [sflag:$0x2], $0x8000, $0x38;
	[tilespmem:$0x15080] =	vst v63  }
0xc2: {  	_ =	swait.ge [sflag:s17], $0x8000  }
0xc3: {  	[sflag:s17] =	ssyncset.done $0x0  }
0xc4: {  	[sflag:s17] =	ssyncadd.s32 $0xFFFF8000  }
0xc5: {  	s24 =	simm.s32 $0x2020;
	[bflag:$0x0] =	sbarrier.arrive $0xFFFF  }
0xc6: {  	v7 =	vld [tilespmem:s24+$0xFFFFFFE0];
	_ =	sdelay $0x4  }
0xc7: {  	v7 =	vsub.s32 v7, v3  }
0xc8: {  	vm0 =	vlt.u32 v7, $0x80000  }
0xc9: {  	s23 =	simm.s32 $0x3020;
	v7 =	vsel vm0, v7, v0  }
0xca: {  	[tilespmem:s23+$0xFFFFFFE0] =	vst v7  }
0xcb: {  	v7 =	vld [tilespmem:s24+$0xFFFFFFF0];
	_ =	sdelay $0x4  }
0xcc: {  	v7 =	vsub.s32 v7, v3  }
0xcd: {  	vm13 =	vlt.u32 v7, $0x80000  }
0xce: {  	v7 =	vsel vm13, v7, v0  }
0xcf: {  	[tilespmem:s23+$0xFFFFFFF0] =	vst v7  }
0xd0: {  	v7 =	vld [tilespmem:s24+$0x0];
	_ =	sdelay $0x4  }
0xd1: {  	v7 =	vsub.s32 v7, v3  }
0xd2: {  	vm14 =	vlt.u32 v7, $0x80000  }
0xd3: {  	v7 =	vsel vm14, v7, v0  }
0xd4: {  	[tilespmem:s23+$0x0] =	vst v7  }
0xd5: {  	v7 =	vld [tilespmem:s24+$0x10];
	_ =	sdelay $0x4  }
0xd6: {  	v7 =	vsub.s32 v7, v3  }
0xd7: {  	vm15 =	vlt.u32 v7, $0x80000  }
0xd8: {  	v7 =	vsel vm15, v7, v0  }
0xd9: {  	s25 =	simm.s32 $0x2060;
	s24 =	simm.s32 $0x0;
	[tilespmem:s23+$0x10] =	vst v7  }
.LBB2_12:
0xda: {  	v7 =	vld [tilespmem:s25+$0xFFFFFFE0];
	s24 =	sadd.s32 $0x4, s24  }
0xdb: {  	p0 =	slt.u32 s24, $0xFC;
	_ =	sdelay $0x3  }
0xdc: {  	v7 =	vsub.s32 v7, v3  }
0xdd: {  	vm0 =	vlt.u32 v7, $0x80000  }
0xde: {  	s23 =	sadd.s32 $0x40, s23;
	v7 =	vsel vm0, v7, v0  }
0xdf: {  	[tilespmem:s23+$0xFFFFFFE0] =	vst v7  }
0xe0: {  	v7 =	vld [tilespmem:s25+$0xFFFFFFF0];
	_ =	sdelay $0x4  }
0xe1: {  	v7 =	vsub.s32 v7, v3  }
0xe2: {  	vm0 =	vlt.u32 v7, $0x80000  }
0xe3: {  	v7 =	vsel vm0, v7, v0  }
0xe4: {  	[tilespmem:s23+$0xFFFFFFF0] =	vst v7  }
0xe5: {  	v7 =	vld [tilespmem:s25+$0x0];
	_ =	sdelay $0x4  }
0xe6: {  	v7 =	vsub.s32 v7, v3  }
0xe7: {  	vm0 =	vlt.u32 v7, $0x80000  }
0xe8: {  	v7 =	vsel vm0, v7, v0  }
0xe9: {  	[tilespmem:s23+$0x0] =	vst v7  }
0xea: {  	v7 =	vld [tilespmem:s25+$0x10];
	_ =	sdelay $0x3  }
.Ltmp5:
0xeb: {  	(pc) =	sbr.rel @p0 .LBB2_12-.Ltmp5, $4  }
0xec: {  	v7 =	vsub.s32 v7, v3  }
0xed: {  	vm0 =	vlt.u32 v7, $0x80000  }
0xee: {  	v7 =	vsel vm0, v7, v0  }
0xef: {  	s25 =	sadd.s32 $0x40, s25;
	[tilespmem:s23+$0x10] =	vst v7  }
0xf0: {  	[spmem:s1] =	stream.indirect.scatter.add.f32 [tilespmem:s19], [sflag:$0x2], $0x1, s18, s14, $0xb8;
	[tilespmem:$0x15080] =	vst v63  }
0xf1: {  	_ =	swait.ge [sflag:s17], $0x1000  }
0xf2: {  	[sflag:s17] =	ssyncset.done $0x0  }
0xf3: {  	[sflag:s17] =	ssyncadd.s32 $0xFFFFF000  }
0xf4: {  	[bflag:$0x0] =	sbarrier.arrive $0xFFFF  }
0xf5: {  	[hbm:s9], [sflag:s21] =	dma.local [spmem:s22], $0x1000  }
0xf6: {  	_ =	swait.ge [sflag:s17], $0x1000  }
0xf7: {  	[sflag:s17] =	ssyncset.done $0x0  }
0xf8: {  	[sflag:s17] =	ssyncadd.s32 $0xFFFFF000  }
0xf9: {  	[spmem:s6] =	stream.linear.scatter [tilespmem:s16], [sflag:$0x2], $0x8000, $0x38;
	[tilespmem:$0x15080] =	vst v63  }
0xfa: {  	_ =	swait.ge [sflag:s17], $0x8000  }
0xfb: {  	[sflag:s17] =	ssyncset.done $0x0  }
0xfc: {  	[sflag:s17] =	ssyncadd.s32 $0xFFFF8000  }
0xfd: {  	s24 =	simm.s32 $0x2020;
	[bflag:$0x0] =	sbarrier.arrive $0xFFFF  }
0xfe: {  	v7 =	vld [tilespmem:s24+$0xFFFFFFE0];
	_ =	sdelay $0x4  }
0xff: {  	v7 =	vsub.s32 v7, v4  }
0x100: {  	vm0 =	vlt.u32 v7, $0x80000  }
0x101: {  	s23 =	simm.s32 $0x3020;
	v7 =	vsel vm0, v7, v0  }
0x102: {  	[tilespmem:s23+$0xFFFFFFE0] =	vst v7  }
0x103: {  	v7 =	vld [tilespmem:s24+$0xFFFFFFF0];
	_ =	sdelay $0x4  }
0x104: {  	v7 =	vsub.s32 v7, v4  }
0x105: {  	vm13 =	vlt.u32 v7, $0x80000  }
0x106: {  	v7 =	vsel vm13, v7, v0  }
0x107: {  	[tilespmem:s23+$0xFFFFFFF0] =	vst v7  }
0x108: {  	v7 =	vld [tilespmem:s24+$0x0];
	_ =	sdelay $0x4  }
0x109: {  	v7 =	vsub.s32 v7, v4  }
0x10a: {  	vm14 =	vlt.u32 v7, $0x80000  }
0x10b: {  	v7 =	vsel vm14, v7, v0  }
0x10c: {  	[tilespmem:s23+$0x0] =	vst v7  }
0x10d: {  	v7 =	vld [tilespmem:s24+$0x10];
	_ =	sdelay $0x4  }
0x10e: {  	v7 =	vsub.s32 v7, v4  }
0x10f: {  	vm15 =	vlt.u32 v7, $0x80000  }
0x110: {  	v7 =	vsel vm15, v7, v0  }
0x111: {  	s25 =	simm.s32 $0x2060;
	s24 =	simm.s32 $0x0;
	[tilespmem:s23+$0x10] =	vst v7  }
.LBB2_14:
0x112: {  	v7 =	vld [tilespmem:s25+$0xFFFFFFE0];
	s24 =	sadd.s32 $0x4, s24  }
0x113: {  	p0 =	slt.u32 s24, $0xFC;
	_ =	sdelay $0x3  }
0x114: {  	v7 =	vsub.s32 v7, v4  }
0x115: {  	vm0 =	vlt.u32 v7, $0x80000  }
0x116: {  	s23 =	sadd.s32 $0x40, s23;
	v7 =	vsel vm0, v7, v0  }
0x117: {  	[tilespmem:s23+$0xFFFFFFE0] =	vst v7  }
0x118: {  	v7 =	vld [tilespmem:s25+$0xFFFFFFF0];
	_ =	sdelay $0x4  }
0x119: {  	v7 =	vsub.s32 v7, v4  }
0x11a: {  	vm0 =	vlt.u32 v7, $0x80000  }
0x11b: {  	v7 =	vsel vm0, v7, v0  }
0x11c: {  	[tilespmem:s23+$0xFFFFFFF0] =	vst v7  }
0x11d: {  	v7 =	vld [tilespmem:s25+$0x0];
	_ =	sdelay $0x4  }
0x11e: {  	v7 =	vsub.s32 v7, v4  }
0x11f: {  	vm0 =	vlt.u32 v7, $0x80000  }
0x120: {  	v7 =	vsel vm0, v7, v0  }
0x121: {  	[tilespmem:s23+$0x0] =	vst v7  }
0x122: {  	v7 =	vld [tilespmem:s25+$0x10];
	_ =	sdelay $0x3  }
.Ltmp6:
0x123: {  	(pc) =	sbr.rel @p0 .LBB2_14-.Ltmp6, $4  }
0x124: {  	v7 =	vsub.s32 v7, v4  }
0x125: {  	vm0 =	vlt.u32 v7, $0x80000  }
0x126: {  	v7 =	vsel vm0, v7, v0  }
0x127: {  	s25 =	sadd.s32 $0x40, s25;
	[tilespmem:s23+$0x10] =	vst v7  }
0x128: {  	[spmem:s1] =	stream.indirect.scatter.add.f32 [tilespmem:s19], [sflag:$0x2], $0x1, s18, s14, $0xb8;
	[tilespmem:$0x15080] =	vst v63  }
0x129: {  	_ =	swait.ge [sflag:s17], $0x1000  }
0x12a: {  	s20 =	sadd.s32 $0x1, s20;
	[sflag:s17] =	ssyncset.done $0x0  }
0x12b: {  	p0 =	sne.s32 s20, s11;
	[sflag:s17] =	ssyncadd.s32 $0xFFFFF000  }
.Ltmp7:
0x12c: {  	[bflag:$0x0] =	sbarrier.arrive $0xFFFF;
	(pc) =	sbr.rel @p0 .LBB2_1-.Ltmp7, $4  }
0x12d: {  	[hbm:s10], [sflag:s21] =	dma.local [spmem:s22], $0x1000  }
0x12e: {  	_ =	swait.ge [sflag:s17], $0x1000  }
0x12f: {  	[sflag:s17] =	ssyncset.done $0x0  }
0x130: {  	[sflag:s17] =	ssyncadd.s32 $0xFFFFF000  }
0x131: {  	_ =	sfence.sel $0x180000  }
0x132: {  	[bflag:$0x0] =	sbarrier.arrive $0xFFFF  }
0x133: {  	p0 =	sne.s32 s3, $0x0;
	_ =	strace $0x9000004A  }
0x134: {  	s0 =	sadd.s32 @!p0 $0x100000, s0;
	[bflag:$0x2] =	sbarrier.arrive $0xFFFF  }
0x135: {  	[sflag:s0] =	ssyncadd.tile.s32 @!p0 $0x1;
	_ =	shalt  }
.Lfunc_end2:
_tile_overlayer_lowered:
.L_overlay_start_2:
0x136: {  	(tag) =	ssettag $0x2  }
0x137: {  	s0 =	rddreg [dreg:$0x0];
	s2 =	stileid.u32  }
0x138: {  	s1 =	rddreg [dreg:$0x1];
	p0 =	sne.s32 s2, $0x0  }
0x139: {  	s3 =	rddreg [dreg:$0x2];
	[bflag:$0x3] =	sbarrier.arrive $0xFFFF;
	s2 =	simm.s32 @!p0 $0x1C02  }
0x13a: {  	[timem:s3], [sflag:s2] =	dma.local @!p0 [hbm:s0], s1  }
0x13b: {  	s0 =	simm.s32 @!p0 $0x2  }
0x13c: {  	_ =	swait.ge @!p0 [sflag:s0], s1  }
0x13d: {  	s1 =	ssub.s32 @!p0 $0x0, s1;
	[sflag:s0] =	ssyncset.done @!p0 $0x0  }
0x13e: {  	[sflag:s0] =	ssyncadd.s32 @!p0 s1  }
0x13f: {  	[bflag:$0x3] =	sbarrier.arrive $0xFFFF  }
0x140: {  	_ =	shalt  }

// kernel: kernel.24.cloned.1.call-start
scs
__scs_entry_jumppad:
0x0: {  	(pc) =	sbr.rel $0x88, $3  }
0x1: {  	(tag) =	ssettag $0x0;
	lr =	simm.s32 $0x1  }
0x2: {  	[smem:$0x3F84] =	sst lr;
	_ =	strace $0xD0000000  }
0x3: {  	_ = 	snop  }
0x4: {  	_ = 	snop  }
0x5: {  	_ = 	snop  }
0x6: {  	_ = 	snop  }
0x7: {  	_ = 	snop  }
__scs_overlays_trampoline_lowered:
0x8: {  	[smem:$0x3F93] =	sst s0  }
0x9: {  	[smem:$0x3F94] =	sst s1  }
0xa: {  	[smem:$0x3F95] =	sst s2  }
0xb: {  	[smem:$0x3F96] =	sst s3  }
0xc: {  	[smem:$0x3F97] =	sst s4  }
0xd: {  	[smem:$0x3F98] =	sst s5  }
0xe: {  	[smem:$0x3F99] =	sst s6  }
0xf: {  	[smem:$0x3F9A] =	sst s7  }
0x10: {  	[smem:$0x3F9B] =	sst s8  }
0x11: {  	[smem:$0x3F9C] =	sst s9;
	s0 =	simm.s32 @!p0 $0x0  }
0x12: {  	s1 =	sld [smem:$0x3F82];
	s0 =	simm.s32 @p0 $0x1  }
0x13: {  	[smem:$0x3F9D] =	sst s0;
	s0 =	simm.s32 @!p1 $0x0  }
0x14: {  	s2 =	sld [smem:$0x3F81];
	s0 =	simm.s32 @p1 $0x1  }
0x15: {  	[smem:$0x3F9E] =	sst s0;
	s0 =	simm.s32 @!p2 $0x0  }
0x16: {  	s3 =	sld [smem:$0x3FDB];
	s0 =	simm.s32 @p2 $0x1  }
0x17: {  	s4 =	simm.s32 $0x1BF5;
	[smem:$0x3FA0] =	sst s0  }
0x18: {  	s0 =	sld [smem:$0x3F83];
	_ =	swait.ge [sflag:s4], $0x0  }
0x19: {  	s7 =	sld [smem:$0x3F84]  }
0x1a: {  	s8 =	sadd.s32 $0xFFFFE003, lr  }
0x1b: {  	s9 =	sadd.s32 $0xFFFFFEF7, lr;
	s5 =	simm.s32 $0xFFFFFFFF;
	p2 =	slt.u32 s8, $0xFFFFF086  }
0x1c: {  	p1 =	slt.u32 s9, $0xF7A;
	s5 =	simm.s32 @!p2 $0x0  }
0x1d: {  	s5 =	simm.s32 @p1 $0x1;
	p0 =	seq.s32 s7, s2  }
0x1e: {  	s7 =	smul.u32 @!p0 $0xF7A, s2;
	p2 =	seq.s32 @!p0 s5, $0x0  }
0x1f: {  	s9 =	smul.u32 $0xF7A, s1;
	s8 =	simm.s32 @!p0 $0x1BF5;
	p2 =	por !p2, p0  }
0x20: {  	[sflag:s8] =	ssyncset.s32 @!p0 $0xFFFFF086;
	s6 =	sadd.s32 @!p0 s3, s7;
	s7 =	simm.s32 @!p0 $0x108  }
0x21: {  	s3 =	sadd.s32 s3, s9;
	s6 =	sadd.s32 @!p0 $0x88, s6;
	s7 =	simm.s32 @p2 $0x1082  }
0x22: {  	[simem:s7], [sflag:s8] =	dma.local @!p0 [hbm:s6], $0xF7A  }
0x23: {  	s9 =	sor.u32 $0xD0000000, s2;
	s6 =	simm.s32 $0x108;
	_ =	swait.ge @!p0 [sflag:s8], $0x0  }
0x24: {  	s3 =	sadd.s32 $0x88, s3;
	s6 =	simm.s32 @!p1 $0x1082;
	[sflag:s4] =	ssyncset.s32 $0xFFFFF086  }
0x25: {  	[simem:s6], [sflag:s4] =	dma.local [hbm:s3], $0xF7A  }
0x26: {  	[smem:$0x3F84] =	sst s1;
	(tag) =	ssettag s2;
	_ =	strace s9  }
0x27: {  	s1 =	sld [smem:$0x3F94]  }
0x28: {  	s2 =	sld [smem:$0x3F95]  }
0x29: {  	s4 =	sld [smem:$0x3F97]  }
0x2a: {  	p0 =	seq.s32 s5, $0x0;
	s5 =	sld [smem:$0x3F98]  }
0x2b: {  	s6 =	sld [smem:$0x3F99]  }
0x2c: {  	s7 =	sld [smem:$0x3F9A]  }
0x2d: {  	s3 =	simm.s32 $0x108;
	s8 =	sld [smem:$0x3F9B]  }
0x2e: {  	s3 =	simm.s32 @!p0 $0x1082;
	s9 =	sld [smem:$0x3F9C]  }
0x2f: {  	lr =	sadd.s32 s0, s3;
	s0 =	sld [smem:$0x3F93]  }
0x30: {  	s3 =	sld [smem:$0x3F96]  }
0x31: {  	[smem:$0x3F9F] =	sst s10  }
0x32: {  	s10 =	sld [smem:$0x3F9D];
	_ =	sdelay $0x3  }
0x33: {  	p0 =	seq.s32 s10, $0x1;
	s10 =	sld [smem:$0x3F9F];
	_ =	sdelay $0x3  }
0x34: {  	[smem:$0x3F9F] =	sst s10  }
0x35: {  	s10 =	sld [smem:$0x3F9E];
	_ =	sdelay $0x3  }
0x36: {  	p1 =	seq.s32 s10, $0x1;
	s10 =	sld [smem:$0x3F9F];
	_ =	sdelay $0x3  }
0x37: {  	[smem:$0x3F9F] =	sst s10  }
0x38: {  	s10 =	sld [smem:$0x3FA0]  }
0x39: {  	_ = 	snop;
	(pc) =	sbr.ind lr, $3  }
0x3a: {  	_ = 	snop  }
0x3b: {  	_ = 	snop  }
0x3c: {  	p2 =	seq.s32 s10, $0x1;
	s10 =	sld [smem:$0x3F9F]  }
0x3d: {  	_ =	shalt  }
0x3e: {  	_ =	shalt  }
0x3f: {  	_ =	shalt  }
0x40: {  	_ =	shalt  }
0x41: {  	_ =	shalt  }
0x42: {  	_ =	shalt  }
0x43: {  	_ =	shalt  }
0x44: {  	_ =	shalt  }
0x45: {  	_ =	shalt  }
0x46: {  	_ =	shalt  }
0x47: {  	_ =	shalt  }
0x48: {  	_ =	shalt  }
0x49: {  	_ =	shalt  }
0x4a: {  	_ =	shalt  }
0x4b: {  	_ =	shalt  }
0x4c: {  	_ =	shalt  }
0x4d: {  	_ =	shalt  }
0x4e: {  	_ =	shalt  }
0x4f: {  	_ =	shalt  }
0x50: {  	_ =	shalt  }
0x51: {  	_ =	shalt  }
0x52: {  	_ =	shalt  }
0x53: {  	_ =	shalt  }
0x54: {  	_ =	shalt  }
0x55: {  	_ =	shalt  }
0x56: {  	_ =	shalt  }
0x57: {  	_ =	shalt  }
0x58: {  	_ =	shalt  }
0x59: {  	_ =	shalt  }
0x5a: {  	_ =	shalt  }
0x5b: {  	_ =	shalt  }
0x5c: {  	_ =	shalt  }
0x5d: {  	_ =	shalt  }
0x5e: {  	_ =	shalt  }
0x5f: {  	_ =	shalt  }
0x60: {  	_ =	shalt  }
0x61: {  	_ =	shalt  }
0x62: {  	_ =	shalt  }
0x63: {  	_ =	shalt  }
0x64: {  	_ =	shalt  }
0x65: {  	_ =	shalt  }
0x66: {  	_ =	shalt  }
0x67: {  	_ =	shalt  }
0x68: {  	_ =	shalt  }
0x69: {  	_ =	shalt  }
0x6a: {  	_ =	shalt  }
0x6b: {  	_ =	shalt  }
0x6c: {  	_ =	shalt  }
0x6d: {  	_ =	shalt  }
0x6e: {  	_ =	shalt  }
0x6f: {  	_ =	shalt  }
0x70: {  	_ =	shalt  }
0x71: {  	_ =	shalt  }
0x72: {  	_ =	shalt  }
0x73: {  	_ =	shalt  }
0x74: {  	_ =	shalt  }
0x75: {  	_ =	shalt  }
0x76: {  	_ =	shalt  }
0x77: {  	_ =	shalt  }
0x78: {  	_ =	shalt  }
0x79: {  	_ =	shalt  }
0x7a: {  	_ =	shalt  }
0x7b: {  	_ =	shalt  }
0x7c: {  	_ =	shalt  }
0x7d: {  	_ =	shalt  }
0x7e: {  	_ =	shalt  }
0x7f: {  	_ =	shalt  }
0x80: {  	_ =	shalt  }
0x81: {  	_ =	shalt  }
0x82: {  	_ =	shalt  }
0x83: {  	_ =	shalt  }
0x84: {  	_ =	shalt  }
0x85: {  	_ =	shalt  }
0x86: {  	_ =	shalt  }
0x87: {  	_ =	shalt  }
.Lfunc_end0:
.L_simem_size_0:
called_computation.2_lowered:
.L_overlay_start_0:
0x88: {  	s2 =	sld [smem:$0x3FD9]  }
0x89: {  	s3 =	sld [smem:$0x3FFE];
	_ =	sdelay $0x1  }
0x8a: {  	s1 =	srdreg.scid  }
0x8b: {  	s0 =	sand.u32 $0x1, s1  }
0x8c: {  	s16 =	sshll.u32 s0, $0xA;
	s2 =	sadd.s32 s3, s2  }
0x8d: {  	s2 =	sadd.s32 s2, s16  }
0x8e: {  	[smem:$0x3FAB] =	sst s2  }
0x8f: {  	_ = 	snop  }
0x90: {  	s17 =	sld [smem:$0x3FD0];
	_ =	sdelay $0x2  }
0x91: {  	s4 =	simm.s32 $0xC;
	s5 =	simm.s32 $0x10;
	s2 =	sld [smem:$0x3FC4]  }
0x92: {  	[smem:s5], [sflag:s4] =	dma.local [hbm:s17], $0x1  }
0x93: {  	_ =	swait.eq [sflag:s4], $0x1  }
0x94: {  	[sflag:s4] =	ssyncset.done $0x0  }
0x95: {  	[sflag:s4] =	ssyncadd.s32 $0xFFFFFFFF  }
0x96: {  	s18 =	sld [smem:$0x10];
	(tm) =	ssettm $0x1  }
0x97: {  	s19 =	sld [smem:$0x3FFB];
	_ =	sdelay $0x3  }
0x98: {  	_ =	strace s19  }
0x99: {  	s3 =	sld [smem:$0x3FFC];
	_ =	sdelay $0x3  }
0x9a: {  	_ =	strace s3  }
0x9b: {  	s3 =	sld [smem:$0x3FFD];
	_ =	sdelay $0x3  }
0x9c: {  	_ =	strace s3  }
0x9d: {  	_ =	strace $0x8FFFFFFF  }
0x9e: {  	s20 =	sld [smem:$0x3FDB];
	_ =	sdelay $0x1  }
0x9f: {  	s21 =	simm.s32 $_scs_section_size  }
0xa0: {  	s6 =	simm.s32 $_size__tile_overlayer_lowered;
	s7 =	simm.s32 $_tile_overlayer_lowered  }
0xa1: {  	s8 =	simm.s32 $0x1BFF;
	s22 =	sshll.u32 s7, $0x1;
	s5 =	sadd.s32 s21, s20  }
0xa2: {  	s23 =	simm.s32 $0x0;
	s6 =	sshll.u32 s6, $0x1;
	s7 =	sadd.s32 s22, s5  }
0xa3: {  	[timem:s23], [sflag:s8] =	dma.local [hbm:s7], s6  }
0xa4: {  	_ =	swait.ge [sflag:s8], s6  }
0xa5: {  	s6 =	ssub.s32 $0x0, s6;
	[sflag:s8] =	ssyncset.done $0x0  }
0xa6: {  	[sflag:s8] =	ssyncadd.s32 s6;
	_ =	sdelay $0x1  }
0xa7: {  	s24 =	simm.s32 $0x1B8B  }
0xa8: {  	_ =	swait.ge [sflag:s24], $0x1  }
0xa9: {  	[sflag:s24] =	ssyncset.done $0x0  }
0xaa: {  	[sflag:s24] =	ssyncadd.s32 $0xFFFFFFFF  }
0xab: {  	s6 =	sld [smem:$0x0]  }
0xac: {  	s7 =	sand.u32 $0xFFFFFFFE, s1  }
0xad: {  	p0 =	sne.s32 s1, s7  }
0xae: {  	s7 =	sshll.u32 @p0 s7, $0xE  }
0xaf: {  	s7 =	sadd.s32 @p0 $0x11B8D, s7;
	s8 =	sshll.u32 @p0 s6, $0x11  }
0xb0: {  	s7 =	sor.u32 @p0 s8, s7  }
0xb1: {  	[sflag:s7] =	ssyncadd.remote.s32 @p0 $0x1;
	_ =	sdelay $0x1  }
0xb2: {  	s7 =	simm.s32 @p0 $0x1B8D  }
0xb3: {  	_ =	swait.eq @p0 [sflag:s7], $0x1  }
0xb4: {  	[sflag:s7] =	ssyncadd.s32 @p0 $0xFFFFFFFF  }
0xb5: {  	s8 =	sshll.u32 @!p0 s1, $0xE  }
0xb6: {  	s8 =	sor.u32 @!p0 $0x4000, s8;
	s7 =	simm.s32 @!p0 $0x1B8D  }
0xb7: {  	s6 =	sshll.u32 @!p0 s6, $0x11;
	s8 =	sadd.s32 @!p0 $0x11B8D, s8;
	_ =	swait.eq @!p0 [sflag:s7], $0x1  }
0xb8: {  	s6 =	sor.u32 @!p0 s6, s8;
	[sflag:s7] =	ssyncadd.s32 @!p0 $0xFFFFFFFF  }
0xb9: {  	s25 =	simm.s32 $0x1B8E;
	[sflag:s6] =	ssyncadd.remote.s32 @!p0 $0x1  }
0xba: {  	s26 =	simm.s32 $execute0_lowered;
	[smem:$0x3FD2] =	sst s25  }
0xbb: {  	s6 =	sshll.u32 s26, $0x1;
	_ =	strace $0x8000004C;
	[dreg:$0x1] =	wrdreg $0xFFFFFFFF  }
0xbc: {  	s28 =	simm.s32 $_size_execute0_lowered;
	s5 =	sadd.s32 s5, s6;
	[dreg:$0x0] =	wrdreg $0x0  }
0xbd: {  	s6 =	sshll.u32 s28, $0x1;
	[dreg:$0x2] =	wrdreg s5  }
0xbe: {  	[dreg:$0x3] =	wrdreg s6  }
0xbf: {  	[dreg:$0x4] =	wrdreg $0xC0  }
0xc0: {  	_ =	task [dreg:s23], $0x5FFFF  }
0xc1: {  	[dreg:$0x1] =	wrdreg $0xFFFFFFFF  }
0xc2: {  	[dreg:$0x0] =	wrdreg $0x60  }
0xc3: {  	[dreg:$0x2] =	wrdreg s2  }
0xc4: {  	[dreg:$0x3] =	wrdreg s18  }
0xc5: {  	[dreg:$0x4] =	wrdreg $0xD0000  }
0xc6: {  	[dreg:$0x5] =	wrdreg $0xB  }
0xc7: {  	_ =	task.clear_ibuf [dreg:s23], $0x6FFFF;
	_ =	strace $0x9000004C  }
0xc8: {  	s29 =	simm.s32 $0xB;
	_ =	strace $0x8000004E  }
0xc9: {  	_ =	swait.ge [sflag:s29], $0x1  }
0xca: {  	[sflag:s29] =	ssyncadd.s32 $0xFFFFFFFF  }
0xcb: {  	_ =	strace $0x9000004E  }
0xcc: {  	_ =	sfence  }
0xcd: {  	s30 =	sld [smem:$0x0];
	_ =	sdelay $0x2  }
0xce: {  	s31 =	sshll.u32 s1, $0xD;
	s1 =	sshrl.u32 s1, $0x2  }
0xcf: {  	s4 =	sand.u32 $0x4000, s31;
	s1 =	sadd.s32 s1, s30  }
0xd0: {  	s0 =	sor.u32 s4, s0;
	s1 =	sshll.u32 s1, $0x11  }
0xd1: {  	s0 =	sor.u32 s1, s0  }
0xd2: {  	s0 =	sadd.s32 $0x8F2B, s0  }
0xd3: {  	[sflag:s0] =	ssyncadd.remote.s32 $0x1  }
0xd4: {  	_ =	sfence.sel $0xFFFF  }
0xd5: {  	[dreg:$0x0] =	wrdreg $0xFFFFFFFF;
	(pc) =	sbr.abs _section_cstart, $3  }
0xd6: {  	[dreg:$0x1] =	wrdreg $0xFFFFFFFF  }
0xd7: {  	_ =	task.clear_ibuf [dreg:s23], $0x2FFFF;
	_ =	strace $0x9FFFFFFF  }
0xd8: {  	(tm) =	ssettm $0x7FFFFFFF  }
0xd9: {  	_ =	shalt  }
tec
execute0_lowered:
.L_overlay_start_1:
0x0: {  	(tag) =	ssettag $0x1  }
0x1: {  	s4 =	rddreg [dreg:$0x0]  }
0x2: {  	s10 =	rddreg [dreg:$0x1]  }
0x3: {  	s0 =	srdreg.scid;
	s1 =	rddreg [dreg:$0x2]  }
0x4: {  	s2 =	simm.s32 $0x0;
	s3 =	stileid.u32;
	s19 =	simm.s32 $0xC000  }
0x5: {  	s20 =	simm.s32 $0x0;
	s5 =	sand.u32 $0x1, s0;
	s0 =	rddreg [dreg:$0x3]  }
0x6: {  	[smem:$0x7FF] =	sst s2;
	s25 =	sshll.u32 s3, $0xA;
	s8 =	sshll.u32 s3, $0xF  }
0x7: {  	s26 =	sshll.u32 s3, $0x7;
	s6 =	ssub.s32 $0x2, s5;
	_ =	strace $0x8000004D  }
0x8: {  	v0 =	vlaneseq.u32;
	s15 =	sshll.u32 s5, $0x15;
	s4 =	sadd.s32 s4, s25;
	s12 =	sor.u32 $0x80000, s26  }
0x9: {  	v0 =	vmul.u32 $0x8, v0;
	s7 =	sshrl.u32 s6, $0x1;
	s28 =	sor.u32 s8, s15;
	s5 =	sadd.s32 $0x10, s4  }
0xa: {  	s16 =	sor.u32 $0x80000, s15;
	s17 =	sor.u32 $0x100000, s15;
	s18 =	sor.u32 $0x180000, s15  }
0xb: {  	v0 =	vor.u32 s12, v0;
	s12 =	simm.s32 $0x80;
	v1 =	vmov s15;
	s15 =	simm.s32 $0x1;
	s11 =	ssub.s32 s6, s7  }
0xc: {  	s29 =	sshrl.u32 s28, $0x3;
	s6 =	sadd.s32 s8, s1;
	s9 =	sor.u32 s8, s16  }
0xd: {  	s13 =	sor.u32 s8, s17;
	s14 =	sor.u32 s8, s18;
	v2 =	vmov s16;
	s16 =	simm.s32 $0x4000  }
0xe: {  	v3 =	vmov s17;
	s17 =	simm.s32 $0x2;
	v4 =	vmov s18;
	s18 =	simm.s32 $0x3000;
	s7 =	sadd.s32 s10, s29  }
0xf: {  	s9 =	sshrl.u32 s9, $0x3;
	s30 =	sshrl.u32 s13, $0x3;
	s31 =	sshrl.u32 s14, $0x3  }
0x10: {  	s11 =	smax.u32 s11, $0x1;
	s13 =	simm.s32 $0x100;
	s14 =	simm.s32 $0x1000  }
0x11: {  	v5 =	vimm.f32 $0.0e+00;
	v6 =	vimm.f32 $1.000000000e+00;
	s8 =	sadd.s32 s10, s9;
	s9 =	sadd.s32 s10, s30;
	s10 =	sadd.s32 s10, s31  }
.LBB2_1:
0x12: {  	s21 =	simm.s32 $0x0  }
.LBB2_2:
0x13: {  	p0 =	sne.s32 s21, $0x1FFC0  }
.Ltmp0:
0x14: {  	_ = 	snop;
	(pc) =	sbr.rel @p0 .LBB2_2-.Ltmp0, $3  }
0x15: {  	_ =	sdelay $0x1  }
0x16: {  	s22 =	sshra.s32 s21, $0x2  }
0x17: {  	s21 =	sadd.s32 $0x40, s21;
	[tilespmem:s22+$0x4000] =	vst v5  }
0x18: {  	s21 =	simm.s32 $0x40;
	s22 =	simm.s32 $0x0  }
.LBB2_4:
0x19: {  	p0 =	sne.s32 s21, $0x3FC0;
	[tilespmem:s22+$0xC000] =	vst v6;
	s22 =	smov.u32 s21;
	s21 =	sadd.s32 $0x40, s21  }
.Ltmp1:
0x1a: {  	(pc) =	sbr.rel @p0 .LBB2_4-.Ltmp1, $2  }
0x1b: {  	_ =	sdelay $0x2  }
0x1c: {  	s22 =	sshra.s32 s22, $0x2  }
0x1d: {  	[tilespmem:s22+$0xC000] =	vst v6  }
0x1e: {  	[tilespmem:s2], [sflag:$0x1] =	stream.strided.gather [hbm4b:s4+s12], $0x1000, s13, s12, $0x38;
	[tilespmem:$0x15080] =	vst v63  }
0x1f: {  	_ = 	snop  }
0x20: {  	[tilespmem:s14], [sflag:$0x1] =	stream.strided.gather [hbm4b:s5+s12], $0x1000, s13, s12, $0x38;
	[tilespmem:$0x15080] =	vst v63  }
0x21: {  	_ =	swait.ge [sflag:s15], $0x1000  }
0x22: {  	[sflag:s15] =	ssyncset.done $0x0  }
0x23: {  	[sflag:s15] =	ssyncadd.s32 $0xFFFFF000  }
0x24: {  	_ =	swait.ge [sflag:s15], $0x1000  }
0x25: {  	[sflag:s15] =	ssyncset.done $0x0  }
0x26: {  	s23 =	simm.s32 $0x20;
	[sflag:s15] =	ssyncadd.s32 $0xFFFFF000  }
0x27: {  	s21 =	simm.s32 $0x1020;
	v7 =	vld [tilespmem:s23+$0xFFFFFFE0]  }
0x28: {  	v8 =	vld [tilespmem:s21+$0xFFFFFFE0];
	_ =	sdelay $0x3  }
0x29: {  	v7 =	vshll.u32 v7, $0xB  }
0x2a: {  	s22 =	simm.s32 $0x2020;
	v7 =	vadd.s32 v8, v7  }
0x2b: {  	[tilespmem:s22+$0xFFFFFFE0] =	vst v7  }
0x2c: {  	v7 =	vld [tilespmem:s23+$0xFFFFFFF0]  }
0x2d: {  	v8 =	vld [tilespmem:s21+$0xFFFFFFF0];
	_ =	sdelay $0x3  }
0x2e: {  	v7 =	vshll.u32 v7, $0xB  }
0x2f: {  	v7 =	vadd.s32 v8, v7  }
0x30: {  	[tilespmem:s22+$0xFFFFFFF0] =	vst v7  }
0x31: {  	v7 =	vld [tilespmem:s23+$0x0]  }
0x32: {  	v8 =	vld [tilespmem:s21+$0x0];
	_ =	sdelay $0x3  }
0x33: {  	v7 =	vshll.u32 v7, $0xB  }
0x34: {  	v7 =	vadd.s32 v8, v7  }
0x35: {  	[tilespmem:s22+$0x0] =	vst v7  }
0x36: {  	v7 =	vld [tilespmem:s23+$0x10]  }
0x37: {  	v8 =	vld [tilespmem:s21+$0x10];
	_ =	sdelay $0x3  }
0x38: {  	v7 =	vshll.u32 v7, $0xB  }
0x39: {  	v7 =	vadd.s32 v8, v7  }
0x3a: {  	s24 =	simm.s32 $0x60;
	s23 =	simm.s32 $0x0;
	[tilespmem:s22+$0x10] =	vst v7  }
.LBB2_6:
0x3b: {  	v7 =	vld [tilespmem:s24+$0xFFFFFFE0];
	s23 =	sadd.s32 $0x4, s23;
	s21 =	sadd.s32 $0x40, s21  }
0x3c: {  	v8 =	vld [tilespmem:s21+$0xFFFFFFE0];
	p0 =	slt.u32 s23, $0xFC;
	_ =	sdelay $0x3  }
0x3d: {  	v7 =	vshll.u32 v7, $0xB  }
0x3e: {  	s22 =	sadd.s32 $0x40, s22;
	v7 =	vadd.s32 v8, v7  }
0x3f: {  	[tilespmem:s22+$0xFFFFFFE0] =	vst v7  }
0x40: {  	v7 =	vld [tilespmem:s24+$0xFFFFFFF0]  }
0x41: {  	v8 =	vld [tilespmem:s21+$0xFFFFFFF0];
	_ =	sdelay $0x3  }
0x42: {  	v7 =	vshll.u32 v7, $0xB  }
0x43: {  	v7 =	vadd.s32 v8, v7  }
0x44: {  	[tilespmem:s22+$0xFFFFFFF0] =	vst v7  }
0x45: {  	v7 =	vld [tilespmem:s24+$0x0]  }
0x46: {  	v8 =	vld [tilespmem:s21+$0x0];
	_ =	sdelay $0x3  }
0x47: {  	v7 =	vshll.u32 v7, $0xB  }
0x48: {  	v7 =	vadd.s32 v8, v7  }
0x49: {  	[tilespmem:s22+$0x0] =	vst v7  }
0x4a: {  	v7 =	vld [tilespmem:s24+$0x10]  }
0x4b: {  	v8 =	vld [tilespmem:s21+$0x10];
	_ =	sdelay $0x1  }
.Ltmp2:
0x4c: {  	(pc) =	sbr.rel @p0 .LBB2_6-.Ltmp2, $4  }
0x4d: {  	_ = 	snop  }
0x4e: {  	v7 =	vshll.u32 v7, $0xB  }
0x4f: {  	v7 =	vadd.s32 v8, v7  }
0x50: {  	s24 =	sadd.s32 $0x40, s24;
	[tilespmem:s22+$0x10] =	vst v7  }
0x51: {  	[spmem:s6] =	stream.linear.scatter [tilespmem:s16], [sflag:$0x2], $0x8000, $0x38;
	[tilespmem:$0x15080] =	vst v63  }
0x52: {  	_ =	swait.ge [sflag:s17], $0x8000  }
0x53: {  	[sflag:s17] =	ssyncset.done $0x0  }
0x54: {  	[sflag:s17] =	ssyncadd.s32 $0xFFFF8000  }
0x55: {  	s22 =	simm.s32 $0x2020;
	[bflag:$0x0] =	sbarrier.arrive $0xFFFF  }
0x56: {  	v7 =	vld [tilespmem:s22+$0xFFFFFFE0];
	_ =	sdelay $0x4  }
0x57: {  	v7 =	vsub.s32 v7, v1  }
0x58: {  	vm0 =	vlt.u32 v7, $0x80000  }
0x59: {  	s21 =	simm.s32 $0x3020;
	v7 =	vsel vm0, v7, v0  }
0x5a: {  	[tilespmem:s21+$0xFFFFFFE0] =	vst v7  }
0x5b: {  	v7 =	vld [tilespmem:s22+$0xFFFFFFF0];
	_ =	sdelay $0x4  }
0x5c: {  	v7 =	vsub.s32 v7, v1  }
0x5d: {  	vm13 =	vlt.u32 v7, $0x80000  }
0x5e: {  	v7 =	vsel vm13, v7, v0  }
0x5f: {  	[tilespmem:s21+$0xFFFFFFF0] =	vst v7  }
0x60: {  	v7 =	vld [tilespmem:s22+$0x0];
	_ =	sdelay $0x4  }
0x61: {  	v7 =	vsub.s32 v7, v1  }
0x62: {  	vm14 =	vlt.u32 v7, $0x80000  }
0x63: {  	v7 =	vsel vm14, v7, v0  }
0x64: {  	[tilespmem:s21+$0x0] =	vst v7  }
0x65: {  	v7 =	vld [tilespmem:s22+$0x10];
	_ =	sdelay $0x4  }
0x66: {  	v7 =	vsub.s32 v7, v1  }
0x67: {  	vm15 =	vlt.u32 v7, $0x80000  }
0x68: {  	v7 =	vsel vm15, v7, v0  }
0x69: {  	s23 =	simm.s32 $0x2060;
	s22 =	simm.s32 $0x0;
	[tilespmem:s21+$0x10] =	vst v7  }
.LBB2_8:
0x6a: {  	v7 =	vld [tilespmem:s23+$0xFFFFFFE0];
	s22 =	sadd.s32 $0x4, s22  }
0x6b: {  	p0 =	slt.u32 s22, $0xFC;
	_ =	sdelay $0x3  }
0x6c: {  	v7 =	vsub.s32 v7, v1  }
0x6d: {  	vm0 =	vlt.u32 v7, $0x80000  }
0x6e: {  	s21 =	sadd.s32 $0x40, s21;
	v7 =	vsel vm0, v7, v0  }
0x6f: {  	[tilespmem:s21+$0xFFFFFFE0] =	vst v7  }
0x70: {  	v7 =	vld [tilespmem:s23+$0xFFFFFFF0];
	_ =	sdelay $0x4  }
0x71: {  	v7 =	vsub.s32 v7, v1  }
0x72: {  	vm0 =	vlt.u32 v7, $0x80000  }
0x73: {  	v7 =	vsel vm0, v7, v0  }
0x74: {  	[tilespmem:s21+$0xFFFFFFF0] =	vst v7  }
0x75: {  	v7 =	vld [tilespmem:s23+$0x0];
	_ =	sdelay $0x4  }
0x76: {  	v7 =	vsub.s32 v7, v1  }
0x77: {  	vm0 =	vlt.u32 v7, $0x80000  }
0x78: {  	v7 =	vsel vm0, v7, v0  }
0x79: {  	[tilespmem:s21+$0x0] =	vst v7  }
0x7a: {  	v7 =	vld [tilespmem:s23+$0x10];
	_ =	sdelay $0x3  }
.Ltmp3:
0x7b: {  	(pc) =	sbr.rel @p0 .LBB2_8-.Ltmp3, $4  }
0x7c: {  	v7 =	vsub.s32 v7, v1  }
0x7d: {  	vm0 =	vlt.u32 v7, $0x80000  }
0x7e: {  	v7 =	vsel vm0, v7, v0  }
0x7f: {  	s23 =	sadd.s32 $0x40, s23;
	[tilespmem:s21+$0x10] =	vst v7  }
0x80: {  	[spmem:s1] =	stream.indirect.scatter.add.f32 [tilespmem:s19], [sflag:$0x2], $0x1, s18, s14, $0xb8;
	[tilespmem:$0x15080] =	vst v63  }
0x81: {  	_ =	swait.ge [sflag:s17], $0x1000  }
0x82: {  	[sflag:s17] =	ssyncset.done $0x0  }
0x83: {  	s21 =	sshll.u32 s3, $0x6;
	[sflag:s17] =	ssyncadd.s32 $0xFFFFF000  }
0x84: {  	s22 =	sshrl.u32 s6, $0x3;
	s21 =	sor.u32 $0x1C02, s21;
	[bflag:$0x0] =	sbarrier.arrive $0xFFFF  }
0x85: {  	[hbm:s7], [sflag:s21] =	dma.local [spmem:s22], $0x1000  }
0x86: {  	_ =	swait.ge [sflag:s17], $0x1000  }
0x87: {  	[sflag:s17] =	ssyncset.done $0x0  }
0x88: {  	[sflag:s17] =	ssyncadd.s32 $0xFFFFF000  }
0x89: {  	[spmem:s6] =	stream.linear.scatter [tilespmem:s16], [sflag:$0x2], $0x8000, $0x38;
	[tilespmem:$0x15080] =	vst v63  }
0x8a: {  	_ =	swait.ge [sflag:s17], $0x8000  }
0x8b: {  	[sflag:s17] =	ssyncset.done $0x0  }
0x8c: {  	[sflag:s17] =	ssyncadd.s32 $0xFFFF8000  }
0x8d: {  	s24 =	simm.s32 $0x2020;
	[bflag:$0x0] =	sbarrier.arrive $0xFFFF  }
0x8e: {  	v7 =	vld [tilespmem:s24+$0xFFFFFFE0];
	_ =	sdelay $0x4  }
0x8f: {  	v7 =	vsub.s32 v7, v2  }
0x90: {  	vm0 =	vlt.u32 v7, $0x80000  }
0x91: {  	s23 =	simm.s32 $0x3020;
	v7 =	vsel vm0, v7, v0  }
0x92: {  	[tilespmem:s23+$0xFFFFFFE0] =	vst v7  }
0x93: {  	v7 =	vld [tilespmem:s24+$0xFFFFFFF0];
	_ =	sdelay $0x4  }
0x94: {  	v7 =	vsub.s32 v7, v2  }
0x95: {  	vm13 =	vlt.u32 v7, $0x80000  }
0x96: {  	v7 =	vsel vm13, v7, v0  }
0x97: {  	[tilespmem:s23+$0xFFFFFFF0] =	vst v7  }
0x98: {  	v7 =	vld [tilespmem:s24+$0x0];
	_ =	sdelay $0x4  }
0x99: {  	v7 =	vsub.s32 v7, v2  }
0x9a: {  	vm14 =	vlt.u32 v7, $0x80000  }
0x9b: {  	v7 =	vsel vm14, v7, v0  }
0x9c: {  	[tilespmem:s23+$0x0] =	vst v7  }
0x9d: {  	v7 =	vld [tilespmem:s24+$0x10];
	_ =	sdelay $0x4  }
0x9e: {  	v7 =	vsub.s32 v7, v2  }
0x9f: {  	vm15 =	vlt.u32 v7, $0x80000  }
0xa0: {  	v7 =	vsel vm15, v7, v0  }
0xa1: {  	s25 =	simm.s32 $0x2060;
	s24 =	simm.s32 $0x0;
	[tilespmem:s23+$0x10] =	vst v7  }
.LBB2_10:
0xa2: {  	v7 =	vld [tilespmem:s25+$0xFFFFFFE0];
	s24 =	sadd.s32 $0x4, s24  }
0xa3: {  	p0 =	slt.u32 s24, $0xFC;
	_ =	sdelay $0x3  }
0xa4: {  	v7 =	vsub.s32 v7, v2  }
0xa5: {  	vm0 =	vlt.u32 v7, $0x80000  }
0xa6: {  	s23 =	sadd.s32 $0x40, s23;
	v7 =	vsel vm0, v7, v0  }
0xa7: {  	[tilespmem:s23+$0xFFFFFFE0] =	vst v7  }
0xa8: {  	v7 =	vld [tilespmem:s25+$0xFFFFFFF0];
	_ =	sdelay $0x4  }
0xa9: {  	v7 =	vsub.s32 v7, v2  }
0xaa: {  	vm0 =	vlt.u32 v7, $0x80000  }
0xab: {  	v7 =	vsel vm0, v7, v0  }
0xac: {  	[tilespmem:s23+$0xFFFFFFF0] =	vst v7  }
0xad: {  	v7 =	vld [tilespmem:s25+$0x0];
	_ =	sdelay $0x4  }
0xae: {  	v7 =	vsub.s32 v7, v2  }
0xaf: {  	vm0 =	vlt.u32 v7, $0x80000  }
0xb0: {  	v7 =	vsel vm0, v7, v0  }
0xb1: {  	[tilespmem:s23+$0x0] =	vst v7  }
0xb2: {  	v7 =	vld [tilespmem:s25+$0x10];
	_ =	sdelay $0x3  }
.Ltmp4:
0xb3: {  	(pc) =	sbr.rel @p0 .LBB2_10-.Ltmp4, $4  }
0xb4: {  	v7 =	vsub.s32 v7, v2  }
0xb5: {  	vm0 =	vlt.u32 v7, $0x80000  }
0xb6: {  	v7 =	vsel vm0, v7, v0  }
0xb7: {  	s25 =	sadd.s32 $0x40, s25;
	[tilespmem:s23+$0x10] =	vst v7  }
0xb8: {  	[spmem:s1] =	stream.indirect.scatter.add.f32 [tilespmem:s19], [sflag:$0x2], $0x1, s18, s14, $0xb8;
	[tilespmem:$0x15080] =	vst v63  }
0xb9: {  	_ =	swait.ge [sflag:s17], $0x1000  }
0xba: {  	[sflag:s17] =	ssyncset.done $0x0  }
0xbb: {  	[sflag:s17] =	ssyncadd.s32 $0xFFFFF000  }
0xbc: {  	[bflag:$0x0] =	sbarrier.arrive $0xFFFF  }
0xbd: {  	[hbm:s8], [sflag:s21] =	dma.local [spmem:s22], $0x1000  }
0xbe: {  	_ =	swait.ge [sflag:s17], $0x1000  }
0xbf: {  	[sflag:s17] =	ssyncset.done $0x0  }
0xc0: {  	[sflag:s17] =	ssyncadd.s32 $0xFFFFF000  }
0xc1: {  	[spmem:s6] =	stream.linear.scatter [tilespmem:s16], [sflag:$0x2], $0x8000, $0x38;
	[tilespmem:$0x15080] =	vst v63  }
0xc2: {  	_ =	swait.ge [sflag:s17], $0x8000  }
0xc3: {  	[sflag:s17] =	ssyncset.done $0x0  }
0xc4: {  	[sflag:s17] =	ssyncadd.s32 $0xFFFF8000  }
0xc5: {  	s24 =	simm.s32 $0x2020;
	[bflag:$0x0] =	sbarrier.arrive $0xFFFF  }
0xc6: {  	v7 =	vld [tilespmem:s24+$0xFFFFFFE0];
	_ =	sdelay $0x4  }
0xc7: {  	v7 =	vsub.s32 v7, v3  }
0xc8: {  	vm0 =	vlt.u32 v7, $0x80000  }
0xc9: {  	s23 =	simm.s32 $0x3020;
	v7 =	vsel vm0, v7, v0  }
0xca: {  	[tilespmem:s23+$0xFFFFFFE0] =	vst v7  }
0xcb: {  	v7 =	vld [tilespmem:s24+$0xFFFFFFF0];
	_ =	sdelay $0x4  }
0xcc: {  	v7 =	vsub.s32 v7, v3  }
0xcd: {  	vm13 =	vlt.u32 v7, $0x80000  }
0xce: {  	v7 =	vsel vm13, v7, v0  }
0xcf: {  	[tilespmem:s23+$0xFFFFFFF0] =	vst v7  }
0xd0: {  	v7 =	vld [tilespmem:s24+$0x0];
	_ =	sdelay $0x4  }
0xd1: {  	v7 =	vsub.s32 v7, v3  }
0xd2: {  	vm14 =	vlt.u32 v7, $0x80000  }
0xd3: {  	v7 =	vsel vm14, v7, v0  }
0xd4: {  	[tilespmem:s23+$0x0] =	vst v7  }
0xd5: {  	v7 =	vld [tilespmem:s24+$0x10];
	_ =	sdelay $0x4  }
0xd6: {  	v7 =	vsub.s32 v7, v3  }
0xd7: {  	vm15 =	vlt.u32 v7, $0x80000  }
0xd8: {  	v7 =	vsel vm15, v7, v0  }
0xd9: {  	s25 =	simm.s32 $0x2060;
	s24 =	simm.s32 $0x0;
	[tilespmem:s23+$0x10] =	vst v7  }
.LBB2_12:
0xda: {  	v7 =	vld [tilespmem:s25+$0xFFFFFFE0];
	s24 =	sadd.s32 $0x4, s24  }
0xdb: {  	p0 =	slt.u32 s24, $0xFC;
	_ =	sdelay $0x3  }
0xdc: {  	v7 =	vsub.s32 v7, v3  }
0xdd: {  	vm0 =	vlt.u32 v7, $0x80000  }
0xde: {  	s23 =	sadd.s32 $0x40, s23;
	v7 =	vsel vm0, v7, v0  }
0xdf: {  	[tilespmem:s23+$0xFFFFFFE0] =	vst v7  }
0xe0: {  	v7 =	vld [tilespmem:s25+$0xFFFFFFF0];
	_ =	sdelay $0x4  }
0xe1: {  	v7 =	vsub.s32 v7, v3  }
0xe2: {  	vm0 =	vlt.u32 v7, $0x80000  }
0xe3: {  	v7 =	vsel vm0, v7, v0  }
0xe4: {  	[tilespmem:s23+$0xFFFFFFF0] =	vst v7  }
0xe5: {  	v7 =	vld [tilespmem:s25+$0x0];
	_ =	sdelay $0x4  }
0xe6: {  	v7 =	vsub.s32 v7, v3  }
0xe7: {  	vm0 =	vlt.u32 v7, $0x80000  }
0xe8: {  	v7 =	vsel vm0, v7, v0  }
0xe9: {  	[tilespmem:s23+$0x0] =	vst v7  }
0xea: {  	v7 =	vld [tilespmem:s25+$0x10];
	_ =	sdelay $0x3  }
.Ltmp5:
0xeb: {  	(pc) =	sbr.rel @p0 .LBB2_12-.Ltmp5, $4  }
0xec: {  	v7 =	vsub.s32 v7, v3  }
0xed: {  	vm0 =	vlt.u32 v7, $0x80000  }
0xee: {  	v7 =	vsel vm0, v7, v0  }
0xef: {  	s25 =	sadd.s32 $0x40, s25;
	[tilespmem:s23+$0x10] =	vst v7  }
0xf0: {  	[spmem:s1] =	stream.indirect.scatter.add.f32 [tilespmem:s19], [sflag:$0x2], $0x1, s18, s14, $0xb8;
	[tilespmem:$0x15080] =	vst v63  }
0xf1: {  	_ =	swait.ge [sflag:s17], $0x1000  }
0xf2: {  	[sflag:s17] =	ssyncset.done $0x0  }
0xf3: {  	[sflag:s17] =	ssyncadd.s32 $0xFFFFF000  }
0xf4: {  	[bflag:$0x0] =	sbarrier.arrive $0xFFFF  }
0xf5: {  	[hbm:s9], [sflag:s21] =	dma.local [spmem:s22], $0x1000  }
0xf6: {  	_ =	swait.ge [sflag:s17], $0x1000  }
0xf7: {  	[sflag:s17] =	ssyncset.done $0x0  }
0xf8: {  	[sflag:s17] =	ssyncadd.s32 $0xFFFFF000  }
0xf9: {  	[spmem:s6] =	stream.linear.scatter [tilespmem:s16], [sflag:$0x2], $0x8000, $0x38;
	[tilespmem:$0x15080] =	vst v63  }
0xfa: {  	_ =	swait.ge [sflag:s17], $0x8000  }
0xfb: {  	[sflag:s17] =	ssyncset.done $0x0  }
0xfc: {  	[sflag:s17] =	ssyncadd.s32 $0xFFFF8000  }
0xfd: {  	s24 =	simm.s32 $0x2020;
	[bflag:$0x0] =	sbarrier.arrive $0xFFFF  }
0xfe: {  	v7 =	vld [tilespmem:s24+$0xFFFFFFE0];
	_ =	sdelay $0x4  }
0xff: {  	v7 =	vsub.s32 v7, v4  }
0x100: {  	vm0 =	vlt.u32 v7, $0x80000  }
0x101: {  	s23 =	simm.s32 $0x3020;
	v7 =	vsel vm0, v7, v0  }
0x102: {  	[tilespmem:s23+$0xFFFFFFE0] =	vst v7  }
0x103: {  	v7 =	vld [tilespmem:s24+$0xFFFFFFF0];
	_ =	sdelay $0x4  }
0x104: {  	v7 =	vsub.s32 v7, v4  }
0x105: {  	vm13 =	vlt.u32 v7, $0x80000  }
0x106: {  	v7 =	vsel vm13, v7, v0  }
0x107: {  	[tilespmem:s23+$0xFFFFFFF0] =	vst v7  }
0x108: {  	v7 =	vld [tilespmem:s24+$0x0];
	_ =	sdelay $0x4  }
0x109: {  	v7 =	vsub.s32 v7, v4  }
0x10a: {  	vm14 =	vlt.u32 v7, $0x80000  }
0x10b: {  	v7 =	vsel vm14, v7, v0  }
0x10c: {  	[tilespmem:s23+$0x0] =	vst v7  }
0x10d: {  	v7 =	vld [tilespmem:s24+$0x10];
	_ =	sdelay $0x4  }
0x10e: {  	v7 =	vsub.s32 v7, v4  }
0x10f: {  	vm15 =	vlt.u32 v7, $0x80000  }
0x110: {  	v7 =	vsel vm15, v7, v0  }
0x111: {  	s25 =	simm.s32 $0x2060;
	s24 =	simm.s32 $0x0;
	[tilespmem:s23+$0x10] =	vst v7  }
.LBB2_14:
0x112: {  	v7 =	vld [tilespmem:s25+$0xFFFFFFE0];
	s24 =	sadd.s32 $0x4, s24  }
0x113: {  	p0 =	slt.u32 s24, $0xFC;
	_ =	sdelay $0x3  }
0x114: {  	v7 =	vsub.s32 v7, v4  }
0x115: {  	vm0 =	vlt.u32 v7, $0x80000  }
0x116: {  	s23 =	sadd.s32 $0x40, s23;
	v7 =	vsel vm0, v7, v0  }
0x117: {  	[tilespmem:s23+$0xFFFFFFE0] =	vst v7  }
0x118: {  	v7 =	vld [tilespmem:s25+$0xFFFFFFF0];
	_ =	sdelay $0x4  }
0x119: {  	v7 =	vsub.s32 v7, v4  }
0x11a: {  	vm0 =	vlt.u32 v7, $0x80000  }
0x11b: {  	v7 =	vsel vm0, v7, v0  }
0x11c: {  	[tilespmem:s23+$0xFFFFFFF0] =	vst v7  }
0x11d: {  	v7 =	vld [tilespmem:s25+$0x0];
	_ =	sdelay $0x4  }
0x11e: {  	v7 =	vsub.s32 v7, v4  }
0x11f: {  	vm0 =	vlt.u32 v7, $0x80000  }
0x120: {  	v7 =	vsel vm0, v7, v0  }
0x121: {  	[tilespmem:s23+$0x0] =	vst v7  }
0x122: {  	v7 =	vld [tilespmem:s25+$0x10];
	_ =	sdelay $0x3  }
.Ltmp6:
0x123: {  	(pc) =	sbr.rel @p0 .LBB2_14-.Ltmp6, $4  }
0x124: {  	v7 =	vsub.s32 v7, v4  }
0x125: {  	vm0 =	vlt.u32 v7, $0x80000  }
0x126: {  	v7 =	vsel vm0, v7, v0  }
0x127: {  	s25 =	sadd.s32 $0x40, s25;
	[tilespmem:s23+$0x10] =	vst v7  }
0x128: {  	[spmem:s1] =	stream.indirect.scatter.add.f32 [tilespmem:s19], [sflag:$0x2], $0x1, s18, s14, $0xb8;
	[tilespmem:$0x15080] =	vst v63  }
0x129: {  	_ =	swait.ge [sflag:s17], $0x1000  }
0x12a: {  	s20 =	sadd.s32 $0x1, s20;
	[sflag:s17] =	ssyncset.done $0x0  }
0x12b: {  	p0 =	sne.s32 s20, s11;
	[sflag:s17] =	ssyncadd.s32 $0xFFFFF000  }
.Ltmp7:
0x12c: {  	[bflag:$0x0] =	sbarrier.arrive $0xFFFF;
	(pc) =	sbr.rel @p0 .LBB2_1-.Ltmp7, $4  }
0x12d: {  	[hbm:s10], [sflag:s21] =	dma.local [spmem:s22], $0x1000  }
0x12e: {  	_ =	swait.ge [sflag:s17], $0x1000  }
0x12f: {  	[sflag:s17] =	ssyncset.done $0x0  }
0x130: {  	[sflag:s17] =	ssyncadd.s32 $0xFFFFF000  }
0x131: {  	_ =	sfence.sel $0x180000  }
0x132: {  	[bflag:$0x0] =	sbarrier.arrive $0xFFFF  }
0x133: {  	p0 =	sne.s32 s3, $0x0;
	_ =	strace $0x9000004D  }
0x134: {  	s0 =	sadd.s32 @!p0 $0x100000, s0;
	[bflag:$0x2] =	sbarrier.arrive $0xFFFF  }
0x135: {  	[sflag:s0] =	ssyncadd.tile.s32 @!p0 $0x1;
	_ =	shalt  }
.Lfunc_end2:
_tile_overlayer_lowered:
.L_overlay_start_2:
0x136: {  	(tag) =	ssettag $0x2  }
0x137: {  	s0 =	rddreg [dreg:$0x0];
	s2 =	stileid.u32  }
0x138: {  	s1 =	rddreg [dreg:$0x1];
	p0 =	sne.s32 s2, $0x0  }
0x139: {  	s3 =	rddreg [dreg:$0x2];
	[bflag:$0x3] =	sbarrier.arrive $0xFFFF;
	s2 =	simm.s32 @!p0 $0x1C02  }
0x13a: {  	[timem:s3], [sflag:s2] =	dma.local @!p0 [hbm:s0], s1  }
0x13b: {  	s0 =	simm.s32 @!p0 $0x2  }
0x13c: {  	_ =	swait.ge @!p0 [sflag:s0], s1  }
0x13d: {  	s1 =	ssub.s32 @!p0 $0x0, s1;
	[sflag:s0] =	ssyncset.done @!p0 $0x0  }
0x13e: {  	[sflag:s0] =	ssyncadd.s32 @!p0 s1  }
0x13f: {  	[bflag:$0x3] =	sbarrier.arrive $0xFFFF  }
0x140: {  	_ =	shalt  }

</sc_bundles>
